<compile_context>
chip_gen: v7x
topology: tpu7x:2x2x1
jax: 0.10.2.dev20260603
libtpu: 0.0.44.dev20260713+nightly
codegen_flags: <defaults>
</compile_context>

<pallas_src>
import functools

import jax
import jax.numpy as jnp
import numpy as np
from jax import lax
from jax.experimental import pallas as pl
from jax.experimental.pallas import tpu as pltpu
from jax.experimental.pallas import tpu_sc as plsc

N_NODES = 50000
N_EDGES = 800000
NC, NS = 2, 16
EPT = 51200
E_PAD = EPT * NS
W_EDGES = 256
SUPER = 4
NSB = EPT // (SUPER * W_EDGES)
NJ = W_EDGES // 128
NWIN = EPT // W_EDGES
ACC_ROWS = 50048
BN_FC = 5000
BN = 2000


def _leaky(v):
    return jnp.where(v >= 0, v, 0.01 * v)


def _fc_body(xr_ref, wT_ref, b_ref, o_ref):
    y = jnp.dot(xr_ref[...], wT_ref[...], preferred_element_type=jnp.float32)
    y = _leaky(y + b_ref[...])
    o_ref[0] = y[:, :32]
    o_ref[1] = y[:, 32:]


def _run_fc(x_real, fc_W, fc_b):
    grid = N_NODES // BN_FC
    return pl.pallas_call(
        _fc_body,
        grid=(grid,),
        in_specs=[
            pl.BlockSpec((BN_FC, 32), lambda i: (i, 0)),
            pl.BlockSpec((32, 64), lambda i: (0, 0)),
            pl.BlockSpec((1, 64), lambda i: (0, 0)),
        ],
        out_specs=pl.BlockSpec((2, BN_FC, 32), lambda i: (0, i, 0)),
        out_shape=jax.ShapeDtypeStruct((2, N_NODES, 32), jnp.float32),
    )(x_real, fc_W.T, fc_b.reshape(1, 64))


@functools.cache
def _make_sc_segment_sum():
    mesh = plsc.VectorSubcoreMesh(
        core_axis_name="c", subcore_axis_name="s",
        num_cores=NC, num_subcores=NS)
    return pl.kernel(
        _sc_segment_sum_body,
        out_type=jax.ShapeDtypeStruct((NC, ACC_ROWS, 32), jnp.float32),
        mesh=mesh,
        scratch_types=[
            pltpu.VMEM((2, SUPER * NJ, 128), jnp.int32),
            pltpu.VMEM((2, SUPER * NJ, 128), jnp.int32),
            pltpu.VMEM((2, W_EDGES, 32), jnp.float32),
            pltpu.VMEM_SHARED((ACC_ROWS, 32), jnp.float32),
            pltpu.SemaphoreType.DMA,
            pltpu.SemaphoreType.DMA,
            pltpu.SemaphoreType.DMA,
            pltpu.SemaphoreType.DMA,
        ],
        compiler_params=pltpu.CompilerParams(use_tc_tiling_on_sc=False),
    )


def _sc_segment_sum_body(src2d_hbm, dst2d_hbm, x1s_hbm, out_hbm,
                         idx_src, idx_dst, rows, acc,
                         sem_g, sem_s0, sem_s1, sem_i):
    c = lax.axis_index("c")
    s = lax.axis_index("s")
    sem_s = (sem_s0, sem_s1)

    def zbody(i, carry):
        rows[0, i, pl.ds(0, 16)] = jnp.zeros((16,), jnp.float32)
        rows[0, i, pl.ds(16, 16)] = jnp.zeros((16,), jnp.float32)
        return carry

    lax.fori_loop(0, W_EDGES, zbody, 0)
    zrows = ACC_ROWS // NS
    zbase = s * zrows
    for r in range(0, zrows, W_EDGES):
        size = min(W_EDGES, zrows - r)
        pltpu.sync_copy(rows.at[0, pl.ds(0, size)],
                        acc.at[pl.ds(zbase + r, size)])
    plsc.subcore_barrier()

    ept128 = EPT // 128
    src_base = s * ept128
    dst_base = s * ept128
    SBR = SUPER * NJ
    cN = (c * N_NODES).astype(jnp.int32)

    def patch_src(buf):
        for r in range(SBR):
            for l in range(128 // 16):
                idx_src[buf, r, pl.ds(l * 16, 16)] = (
                    idx_src[buf, r, pl.ds(l * 16, 16)] + cN)

    pltpu.sync_copy(src2d_hbm.at[pl.ds(src_base, SBR)], idx_src.at[0])
    pltpu.sync_copy(dst2d_hbm.at[pl.ds(dst_base, SBR)], idx_dst.at[0])
    patch_src(0)

    def superblock(sb, carry):
        ib = sb % 2
        nxt = 1 - ib

        @pl.when(sb > 0)
        def _():
            pltpu.make_async_copy(
                src2d_hbm.at[pl.ds(src_base, SBR)], idx_src.at[ib],
                sem_i).wait()
            pltpu.make_async_copy(
                dst2d_hbm.at[pl.ds(dst_base, SBR)], idx_dst.at[ib],
                sem_i).wait()
            patch_src(ib)

        for k in range(SUPER):
            b = k % 2
            w = sb * SUPER + k

            def drain(b=b):
                for j in range(NJ):
                    pltpu.make_async_copy(
                        rows.at[b, pl.ds(j * 128, 128)],
                        acc.at[idx_dst.at[ib, j]],
                        sem_s[b]).wait()

            if k < 2:
                pl.when(sb > 0)(drain)
            else:
                drain()

            gd = []
            for j in range(NJ):
                gd.append(pltpu.async_copy(
                    x1s_hbm.at[idx_src.at[ib, k * NJ + j]],
                    rows.at[b, pl.ds(j * 128, 128)], sem_g))

            if k == 1:
                @pl.when(sb + 1 < NSB)
                def _():
                    r0 = (sb + 1) * SBR
                    pltpu.async_copy(
                        src2d_hbm.at[pl.ds(src_base + r0, SBR)],
                        idx_src.at[nxt], sem_i)
                    pltpu.async_copy(
                        dst2d_hbm.at[pl.ds(dst_base + r0, SBR)],
                        idx_dst.at[nxt], sem_i)

            for d in gd:
                d.wait()

            for j in range(NJ):
                pltpu.async_copy(
                    rows.at[b, pl.ds(j * 128, 128)],
                    acc.at[idx_dst.at[ib, k * NJ + j]],
                    sem_s[b], add=True)
        return carry

    lax.fori_loop(0, NSB, superblock, 0)

    for b in range(2):
        for j in range(NJ):
            pltpu.make_async_copy(
                rows.at[b, pl.ds(j * 128, 128)],
                acc.at[idx_dst.at[0, j]],
                sem_s[b]).wait()
    plsc.subcore_barrier()

    orows = ACC_ROWS // NS
    pltpu.sync_copy(acc.at[pl.ds(s * orows, orows)],
                    out_hbm.at[c, pl.ds(s * orows, orows)])


def _tail_body(x1_ref, agg_ref, xf_ref, eps_ref,
               l1T_ref, l1b_ref, l2T_ref, l2b_ref,
               sx_ref, sh_ref, wa_ref, ba_ref, wb_ref, bb_ref,
               wc_ref, bc_ref, wd_ref, bd_ref, o_ref):
    f32 = jnp.float32
    x1 = jnp.concatenate([x1_ref[0], x1_ref[1]], axis=1)
    agg = jnp.concatenate([agg_ref[0], agg_ref[1]], axis=1)
    h = eps_ref[0, 0] * x1 + agg
    h = _leaky(jnp.dot(h, l1T_ref[...], preferred_element_type=f32)
               + l1b_ref[...])
    h = _leaky(jnp.dot(h, l2T_ref[...], preferred_element_type=f32)
               + l2b_ref[...])
    h = _leaky(h)
    z = (jnp.dot(xf_ref[...], sx_ref[...], preferred_element_type=f32)
         + jnp.dot(h, sh_ref[...], preferred_element_type=f32))
    bf = jnp.bfloat16
    ya = _leaky(jnp.dot(z, wa_ref[...], preferred_element_type=f32)
                + ba_ref[...])
    yb = _leaky(jnp.dot(ya.astype(bf), wb_ref[...].astype(bf),
                        preferred_element_type=f32) + bb_ref[...])
    yc = _leaky(jnp.dot(yb.astype(bf), wc_ref[...].astype(bf),
                        preferred_element_type=f32) + bc_ref[...])
    o_ref[...] = _leaky(jnp.dot(yc.astype(bf), wd_ref[...].astype(bf),
                                preferred_element_type=f32) + bd_ref[...])


def _run_tail(x1s, agg, xflat, epsp1, l1T, l1b, l2T, l2b,
              Sx, Sh, WA, bA, WB, bB, WC, bC, WD, bD):
    grid = N_NODES // BN

    def whole(shape):
        return pl.BlockSpec(shape, lambda i: tuple(0 for _ in shape))

    return pl.pallas_call(
        _tail_body,
        grid=(grid,),
        in_specs=[
            pl.BlockSpec((2, BN, 32), lambda i: (0, i, 0)),
            pl.BlockSpec((2, BN, 32), lambda i: (0, i, 0)),
            pl.BlockSpec((BN, 16), lambda i: (i, 0)),
            whole((1, 1)),
            whole((64, 32)), whole((1, 32)),
            whole((32, 16)), whole((1, 16)),
            whole((16, 32)), whole((16, 32)),
            whole((32, 256)), whole((1, 256)),
            whole((256, 256)), whole((1, 256)),
            whole((256, 256)), whole((1, 256)),
            whole((256, 64)), whole((1, 64)),
        ],
        out_specs=pl.BlockSpec((BN, 64), lambda i: (i, 0)),
        out_shape=jax.ShapeDtypeStruct((N_NODES, 64), jnp.float32),
    )(x1s, agg, xflat, epsp1, l1T, l1b, l2T, l2b,
      Sx, Sh, WA, bA, WB, bB, WC, bC, WD, bD)


def kernel(x, x_real, edge_index, fc_W, fc_b, l1_W, l1_b, l2_W, l2_b, eps,
           convA_W, convA_b, convB_W, convB_b, convC_W, convC_b,
           convD_W, convD_b):
    f32 = jnp.float32

    npad = E_PAD - N_EDGES
    pad_src = jnp.asarray(np.arange(npad, dtype=np.int32) % N_NODES)
    pad_dst = jnp.asarray(
        N_NODES + (np.arange(npad, dtype=np.int32) % 16))
    src2d = jnp.concatenate([edge_index[0], pad_src]).reshape(
        E_PAD // 128, 128)
    dst2d = jnp.concatenate([edge_index[1], pad_dst]).reshape(
        E_PAD // 128, 128)

    x1s = _run_fc(x_real, fc_W, fc_b)

    agg = _make_sc_segment_sum()(
        src2d, dst2d, x1s.reshape(2 * N_NODES, 32))

    l1T = l1_W.T
    l2T = l2_W.T
    ar16 = jnp.arange(16)
    colsx = 8 * (ar16 // 4) + (ar16 % 4)
    Sx = jnp.zeros((16, 32), f32).at[ar16, colsx].set(1.0)
    Sh = jnp.zeros((16, 32), f32).at[ar16, colsx + 4].set(1.0)
    WAf = convA_W.reshape(64, 8)
    WA = jnp.einsum('pq,oj->pjqo', jnp.eye(4, dtype=f32), WAf).reshape(32, 256)
    bA = jnp.tile(convA_b, 4).reshape(1, 256)
    WBf = convB_W[:, :, :, 0].transpose(0, 2, 1).reshape(128, 128)
    WB = jnp.einsum('pq,oj->pjqo', jnp.eye(2, dtype=f32), WBf).reshape(256, 256)
    bB = jnp.tile(convB_b, 2).reshape(1, 256)
    WC = convC_W[:, :, :, 0].transpose(0, 2, 1).reshape(256, 256).T
    bC = convC_b.reshape(1, 256)
    WD = convD_W.reshape(64, 256).T
    bD = convD_b.reshape(1, 64)

    xflat = x.reshape(N_NODES, 16)
    epsp1 = (1.0 + eps).reshape(1, 1)
    out = _run_tail(x1s, agg, xflat, epsp1,
                    l1T, l1_b.reshape(1, 32), l2T, l2_b.reshape(1, 16),
                    Sx, Sh, WA, bA, WB, bB, WC, bC, WD, bD)
    return out.reshape(N_NODES, 64, 1, 1)

# --- scband reference (transcript-rebuilt; emitter-appended) ---
"""Pipeline reference for scband-net-ginconv-26654567039055 (READ-ONLY COPY).

The authoritative reference and input builder live on the scoring server;
editing this copy changes nothing except your own understanding.
"""

import jax, jax.numpy as jnp
import numpy as np
from jax import lax

N = 50000
E = 800000

def _leaky(x):
    return jax.nn.leaky_relu(x, 0.01)

def setup_inputs(seed: int = 0):
    key = jax.random.key(seed)
    ks = jax.random.split(key, 20)
    inp = {}
    inp['x'] = jax.random.normal(ks[0], (N, 1, 8, 2), jnp.float32)
    inp['x_real'] = jax.random.normal(ks[1], (N, 32), jnp.float32)
    inp['edge_index'] = jax.random.randint(ks[2], (2, E), 0, N, dtype=jnp.int32)
    inp['fc_W'] = jax.random.normal(ks[3], (64, 32), jnp.float32) * 0.1
    inp['fc_b'] = jnp.zeros((64,), jnp.float32)
    inp['l1_W'] = jax.random.normal(ks[4], (32, 64), jnp.float32) * 0.1
    inp['l1_b'] = jnp.zeros((32,), jnp.float32)
    inp['l2_W'] = jax.random.normal(ks[5], (16, 32), jnp.float32) * 0.1
    inp['l2_b'] = jnp.zeros((16,), jnp.float32)
    inp['eps'] = jnp.zeros((), jnp.float32)
    inp['convA_W'] = jax.random.normal(ks[6], (64, 2, 2, 2), jnp.float32) * 0.1
    inp['convA_b'] = jnp.zeros((64,), jnp.float32)
    inp['convB_W'] = jax.random.normal(ks[7], (128, 64, 2, 1), jnp.float32) * 0.1
    inp['convB_b'] = jnp.zeros((128,), jnp.float32)
    inp['convC_W'] = jax.random.normal(ks[8], (256, 128, 2, 1), jnp.float32) * 0.1
    inp['convC_b'] = jnp.zeros((256,), jnp.float32)
    inp['convD_W'] = jax.random.normal(ks[9], (64, 256, 1, 1), jnp.float32) * 0.1
    inp['convD_b'] = jnp.zeros((64,), jnp.float32)
    return inp

def _conv(x, W, b, strides):
    y = lax.conv_general_dilated(x, W, window_strides=strides, padding='VALID', dimension_numbers=('NCHW', 'OIHW', 'NCHW'))
    return y + b[None, :, None, None]

def reference(x, x_real, edge_index, fc_W, fc_b, l1_W, l1_b, l2_W, l2_b, eps, convA_W, convA_b, convB_W, convB_b, convC_W, convC_b, convD_W, convD_b):
    n = x.shape[0]
    # fc + GINConv(GINN)
    x1 = _leaky(x_real @ fc_W.T + fc_b)
    src = edge_index[0]
    dst = edge_index[1]
    agg = jax.ops.segment_sum(x1[src], dst, num_segments=n)
    h = (1.0 + eps) * x1 + agg
    h = _leaky(h @ l1_W.T + l1_b)
    h = _leaky(h @ l2_W.T + l2_b)
    x1 = _leaky(h)
    x1 = x1.reshape(x.shape)
    xc = jnp.concatenate((x, x1), axis=1)
    xc = _leaky(_conv(xc, convA_W, convA_b, (2, 2)))
    xc = _leaky(_conv(xc, convB_W, convB_b, (2, 2)))
    xc = _leaky(_conv(xc, convC_W, convC_b, (2, 2)))
    xc = _leaky(_conv(xc, convD_W, convD_b, (1, 1)))
    return xc

if __name__ == "__main__":
    import jax
    _d = setup_inputs()
    print(jax.jit(kernel)(*tuple(_d.values())))

</pallas_src>

<mosaic_0001>
#map = affine_map<(d0, d1) -> (0, 0)>
#map1 = affine_map<(d0, d1) -> (0, 0, 0)>
module attributes {stable_mosaic.version = 14 : i64} {
  func.func @_sc_segment_sum_body(%arg0: i32, %arg1: i32, %arg2: memref<6400x128xi32, #tpu.memory_space<hbm>>, %arg3: memref<6400x128xi32, #tpu.memory_space<hbm>>, %arg4: memref<100000x32xf32, #tpu.memory_space<hbm>>, %arg5: memref<2x50048x32xf32, #tpu.memory_space<hbm>>, %arg6: memref<2x8x128xi32, #tpu.memory_space<vmem>>, %arg7: memref<2x8x128xi32, #tpu.memory_space<vmem>>, %arg8: memref<2x256x32xf32, #tpu.memory_space<vmem>>, %arg9: memref<50048x32xf32, #tpu.memory_space<vmem_shared>>, %arg10: memref<!tpu.dma_semaphore, #tpu.memory_space<semaphore_mem>>, %arg11: memref<!tpu.dma_semaphore, #tpu.memory_space<semaphore_mem>>, %arg12: memref<!tpu.dma_semaphore, #tpu.memory_space<semaphore_mem>>, %arg13: memref<!tpu.dma_semaphore, #tpu.memory_space<semaphore_mem>>) attributes {dimension_semantics = [#tpu.dimension_semantics<core_parallel>, #tpu.dimension_semantics<subcore_parallel>], iteration_bounds = array<i64: 2, 16>, scalar_prefetch = 0 : i64, scratch_operands = 8 : i64, tpu.core_type = #tpu.core_type<sc_vector_subcore>, window_params = [{transform_indices = #map}, {transform_indices = #map}, {transform_indices = #map}, {transform_indices = #map1}]} {
    %scan3A = arith.constant 0 : i32
    %scan3A_0 = arith.constant 0 : i32
    %scan3A_1 = arith.constant 256 : i32
    %scan3A_2 = arith.addi %scan3A_0, %scan3A_1 : i32
    %scan3A_3 = arith.constant 1 : i32
    scf.for %scan3A_1199 = %scan3A_0 to %scan3A_2 step %scan3A_3  : i32 {
      %broadcast_in_dim3A = arith.constant 0.000000e+00 : f32
      %broadcast_in_dim3A_1200 = vector.broadcast %broadcast_in_dim3A : f32 to vector<16xf32>
      %swap3A_1201 = arith.constant 0 : i32
      %swap3A_1202 = arith.index_cast %swap3A_1201 : i32 to index
      %swap3A_1203 = arith.index_cast %scan3A_1199 : i32 to index
      %swap3A_1204 = arith.constant 0 : index
      %swap3A_1205 = tpu.vector_load %arg8[%swap3A_1202, %swap3A_1203, %swap3A_1204] {strides = array<i32>} : memref<2x256x32xf32, #tpu.memory_space<vmem>>, vector<1x1x16xf32>,
      %swap3A_1206 = vector.shape_cast %swap3A_1205 : vector<1x1x16xf32> to vector<16xf32>
      %swap3A_1207 = vector.shape_cast %broadcast_in_dim3A_1200 : vector<16xf32> to vector<1x1x16xf32>
      tpu.vector_store %arg8[%swap3A_1202, %swap3A_1203, %swap3A_1204], %swap3A_1207 {strides = array<i32>} : memref<2x256x32xf32, #tpu.memory_space<vmem>>, vector<1x1x16xf32>,
      %broadcast_in_dim3A_1208 = arith.constant 0.000000e+00 : f32
      %broadcast_in_dim3A_1209 = vector.broadcast %broadcast_in_dim3A_1208 : f32 to vector<16xf32>
      %swap3A_1210 = arith.constant 0 : i32
      %swap3A_1211 = arith.index_cast %swap3A_1210 : i32 to index
      %swap3A_1212 = arith.index_cast %scan3A_1199 : i32 to index
      %swap3A_1213 = arith.constant 16 : index
      %swap3A_1214 = tpu.vector_load %arg8[%swap3A_1211, %swap3A_1212, %swap3A_1213] {strides = array<i32>} : memref<2x256x32xf32, #tpu.memory_space<vmem>>, vector<1x1x16xf32>,
      %swap3A_1215 = vector.shape_cast %swap3A_1214 : vector<1x1x16xf32> to vector<16xf32>
      %swap3A_1216 = vector.shape_cast %broadcast_in_dim3A_1209 : vector<16xf32> to vector<1x1x16xf32>
      tpu.vector_store %arg8[%swap3A_1211, %swap3A_1212, %swap3A_1213], %swap3A_1216 {strides = array<i32>} : memref<2x256x32xf32, #tpu.memory_space<vmem>>, vector<1x1x16xf32>,
    }
    %scan3A_4 = arith.constant 256 : i32
    %mul3A = arith.constant 3128 : i32
    %mul3A_5 = arith.muli %arg1, %mul3A : i32
    %add3A = arith.constant 0 : i32
    %add3A_6 = arith.addi %mul3A_5, %add3A : i32
    %run_scoped3A = arith.constant 0 : i32
    "tpu.region"() ({
      %run_scoped3A_1199 = tpu.sem_alloc : memref<!tpu.dma_semaphore, #tpu.memory_space<semaphore_mem>>
      %dma_start3A = arith.constant 0 : i32
      %dma_start3A_1200 = arith.constant 0 : i32
      %dma_start3A_1201 = tpu.memref_slice %arg8[%run_scoped3A, %dma_start3A, %dma_start3A_1200] : memref<2x256x32xf32, #tpu.memory_space<vmem>> -> memref<1x256x32xf32, #tpu.memory_space<vmem>>
      %dma_start3A_1202 = tpu.memref_squeeze %dma_start3A_1201 : memref<1x256x32xf32, #tpu.memory_space<vmem>> -> memref<256x32xf32, #tpu.memory_space<vmem>>
      %dma_start3A_1203 = arith.constant 0 : i32
      %dma_start3A_1204 = tpu.memref_slice %arg9[%add3A_6, %dma_start3A_1203] : memref<50048x32xf32, #tpu.memory_space<vmem_shared>> -> memref<256x32xf32, #tpu.memory_space<vmem_shared>>
      %dma_start3A_1205 = arith.constant 0 : i32
      %dma_start3A_1206 = tpu.memref_slice %arg9[%add3A_6, %dma_start3A_1205] : memref<50048x32xf32, #tpu.memory_space<vmem_shared>> -> memref<256x32xf32, #tpu.memory_space<vmem_shared>>
      %dma_start3A_1207 = arith.constant 0 : i32
      %dma_start3A_1208 = arith.constant 0 : i32
      %dma_start3A_1209 = tpu.memref_slice %arg8[%run_scoped3A, %dma_start3A_1207, %dma_start3A_1208] : memref<2x256x32xf32, #tpu.memory_space<vmem>> -> memref<1x256x32xf32, #tpu.memory_space<vmem>>
      %dma_start3A_1210 = tpu.memref_squeeze %dma_start3A_1209 : memref<1x256x32xf32, #tpu.memory_space<vmem>> -> memref<256x32xf32, #tpu.memory_space<vmem>>
      tpu.enqueue_dma source(%dma_start3A_1210 : memref<256x32xf32, #tpu.memory_space<vmem>>) target(%dma_start3A_1206 : memref<256x32xf32, #tpu.memory_space<vmem_shared>>) target_semaphore(%run_scoped3A_1199 : memref<!tpu.dma_semaphore, #tpu.memory_space<semaphore_mem>>)
      %dma_wait3A_1211 = arith.constant 0 : i32
      %dma_wait3A_1212 = arith.constant 0 : i32
      %dma_wait3A_1213 = tpu.memref_slice %arg8[%run_scoped3A, %dma_wait3A_1211, %dma_wait3A_1212] : memref<2x256x32xf32, #tpu.memory_space<vmem>> -> memref<1x256x32xf32, #tpu.memory_space<vmem>>
      %dma_wait3A_1214 = tpu.memref_squeeze %dma_wait3A_1213 : memref<1x256x32xf32, #tpu.memory_space<vmem>> -> memref<256x32xf32, #tpu.memory_space<vmem>>
      %dma_wait3A_1215 = arith.constant 0 : i32
      %dma_wait3A_1216 = tpu.memref_slice %arg9[%add3A_6, %dma_wait3A_1215] : memref<50048x32xf32, #tpu.memory_space<vmem_shared>> -> memref<256x32xf32, #tpu.memory_space<vmem_shared>>
      %dma_wait3A_1217 = arith.constant 0 : i32
      %dma_wait3A_1218 = tpu.memref_slice %arg9[%add3A_6, %dma_wait3A_1217] : memref<50048x32xf32, #tpu.memory_space<vmem_shared>> -> memref<256x32xf32, #tpu.memory_space<vmem_shared>>
      %dma_wait3A_1219 = arith.constant 0 : i32
      %dma_wait3A_1220 = arith.constant 0 : i32
      %dma_wait3A_1221 = tpu.memref_slice %arg8[%run_scoped3A, %dma_wait3A_1219, %dma_wait3A_1220] : memref<2x256x32xf32, #tpu.memory_space<vmem>> -> memref<1x256x32xf32, #tpu.memory_space<vmem>>
      %dma_wait3A_1222 = tpu.memref_squeeze %dma_wait3A_1221 : memref<1x256x32xf32, #tpu.memory_space<vmem>> -> memref<256x32xf32, #tpu.memory_space<vmem>>
      tpu.wait_dma2 semaphore(%run_scoped3A_1199 : memref<!tpu.dma_semaphore, #tpu.memory_space<semaphore_mem>>) src(%dma_wait3A_1222 : memref<256x32xf32, #tpu.memory_space<vmem>>) dst(%dma_wait3A_1218 : memref<256x32xf32, #tpu.memory_space<vmem_shared>>)
      tpu.yield
    }) : () -> ()
    %add3A_7 = arith.constant 256 : i32
    %add3A_8 = arith.addi %mul3A_5, %add3A_7 : i32
    %run_scoped3A_9 = arith.constant 0 : i32
    "tpu.region"() ({
      %run_scoped3A_1199 = tpu.sem_alloc : memref<!tpu.dma_semaphore, #tpu.memory_space<semaphore_mem>>
      %dma_start3A = arith.constant 0 : i32
      %dma_start3A_1200 = arith.constant 0 : i32
      %dma_start3A_1201 = tpu.memref_slice %arg8[%run_scoped3A_9, %dma_start3A, %dma_start3A_1200] : memref<2x256x32xf32, #tpu.memory_space<vmem>> -> memref<1x256x32xf32, #tpu.memory_space<vmem>>
      %dma_start3A_1202 = tpu.memref_squeeze %dma_start3A_1201 : memref<1x256x32xf32, #tpu.memory_space<vmem>> -> memref<256x32xf32, #tpu.memory_space<vmem>>
      %dma_start3A_1203 = arith.constant 0 : i32
      %dma_start3A_1204 = tpu.memref_slice %arg9[%add3A_8, %dma_start3A_1203] : memref<50048x32xf32, #tpu.memory_space<vmem_shared>> -> memref<256x32xf32, #tpu.memory_space<vmem_shared>>
      %dma_start3A_1205 = arith.constant 0 : i32
      %dma_start3A_1206 = tpu.memref_slice %arg9[%add3A_8, %dma_start3A_1205] : memref<50048x32xf32, #tpu.memory_space<vmem_shared>> -> memref<256x32xf32, #tpu.memory_space<vmem_shared>>
      %dma_start3A_1207 = arith.constant 0 : i32
      %dma_start3A_1208 = arith.constant 0 : i32
      %dma_start3A_1209 = tpu.memref_slice %arg8[%run_scoped3A_9, %dma_start3A_1207, %dma_start3A_1208] : memref<2x256x32xf32, #tpu.memory_space<vmem>> -> memref<1x256x32xf32, #tpu.memory_space<vmem>>
      %dma_start3A_1210 = tpu.memref_squeeze %dma_start3A_1209 : memref<1x256x32xf32, #tpu.memory_space<vmem>> -> memref<256x32xf32, #tpu.memory_space<vmem>>
      tpu.enqueue_dma source(%dma_start3A_1210 : memref<256x32xf32, #tpu.memory_space<vmem>>) target(%dma_start3A_1206 : memref<256x32xf32, #tpu.memory_space<vmem_shared>>) target_semaphore(%run_scoped3A_1199 : memref<!tpu.dma_semaphore, #tpu.memory_space<semaphore_mem>>)
      %dma_wait3A_1211 = arith.constant 0 : i32
      %dma_wait3A_1212 = arith.constant 0 : i32
      %dma_wait3A_1213 = tpu.memref_slice %arg8[%run_scoped3A_9, %dma_wait3A_1211, %dma_wait3A_1212] : memref<2x256x32xf32, #tpu.memory_space<vmem>> -> memref<1x256x32xf32, #tpu.memory_space<vmem>>
      %dma_wait3A_1214 = tpu.memref_squeeze %dma_wait3A_1213 : memref<1x256x32xf32, #tpu.memory_space<vmem>> -> memref<256x32xf32, #tpu.memory_space<vmem>>
      %dma_wait3A_1215 = arith.constant 0 : i32
      %dma_wait3A_1216 = tpu.memref_slice %arg9[%add3A_8, %dma_wait3A_1215] : memref<50048x32xf32, #tpu.memory_space<vmem_shared>> -> memref<256x32xf32, #tpu.memory_space<vmem_shared>>
      %dma_wait3A_1217 = arith.constant 0 : i32
      %dma_wait3A_1218 = tpu.memref_slice %arg9[%add3A_8, %dma_wait3A_1217] : memref<50048x32xf32, #tpu.memory_space<vmem_shared>> -> memref<256x32xf32, #tpu.memory_space<vmem_shared>>
      %dma_wait3A_1219 = arith.constant 0 : i32
      %dma_wait3A_1220 = arith.constant 0 : i32
      %dma_wait3A_1221 = tpu.memref_slice %arg8[%run_scoped3A_9, %dma_wait3A_1219, %dma_wait3A_1220] : memref<2x256x32xf32, #tpu.memory_space<vmem>> -> memref<1x256x32xf32, #tpu.memory_space<vmem>>
      %dma_wait3A_1222 = tpu.memref_squeeze %dma_wait3A_1221 : memref<1x256x32xf32, #tpu.memory_space<vmem>> -> memref<256x32xf32, #tpu.memory_space<vmem>>
      tpu.wait_dma2 semaphore(%run_scoped3A_1199 : memref<!tpu.dma_semaphore, #tpu.memory_space<semaphore_mem>>) src(%dma_wait3A_1222 : memref<256x32xf32, #tpu.memory_space<vmem>>) dst(%dma_wait3A_1218 : memref<256x32xf32, #tpu.memory_space<vmem_shared>>)
      tpu.yield
    }) : () -> ()
    %add3A_10 = arith.constant 512 : i32
    %add3A_11 = arith.addi %mul3A_5, %add3A_10 : i32
    %run_scoped3A_12 = arith.constant 0 : i32
    "tpu.region"() ({
      %run_scoped3A_1199 = tpu.sem_alloc : memref<!tpu.dma_semaphore, #tpu.memory_space<semaphore_mem>>
      %dma_start3A = arith.constant 0 : i32
      %dma_start3A_1200 = arith.constant 0 : i32
      %dma_start3A_1201 = tpu.memref_slice %arg8[%run_scoped3A_12, %dma_start3A, %dma_start3A_1200] : memref<2x256x32xf32, #tpu.memory_space<vmem>> -> memref<1x256x32xf32, #tpu.memory_space<vmem>>
      %dma_start3A_1202 = tpu.memref_squeeze %dma_start3A_1201 : memref<1x256x32xf32, #tpu.memory_space<vmem>> -> memref<256x32xf32, #tpu.memory_space<vmem>>
      %dma_start3A_1203 = arith.constant 0 : i32
      %dma_start3A_1204 = tpu.memref_slice %arg9[%add3A_11, %dma_start3A_1203] : memref<50048x32xf32, #tpu.memory_space<vmem_shared>> -> memref<256x32xf32, #tpu.memory_space<vmem_shared>>
      %dma_start3A_1205 = arith.constant 0 : i32
      %dma_start3A_1206 = tpu.memref_slice %arg9[%add3A_11, %dma_start3A_1205] : memref<50048x32xf32, #tpu.memory_space<vmem_shared>> -> memref<256x32xf32, #tpu.memory_space<vmem_shared>>
      %dma_start3A_1207 = arith.constant 0 : i32
      %dma_start3A_1208 = arith.constant 0 : i32
      %dma_start3A_1209 = tpu.memref_slice %arg8[%run_scoped3A_12, %dma_start3A_1207, %dma_start3A_1208] : memref<2x256x32xf32, #tpu.memory_space<vmem>> -> memref<1x256x32xf32, #tpu.memory_space<vmem>>
      %dma_start3A_1210 = tpu.memref_squeeze %dma_start3A_1209 : memref<1x256x32xf32, #tpu.memory_space<vmem>> -> memref<256x32xf32, #tpu.memory_space<vmem>>
      tpu.enqueue_dma source(%dma_start3A_1210 : memref<256x32xf32, #tpu.memory_space<vmem>>) target(%dma_start3A_1206 : memref<256x32xf32, #tpu.memory_space<vmem_shared>>) target_semaphore(%run_scoped3A_1199 : memref<!tpu.dma_semaphore, #tpu.memory_space<semaphore_mem>>)
      %dma_wait3A_1211 = arith.constant 0 : i32
      %dma_wait3A_1212 = arith.constant 0 : i32
      %dma_wait3A_1213 = tpu.memref_slice %arg8[%run_scoped3A_12, %dma_wait3A_1211, %dma_wait3A_1212] : memref<2x256x32xf32, #tpu.memory_space<vmem>> -> memref<1x256x32xf32, #tpu.memory_space<vmem>>
      %dma_wait3A_1214 = tpu.memref_squeeze %dma_wait3A_1213 : memref<1x256x32xf32, #tpu.memory_space<vmem>> -> memref<256x32xf32, #tpu.memory_space<vmem>>
      %dma_wait3A_1215 = arith.constant 0 : i32
      %dma_wait3A_1216 = tpu.memref_slice %arg9[%add3A_11, %dma_wait3A_1215] : memref<50048x32xf32, #tpu.memory_space<vmem_shared>> -> memref<256x32xf32, #tpu.memory_space<vmem_shared>>
      %dma_wait3A_1217 = arith.constant 0 : i32
      %dma_wait3A_1218 = tpu.memref_slice %arg9[%add3A_11, %dma_wait3A_1217] : memref<50048x32xf32, #tpu.memory_space<vmem_shared>> -> memref<256x32xf32, #tpu.memory_space<vmem_shared>>
      %dma_wait3A_1219 = arith.constant 0 : i32
      %dma_wait3A_1220 = arith.constant 0 : i32
      %dma_wait3A_1221 = tpu.memref_slice %arg8[%run_scoped3A_12, %dma_wait3A_1219, %dma_wait3A_1220] : memref<2x256x32xf32, #tpu.memory_space<vmem>> -> memref<1x256x32xf32, #tpu.memory_space<vmem>>
      %dma_wait3A_1222 = tpu.memref_squeeze %dma_wait3A_1221 : memref<1x256x32xf32, #tpu.memory_space<vmem>> -> memref<256x32xf32, #tpu.memory_space<vmem>>
      tpu.wait_dma2 semaphore(%run_scoped3A_1199 : memref<!tpu.dma_semaphore, #tpu.memory_space<semaphore_mem>>) src(%dma_wait3A_1222 : memref<256x32xf32, #tpu.memory_space<vmem>>) dst(%dma_wait3A_1218 : memref<256x32xf32, #tpu.memory_space<vmem_shared>>)
      tpu.yield
    }) : () -> ()
    %add3A_13 = arith.constant 768 : i32
    %add3A_14 = arith.addi %mul3A_5, %add3A_13 : i32
    %run_scoped3A_15 = arith.constant 0 : i32
    "tpu.region"() ({
      %run_scoped3A_1199 = tpu.sem_alloc : memref<!tpu.dma_semaphore, #tpu.memory_space<semaphore_mem>>
      %dma_start3A = arith.constant 0 : i32
      %dma_start3A_1200 = arith.constant 0 : i32
      %dma_start3A_1201 = tpu.memref_slice %arg8[%run_scoped3A_15, %dma_start3A, %dma_start3A_1200] : memref<2x256x32xf32, #tpu.memory_space<vmem>> -> memref<1x256x32xf32, #tpu.memory_space<vmem>>
      %dma_start3A_1202 = tpu.memref_squeeze %dma_start3A_1201 : memref<1x256x32xf32, #tpu.memory_space<vmem>> -> memref<256x32xf32, #tpu.memory_space<vmem>>
      %dma_start3A_1203 = arith.constant 0 : i32
      %dma_start3A_1204 = tpu.memref_slice %arg9[%add3A_14, %dma_start3A_1203] : memref<50048x32xf32, #tpu.memory_space<vmem_shared>> -> memref<256x32xf32, #tpu.memory_space<vmem_shared>>
      %dma_start3A_1205 = arith.constant 0 : i32
      %dma_start3A_1206 = tpu.memref_slice %arg9[%add3A_14, %dma_start3A_1205] : memref<50048x32xf32, #tpu.memory_space<vmem_shared>> -> memref<256x32xf32, #tpu.memory_space<vmem_shared>>
      %dma_start3A_1207 = arith.constant 0 : i32
      %dma_start3A_1208 = arith.constant 0 : i32
      %dma_start3A_1209 = tpu.memref_slice %arg8[%run_scoped3A_15, %dma_start3A_1207, %dma_start3A_1208] : memref<2x256x32xf32, #tpu.memory_space<vmem>> -> memref<1x256x32xf32, #tpu.memory_space<vmem>>
      %dma_start3A_1210 = tpu.memref_squeeze %dma_start3A_1209 : memref<1x256x32xf32, #tpu.memory_space<vmem>> -> memref<256x32xf32, #tpu.memory_space<vmem>>
      tpu.enqueue_dma source(%dma_start3A_1210 : memref<256x32xf32, #tpu.memory_space<vmem>>) target(%dma_start3A_1206 : memref<256x32xf32, #tpu.memory_space<vmem_shared>>) target_semaphore(%run_scoped3A_1199 : memref<!tpu.dma_semaphore, #tpu.memory_space<semaphore_mem>>)
      %dma_wait3A_1211 = arith.constant 0 : i32
      %dma_wait3A_1212 = arith.constant 0 : i32
      %dma_wait3A_1213 = tpu.memref_slice %arg8[%run_scoped3A_15, %dma_wait3A_1211, %dma_wait3A_1212] : memref<2x256x32xf32, #tpu.memory_space<vmem>> -> memref<1x256x32xf32, #tpu.memory_space<vmem>>
      %dma_wait3A_1214 = tpu.memref_squeeze %dma_wait3A_1213 : memref<1x256x32xf32, #tpu.memory_space<vmem>> -> memref<256x32xf32, #tpu.memory_space<vmem>>
      %dma_wait3A_1215 = arith.constant 0 : i32
      %dma_wait3A_1216 = tpu.memref_slice %arg9[%add3A_14, %dma_wait3A_1215] : memref<50048x32xf32, #tpu.memory_space<vmem_shared>> -> memref<256x32xf32, #tpu.memory_space<vmem_shared>>
      %dma_wait3A_1217 = arith.constant 0 : i32
      %dma_wait3A_1218 = tpu.memref_slice %arg9[%add3A_14, %dma_wait3A_1217] : memref<50048x32xf32, #tpu.memory_space<vmem_shared>> -> memref<256x32xf32, #tpu.memory_space<vmem_shared>>
      %dma_wait3A_1219 = arith.constant 0 : i32
      %dma_wait3A_1220 = arith.constant 0 : i32
      %dma_wait3A_1221 = tpu.memref_slice %arg8[%run_scoped3A_15, %dma_wait3A_1219, %dma_wait3A_1220] : memref<2x256x32xf32, #tpu.memory_space<vmem>> -> memref<1x256x32xf32, #tpu.memory_space<vmem>>
      %dma_wait3A_1222 = tpu.memref_squeeze %dma_wait3A_1221 : memref<1x256x32xf32, #tpu.memory_space<vmem>> -> memref<256x32xf32, #tpu.memory_space<vmem>>
      tpu.wait_dma2 semaphore(%run_scoped3A_1199 : memref<!tpu.dma_semaphore, #tpu.memory_space<semaphore_mem>>) src(%dma_wait3A_1222 : memref<256x32xf32, #tpu.memory_space<vmem>>) dst(%dma_wait3A_1218 : memref<256x32xf32, #tpu.memory_space<vmem_shared>>)
      tpu.yield
    }) : () -> ()
    %add3A_16 = arith.constant 1024 : i32
    %add3A_17 = arith.addi %mul3A_5, %add3A_16 : i32
    %run_scoped3A_18 = arith.constant 0 : i32
    "tpu.region"() ({
      %run_scoped3A_1199 = tpu.sem_alloc : memref<!tpu.dma_semaphore, #tpu.memory_space<semaphore_mem>>
      %dma_start3A = arith.constant 0 : i32
      %dma_start3A_1200 = arith.constant 0 : i32
      %dma_start3A_1201 = tpu.memref_slice %arg8[%run_scoped3A_18, %dma_start3A, %dma_start3A_1200] : memref<2x256x32xf32, #tpu.memory_space<vmem>> -> memref<1x256x32xf32, #tpu.memory_space<vmem>>
      %dma_start3A_1202 = tpu.memref_squeeze %dma_start3A_1201 : memref<1x256x32xf32, #tpu.memory_space<vmem>> -> memref<256x32xf32, #tpu.memory_space<vmem>>
      %dma_start3A_1203 = arith.constant 0 : i32
      %dma_start3A_1204 = tpu.memref_slice %arg9[%add3A_17, %dma_start3A_1203] : memref<50048x32xf32, #tpu.memory_space<vmem_shared>> -> memref<256x32xf32, #tpu.memory_space<vmem_shared>>
      %dma_start3A_1205 = arith.constant 0 : i32
      %dma_start3A_1206 = tpu.memref_slice %arg9[%add3A_17, %dma_start3A_1205] : memref<50048x32xf32, #tpu.memory_space<vmem_shared>> -> memref<256x32xf32, #tpu.memory_space<vmem_shared>>
      %dma_start3A_1207 = arith.constant 0 : i32
      %dma_start3A_1208 = arith.constant 0 : i32
      %dma_start3A_1209 = tpu.memref_slice %arg8[%run_scoped3A_18, %dma_start3A_1207, %dma_start3A_1208] : memref<2x256x32xf32, #tpu.memory_space<vmem>> -> memref<1x256x32xf32, #tpu.memory_space<vmem>>
      %dma_start3A_1210 = tpu.memref_squeeze %dma_start3A_1209 : memref<1x256x32xf32, #tpu.memory_space<vmem>> -> memref<256x32xf32, #tpu.memory_space<vmem>>
      tpu.enqueue_dma source(%dma_start3A_1210 : memref<256x32xf32, #tpu.memory_space<vmem>>) target(%dma_start3A_1206 : memref<256x32xf32, #tpu.memory_space<vmem_shared>>) target_semaphore(%run_scoped3A_1199 : memref<!tpu.dma_semaphore, #tpu.memory_space<semaphore_mem>>)
      %dma_wait3A_1211 = arith.constant 0 : i32
      %dma_wait3A_1212 = arith.constant 0 : i32
      %dma_wait3A_1213 = tpu.memref_slice %arg8[%run_scoped3A_18, %dma_wait3A_1211, %dma_wait3A_1212] : memref<2x256x32xf32, #tpu.memory_space<vmem>> -> memref<1x256x32xf32, #tpu.memory_space<vmem>>
      %dma_wait3A_1214 = tpu.memref_squeeze %dma_wait3A_1213 : memref<1x256x32xf32, #tpu.memory_space<vmem>> -> memref<256x32xf32, #tpu.memory_space<vmem>>
      %dma_wait3A_1215 = arith.constant 0 : i32
      %dma_wait3A_1216 = tpu.memref_slice %arg9[%add3A_17, %dma_wait3A_1215] : memref<50048x32xf32, #tpu.memory_space<vmem_shared>> -> memref<256x32xf32, #tpu.memory_space<vmem_shared>>
      %dma_wait3A_1217 = arith.constant 0 : i32
      %dma_wait3A_1218 = tpu.memref_slice %arg9[%add3A_17, %dma_wait3A_1217] : memref<50048x32xf32, #tpu.memory_space<vmem_shared>> -> memref<256x32xf32, #tpu.memory_space<vmem_shared>>
      %dma_wait3A_1219 = arith.constant 0 : i32
      %dma_wait3A_1220 = arith.constant 0 : i32
      %dma_wait3A_1221 = tpu.memref_slice %arg8[%run_scoped3A_18, %dma_wait3A_1219, %dma_wait3A_1220] : memref<2x256x32xf32, #tpu.memory_space<vmem>> -> memref<1x256x32xf32, #tpu.memory_space<vmem>>
      %dma_wait3A_1222 = tpu.memref_squeeze %dma_wait3A_1221 : memref<1x256x32xf32, #tpu.memory_space<vmem>> -> memref<256x32xf32, #tpu.memory_space<vmem>>
      tpu.wait_dma2 semaphore(%run_scoped3A_1199 : memref<!tpu.dma_semaphore, #tpu.memory_space<semaphore_mem>>) src(%dma_wait3A_1222 : memref<256x32xf32, #tpu.memory_space<vmem>>) dst(%dma_wait3A_1218 : memref<256x32xf32, #tpu.memory_space<vmem_shared>>)
      tpu.yield
    }) : () -> ()
    %add3A_19 = arith.constant 1280 : i32
    %add3A_20 = arith.addi %mul3A_5, %add3A_19 : i32
    %run_scoped3A_21 = arith.constant 0 : i32
    "tpu.region"() ({
      %run_scoped3A_1199 = tpu.sem_alloc : memref<!tpu.dma_semaphore, #tpu.memory_space<semaphore_mem>>
      %dma_start3A = arith.constant 0 : i32
      %dma_start3A_1200 = arith.constant 0 : i32
      %dma_start3A_1201 = tpu.memref_slice %arg8[%run_scoped3A_21, %dma_start3A, %dma_start3A_1200] : memref<2x256x32xf32, #tpu.memory_space<vmem>> -> memref<1x256x32xf32, #tpu.memory_space<vmem>>
      %dma_start3A_1202 = tpu.memref_squeeze %dma_start3A_1201 : memref<1x256x32xf32, #tpu.memory_space<vmem>> -> memref<256x32xf32, #tpu.memory_space<vmem>>
      %dma_start3A_1203 = arith.constant 0 : i32
      %dma_start3A_1204 = tpu.memref_slice %arg9[%add3A_20, %dma_start3A_1203] : memref<50048x32xf32, #tpu.memory_space<vmem_shared>> -> memref<256x32xf32, #tpu.memory_space<vmem_shared>>
      %dma_start3A_1205 = arith.constant 0 : i32
      %dma_start3A_1206 = tpu.memref_slice %arg9[%add3A_20, %dma_start3A_1205] : memref<50048x32xf32, #tpu.memory_space<vmem_shared>> -> memref<256x32xf32, #tpu.memory_space<vmem_shared>>
      %dma_start3A_1207 = arith.constant 0 : i32
      %dma_start3A_1208 = arith.constant 0 : i32
      %dma_start3A_1209 = tpu.memref_slice %arg8[%run_scoped3A_21, %dma_start3A_1207, %dma_start3A_1208] : memref<2x256x32xf32, #tpu.memory_space<vmem>> -> memref<1x256x32xf32, #tpu.memory_space<vmem>>
      %dma_start3A_1210 = tpu.memref_squeeze %dma_start3A_1209 : memref<1x256x32xf32, #tpu.memory_space<vmem>> -> memref<256x32xf32, #tpu.memory_space<vmem>>
      tpu.enqueue_dma source(%dma_start3A_1210 : memref<256x32xf32, #tpu.memory_space<vmem>>) target(%dma_start3A_1206 : memref<256x32xf32, #tpu.memory_space<vmem_shared>>) target_semaphore(%run_scoped3A_1199 : memref<!tpu.dma_semaphore, #tpu.memory_space<semaphore_mem>>)
      %dma_wait3A_1211 = arith.constant 0 : i32
      %dma_wait3A_1212 = arith.constant 0 : i32
      %dma_wait3A_1213 = tpu.memref_slice %arg8[%run_scoped3A_21, %dma_wait3A_1211, %dma_wait3A_1212] : memref<2x256x32xf32, #tpu.memory_space<vmem>> -> memref<1x256x32xf32, #tpu.memory_space<vmem>>
      %dma_wait3A_1214 = tpu.memref_squeeze %dma_wait3A_1213 : memref<1x256x32xf32, #tpu.memory_space<vmem>> -> memref<256x32xf32, #tpu.memory_space<vmem>>
      %dma_wait3A_1215 = arith.constant 0 : i32
      %dma_wait3A_1216 = tpu.memref_slice %arg9[%add3A_20, %dma_wait3A_1215] : memref<50048x32xf32, #tpu.memory_space<vmem_shared>> -> memref<256x32xf32, #tpu.memory_space<vmem_shared>>
      %dma_wait3A_1217 = arith.constant 0 : i32
      %dma_wait3A_1218 = tpu.memref_slice %arg9[%add3A_20, %dma_wait3A_1217] : memref<50048x32xf32, #tpu.memory_space<vmem_shared>> -> memref<256x32xf32, #tpu.memory_space<vmem_shared>>
      %dma_wait3A_1219 = arith.constant 0 : i32
      %dma_wait3A_1220 = arith.constant 0 : i32
      %dma_wait3A_1221 = tpu.memref_slice %arg8[%run_scoped3A_21, %dma_wait3A_1219, %dma_wait3A_1220] : memref<2x256x32xf32, #tpu.memory_space<vmem>> -> memref<1x256x32xf32, #tpu.memory_space<vmem>>
      %dma_wait3A_1222 = tpu.memref_squeeze %dma_wait3A_1221 : memref<1x256x32xf32, #tpu.memory_space<vmem>> -> memref<256x32xf32, #tpu.memory_space<vmem>>
      tpu.wait_dma2 semaphore(%run_scoped3A_1199 : memref<!tpu.dma_semaphore, #tpu.memory_space<semaphore_mem>>) src(%dma_wait3A_1222 : memref<256x32xf32, #tpu.memory_space<vmem>>) dst(%dma_wait3A_1218 : memref<256x32xf32, #tpu.memory_space<vmem_shared>>)
      tpu.yield
    }) : () -> ()
    %add3A_22 = arith.constant 1536 : i32
    %add3A_23 = arith.addi %mul3A_5, %add3A_22 : i32
    %run_scoped3A_24 = arith.constant 0 : i32
    "tpu.region"() ({
      %run_scoped3A_1199 = tpu.sem_alloc : memref<!tpu.dma_semaphore, #tpu.memory_space<semaphore_mem>>
      %dma_start3A = arith.constant 0 : i32
      %dma_start3A_1200 = arith.constant 0 : i32
      %dma_start3A_1201 = tpu.memref_slice %arg8[%run_scoped3A_24, %dma_start3A, %dma_start3A_1200] : memref<2x256x32xf32, #tpu.memory_space<vmem>> -> memref<1x256x32xf32, #tpu.memory_space<vmem>>
      %dma_start3A_1202 = tpu.memref_squeeze %dma_start3A_1201 : memref<1x256x32xf32, #tpu.memory_space<vmem>> -> memref<256x32xf32, #tpu.memory_space<vmem>>
      %dma_start3A_1203 = arith.constant 0 : i32
      %dma_start3A_1204 = tpu.memref_slice %arg9[%add3A_23, %dma_start3A_1203] : memref<50048x32xf32, #tpu.memory_space<vmem_shared>> -> memref<256x32xf32, #tpu.memory_space<vmem_shared>>
      %dma_start3A_1205 = arith.constant 0 : i32
      %dma_start3A_1206 = tpu.memref_slice %arg9[%add3A_23, %dma_start3A_1205] : memref<50048x32xf32, #tpu.memory_space<vmem_shared>> -> memref<256x32xf32, #tpu.memory_space<vmem_shared>>
      %dma_start3A_1207 = arith.constant 0 : i32
      %dma_start3A_1208 = arith.constant 0 : i32
      %dma_start3A_1209 = tpu.memref_slice %arg8[%run_scoped3A_24, %dma_start3A_1207, %dma_start3A_1208] : memref<2x256x32xf32, #tpu.memory_space<vmem>> -> memref<1x256x32xf32, #tpu.memory_space<vmem>>
      %dma_start3A_1210 = tpu.memref_squeeze %dma_start3A_1209 : memref<1x256x32xf32, #tpu.memory_space<vmem>> -> memref<256x32xf32, #tpu.memory_space<vmem>>
      tpu.enqueue_dma source(%dma_start3A_1210 : memref<256x32xf32, #tpu.memory_space<vmem>>) target(%dma_start3A_1206 : memref<256x32xf32, #tpu.memory_space<vmem_shared>>) target_semaphore(%run_scoped3A_1199 : memref<!tpu.dma_semaphore, #tpu.memory_space<semaphore_mem>>)
      %dma_wait3A_1211 = arith.constant 0 : i32
      %dma_wait3A_1212 = arith.constant 0 : i32
      %dma_wait3A_1213 = tpu.memref_slice %arg8[%run_scoped3A_24, %dma_wait3A_1211, %dma_wait3A_1212] : memref<2x256x32xf32, #tpu.memory_space<vmem>> -> memref<1x256x32xf32, #tpu.memory_space<vmem>>
      %dma_wait3A_1214 = tpu.memref_squeeze %dma_wait3A_1213 : memref<1x256x32xf32, #tpu.memory_space<vmem>> -> memref<256x32xf32, #tpu.memory_space<vmem>>
      %dma_wait3A_1215 = arith.constant 0 : i32
      %dma_wait3A_1216 = tpu.memref_slice %arg9[%add3A_23, %dma_wait3A_1215] : memref<50048x32xf32, #tpu.memory_space<vmem_shared>> -> memref<256x32xf32, #tpu.memory_space<vmem_shared>>
      %dma_wait3A_1217 = arith.constant 0 : i32
      %dma_wait3A_1218 = tpu.memref_slice %arg9[%add3A_23, %dma_wait3A_1217] : memref<50048x32xf32, #tpu.memory_space<vmem_shared>> -> memref<256x32xf32, #tpu.memory_space<vmem_shared>>
      %dma_wait3A_1219 = arith.constant 0 : i32
      %dma_wait3A_1220 = arith.constant 0 : i32
      %dma_wait3A_1221 = tpu.memref_slice %arg8[%run_scoped3A_24, %dma_wait3A_1219, %dma_wait3A_1220] : memref<2x256x32xf32, #tpu.memory_space<vmem>> -> memref<1x256x32xf32, #tpu.memory_space<vmem>>
      %dma_wait3A_1222 = tpu.memref_squeeze %dma_wait3A_1221 : memref<1x256x32xf32, #tpu.memory_space<vmem>> -> memref<256x32xf32, #tpu.memory_space<vmem>>
      tpu.wait_dma2 semaphore(%run_scoped3A_1199 : memref<!tpu.dma_semaphore, #tpu.memory_space<semaphore_mem>>) src(%dma_wait3A_1222 : memref<256x32xf32, #tpu.memory_space<vmem>>) dst(%dma_wait3A_1218 : memref<256x32xf32, #tpu.memory_space<vmem_shared>>)
      tpu.yield
    }) : () -> ()
    %add3A_25 = arith.constant 1792 : i32
    %add3A_26 = arith.addi %mul3A_5, %add3A_25 : i32
    %run_scoped3A_27 = arith.constant 0 : i32
    "tpu.region"() ({
      %run_scoped3A_1199 = tpu.sem_alloc : memref<!tpu.dma_semaphore, #tpu.memory_space<semaphore_mem>>
      %dma_start3A = arith.constant 0 : i32
      %dma_start3A_1200 = arith.constant 0 : i32
      %dma_start3A_1201 = tpu.memref_slice %arg8[%run_scoped3A_27, %dma_start3A, %dma_start3A_1200] : memref<2x256x32xf32, #tpu.memory_space<vmem>> -> memref<1x256x32xf32, #tpu.memory_space<vmem>>
      %dma_start3A_1202 = tpu.memref_squeeze %dma_start3A_1201 : memref<1x256x32xf32, #tpu.memory_space<vmem>> -> memref<256x32xf32, #tpu.memory_space<vmem>>
      %dma_start3A_1203 = arith.constant 0 : i32
      %dma_start3A_1204 = tpu.memref_slice %arg9[%add3A_26, %dma_start3A_1203] : memref<50048x32xf32, #tpu.memory_space<vmem_shared>> -> memref<256x32xf32, #tpu.memory_space<vmem_shared>>
      %dma_start3A_1205 = arith.constant 0 : i32
      %dma_start3A_1206 = tpu.memref_slice %arg9[%add3A_26, %dma_start3A_1205] : memref<50048x32xf32, #tpu.memory_space<vmem_shared>> -> memref<256x32xf32, #tpu.memory_space<vmem_shared>>
      %dma_start3A_1207 = arith.constant 0 : i32
      %dma_start3A_1208 = arith.constant 0 : i32
      %dma_start3A_1209 = tpu.memref_slice %arg8[%run_scoped3A_27, %dma_start3A_1207, %dma_start3A_1208] : memref<2x256x32xf32, #tpu.memory_space<vmem>> -> memref<1x256x32xf32, #tpu.memory_space<vmem>>
      %dma_start3A_1210 = tpu.memref_squeeze %dma_start3A_1209 : memref<1x256x32xf32, #tpu.memory_space<vmem>> -> memref<256x32xf32, #tpu.memory_space<vmem>>
      tpu.enqueue_dma source(%dma_start3A_1210 : memref<256x32xf32, #tpu.memory_space<vmem>>) target(%dma_start3A_1206 : memref<256x32xf32, #tpu.memory_space<vmem_shared>>) target_semaphore(%run_scoped3A_1199 : memref<!tpu.dma_semaphore, #tpu.memory_space<semaphore_mem>>)
      %dma_wait3A_1211 = arith.constant 0 : i32
      %dma_wait3A_1212 = arith.constant 0 : i32
      %dma_wait3A_1213 = tpu.memref_slice %arg8[%run_scoped3A_27, %dma_wait3A_1211, %dma_wait3A_1212] : memref<2x256x32xf32, #tpu.memory_space<vmem>> -> memref<1x256x32xf32, #tpu.memory_space<vmem>>
      %dma_wait3A_1214 = tpu.memref_squeeze %dma_wait3A_1213 : memref<1x256x32xf32, #tpu.memory_space<vmem>> -> memref<256x32xf32, #tpu.memory_space<vmem>>
      %dma_wait3A_1215 = arith.constant 0 : i32
      %dma_wait3A_1216 = tpu.memref_slice %arg9[%add3A_26, %dma_wait3A_1215] : memref<50048x32xf32, #tpu.memory_space<vmem_shared>> -> memref<256x32xf32, #tpu.memory_space<vmem_shared>>
      %dma_wait3A_1217 = arith.constant 0 : i32
      %dma_wait3A_1218 = tpu.memref_slice %arg9[%add3A_26, %dma_wait3A_1217] : memref<50048x32xf32, #tpu.memory_space<vmem_shared>> -> memref<256x32xf32, #tpu.memory_space<vmem_shared>>
      %dma_wait3A_1219 = arith.constant 0 : i32
      %dma_wait3A_1220 = arith.constant 0 : i32
      %dma_wait3A_1221 = tpu.memref_slice %arg8[%run_scoped3A_27, %dma_wait3A_1219, %dma_wait3A_1220] : memref<2x256x32xf32, #tpu.memory_space<vmem>> -> memref<1x256x32xf32, #tpu.memory_space<vmem>>
      %dma_wait3A_1222 = tpu.memref_squeeze %dma_wait3A_1221 : memref<1x256x32xf32, #tpu.memory_space<vmem>> -> memref<256x32xf32, #tpu.memory_space<vmem>>
      tpu.wait_dma2 semaphore(%run_scoped3A_1199 : memref<!tpu.dma_semaphore, #tpu.memory_space<semaphore_mem>>) src(%dma_wait3A_1222 : memref<256x32xf32, #tpu.memory_space<vmem>>) dst(%dma_wait3A_1218 : memref<256x32xf32, #tpu.memory_space<vmem_shared>>)
      tpu.yield
    }) : () -> ()
    %add3A_28 = arith.constant 2048 : i32
    %add3A_29 = arith.addi %mul3A_5, %add3A_28 : i32
    %run_scoped3A_30 = arith.constant 0 : i32
    "tpu.region"() ({
      %run_scoped3A_1199 = tpu.sem_alloc : memref<!tpu.dma_semaphore, #tpu.memory_space<semaphore_mem>>
      %dma_start3A = arith.constant 0 : i32
      %dma_start3A_1200 = arith.constant 0 : i32
      %dma_start3A_1201 = tpu.memref_slice %arg8[%run_scoped3A_30, %dma_start3A, %dma_start3A_1200] : memref<2x256x32xf32, #tpu.memory_space<vmem>> -> memref<1x256x32xf32, #tpu.memory_space<vmem>>
      %dma_start3A_1202 = tpu.memref_squeeze %dma_start3A_1201 : memref<1x256x32xf32, #tpu.memory_space<vmem>> -> memref<256x32xf32, #tpu.memory_space<vmem>>
      %dma_start3A_1203 = arith.constant 0 : i32
      %dma_start3A_1204 = tpu.memref_slice %arg9[%add3A_29, %dma_start3A_1203] : memref<50048x32xf32, #tpu.memory_space<vmem_shared>> -> memref<256x32xf32, #tpu.memory_space<vmem_shared>>
      %dma_start3A_1205 = arith.constant 0 : i32
      %dma_start3A_1206 = tpu.memref_slice %arg9[%add3A_29, %dma_start3A_1205] : memref<50048x32xf32, #tpu.memory_space<vmem_shared>> -> memref<256x32xf32, #tpu.memory_space<vmem_shared>>
      %dma_start3A_1207 = arith.constant 0 : i32
      %dma_start3A_1208 = arith.constant 0 : i32
      %dma_start3A_1209 = tpu.memref_slice %arg8[%run_scoped3A_30, %dma_start3A_1207, %dma_start3A_1208] : memref<2x256x32xf32, #tpu.memory_space<vmem>> -> memref<1x256x32xf32, #tpu.memory_space<vmem>>
      %dma_start3A_1210 = tpu.memref_squeeze %dma_start3A_1209 : memref<1x256x32xf32, #tpu.memory_space<vmem>> -> memref<256x32xf32, #tpu.memory_space<vmem>>
      tpu.enqueue_dma source(%dma_start3A_1210 : memref<256x32xf32, #tpu.memory_space<vmem>>) target(%dma_start3A_1206 : memref<256x32xf32, #tpu.memory_space<vmem_shared>>) target_semaphore(%run_scoped3A_1199 : memref<!tpu.dma_semaphore, #tpu.memory_space<semaphore_mem>>)
      %dma_wait3A_1211 = arith.constant 0 : i32
      %dma_wait3A_1212 = arith.constant 0 : i32
      %dma_wait3A_1213 = tpu.memref_slice %arg8[%run_scoped3A_30, %dma_wait3A_1211, %dma_wait3A_1212] : memref<2x256x32xf32, #tpu.memory_space<vmem>> -> memref<1x256x32xf32, #tpu.memory_space<vmem>>
      %dma_wait3A_1214 = tpu.memref_squeeze %dma_wait3A_1213 : memref<1x256x32xf32, #tpu.memory_space<vmem>> -> memref<256x32xf32, #tpu.memory_space<vmem>>
      %dma_wait3A_1215 = arith.constant 0 : i32
      %dma_wait3A_1216 = tpu.memref_slice %arg9[%add3A_29, %dma_wait3A_1215] : memref<50048x32xf32, #tpu.memory_space<vmem_shared>> -> memref<256x32xf32, #tpu.memory_space<vmem_shared>>
      %dma_wait3A_1217 = arith.constant 0 : i32
      %dma_wait3A_1218 = tpu.memref_slice %arg9[%add3A_29, %dma_wait3A_1217] : memref<50048x32xf32, #tpu.memory_space<vmem_shared>> -> memref<256x32xf32, #tpu.memory_space<vmem_shared>>
      %dma_wait3A_1219 = arith.constant 0 : i32
      %dma_wait3A_1220 = arith.constant 0 : i32
      %dma_wait3A_1221 = tpu.memref_slice %arg8[%run_scoped3A_30, %dma_wait3A_1219, %dma_wait3A_1220] : memref<2x256x32xf32, #tpu.memory_space<vmem>> -> memref<1x256x32xf32, #tpu.memory_space<vmem>>
      %dma_wait3A_1222 = tpu.memref_squeeze %dma_wait3A_1221 : memref<1x256x32xf32, #tpu.memory_space<vmem>> -> memref<256x32xf32, #tpu.memory_space<vmem>>
      tpu.wait_dma2 semaphore(%run_scoped3A_1199 : memref<!tpu.dma_semaphore, #tpu.memory_space<semaphore_mem>>) src(%dma_wait3A_1222 : memref<256x32xf32, #tpu.memory_space<vmem>>) dst(%dma_wait3A_1218 : memref<256x32xf32, #tpu.memory_space<vmem_shared>>)
      tpu.yield
    }) : () -> ()
    %add3A_31 = arith.constant 2304 : i32
    %add3A_32 = arith.addi %mul3A_5, %add3A_31 : i32
    %run_scoped3A_33 = arith.constant 0 : i32
    "tpu.region"() ({
      %run_scoped3A_1199 = tpu.sem_alloc : memref<!tpu.dma_semaphore, #tpu.memory_space<semaphore_mem>>
      %dma_start3A = arith.constant 0 : i32
      %dma_start3A_1200 = arith.constant 0 : i32
      %dma_start3A_1201 = tpu.memref_slice %arg8[%run_scoped3A_33, %dma_start3A, %dma_start3A_1200] : memref<2x256x32xf32, #tpu.memory_space<vmem>> -> memref<1x256x32xf32, #tpu.memory_space<vmem>>
      %dma_start3A_1202 = tpu.memref_squeeze %dma_start3A_1201 : memref<1x256x32xf32, #tpu.memory_space<vmem>> -> memref<256x32xf32, #tpu.memory_space<vmem>>
      %dma_start3A_1203 = arith.constant 0 : i32
      %dma_start3A_1204 = tpu.memref_slice %arg9[%add3A_32, %dma_start3A_1203] : memref<50048x32xf32, #tpu.memory_space<vmem_shared>> -> memref<256x32xf32, #tpu.memory_space<vmem_shared>>
      %dma_start3A_1205 = arith.constant 0 : i32
      %dma_start3A_1206 = tpu.memref_slice %arg9[%add3A_32, %dma_start3A_1205] : memref<50048x32xf32, #tpu.memory_space<vmem_shared>> -> memref<256x32xf32, #tpu.memory_space<vmem_shared>>
      %dma_start3A_1207 = arith.constant 0 : i32
      %dma_start3A_1208 = arith.constant 0 : i32
      %dma_start3A_1209 = tpu.memref_slice %arg8[%run_scoped3A_33, %dma_start3A_1207, %dma_start3A_1208] : memref<2x256x32xf32, #tpu.memory_space<vmem>> -> memref<1x256x32xf32, #tpu.memory_space<vmem>>
      %dma_start3A_1210 = tpu.memref_squeeze %dma_start3A_1209 : memref<1x256x32xf32, #tpu.memory_space<vmem>> -> memref<256x32xf32, #tpu.memory_space<vmem>>
      tpu.enqueue_dma source(%dma_start3A_1210 : memref<256x32xf32, #tpu.memory_space<vmem>>) target(%dma_start3A_1206 : memref<256x32xf32, #tpu.memory_space<vmem_shared>>) target_semaphore(%run_scoped3A_1199 : memref<!tpu.dma_semaphore, #tpu.memory_space<semaphore_mem>>)
      %dma_wait3A_1211 = arith.constant 0 : i32
      %dma_wait3A_1212 = arith.constant 0 : i32
      %dma_wait3A_1213 = tpu.memref_slice %arg8[%run_scoped3A_33, %dma_wait3A_1211, %dma_wait3A_1212] : memref<2x256x32xf32, #tpu.memory_space<vmem>> -> memref<1x256x32xf32, #tpu.memory_space<vmem>>
      %dma_wait3A_1214 = tpu.memref_squeeze %dma_wait3A_1213 : memref<1x256x32xf32, #tpu.memory_space<vmem>> -> memref<256x32xf32, #tpu.memory_space<vmem>>
      %dma_wait3A_1215 = arith.constant 0 : i32
      %dma_wait3A_1216 = tpu.memref_slice %arg9[%add3A_32, %dma_wait3A_1215] : memref<50048x32xf32, #tpu.memory_space<vmem_shared>> -> memref<256x32xf32, #tpu.memory_space<vmem_shared>>
      %dma_wait3A_1217 = arith.constant 0 : i32
      %dma_wait3A_1218 = tpu.memref_slice %arg9[%add3A_32, %dma_wait3A_1217] : memref<50048x32xf32, #tpu.memory_space<vmem_shared>> -> memref<256x32xf32, #tpu.memory_space<vmem_shared>>
      %dma_wait3A_1219 = arith.constant 0 : i32
      %dma_wait3A_1220 = arith.constant 0 : i32
      %dma_wait3A_1221 = tpu.memref_slice %arg8[%run_scoped3A_33, %dma_wait3A_1219, %dma_wait3A_1220] : memref<2x256x32xf32, #tpu.memory_space<vmem>> -> memref<1x256x32xf32, #tpu.memory_space<vmem>>
      %dma_wait3A_1222 = tpu.memref_squeeze %dma_wait3A_1221 : memref<1x256x32xf32, #tpu.memory_space<vmem>> -> memref<256x32xf32, #tpu.memory_space<vmem>>
      tpu.wait_dma2 semaphore(%run_scoped3A_1199 : memref<!tpu.dma_semaphore, #tpu.memory_space<semaphore_mem>>) src(%dma_wait3A_1222 : memref<256x32xf32, #tpu.memory_space<vmem>>) dst(%dma_wait3A_1218 : memref<256x32xf32, #tpu.memory_space<vmem_shared>>)
      tpu.yield
    }) : () -> ()
    %add3A_34 = arith.constant 2560 : i32
    %add3A_35 = arith.addi %mul3A_5, %add3A_34 : i32
    %run_scoped3A_36 = arith.constant 0 : i32
    "tpu.region"() ({
      %run_scoped3A_1199 = tpu.sem_alloc : memref<!tpu.dma_semaphore, #tpu.memory_space<semaphore_mem>>
      %dma_start3A = arith.constant 0 : i32
      %dma_start3A_1200 = arith.constant 0 : i32
      %dma_start3A_1201 = tpu.memref_slice %arg8[%run_scoped3A_36, %dma_start3A, %dma_start3A_1200] : memref<2x256x32xf32, #tpu.memory_space<vmem>> -> memref<1x256x32xf32, #tpu.memory_space<vmem>>
      %dma_start3A_1202 = tpu.memref_squeeze %dma_start3A_1201 : memref<1x256x32xf32, #tpu.memory_space<vmem>> -> memref<256x32xf32, #tpu.memory_space<vmem>>
      %dma_start3A_1203 = arith.constant 0 : i32
      %dma_start3A_1204 = tpu.memref_slice %arg9[%add3A_35, %dma_start3A_1203] : memref<50048x32xf32, #tpu.memory_space<vmem_shared>> -> memref<256x32xf32, #tpu.memory_space<vmem_shared>>
      %dma_start3A_1205 = arith.constant 0 : i32
      %dma_start3A_1206 = tpu.memref_slice %arg9[%add3A_35, %dma_start3A_1205] : memref<50048x32xf32, #tpu.memory_space<vmem_shared>> -> memref<256x32xf32, #tpu.memory_space<vmem_shared>>
      %dma_start3A_1207 = arith.constant 0 : i32
      %dma_start3A_1208 = arith.constant 0 : i32
      %dma_start3A_1209 = tpu.memref_slice %arg8[%run_scoped3A_36, %dma_start3A_1207, %dma_start3A_1208] : memref<2x256x32xf32, #tpu.memory_space<vmem>> -> memref<1x256x32xf32, #tpu.memory_space<vmem>>
      %dma_start3A_1210 = tpu.memref_squeeze %dma_start3A_1209 : memref<1x256x32xf32, #tpu.memory_space<vmem>> -> memref<256x32xf32, #tpu.memory_space<vmem>>
      tpu.enqueue_dma source(%dma_start3A_1210 : memref<256x32xf32, #tpu.memory_space<vmem>>) target(%dma_start3A_1206 : memref<256x32xf32, #tpu.memory_space<vmem_shared>>) target_semaphore(%run_scoped3A_1199 : memref<!tpu.dma_semaphore, #tpu.memory_space<semaphore_mem>>)
      %dma_wait3A_1211 = arith.constant 0 : i32
      %dma_wait3A_1212 = arith.constant 0 : i32
      %dma_wait3A_1213 = tpu.memref_slice %arg8[%run_scoped3A_36, %dma_wait3A_1211, %dma_wait3A_1212] : memref<2x256x32xf32, #tpu.memory_space<vmem>> -> memref<1x256x32xf32, #tpu.memory_space<vmem>>
      %dma_wait3A_1214 = tpu.memref_squeeze %dma_wait3A_1213 : memref<1x256x32xf32, #tpu.memory_space<vmem>> -> memref<256x32xf32, #tpu.memory_space<vmem>>
      %dma_wait3A_1215 = arith.constant 0 : i32
      %dma_wait3A_1216 = tpu.memref_slice %arg9[%add3A_35, %dma_wait3A_1215] : memref<50048x32xf32, #tpu.memory_space<vmem_shared>> -> memref<256x32xf32, #tpu.memory_space<vmem_shared>>
      %dma_wait3A_1217 = arith.constant 0 : i32
      %dma_wait3A_1218 = tpu.memref_slice %arg9[%add3A_35, %dma_wait3A_1217] : memref<50048x32xf32, #tpu.memory_space<vmem_shared>> -> memref<256x32xf32, #tpu.memory_space<vmem_shared>>
      %dma_wait3A_1219 = arith.constant 0 : i32
      %dma_wait3A_1220 = arith.constant 0 : i32
      %dma_wait3A_1221 = tpu.memref_slice %arg8[%run_scoped3A_36, %dma_wait3A_1219, %dma_wait3A_1220] : memref<2x256x32xf32, #tpu.memory_space<vmem>> -> memref<1x256x32xf32, #tpu.memory_space<vmem>>
      %dma_wait3A_1222 = tpu.memref_squeeze %dma_wait3A_1221 : memref<1x256x32xf32, #tpu.memory_space<vmem>> -> memref<256x32xf32, #tpu.memory_space<vmem>>
      tpu.wait_dma2 semaphore(%run_scoped3A_1199 : memref<!tpu.dma_semaphore, #tpu.memory_space<semaphore_mem>>) src(%dma_wait3A_1222 : memref<256x32xf32, #tpu.memory_space<vmem>>) dst(%dma_wait3A_1218 : memref<256x32xf32, #tpu.memory_space<vmem_shared>>)
      tpu.yield
    }) : () -> ()
    %add3A_37 = arith.constant 2816 : i32
    %add3A_38 = arith.addi %mul3A_5, %add3A_37 : i32
    %run_scoped3A_39 = arith.constant 0 : i32
    "tpu.region"() ({
      %run_scoped3A_1199 = tpu.sem_alloc : memref<!tpu.dma_semaphore, #tpu.memory_space<semaphore_mem>>
      %dma_start3A = arith.constant 0 : i32
      %dma_start3A_1200 = arith.constant 0 : i32
      %dma_start3A_1201 = tpu.memref_slice %arg8[%run_scoped3A_39, %dma_start3A, %dma_start3A_1200] : memref<2x256x32xf32, #tpu.memory_space<vmem>> -> memref<1x256x32xf32, #tpu.memory_space<vmem>>
      %dma_start3A_1202 = tpu.memref_squeeze %dma_start3A_1201 : memref<1x256x32xf32, #tpu.memory_space<vmem>> -> memref<256x32xf32, #tpu.memory_space<vmem>>
      %dma_start3A_1203 = arith.constant 0 : i32
      %dma_start3A_1204 = tpu.memref_slice %arg9[%add3A_38, %dma_start3A_1203] : memref<50048x32xf32, #tpu.memory_space<vmem_shared>> -> memref<256x32xf32, #tpu.memory_space<vmem_shared>>
      %dma_start3A_1205 = arith.constant 0 : i32
      %dma_start3A_1206 = tpu.memref_slice %arg9[%add3A_38, %dma_start3A_1205] : memref<50048x32xf32, #tpu.memory_space<vmem_shared>> -> memref<256x32xf32, #tpu.memory_space<vmem_shared>>
      %dma_start3A_1207 = arith.constant 0 : i32
      %dma_start3A_1208 = arith.constant 0 : i32
      %dma_start3A_1209 = tpu.memref_slice %arg8[%run_scoped3A_39, %dma_start3A_1207, %dma_start3A_1208] : memref<2x256x32xf32, #tpu.memory_space<vmem>> -> memref<1x256x32xf32, #tpu.memory_space<vmem>>
      %dma_start3A_1210 = tpu.memref_squeeze %dma_start3A_1209 : memref<1x256x32xf32, #tpu.memory_space<vmem>> -> memref<256x32xf32, #tpu.memory_space<vmem>>
      tpu.enqueue_dma source(%dma_start3A_1210 : memref<256x32xf32, #tpu.memory_space<vmem>>) target(%dma_start3A_1206 : memref<256x32xf32, #tpu.memory_space<vmem_shared>>) target_semaphore(%run_scoped3A_1199 : memref<!tpu.dma_semaphore, #tpu.memory_space<semaphore_mem>>)
      %dma_wait3A_1211 = arith.constant 0 : i32
      %dma_wait3A_1212 = arith.constant 0 : i32
      %dma_wait3A_1213 = tpu.memref_slice %arg8[%run_scoped3A_39, %dma_wait3A_1211, %dma_wait3A_1212] : memref<2x256x32xf32, #tpu.memory_space<vmem>> -> memref<1x256x32xf32, #tpu.memory_space<vmem>>
      %dma_wait3A_1214 = tpu.memref_squeeze %dma_wait3A_1213 : memref<1x256x32xf32, #tpu.memory_space<vmem>> -> memref<256x32xf32, #tpu.memory_space<vmem>>
      %dma_wait3A_1215 = arith.constant 0 : i32
      %dma_wait3A_1216 = tpu.memref_slice %arg9[%add3A_38, %dma_wait3A_1215] : memref<50048x32xf32, #tpu.memory_space<vmem_shared>> -> memref<256x32xf32, #tpu.memory_space<vmem_shared>>
      %dma_wait3A_1217 = arith.constant 0 : i32
      %dma_wait3A_1218 = tpu.memref_slice %arg9[%add3A_38, %dma_wait3A_1217] : memref<50048x32xf32, #tpu.memory_space<vmem_shared>> -> memref<256x32xf32, #tpu.memory_space<vmem_shared>>
      %dma_wait3A_1219 = arith.constant 0 : i32
      %dma_wait3A_1220 = arith.constant 0 : i32
      %dma_wait3A_1221 = tpu.memref_slice %arg8[%run_scoped3A_39, %dma_wait3A_1219, %dma_wait3A_1220] : memref<2x256x32xf32, #tpu.memory_space<vmem>> -> memref<1x256x32xf32, #tpu.memory_space<vmem>>
      %dma_wait3A_1222 = tpu.memref_squeeze %dma_wait3A_1221 : memref<1x256x32xf32, #tpu.memory_space<vmem>> -> memref<256x32xf32, #tpu.memory_space<vmem>>
      tpu.wait_dma2 semaphore(%run_scoped3A_1199 : memref<!tpu.dma_semaphore, #tpu.memory_space<semaphore_mem>>) src(%dma_wait3A_1222 : memref<256x32xf32, #tpu.memory_space<vmem>>) dst(%dma_wait3A_1218 : memref<256x32xf32, #tpu.memory_space<vmem_shared>>)
      tpu.yield
    }) : () -> ()
    %add3A_40 = arith.constant 3072 : i32
    %add3A_41 = arith.addi %mul3A_5, %add3A_40 : i32
    %run_scoped3A_42 = arith.constant 0 : i32
    "tpu.region"() ({
      %run_scoped3A_1199 = tpu.sem_alloc : memref<!tpu.dma_semaphore, #tpu.memory_space<semaphore_mem>>
      %dma_start3A = arith.constant 0 : i32
      %dma_start3A_1200 = arith.constant 0 : i32
      %dma_start3A_1201 = tpu.memref_slice %arg8[%run_scoped3A_42, %dma_start3A, %dma_start3A_1200] : memref<2x256x32xf32, #tpu.memory_space<vmem>> -> memref<1x56x32xf32, #tpu.memory_space<vmem>>
      %dma_start3A_1202 = tpu.memref_squeeze %dma_start3A_1201 : memref<1x56x32xf32, #tpu.memory_space<vmem>> -> memref<56x32xf32, #tpu.memory_space<vmem>>
      %dma_start3A_1203 = arith.constant 0 : i32
      %dma_start3A_1204 = tpu.memref_slice %arg9[%add3A_41, %dma_start3A_1203] : memref<50048x32xf32, #tpu.memory_space<vmem_shared>> -> memref<56x32xf32, #tpu.memory_space<vmem_shared>>
      %dma_start3A_1205 = arith.constant 0 : i32
      %dma_start3A_1206 = tpu.memref_slice %arg9[%add3A_41, %dma_start3A_1205] : memref<50048x32xf32, #tpu.memory_space<vmem_shared>> -> memref<56x32xf32, #tpu.memory_space<vmem_shared>>
      %dma_start3A_1207 = arith.constant 0 : i32
      %dma_start3A_1208 = arith.constant 0 : i32
      %dma_start3A_1209 = tpu.memref_slice %arg8[%run_scoped3A_42, %dma_start3A_1207, %dma_start3A_1208] : memref<2x256x32xf32, #tpu.memory_space<vmem>> -> memref<1x56x32xf32, #tpu.memory_space<vmem>>
      %dma_start3A_1210 = tpu.memref_squeeze %dma_start3A_1209 : memref<1x56x32xf32, #tpu.memory_space<vmem>> -> memref<56x32xf32, #tpu.memory_space<vmem>>
      tpu.enqueue_dma source(%dma_start3A_1210 : memref<56x32xf32, #tpu.memory_space<vmem>>) target(%dma_start3A_1206 : memref<56x32xf32, #tpu.memory_space<vmem_shared>>) target_semaphore(%run_scoped3A_1199 : memref<!tpu.dma_semaphore, #tpu.memory_space<semaphore_mem>>)
      %dma_wait3A_1211 = arith.constant 0 : i32
      %dma_wait3A_1212 = arith.constant 0 : i32
      %dma_wait3A_1213 = tpu.memref_slice %arg8[%run_scoped3A_42, %dma_wait3A_1211, %dma_wait3A_1212] : memref<2x256x32xf32, #tpu.memory_space<vmem>> -> memref<1x56x32xf32, #tpu.memory_space<vmem>>
      %dma_wait3A_1214 = tpu.memref_squeeze %dma_wait3A_1213 : memref<1x56x32xf32, #tpu.memory_space<vmem>> -> memref<56x32xf32, #tpu.memory_space<vmem>>
      %dma_wait3A_1215 = arith.constant 0 : i32
      %dma_wait3A_1216 = tpu.memref_slice %arg9[%add3A_41, %dma_wait3A_1215] : memref<50048x32xf32, #tpu.memory_space<vmem_shared>> -> memref<56x32xf32, #tpu.memory_space<vmem_shared>>
      %dma_wait3A_1217 = arith.constant 0 : i32
      %dma_wait3A_1218 = tpu.memref_slice %arg9[%add3A_41, %dma_wait3A_1217] : memref<50048x32xf32, #tpu.memory_space<vmem_shared>> -> memref<56x32xf32, #tpu.memory_space<vmem_shared>>
      %dma_wait3A_1219 = arith.constant 0 : i32
      %dma_wait3A_1220 = arith.constant 0 : i32
      %dma_wait3A_1221 = tpu.memref_slice %arg8[%run_scoped3A_42, %dma_wait3A_1219, %dma_wait3A_1220] : memref<2x256x32xf32, #tpu.memory_space<vmem>> -> memref<1x56x32xf32, #tpu.memory_space<vmem>>
      %dma_wait3A_1222 = tpu.memref_squeeze %dma_wait3A_1221 : memref<1x56x32xf32, #tpu.memory_space<vmem>> -> memref<56x32xf32, #tpu.memory_space<vmem>>
      tpu.wait_dma2 semaphore(%run_scoped3A_1199 : memref<!tpu.dma_semaphore, #tpu.memory_space<semaphore_mem>>) src(%dma_wait3A_1222 : memref<56x32xf32, #tpu.memory_space<vmem>>) dst(%dma_wait3A_1218 : memref<56x32xf32, #tpu.memory_space<vmem_shared>>)
      tpu.yield
    }) : () -> ()
    %barrier3A = arith.constant 0 : index
    tpu.barrier barrier_id(%barrier3A)
    %mul3A_43 = arith.constant 400 : i32
    %mul3A_44 = arith.muli %arg1, %mul3A_43 : i32
    %mul3A_45 = arith.constant 400 : i32
    %mul3A_46 = arith.muli %arg1, %mul3A_45 : i32
    %mul3A_47 = arith.constant 50000 : i32
    %mul3A_48 = arith.muli %arg0, %mul3A_47 : i32
    %run_scoped3A_49 = arith.constant 0 : i32
    "tpu.region"() ({
      %run_scoped3A_1199 = tpu.sem_alloc : memref<!tpu.dma_semaphore, #tpu.memory_space<semaphore_mem>>
      %dma_start3A = arith.constant 0 : i32
      %dma_start3A_1200 = arith.constant 0 : i32
      %dma_start3A_1201 = tpu.memref_slice %arg6[%run_scoped3A_49, %dma_start3A, %dma_start3A_1200] : memref<2x8x128xi32, #tpu.memory_space<vmem>> -> memref<1x8x128xi32, #tpu.memory_space<vmem>>
      %dma_start3A_1202 = tpu.memref_squeeze %dma_start3A_1201 : memref<1x8x128xi32, #tpu.memory_space<vmem>> -> memref<8x128xi32, #tpu.memory_space<vmem>>
      %dma_start3A_1203 = arith.constant 0 : i32
      %dma_start3A_1204 = tpu.memref_slice %arg2[%mul3A_44, %dma_start3A_1203] : memref<6400x128xi32, #tpu.memory_space<hbm>> -> memref<8x128xi32, #tpu.memory_space<hbm>>
      %dma_start3A_1205 = arith.constant 0 : i32
      %dma_start3A_1206 = arith.constant 0 : i32
      %dma_start3A_1207 = tpu.memref_slice %arg6[%run_scoped3A_49, %dma_start3A_1205, %dma_start3A_1206] : memref<2x8x128xi32, #tpu.memory_space<vmem>> -> memref<1x8x128xi32, #tpu.memory_space<vmem>>
      %dma_start3A_1208 = tpu.memref_squeeze %dma_start3A_1207 : memref<1x8x128xi32, #tpu.memory_space<vmem>> -> memref<8x128xi32, #tpu.memory_space<vmem>>
      %dma_start3A_1209 = arith.constant 0 : i32
      %dma_start3A_1210 = tpu.memref_slice %arg2[%mul3A_44, %dma_start3A_1209] : memref<6400x128xi32, #tpu.memory_space<hbm>> -> memref<8x128xi32, #tpu.memory_space<hbm>>
      tpu.enqueue_dma source(%dma_start3A_1210 : memref<8x128xi32, #tpu.memory_space<hbm>>) target(%dma_start3A_1208 : memref<8x128xi32, #tpu.memory_space<vmem>>) target_semaphore(%run_scoped3A_1199 : memref<!tpu.dma_semaphore, #tpu.memory_space<semaphore_mem>>)
      %dma_wait3A_1211 = arith.constant 0 : i32
      %dma_wait3A_1212 = arith.constant 0 : i32
      %dma_wait3A_1213 = tpu.memref_slice %arg6[%run_scoped3A_49, %dma_wait3A_1211, %dma_wait3A_1212] : memref<2x8x128xi32, #tpu.memory_space<vmem>> -> memref<1x8x128xi32, #tpu.memory_space<vmem>>
      %dma_wait3A_1214 = tpu.memref_squeeze %dma_wait3A_1213 : memref<1x8x128xi32, #tpu.memory_space<vmem>> -> memref<8x128xi32, #tpu.memory_space<vmem>>
      %dma_wait3A_1215 = arith.constant 0 : i32
      %dma_wait3A_1216 = tpu.memref_slice %arg2[%mul3A_44, %dma_wait3A_1215] : memref<6400x128xi32, #tpu.memory_space<hbm>> -> memref<8x128xi32, #tpu.memory_space<hbm>>
      %dma_wait3A_1217 = arith.constant 0 : i32
      %dma_wait3A_1218 = arith.constant 0 : i32
      %dma_wait3A_1219 = tpu.memref_slice %arg6[%run_scoped3A_49, %dma_wait3A_1217, %dma_wait3A_1218] : memref<2x8x128xi32, #tpu.memory_space<vmem>> -> memref<1x8x128xi32, #tpu.memory_space<vmem>>
      %dma_wait3A_1220 = tpu.memref_squeeze %dma_wait3A_1219 : memref<1x8x128xi32, #tpu.memory_space<vmem>> -> memref<8x128xi32, #tpu.memory_space<vmem>>
      %dma_wait3A_1221 = arith.constant 0 : i32
      %dma_wait3A_1222 = tpu.memref_slice %arg2[%mul3A_44, %dma_wait3A_1221] : memref<6400x128xi32, #tpu.memory_space<hbm>> -> memref<8x128xi32, #tpu.memory_space<hbm>>
      tpu.wait_dma2 semaphore(%run_scoped3A_1199 : memref<!tpu.dma_semaphore, #tpu.memory_space<semaphore_mem>>) src(%dma_wait3A_1222 : memref<8x128xi32, #tpu.memory_space<hbm>>) dst(%dma_wait3A_1220 : memref<8x128xi32, #tpu.memory_space<vmem>>)
      tpu.yield
    }) : () -> ()
    %run_scoped3A_50 = arith.constant 0 : i32
    "tpu.region"() ({
      %run_scoped3A_1199 = tpu.sem_alloc : memref<!tpu.dma_semaphore, #tpu.memory_space<semaphore_mem>>
      %dma_start3A = arith.constant 0 : i32
      %dma_start3A_1200 = arith.constant 0 : i32
      %dma_start3A_1201 = tpu.memref_slice %arg7[%run_scoped3A_50, %dma_start3A, %dma_start3A_1200] : memref<2x8x128xi32, #tpu.memory_space<vmem>> -> memref<1x8x128xi32, #tpu.memory_space<vmem>>
      %dma_start3A_1202 = tpu.memref_squeeze %dma_start3A_1201 : memref<1x8x128xi32, #tpu.memory_space<vmem>> -> memref<8x128xi32, #tpu.memory_space<vmem>>
      %dma_start3A_1203 = arith.constant 0 : i32
      %dma_start3A_1204 = tpu.memref_slice %arg3[%mul3A_46, %dma_start3A_1203] : memref<6400x128xi32, #tpu.memory_space<hbm>> -> memref<8x128xi32, #tpu.memory_space<hbm>>
      %dma_start3A_1205 = arith.constant 0 : i32
      %dma_start3A_1206 = arith.constant 0 : i32
      %dma_start3A_1207 = tpu.memref_slice %arg7[%run_scoped3A_50, %dma_start3A_1205, %dma_start3A_1206] : memref<2x8x128xi32, #tpu.memory_space<vmem>> -> memref<1x8x128xi32, #tpu.memory_space<vmem>>
      %dma_start3A_1208 = tpu.memref_squeeze %dma_start3A_1207 : memref<1x8x128xi32, #tpu.memory_space<vmem>> -> memref<8x128xi32, #tpu.memory_space<vmem>>
      %dma_start3A_1209 = arith.constant 0 : i32
      %dma_start3A_1210 = tpu.memref_slice %arg3[%mul3A_46, %dma_start3A_1209] : memref<6400x128xi32, #tpu.memory_space<hbm>> -> memref<8x128xi32, #tpu.memory_space<hbm>>
      tpu.enqueue_dma source(%dma_start3A_1210 : memref<8x128xi32, #tpu.memory_space<hbm>>) target(%dma_start3A_1208 : memref<8x128xi32, #tpu.memory_space<vmem>>) target_semaphore(%run_scoped3A_1199 : memref<!tpu.dma_semaphore, #tpu.memory_space<semaphore_mem>>)
      %dma_wait3A_1211 = arith.constant 0 : i32
      %dma_wait3A_1212 = arith.constant 0 : i32
      %dma_wait3A_1213 = tpu.memref_slice %arg7[%run_scoped3A_50, %dma_wait3A_1211, %dma_wait3A_1212] : memref<2x8x128xi32, #tpu.memory_space<vmem>> -> memref<1x8x128xi32, #tpu.memory_space<vmem>>
      %dma_wait3A_1214 = tpu.memref_squeeze %dma_wait3A_1213 : memref<1x8x128xi32, #tpu.memory_space<vmem>> -> memref<8x128xi32, #tpu.memory_space<vmem>>
      %dma_wait3A_1215 = arith.constant 0 : i32
      %dma_wait3A_1216 = tpu.memref_slice %arg3[%mul3A_46, %dma_wait3A_1215] : memref<6400x128xi32, #tpu.memory_space<hbm>> -> memref<8x128xi32, #tpu.memory_space<hbm>>
      %dma_wait3A_1217 = arith.constant 0 : i32
      %dma_wait3A_1218 = arith.constant 0 : i32
      %dma_wait3A_1219 = tpu.memref_slice %arg7[%run_scoped3A_50, %dma_wait3A_1217, %dma_wait3A_1218] : memref<2x8x128xi32, #tpu.memory_space<vmem>> -> memref<1x8x128xi32, #tpu.memory_space<vmem>>
      %dma_wait3A_1220 = tpu.memref_squeeze %dma_wait3A_1219 : memref<1x8x128xi32, #tpu.memory_space<vmem>> -> memref<8x128xi32, #tpu.memory_space<vmem>>
      %dma_wait3A_1221 = arith.constant 0 : i32
      %dma_wait3A_1222 = tpu.memref_slice %arg3[%mul3A_46, %dma_wait3A_1221] : memref<6400x128xi32, #tpu.memory_space<hbm>> -> memref<8x128xi32, #tpu.memory_space<hbm>>
      tpu.wait_dma2 semaphore(%run_scoped3A_1199 : memref<!tpu.dma_semaphore, #tpu.memory_space<semaphore_mem>>) src(%dma_wait3A_1222 : memref<8x128xi32, #tpu.memory_space<hbm>>) dst(%dma_wait3A_1220 : memref<8x128xi32, #tpu.memory_space<vmem>>)
      tpu.yield
    }) : () -> ()
    %get3A = arith.constant 0 : i32
    %get3A_51 = arith.constant 0 : i32
    %get3A_52 = arith.index_cast %get3A : i32 to index
    %get3A_53 = arith.index_cast %get3A_51 : i32 to index
    %get3A_54 = arith.constant 0 : index
    %get3A_55 = tpu.vector_load %arg6[%get3A_52, %get3A_53, %get3A_54] {strides = array<i32>} : memref<2x8x128xi32, #tpu.memory_space<vmem>>, vector<1x1x16xi32>,
    %get3A_56 = vector.shape_cast %get3A_55 : vector<1x1x16xi32> to vector<16xi32>
    %add3A_57 = vector.broadcast %mul3A_48 : i32 to vector<16xi32>
    %add3A_58 = arith.addi %get3A_56, %add3A_57 : vector<16xi32>
    %swap3A = arith.constant 0 : i32
    %swap3A_59 = arith.constant 0 : i32
    %swap3A_60 = arith.index_cast %swap3A : i32 to index
    %swap3A_61 = arith.index_cast %swap3A_59 : i32 to index
    %swap3A_62 = arith.constant 0 : index
    %swap3A_63 = tpu.vector_load %arg6[%swap3A_60, %swap3A_61, %swap3A_62] {strides = array<i32>} : memref<2x8x128xi32, #tpu.memory_space<vmem>>, vector<1x1x16xi32>,
    %swap3A_64 = vector.shape_cast %swap3A_63 : vector<1x1x16xi32> to vector<16xi32>
    %swap3A_65 = vector.shape_cast %add3A_58 : vector<16xi32> to vector<1x1x16xi32>
    tpu.vector_store %arg6[%swap3A_60, %swap3A_61, %swap3A_62], %swap3A_65 {strides = array<i32>} : memref<2x8x128xi32, #tpu.memory_space<vmem>>, vector<1x1x16xi32>,
    %get3A_66 = arith.constant 0 : i32
    %get3A_67 = arith.constant 0 : i32
    %get3A_68 = arith.index_cast %get3A_66 : i32 to index
    %get3A_69 = arith.index_cast %get3A_67 : i32 to index
    %get3A_70 = arith.constant 16 : index
    %get3A_71 = tpu.vector_load %arg6[%get3A_68, %get3A_69, %get3A_70] {strides = array<i32>} : memref<2x8x128xi32, #tpu.memory_space<vmem>>, vector<1x1x16xi32>,
    %get3A_72 = vector.shape_cast %get3A_71 : vector<1x1x16xi32> to vector<16xi32>
    %add3A_73 = vector.broadcast %mul3A_48 : i32 to vector<16xi32>
    %add3A_74 = arith.addi %get3A_72, %add3A_73 : vector<16xi32>
    %swap3A_75 = arith.constant 0 : i32
    %swap3A_76 = arith.constant 0 : i32
    %swap3A_77 = arith.index_cast %swap3A_75 : i32 to index
    %swap3A_78 = arith.index_cast %swap3A_76 : i32 to index
    %swap3A_79 = arith.constant 16 : index
    %swap3A_80 = tpu.vector_load %arg6[%swap3A_77, %swap3A_78, %swap3A_79] {strides = array<i32>} : memref<2x8x128xi32, #tpu.memory_space<vmem>>, vector<1x1x16xi32>,
    %swap3A_81 = vector.shape_cast %swap3A_80 : vector<1x1x16xi32> to vector<16xi32>
    %swap3A_82 = vector.shape_cast %add3A_74 : vector<16xi32> to vector<1x1x16xi32>
    tpu.vector_store %arg6[%swap3A_77, %swap3A_78, %swap3A_79], %swap3A_82 {strides = array<i32>} : memref<2x8x128xi32, #tpu.memory_space<vmem>>, vector<1x1x16xi32>,
    %get3A_83 = arith.constant 0 : i32
    %get3A_84 = arith.constant 0 : i32
    %get3A_85 = arith.index_cast %get3A_83 : i32 to index
    %get3A_86 = arith.index_cast %get3A_84 : i32 to index
    %get3A_87 = arith.constant 32 : index
    %get3A_88 = tpu.vector_load %arg6[%get3A_85, %get3A_86, %get3A_87] {strides = array<i32>} : memref<2x8x128xi32, #tpu.memory_space<vmem>>, vector<1x1x16xi32>,
    %get3A_89 = vector.shape_cast %get3A_88 : vector<1x1x16xi32> to vector<16xi32>
    %add3A_90 = vector.broadcast %mul3A_48 : i32 to vector<16xi32>
    %add3A_91 = arith.addi %get3A_89, %add3A_90 : vector<16xi32>
    %swap3A_92 = arith.constant 0 : i32
    %swap3A_93 = arith.constant 0 : i32
    %swap3A_94 = arith.index_cast %swap3A_92 : i32 to index
    %swap3A_95 = arith.index_cast %swap3A_93 : i32 to index
    %swap3A_96 = arith.constant 32 : index
    %swap3A_97 = tpu.vector_load %arg6[%swap3A_94, %swap3A_95, %swap3A_96] {strides = array<i32>} : memref<2x8x128xi32, #tpu.memory_space<vmem>>, vector<1x1x16xi32>,
    %swap3A_98 = vector.shape_cast %swap3A_97 : vector<1x1x16xi32> to vector<16xi32>
    %swap3A_99 = vector.shape_cast %add3A_91 : vector<16xi32> to vector<1x1x16xi32>
    tpu.vector_store %arg6[%swap3A_94, %swap3A_95, %swap3A_96], %swap3A_99 {strides = array<i32>} : memref<2x8x128xi32, #tpu.memory_space<vmem>>, vector<1x1x16xi32>,
    %get3A_100 = arith.constant 0 : i32
    %get3A_101 = arith.constant 0 : i32
    %get3A_102 = arith.index_cast %get3A_100 : i32 to index
    %get3A_103 = arith.index_cast %get3A_101 : i32 to index
    %get3A_104 = arith.constant 48 : index
    %get3A_105 = tpu.vector_load %arg6[%get3A_102, %get3A_103, %get3A_104] {strides = array<i32>} : memref<2x8x128xi32, #tpu.memory_space<vmem>>, vector<1x1x16xi32>,
    %get3A_106 = vector.shape_cast %get3A_105 : vector<1x1x16xi32> to vector<16xi32>
    %add3A_107 = vector.broadcast %mul3A_48 : i32 to vector<16xi32>
    %add3A_108 = arith.addi %get3A_106, %add3A_107 : vector<16xi32>
    %swap3A_109 = arith.constant 0 : i32
    %swap3A_110 = arith.constant 0 : i32
    %swap3A_111 = arith.index_cast %swap3A_109 : i32 to index
    %swap3A_112 = arith.index_cast %swap3A_110 : i32 to index
    %swap3A_113 = arith.constant 48 : index
    %swap3A_114 = tpu.vector_load %arg6[%swap3A_111, %swap3A_112, %swap3A_113] {strides = array<i32>} : memref<2x8x128xi32, #tpu.memory_space<vmem>>, vector<1x1x16xi32>,
    %swap3A_115 = vector.shape_cast %swap3A_114 : vector<1x1x16xi32> to vector<16xi32>
    %swap3A_116 = vector.shape_cast %add3A_108 : vector<16xi32> to vector<1x1x16xi32>
    tpu.vector_store %arg6[%swap3A_111, %swap3A_112, %swap3A_113], %swap3A_116 {strides = array<i32>} : memref<2x8x128xi32, #tpu.memory_space<vmem>>, vector<1x1x16xi32>,
    %get3A_117 = arith.constant 0 : i32
    %get3A_118 = arith.constant 0 : i32
    %get3A_119 = arith.index_cast %get3A_117 : i32 to index
    %get3A_120 = arith.index_cast %get3A_118 : i32 to index
    %get3A_121 = arith.constant 64 : index
    %get3A_122 = tpu.vector_load %arg6[%get3A_119, %get3A_120, %get3A_121] {strides = array<i32>} : memref<2x8x128xi32, #tpu.memory_space<vmem>>, vector<1x1x16xi32>,
    %get3A_123 = vector.shape_cast %get3A_122 : vector<1x1x16xi32> to vector<16xi32>
    %add3A_124 = vector.broadcast %mul3A_48 : i32 to vector<16xi32>
    %add3A_125 = arith.addi %get3A_123, %add3A_124 : vector<16xi32>
    %swap3A_126 = arith.constant 0 : i32
    %swap3A_127 = arith.constant 0 : i32
    %swap3A_128 = arith.index_cast %swap3A_126 : i32 to index
    %swap3A_129 = arith.index_cast %swap3A_127 : i32 to index
    %swap3A_130 = arith.constant 64 : index
    %swap3A_131 = tpu.vector_load %arg6[%swap3A_128, %swap3A_129, %swap3A_130] {strides = array<i32>} : memref<2x8x128xi32, #tpu.memory_space<vmem>>, vector<1x1x16xi32>,
    %swap3A_132 = vector.shape_cast %swap3A_131 : vector<1x1x16xi32> to vector<16xi32>
    %swap3A_133 = vector.shape_cast %add3A_125 : vector<16xi32> to vector<1x1x16xi32>
    tpu.vector_store %arg6[%swap3A_128, %swap3A_129, %swap3A_130], %swap3A_133 {strides = array<i32>} : memref<2x8x128xi32, #tpu.memory_space<vmem>>, vector<1x1x16xi32>,
    %get3A_134 = arith.constant 0 : i32
    %get3A_135 = arith.constant 0 : i32
    %get3A_136 = arith.index_cast %get3A_134 : i32 to index
    %get3A_137 = arith.index_cast %get3A_135 : i32 to index
    %get3A_138 = arith.constant 80 : index
    %get3A_139 = tpu.vector_load %arg6[%get3A_136, %get3A_137, %get3A_138] {strides = array<i32>} : memref<2x8x128xi32, #tpu.memory_space<vmem>>, vector<1x1x16xi32>,
    %get3A_140 = vector.shape_cast %get3A_139 : vector<1x1x16xi32> to vector<16xi32>
    %add3A_141 = vector.broadcast %mul3A_48 : i32 to vector<16xi32>
    %add3A_142 = arith.addi %get3A_140, %add3A_141 : vector<16xi32>
    %swap3A_143 = arith.constant 0 : i32
    %swap3A_144 = arith.constant 0 : i32
    %swap3A_145 = arith.index_cast %swap3A_143 : i32 to index
    %swap3A_146 = arith.index_cast %swap3A_144 : i32 to index
    %swap3A_147 = arith.constant 80 : index
    %swap3A_148 = tpu.vector_load %arg6[%swap3A_145, %swap3A_146, %swap3A_147] {strides = array<i32>} : memref<2x8x128xi32, #tpu.memory_space<vmem>>, vector<1x1x16xi32>,
    %swap3A_149 = vector.shape_cast %swap3A_148 : vector<1x1x16xi32> to vector<16xi32>
    %swap3A_150 = vector.shape_cast %add3A_142 : vector<16xi32> to vector<1x1x16xi32>
    tpu.vector_store %arg6[%swap3A_145, %swap3A_146, %swap3A_147], %swap3A_150 {strides = array<i32>} : memref<2x8x128xi32, #tpu.memory_space<vmem>>, vector<1x1x16xi32>,
    %get3A_151 = arith.constant 0 : i32
    %get3A_152 = arith.constant 0 : i32
    %get3A_153 = arith.index_cast %get3A_151 : i32 to index
    %get3A_154 = arith.index_cast %get3A_152 : i32 to index
    %get3A_155 = arith.constant 96 : index
    %get3A_156 = tpu.vector_load %arg6[%get3A_153, %get3A_154, %get3A_155] {strides = array<i32>} : memref<2x8x128xi32, #tpu.memory_space<vmem>>, vector<1x1x16xi32>,
    %get3A_157 = vector.shape_cast %get3A_156 : vector<1x1x16xi32> to vector<16xi32>
    %add3A_158 = vector.broadcast %mul3A_48 : i32 to vector<16xi32>
    %add3A_159 = arith.addi %get3A_157, %add3A_158 : vector<16xi32>
    %swap3A_160 = arith.constant 0 : i32
    %swap3A_161 = arith.constant 0 : i32
    %swap3A_162 = arith.index_cast %swap3A_160 : i32 to index
    %swap3A_163 = arith.index_cast %swap3A_161 : i32 to index
    %swap3A_164 = arith.constant 96 : index
    %swap3A_165 = tpu.vector_load %arg6[%swap3A_162, %swap3A_163, %swap3A_164] {strides = array<i32>} : memref<2x8x128xi32, #tpu.memory_space<vmem>>, vector<1x1x16xi32>,
    %swap3A_166 = vector.shape_cast %swap3A_165 : vector<1x1x16xi32> to vector<16xi32>
    %swap3A_167 = vector.shape_cast %add3A_159 : vector<16xi32> to vector<1x1x16xi32>
    tpu.vector_store %arg6[%swap3A_162, %swap3A_163, %swap3A_164], %swap3A_167 {strides = array<i32>} : memref<2x8x128xi32, #tpu.memory_space<vmem>>, vector<1x1x16xi32>,
    %get3A_168 = arith.constant 0 : i32
    %get3A_169 = arith.constant 0 : i32
    %get3A_170 = arith.index_cast %get3A_168 : i32 to index
    %get3A_171 = arith.index_cast %get3A_169 : i32 to index
    %get3A_172 = arith.constant 112 : index
    %get3A_173 = tpu.vector_load %arg6[%get3A_170, %get3A_171, %get3A_172] {strides = array<i32>} : memref<2x8x128xi32, #tpu.memory_space<vmem>>, vector<1x1x16xi32>,
    %get3A_174 = vector.shape_cast %get3A_173 : vector<1x1x16xi32> to vector<16xi32>
    %add3A_175 = vector.broadcast %mul3A_48 : i32 to vector<16xi32>
    %add3A_176 = arith.addi %get3A_174, %add3A_175 : vector<16xi32>
    %swap3A_177 = arith.constant 0 : i32
    %swap3A_178 = arith.constant 0 : i32
    %swap3A_179 = arith.index_cast %swap3A_177 : i32 to index
    %swap3A_180 = arith.index_cast %swap3A_178 : i32 to index
    %swap3A_181 = arith.constant 112 : index
    %swap3A_182 = tpu.vector_load %arg6[%swap3A_179, %swap3A_180, %swap3A_181] {strides = array<i32>} : memref<2x8x128xi32, #tpu.memory_space<vmem>>, vector<1x1x16xi32>,
    %swap3A_183 = vector.shape_cast %swap3A_182 : vector<1x1x16xi32> to vector<16xi32>
    %swap3A_184 = vector.shape_cast %add3A_176 : vector<16xi32> to vector<1x1x16xi32>
    tpu.vector_store %arg6[%swap3A_179, %swap3A_180, %swap3A_181], %swap3A_184 {strides = array<i32>} : memref<2x8x128xi32, #tpu.memory_space<vmem>>, vector<1x1x16xi32>,
    %get3A_185 = arith.constant 0 : i32
    %get3A_186 = arith.constant 1 : i32
    %get3A_187 = arith.index_cast %get3A_185 : i32 to index
    %get3A_188 = arith.index_cast %get3A_186 : i32 to index
    %get3A_189 = arith.constant 0 : index
    %get3A_190 = tpu.vector_load %arg6[%get3A_187, %get3A_188, %get3A_189] {strides = array<i32>} : memref<2x8x128xi32, #tpu.memory_space<vmem>>, vector<1x1x16xi32>,
    %get3A_191 = vector.shape_cast %get3A_190 : vector<1x1x16xi32> to vector<16xi32>
    %add3A_192 = vector.broadcast %mul3A_48 : i32 to vector<16xi32>
    %add3A_193 = arith.addi %get3A_191, %add3A_192 : vector<16xi32>
    %swap3A_194 = arith.constant 0 : i32
    %swap3A_195 = arith.constant 1 : i32
    %swap3A_196 = arith.index_cast %swap3A_194 : i32 to index
    %swap3A_197 = arith.index_cast %swap3A_195 : i32 to index
    %swap3A_198 = arith.constant 0 : index
    %swap3A_199 = tpu.vector_load %arg6[%swap3A_196, %swap3A_197, %swap3A_198] {strides = array<i32>} : memref<2x8x128xi32, #tpu.memory_space<vmem>>, vector<1x1x16xi32>,
    %swap3A_200 = vector.shape_cast %swap3A_199 : vector<1x1x16xi32> to vector<16xi32>
    %swap3A_201 = vector.shape_cast %add3A_193 : vector<16xi32> to vector<1x1x16xi32>
    tpu.vector_store %arg6[%swap3A_196, %swap3A_197, %swap3A_198], %swap3A_201 {strides = array<i32>} : memref<2x8x128xi32, #tpu.memory_space<vmem>>, vector<1x1x16xi32>,
    %get3A_202 = arith.constant 0 : i32
    %get3A_203 = arith.constant 1 : i32
    %get3A_204 = arith.index_cast %get3A_202 : i32 to index
    %get3A_205 = arith.index_cast %get3A_203 : i32 to index
    %get3A_206 = arith.constant 16 : index
    %get3A_207 = tpu.vector_load %arg6[%get3A_204, %get3A_205, %get3A_206] {strides = array<i32>} : memref<2x8x128xi32, #tpu.memory_space<vmem>>, vector<1x1x16xi32>,
    %get3A_208 = vector.shape_cast %get3A_207 : vector<1x1x16xi32> to vector<16xi32>
    %add3A_209 = vector.broadcast %mul3A_48 : i32 to vector<16xi32>
    %add3A_210 = arith.addi %get3A_208, %add3A_209 : vector<16xi32>
    %swap3A_211 = arith.constant 0 : i32
    %swap3A_212 = arith.constant 1 : i32
    %swap3A_213 = arith.index_cast %swap3A_211 : i32 to index
    %swap3A_214 = arith.index_cast %swap3A_212 : i32 to index
    %swap3A_215 = arith.constant 16 : index
    %swap3A_216 = tpu.vector_load %arg6[%swap3A_213, %swap3A_214, %swap3A_215] {strides = array<i32>} : memref<2x8x128xi32, #tpu.memory_space<vmem>>, vector<1x1x16xi32>,
    %swap3A_217 = vector.shape_cast %swap3A_216 : vector<1x1x16xi32> to vector<16xi32>
    %swap3A_218 = vector.shape_cast %add3A_210 : vector<16xi32> to vector<1x1x16xi32>
    tpu.vector_store %arg6[%swap3A_213, %swap3A_214, %swap3A_215], %swap3A_218 {strides = array<i32>} : memref<2x8x128xi32, #tpu.memory_space<vmem>>, vector<1x1x16xi32>,
    %get3A_219 = arith.constant 0 : i32
    %get3A_220 = arith.constant 1 : i32
    %get3A_221 = arith.index_cast %get3A_219 : i32 to index
    %get3A_222 = arith.index_cast %get3A_220 : i32 to index
    %get3A_223 = arith.constant 32 : index
    %get3A_224 = tpu.vector_load %arg6[%get3A_221, %get3A_222, %get3A_223] {strides = array<i32>} : memref<2x8x128xi32, #tpu.memory_space<vmem>>, vector<1x1x16xi32>,
    %get3A_225 = vector.shape_cast %get3A_224 : vector<1x1x16xi32> to vector<16xi32>
    %add3A_226 = vector.broadcast %mul3A_48 : i32 to vector<16xi32>
    %add3A_227 = arith.addi %get3A_225, %add3A_226 : vector<16xi32>
    %swap3A_228 = arith.constant 0 : i32
    %swap3A_229 = arith.constant 1 : i32
    %swap3A_230 = arith.index_cast %swap3A_228 : i32 to index
    %swap3A_231 = arith.index_cast %swap3A_229 : i32 to index
    %swap3A_232 = arith.constant 32 : index
    %swap3A_233 = tpu.vector_load %arg6[%swap3A_230, %swap3A_231, %swap3A_232] {strides = array<i32>} : memref<2x8x128xi32, #tpu.memory_space<vmem>>, vector<1x1x16xi32>,
    %swap3A_234 = vector.shape_cast %swap3A_233 : vector<1x1x16xi32> to vector<16xi32>
    %swap3A_235 = vector.shape_cast %add3A_227 : vector<16xi32> to vector<1x1x16xi32>
    tpu.vector_store %arg6[%swap3A_230, %swap3A_231, %swap3A_232], %swap3A_235 {strides = array<i32>} : memref<2x8x128xi32, #tpu.memory_space<vmem>>, vector<1x1x16xi32>,
    %get3A_236 = arith.constant 0 : i32
    %get3A_237 = arith.constant 1 : i32
    %get3A_238 = arith.index_cast %get3A_236 : i32 to index
    %get3A_239 = arith.index_cast %get3A_237 : i32 to index
    %get3A_240 = arith.constant 48 : index
    %get3A_241 = tpu.vector_load %arg6[%get3A_238, %get3A_239, %get3A_240] {strides = array<i32>} : memref<2x8x128xi32, #tpu.memory_space<vmem>>, vector<1x1x16xi32>,
    %get3A_242 = vector.shape_cast %get3A_241 : vector<1x1x16xi32> to vector<16xi32>
    %add3A_243 = vector.broadcast %mul3A_48 : i32 to vector<16xi32>
    %add3A_244 = arith.addi %get3A_242, %add3A_243 : vector<16xi32>
    %swap3A_245 = arith.constant 0 : i32
    %swap3A_246 = arith.constant 1 : i32
    %swap3A_247 = arith.index_cast %swap3A_245 : i32 to index
    %swap3A_248 = arith.index_cast %swap3A_246 : i32 to index
    %swap3A_249 = arith.constant 48 : index
    %swap3A_250 = tpu.vector_load %arg6[%swap3A_247, %swap3A_248, %swap3A_249] {strides = array<i32>} : memref<2x8x128xi32, #tpu.memory_space<vmem>>, vector<1x1x16xi32>,
    %swap3A_251 = vector.shape_cast %swap3A_250 : vector<1x1x16xi32> to vector<16xi32>
    %swap3A_252 = vector.shape_cast %add3A_244 : vector<16xi32> to vector<1x1x16xi32>
    tpu.vector_store %arg6[%swap3A_247, %swap3A_248, %swap3A_249], %swap3A_252 {strides = array<i32>} : memref<2x8x128xi32, #tpu.memory_space<vmem>>, vector<1x1x16xi32>,
    %get3A_253 = arith.constant 0 : i32
    %get3A_254 = arith.constant 1 : i32
    %get3A_255 = arith.index_cast %get3A_253 : i32 to index
    %get3A_256 = arith.index_cast %get3A_254 : i32 to index
    %get3A_257 = arith.constant 64 : index
    %get3A_258 = tpu.vector_load %arg6[%get3A_255, %get3A_256, %get3A_257] {strides = array<i32>} : memref<2x8x128xi32, #tpu.memory_space<vmem>>, vector<1x1x16xi32>,
    %get3A_259 = vector.shape_cast %get3A_258 : vector<1x1x16xi32> to vector<16xi32>
    %add3A_260 = vector.broadcast %mul3A_48 : i32 to vector<16xi32>
    %add3A_261 = arith.addi %get3A_259, %add3A_260 : vector<16xi32>
    %swap3A_262 = arith.constant 0 : i32
    %swap3A_263 = arith.constant 1 : i32
    %swap3A_264 = arith.index_cast %swap3A_262 : i32 to index
    %swap3A_265 = arith.index_cast %swap3A_263 : i32 to index
    %swap3A_266 = arith.constant 64 : index
    %swap3A_267 = tpu.vector_load %arg6[%swap3A_264, %swap3A_265, %swap3A_266] {strides = array<i32>} : memref<2x8x128xi32, #tpu.memory_space<vmem>>, vector<1x1x16xi32>,
    %swap3A_268 = vector.shape_cast %swap3A_267 : vector<1x1x16xi32> to vector<16xi32>
    %swap3A_269 = vector.shape_cast %add3A_261 : vector<16xi32> to vector<1x1x16xi32>
    tpu.vector_store %arg6[%swap3A_264, %swap3A_265, %swap3A_266], %swap3A_269 {strides = array<i32>} : memref<2x8x128xi32, #tpu.memory_space<vmem>>, vector<1x1x16xi32>,
    %get3A_270 = arith.constant 0 : i32
    %get3A_271 = arith.constant 1 : i32
    %get3A_272 = arith.index_cast %get3A_270 : i32 to index
    %get3A_273 = arith.index_cast %get3A_271 : i32 to index
    %get3A_274 = arith.constant 80 : index
    %get3A_275 = tpu.vector_load %arg6[%get3A_272, %get3A_273, %get3A_274] {strides = array<i32>} : memref<2x8x128xi32, #tpu.memory_space<vmem>>, vector<1x1x16xi32>,
    %get3A_276 = vector.shape_cast %get3A_275 : vector<1x1x16xi32> to vector<16xi32>
    %add3A_277 = vector.broadcast %mul3A_48 : i32 to vector<16xi32>
    %add3A_278 = arith.addi %get3A_276, %add3A_277 : vector<16xi32>
    %swap3A_279 = arith.constant 0 : i32
    %swap3A_280 = arith.constant 1 : i32
    %swap3A_281 = arith.index_cast %swap3A_279 : i32 to index
    %swap3A_282 = arith.index_cast %swap3A_280 : i32 to index
    %swap3A_283 = arith.constant 80 : index
    %swap3A_284 = tpu.vector_load %arg6[%swap3A_281, %swap3A_282, %swap3A_283] {strides = array<i32>} : memref<2x8x128xi32, #tpu.memory_space<vmem>>, vector<1x1x16xi32>,
    %swap3A_285 = vector.shape_cast %swap3A_284 : vector<1x1x16xi32> to vector<16xi32>
    %swap3A_286 = vector.shape_cast %add3A_278 : vector<16xi32> to vector<1x1x16xi32>
    tpu.vector_store %arg6[%swap3A_281, %swap3A_282, %swap3A_283], %swap3A_286 {strides = array<i32>} : memref<2x8x128xi32, #tpu.memory_space<vmem>>, vector<1x1x16xi32>,
    %get3A_287 = arith.constant 0 : i32
    %get3A_288 = arith.constant 1 : i32
    %get3A_289 = arith.index_cast %get3A_287 : i32 to index
    %get3A_290 = arith.index_cast %get3A_288 : i32 to index
    %get3A_291 = arith.constant 96 : index
    %get3A_292 = tpu.vector_load %arg6[%get3A_289, %get3A_290, %get3A_291] {strides = array<i32>} : memref<2x8x128xi32, #tpu.memory_space<vmem>>, vector<1x1x16xi32>,
    %get3A_293 = vector.shape_cast %get3A_292 : vector<1x1x16xi32> to vector<16xi32>
    %add3A_294 = vector.broadcast %mul3A_48 : i32 to vector<16xi32>
    %add3A_295 = arith.addi %get3A_293, %add3A_294 : vector<16xi32>
    %swap3A_296 = arith.constant 0 : i32
    %swap3A_297 = arith.constant 1 : i32
    %swap3A_298 = arith.index_cast %swap3A_296 : i32 to index
    %swap3A_299 = arith.index_cast %swap3A_297 : i32 to index
    %swap3A_300 = arith.constant 96 : index
    %swap3A_301 = tpu.vector_load %arg6[%swap3A_298, %swap3A_299, %swap3A_300] {strides = array<i32>} : memref<2x8x128xi32, #tpu.memory_space<vmem>>, vector<1x1x16xi32>,
    %swap3A_302 = vector.shape_cast %swap3A_301 : vector<1x1x16xi32> to vector<16xi32>
    %swap3A_303 = vector.shape_cast %add3A_295 : vector<16xi32> to vector<1x1x16xi32>
    tpu.vector_store %arg6[%swap3A_298, %swap3A_299, %swap3A_300], %swap3A_303 {strides = array<i32>} : memref<2x8x128xi32, #tpu.memory_space<vmem>>, vector<1x1x16xi32>,
    %get3A_304 = arith.constant 0 : i32
    %get3A_305 = arith.constant 1 : i32
    %get3A_306 = arith.index_cast %get3A_304 : i32 to index
    %get3A_307 = arith.index_cast %get3A_305 : i32 to index
    %get3A_308 = arith.constant 112 : index
    %get3A_309 = tpu.vector_load %arg6[%get3A_306, %get3A_307, %get3A_308] {strides = array<i32>} : memref<2x8x128xi32, #tpu.memory_space<vmem>>, vector<1x1x16xi32>,
    %get3A_310 = vector.shape_cast %get3A_309 : vector<1x1x16xi32> to vector<16xi32>
    %add3A_311 = vector.broadcast %mul3A_48 : i32 to vector<16xi32>
    %add3A_312 = arith.addi %get3A_310, %add3A_311 : vector<16xi32>
    %swap3A_313 = arith.constant 0 : i32
    %swap3A_314 = arith.constant 1 : i32
    %swap3A_315 = arith.index_cast %swap3A_313 : i32 to index
    %swap3A_316 = arith.index_cast %swap3A_314 : i32 to index
    %swap3A_317 = arith.constant 112 : index
    %swap3A_318 = tpu.vector_load %arg6[%swap3A_315, %swap3A_316, %swap3A_317] {strides = array<i32>} : memref<2x8x128xi32, #tpu.memory_space<vmem>>, vector<1x1x16xi32>,
    %swap3A_319 = vector.shape_cast %swap3A_318 : vector<1x1x16xi32> to vector<16xi32>
    %swap3A_320 = vector.shape_cast %add3A_312 : vector<16xi32> to vector<1x1x16xi32>
    tpu.vector_store %arg6[%swap3A_315, %swap3A_316, %swap3A_317], %swap3A_320 {strides = array<i32>} : memref<2x8x128xi32, #tpu.memory_space<vmem>>, vector<1x1x16xi32>,
    %get3A_321 = arith.constant 0 : i32
    %get3A_322 = arith.constant 2 : i32
    %get3A_323 = arith.index_cast %get3A_321 : i32 to index
    %get3A_324 = arith.index_cast %get3A_322 : i32 to index
    %get3A_325 = arith.constant 0 : index
    %get3A_326 = tpu.vector_load %arg6[%get3A_323, %get3A_324, %get3A_325] {strides = array<i32>} : memref<2x8x128xi32, #tpu.memory_space<vmem>>, vector<1x1x16xi32>,
    %get3A_327 = vector.shape_cast %get3A_326 : vector<1x1x16xi32> to vector<16xi32>
    %add3A_328 = vector.broadcast %mul3A_48 : i32 to vector<16xi32>
    %add3A_329 = arith.addi %get3A_327, %add3A_328 : vector<16xi32>
    %swap3A_330 = arith.constant 0 : i32
    %swap3A_331 = arith.constant 2 : i32
    %swap3A_332 = arith.index_cast %swap3A_330 : i32 to index
    %swap3A_333 = arith.index_cast %swap3A_331 : i32 to index
    %swap3A_334 = arith.constant 0 : index
    %swap3A_335 = tpu.vector_load %arg6[%swap3A_332, %swap3A_333, %swap3A_334] {strides = array<i32>} : memref<2x8x128xi32, #tpu.memory_space<vmem>>, vector<1x1x16xi32>,
    %swap3A_336 = vector.shape_cast %swap3A_335 : vector<1x1x16xi32> to vector<16xi32>
    %swap3A_337 = vector.shape_cast %add3A_329 : vector<16xi32> to vector<1x1x16xi32>
    tpu.vector_store %arg6[%swap3A_332, %swap3A_333, %swap3A_334], %swap3A_337 {strides = array<i32>} : memref<2x8x128xi32, #tpu.memory_space<vmem>>, vector<1x1x16xi32>,
    %get3A_338 = arith.constant 0 : i32
    %get3A_339 = arith.constant 2 : i32
    %get3A_340 = arith.index_cast %get3A_338 : i32 to index
    %get3A_341 = arith.index_cast %get3A_339 : i32 to index
    %get3A_342 = arith.constant 16 : index
    %get3A_343 = tpu.vector_load %arg6[%get3A_340, %get3A_341, %get3A_342] {strides = array<i32>} : memref<2x8x128xi32, #tpu.memory_space<vmem>>, vector<1x1x16xi32>,
    %get3A_344 = vector.shape_cast %get3A_343 : vector<1x1x16xi32> to vector<16xi32>
    %add3A_345 = vector.broadcast %mul3A_48 : i32 to vector<16xi32>
    %add3A_346 = arith.addi %get3A_344, %add3A_345 : vector<16xi32>
    %swap3A_347 = arith.constant 0 : i32
    %swap3A_348 = arith.constant 2 : i32
    %swap3A_349 = arith.index_cast %swap3A_347 : i32 to index
    %swap3A_350 = arith.index_cast %swap3A_348 : i32 to index
    %swap3A_351 = arith.constant 16 : index
    %swap3A_352 = tpu.vector_load %arg6[%swap3A_349, %swap3A_350, %swap3A_351] {strides = array<i32>} : memref<2x8x128xi32, #tpu.memory_space<vmem>>, vector<1x1x16xi32>,
    %swap3A_353 = vector.shape_cast %swap3A_352 : vector<1x1x16xi32> to vector<16xi32>
    %swap3A_354 = vector.shape_cast %add3A_346 : vector<16xi32> to vector<1x1x16xi32>
    tpu.vector_store %arg6[%swap3A_349, %swap3A_350, %swap3A_351], %swap3A_354 {strides = array<i32>} : memref<2x8x128xi32, #tpu.memory_space<vmem>>, vector<1x1x16xi32>,
    %get3A_355 = arith.constant 0 : i32
    %get3A_356 = arith.constant 2 : i32
    %get3A_357 = arith.index_cast %get3A_355 : i32 to index
    %get3A_358 = arith.index_cast %get3A_356 : i32 to index
    %get3A_359 = arith.constant 32 : index
    %get3A_360 = tpu.vector_load %arg6[%get3A_357, %get3A_358, %get3A_359] {strides = array<i32>} : memref<2x8x128xi32, #tpu.memory_space<vmem>>, vector<1x1x16xi32>,
    %get3A_361 = vector.shape_cast %get3A_360 : vector<1x1x16xi32> to vector<16xi32>
    %add3A_362 = vector.broadcast %mul3A_48 : i32 to vector<16xi32>
    %add3A_363 = arith.addi %get3A_361, %add3A_362 : vector<16xi32>
    %swap3A_364 = arith.constant 0 : i32
    %swap3A_365 = arith.constant 2 : i32
    %swap3A_366 = arith.index_cast %swap3A_364 : i32 to index
    %swap3A_367 = arith.index_cast %swap3A_365 : i32 to index
    %swap3A_368 = arith.constant 32 : index
    %swap3A_369 = tpu.vector_load %arg6[%swap3A_366, %swap3A_367, %swap3A_368] {strides = array<i32>} : memref<2x8x128xi32, #tpu.memory_space<vmem>>, vector<1x1x16xi32>,
    %swap3A_370 = vector.shape_cast %swap3A_369 : vector<1x1x16xi32> to vector<16xi32>
    %swap3A_371 = vector.shape_cast %add3A_363 : vector<16xi32> to vector<1x1x16xi32>
    tpu.vector_store %arg6[%swap3A_366, %swap3A_367, %swap3A_368], %swap3A_371 {strides = array<i32>} : memref<2x8x128xi32, #tpu.memory_space<vmem>>, vector<1x1x16xi32>,
    %get3A_372 = arith.constant 0 : i32
    %get3A_373 = arith.constant 2 : i32
    %get3A_374 = arith.index_cast %get3A_372 : i32 to index
    %get3A_375 = arith.index_cast %get3A_373 : i32 to index
    %get3A_376 = arith.constant 48 : index
    %get3A_377 = tpu.vector_load %arg6[%get3A_374, %get3A_375, %get3A_376] {strides = array<i32>} : memref<2x8x128xi32, #tpu.memory_space<vmem>>, vector<1x1x16xi32>,
    %get3A_378 = vector.shape_cast %get3A_377 : vector<1x1x16xi32> to vector<16xi32>
    %add3A_379 = vector.broadcast %mul3A_48 : i32 to vector<16xi32>
    %add3A_380 = arith.addi %get3A_378, %add3A_379 : vector<16xi32>
    %swap3A_381 = arith.constant 0 : i32
    %swap3A_382 = arith.constant 2 : i32
    %swap3A_383 = arith.index_cast %swap3A_381 : i32 to index
    %swap3A_384 = arith.index_cast %swap3A_382 : i32 to index
    %swap3A_385 = arith.constant 48 : index
    %swap3A_386 = tpu.vector_load %arg6[%swap3A_383, %swap3A_384, %swap3A_385] {strides = array<i32>} : memref<2x8x128xi32, #tpu.memory_space<vmem>>, vector<1x1x16xi32>,
    %swap3A_387 = vector.shape_cast %swap3A_386 : vector<1x1x16xi32> to vector<16xi32>
    %swap3A_388 = vector.shape_cast %add3A_380 : vector<16xi32> to vector<1x1x16xi32>
    tpu.vector_store %arg6[%swap3A_383, %swap3A_384, %swap3A_385], %swap3A_388 {strides = array<i32>} : memref<2x8x128xi32, #tpu.memory_space<vmem>>, vector<1x1x16xi32>,
    %get3A_389 = arith.constant 0 : i32
    %get3A_390 = arith.constant 2 : i32
    %get3A_391 = arith.index_cast %get3A_389 : i32 to index
    %get3A_392 = arith.index_cast %get3A_390 : i32 to index
    %get3A_393 = arith.constant 64 : index
    %get3A_394 = tpu.vector_load %arg6[%get3A_391, %get3A_392, %get3A_393] {strides = array<i32>} : memref<2x8x128xi32, #tpu.memory_space<vmem>>, vector<1x1x16xi32>,
    %get3A_395 = vector.shape_cast %get3A_394 : vector<1x1x16xi32> to vector<16xi32>
    %add3A_396 = vector.broadcast %mul3A_48 : i32 to vector<16xi32>
    %add3A_397 = arith.addi %get3A_395, %add3A_396 : vector<16xi32>
    %swap3A_398 = arith.constant 0 : i32
    %swap3A_399 = arith.constant 2 : i32
    %swap3A_400 = arith.index_cast %swap3A_398 : i32 to index
    %swap3A_401 = arith.index_cast %swap3A_399 : i32 to index
    %swap3A_402 = arith.constant 64 : index
    %swap3A_403 = tpu.vector_load %arg6[%swap3A_400, %swap3A_401, %swap3A_402] {strides = array<i32>} : memref<2x8x128xi32, #tpu.memory_space<vmem>>, vector<1x1x16xi32>,
    %swap3A_404 = vector.shape_cast %swap3A_403 : vector<1x1x16xi32> to vector<16xi32>
    %swap3A_405 = vector.shape_cast %add3A_397 : vector<16xi32> to vector<1x1x16xi32>
    tpu.vector_store %arg6[%swap3A_400, %swap3A_401, %swap3A_402], %swap3A_405 {strides = array<i32>} : memref<2x8x128xi32, #tpu.memory_space<vmem>>, vector<1x1x16xi32>,
    %get3A_406 = arith.constant 0 : i32
    %get3A_407 = arith.constant 2 : i32
    %get3A_408 = arith.index_cast %get3A_406 : i32 to index
    %get3A_409 = arith.index_cast %get3A_407 : i32 to index
    %get3A_410 = arith.constant 80 : index
    %get3A_411 = tpu.vector_load %arg6[%get3A_408, %get3A_409, %get3A_410] {strides = array<i32>} : memref<2x8x128xi32, #tpu.memory_space<vmem>>, vector<1x1x16xi32>,
    %get3A_412 = vector.shape_cast %get3A_411 : vector<1x1x16xi32> to vector<16xi32>
    %add3A_413 = vector.broadcast %mul3A_48 : i32 to vector<16xi32>
    %add3A_414 = arith.addi %get3A_412, %add3A_413 : vector<16xi32>
    %swap3A_415 = arith.constant 0 : i32
    %swap3A_416 = arith.constant 2 : i32
    %swap3A_417 = arith.index_cast %swap3A_415 : i32 to index
    %swap3A_418 = arith.index_cast %swap3A_416 : i32 to index
    %swap3A_419 = arith.constant 80 : index
    %swap3A_420 = tpu.vector_load %arg6[%swap3A_417, %swap3A_418, %swap3A_419] {strides = array<i32>} : memref<2x8x128xi32, #tpu.memory_space<vmem>>, vector<1x1x16xi32>,
    %swap3A_421 = vector.shape_cast %swap3A_420 : vector<1x1x16xi32> to vector<16xi32>
    %swap3A_422 = vector.shape_cast %add3A_414 : vector<16xi32> to vector<1x1x16xi32>
    tpu.vector_store %arg6[%swap3A_417, %swap3A_418, %swap3A_419], %swap3A_422 {strides = array<i32>} : memref<2x8x128xi32, #tpu.memory_space<vmem>>, vector<1x1x16xi32>,
    %get3A_423 = arith.constant 0 : i32
    %get3A_424 = arith.constant 2 : i32
    %get3A_425 = arith.index_cast %get3A_423 : i32 to index
    %get3A_426 = arith.index_cast %get3A_424 : i32 to index
    %get3A_427 = arith.constant 96 : index
    %get3A_428 = tpu.vector_load %arg6[%get3A_425, %get3A_426, %get3A_427] {strides = array<i32>} : memref<2x8x128xi32, #tpu.memory_space<vmem>>, vector<1x1x16xi32>,
    %get3A_429 = vector.shape_cast %get3A_428 : vector<1x1x16xi32> to vector<16xi32>
    %add3A_430 = vector.broadcast %mul3A_48 : i32 to vector<16xi32>
    %add3A_431 = arith.addi %get3A_429, %add3A_430 : vector<16xi32>
    %swap3A_432 = arith.constant 0 : i32
    %swap3A_433 = arith.constant 2 : i32
    %swap3A_434 = arith.index_cast %swap3A_432 : i32 to index
    %swap3A_435 = arith.index_cast %swap3A_433 : i32 to index
    %swap3A_436 = arith.constant 96 : index
    %swap3A_437 = tpu.vector_load %arg6[%swap3A_434, %swap3A_435, %swap3A_436] {strides = array<i32>} : memref<2x8x128xi32, #tpu.memory_space<vmem>>, vector<1x1x16xi32>,
    %swap3A_438 = vector.shape_cast %swap3A_437 : vector<1x1x16xi32> to vector<16xi32>
    %swap3A_439 = vector.shape_cast %add3A_431 : vector<16xi32> to vector<1x1x16xi32>
    tpu.vector_store %arg6[%swap3A_434, %swap3A_435, %swap3A_436], %swap3A_439 {strides = array<i32>} : memref<2x8x128xi32, #tpu.memory_space<vmem>>, vector<1x1x16xi32>,
    %get3A_440 = arith.constant 0 : i32
    %get3A_441 = arith.constant 2 : i32
    %get3A_442 = arith.index_cast %get3A_440 : i32 to index
    %get3A_443 = arith.index_cast %get3A_441 : i32 to index
    %get3A_444 = arith.constant 112 : index
    %get3A_445 = tpu.vector_load %arg6[%get3A_442, %get3A_443, %get3A_444] {strides = array<i32>} : memref<2x8x128xi32, #tpu.memory_space<vmem>>, vector<1x1x16xi32>,
    %get3A_446 = vector.shape_cast %get3A_445 : vector<1x1x16xi32> to vector<16xi32>
    %add3A_447 = vector.broadcast %mul3A_48 : i32 to vector<16xi32>
    %add3A_448 = arith.addi %get3A_446, %add3A_447 : vector<16xi32>
    %swap3A_449 = arith.constant 0 : i32
    %swap3A_450 = arith.constant 2 : i32
    %swap3A_451 = arith.index_cast %swap3A_449 : i32 to index
    %swap3A_452 = arith.index_cast %swap3A_450 : i32 to index
    %swap3A_453 = arith.constant 112 : index
    %swap3A_454 = tpu.vector_load %arg6[%swap3A_451, %swap3A_452, %swap3A_453] {strides = array<i32>} : memref<2x8x128xi32, #tpu.memory_space<vmem>>, vector<1x1x16xi32>,
    %swap3A_455 = vector.shape_cast %swap3A_454 : vector<1x1x16xi32> to vector<16xi32>
    %swap3A_456 = vector.shape_cast %add3A_448 : vector<16xi32> to vector<1x1x16xi32>
    tpu.vector_store %arg6[%swap3A_451, %swap3A_452, %swap3A_453], %swap3A_456 {strides = array<i32>} : memref<2x8x128xi32, #tpu.memory_space<vmem>>, vector<1x1x16xi32>,
    %get3A_457 = arith.constant 0 : i32
    %get3A_458 = arith.constant 3 : i32
    %get3A_459 = arith.index_cast %get3A_457 : i32 to index
    %get3A_460 = arith.index_cast %get3A_458 : i32 to index
    %get3A_461 = arith.constant 0 : index
    %get3A_462 = tpu.vector_load %arg6[%get3A_459, %get3A_460, %get3A_461] {strides = array<i32>} : memref<2x8x128xi32, #tpu.memory_space<vmem>>, vector<1x1x16xi32>,
    %get3A_463 = vector.shape_cast %get3A_462 : vector<1x1x16xi32> to vector<16xi32>
    %add3A_464 = vector.broadcast %mul3A_48 : i32 to vector<16xi32>
    %add3A_465 = arith.addi %get3A_463, %add3A_464 : vector<16xi32>
    %swap3A_466 = arith.constant 0 : i32
    %swap3A_467 = arith.constant 3 : i32
    %swap3A_468 = arith.index_cast %swap3A_466 : i32 to index
    %swap3A_469 = arith.index_cast %swap3A_467 : i32 to index
    %swap3A_470 = arith.constant 0 : index
    %swap3A_471 = tpu.vector_load %arg6[%swap3A_468, %swap3A_469, %swap3A_470] {strides = array<i32>} : memref<2x8x128xi32, #tpu.memory_space<vmem>>, vector<1x1x16xi32>,
    %swap3A_472 = vector.shape_cast %swap3A_471 : vector<1x1x16xi32> to vector<16xi32>
    %swap3A_473 = vector.shape_cast %add3A_465 : vector<16xi32> to vector<1x1x16xi32>
    tpu.vector_store %arg6[%swap3A_468, %swap3A_469, %swap3A_470], %swap3A_473 {strides = array<i32>} : memref<2x8x128xi32, #tpu.memory_space<vmem>>, vector<1x1x16xi32>,
    %get3A_474 = arith.constant 0 : i32
    %get3A_475 = arith.constant 3 : i32
    %get3A_476 = arith.index_cast %get3A_474 : i32 to index
    %get3A_477 = arith.index_cast %get3A_475 : i32 to index
    %get3A_478 = arith.constant 16 : index
    %get3A_479 = tpu.vector_load %arg6[%get3A_476, %get3A_477, %get3A_478] {strides = array<i32>} : memref<2x8x128xi32, #tpu.memory_space<vmem>>, vector<1x1x16xi32>,
    %get3A_480 = vector.shape_cast %get3A_479 : vector<1x1x16xi32> to vector<16xi32>
    %add3A_481 = vector.broadcast %mul3A_48 : i32 to vector<16xi32>
    %add3A_482 = arith.addi %get3A_480, %add3A_481 : vector<16xi32>
    %swap3A_483 = arith.constant 0 : i32
    %swap3A_484 = arith.constant 3 : i32
    %swap3A_485 = arith.index_cast %swap3A_483 : i32 to index
    %swap3A_486 = arith.index_cast %swap3A_484 : i32 to index
    %swap3A_487 = arith.constant 16 : index
    %swap3A_488 = tpu.vector_load %arg6[%swap3A_485, %swap3A_486, %swap3A_487] {strides = array<i32>} : memref<2x8x128xi32, #tpu.memory_space<vmem>>, vector<1x1x16xi32>,
    %swap3A_489 = vector.shape_cast %swap3A_488 : vector<1x1x16xi32> to vector<16xi32>
    %swap3A_490 = vector.shape_cast %add3A_482 : vector<16xi32> to vector<1x1x16xi32>
    tpu.vector_store %arg6[%swap3A_485, %swap3A_486, %swap3A_487], %swap3A_490 {strides = array<i32>} : memref<2x8x128xi32, #tpu.memory_space<vmem>>, vector<1x1x16xi32>,
    %get3A_491 = arith.constant 0 : i32
    %get3A_492 = arith.constant 3 : i32
    %get3A_493 = arith.index_cast %get3A_491 : i32 to index
    %get3A_494 = arith.index_cast %get3A_492 : i32 to index
    %get3A_495 = arith.constant 32 : index
    %get3A_496 = tpu.vector_load %arg6[%get3A_493, %get3A_494, %get3A_495] {strides = array<i32>} : memref<2x8x128xi32, #tpu.memory_space<vmem>>, vector<1x1x16xi32>,
    %get3A_497 = vector.shape_cast %get3A_496 : vector<1x1x16xi32> to vector<16xi32>
    %add3A_498 = vector.broadcast %mul3A_48 : i32 to vector<16xi32>
    %add3A_499 = arith.addi %get3A_497, %add3A_498 : vector<16xi32>
    %swap3A_500 = arith.constant 0 : i32
    %swap3A_501 = arith.constant 3 : i32
    %swap3A_502 = arith.index_cast %swap3A_500 : i32 to index
    %swap3A_503 = arith.index_cast %swap3A_501 : i32 to index
    %swap3A_504 = arith.constant 32 : index
    %swap3A_505 = tpu.vector_load %arg6[%swap3A_502, %swap3A_503, %swap3A_504] {strides = array<i32>} : memref<2x8x128xi32, #tpu.memory_space<vmem>>, vector<1x1x16xi32>,
    %swap3A_506 = vector.shape_cast %swap3A_505 : vector<1x1x16xi32> to vector<16xi32>
    %swap3A_507 = vector.shape_cast %add3A_499 : vector<16xi32> to vector<1x1x16xi32>
    tpu.vector_store %arg6[%swap3A_502, %swap3A_503, %swap3A_504], %swap3A_507 {strides = array<i32>} : memref<2x8x128xi32, #tpu.memory_space<vmem>>, vector<1x1x16xi32>,
    %get3A_508 = arith.constant 0 : i32
    %get3A_509 = arith.constant 3 : i32
    %get3A_510 = arith.index_cast %get3A_508 : i32 to index
    %get3A_511 = arith.index_cast %get3A_509 : i32 to index
    %get3A_512 = arith.constant 48 : index
    %get3A_513 = tpu.vector_load %arg6[%get3A_510, %get3A_511, %get3A_512] {strides = array<i32>} : memref<2x8x128xi32, #tpu.memory_space<vmem>>, vector<1x1x16xi32>,
    %get3A_514 = vector.shape_cast %get3A_513 : vector<1x1x16xi32> to vector<16xi32>
    %add3A_515 = vector.broadcast %mul3A_48 : i32 to vector<16xi32>
    %add3A_516 = arith.addi %get3A_514, %add3A_515 : vector<16xi32>
    %swap3A_517 = arith.constant 0 : i32
    %swap3A_518 = arith.constant 3 : i32
    %swap3A_519 = arith.index_cast %swap3A_517 : i32 to index
    %swap3A_520 = arith.index_cast %swap3A_518 : i32 to index
    %swap3A_521 = arith.constant 48 : index
    %swap3A_522 = tpu.vector_load %arg6[%swap3A_519, %swap3A_520, %swap3A_521] {strides = array<i32>} : memref<2x8x128xi32, #tpu.memory_space<vmem>>, vector<1x1x16xi32>,
    %swap3A_523 = vector.shape_cast %swap3A_522 : vector<1x1x16xi32> to vector<16xi32>
    %swap3A_524 = vector.shape_cast %add3A_516 : vector<16xi32> to vector<1x1x16xi32>
    tpu.vector_store %arg6[%swap3A_519, %swap3A_520, %swap3A_521], %swap3A_524 {strides = array<i32>} : memref<2x8x128xi32, #tpu.memory_space<vmem>>, vector<1x1x16xi32>,
    %get3A_525 = arith.constant 0 : i32
    %get3A_526 = arith.constant 3 : i32
    %get3A_527 = arith.index_cast %get3A_525 : i32 to index
    %get3A_528 = arith.index_cast %get3A_526 : i32 to index
    %get3A_529 = arith.constant 64 : index
    %get3A_530 = tpu.vector_load %arg6[%get3A_527, %get3A_528, %get3A_529] {strides = array<i32>} : memref<2x8x128xi32, #tpu.memory_space<vmem>>, vector<1x1x16xi32>,
    %get3A_531 = vector.shape_cast %get3A_530 : vector<1x1x16xi32> to vector<16xi32>
    %add3A_532 = vector.broadcast %mul3A_48 : i32 to vector<16xi32>
    %add3A_533 = arith.addi %get3A_531, %add3A_532 : vector<16xi32>
    %swap3A_534 = arith.constant 0 : i32
    %swap3A_535 = arith.constant 3 : i32
    %swap3A_536 = arith.index_cast %swap3A_534 : i32 to index
    %swap3A_537 = arith.index_cast %swap3A_535 : i32 to index
    %swap3A_538 = arith.constant 64 : index
    %swap3A_539 = tpu.vector_load %arg6[%swap3A_536, %swap3A_537, %swap3A_538] {strides = array<i32>} : memref<2x8x128xi32, #tpu.memory_space<vmem>>, vector<1x1x16xi32>,
    %swap3A_540 = vector.shape_cast %swap3A_539 : vector<1x1x16xi32> to vector<16xi32>
    %swap3A_541 = vector.shape_cast %add3A_533 : vector<16xi32> to vector<1x1x16xi32>
    tpu.vector_store %arg6[%swap3A_536, %swap3A_537, %swap3A_538], %swap3A_541 {strides = array<i32>} : memref<2x8x128xi32, #tpu.memory_space<vmem>>, vector<1x1x16xi32>,
    %get3A_542 = arith.constant 0 : i32
    %get3A_543 = arith.constant 3 : i32
    %get3A_544 = arith.index_cast %get3A_542 : i32 to index
    %get3A_545 = arith.index_cast %get3A_543 : i32 to index
    %get3A_546 = arith.constant 80 : index
    %get3A_547 = tpu.vector_load %arg6[%get3A_544, %get3A_545, %get3A_546] {strides = array<i32>} : memref<2x8x128xi32, #tpu.memory_space<vmem>>, vector<1x1x16xi32>,
    %get3A_548 = vector.shape_cast %get3A_547 : vector<1x1x16xi32> to vector<16xi32>
    %add3A_549 = vector.broadcast %mul3A_48 : i32 to vector<16xi32>
    %add3A_550 = arith.addi %get3A_548, %add3A_549 : vector<16xi32>
    %swap3A_551 = arith.constant 0 : i32
    %swap3A_552 = arith.constant 3 : i32
    %swap3A_553 = arith.index_cast %swap3A_551 : i32 to index
    %swap3A_554 = arith.index_cast %swap3A_552 : i32 to index
    %swap3A_555 = arith.constant 80 : index
    %swap3A_556 = tpu.vector_load %arg6[%swap3A_553, %swap3A_554, %swap3A_555] {strides = array<i32>} : memref<2x8x128xi32, #tpu.memory_space<vmem>>, vector<1x1x16xi32>,
    %swap3A_557 = vector.shape_cast %swap3A_556 : vector<1x1x16xi32> to vector<16xi32>
    %swap3A_558 = vector.shape_cast %add3A_550 : vector<16xi32> to vector<1x1x16xi32>
    tpu.vector_store %arg6[%swap3A_553, %swap3A_554, %swap3A_555], %swap3A_558 {strides = array<i32>} : memref<2x8x128xi32, #tpu.memory_space<vmem>>, vector<1x1x16xi32>,
    %get3A_559 = arith.constant 0 : i32
    %get3A_560 = arith.constant 3 : i32
    %get3A_561 = arith.index_cast %get3A_559 : i32 to index
    %get3A_562 = arith.index_cast %get3A_560 : i32 to index
    %get3A_563 = arith.constant 96 : index
    %get3A_564 = tpu.vector_load %arg6[%get3A_561, %get3A_562, %get3A_563] {strides = array<i32>} : memref<2x8x128xi32, #tpu.memory_space<vmem>>, vector<1x1x16xi32>,
    %get3A_565 = vector.shape_cast %get3A_564 : vector<1x1x16xi32> to vector<16xi32>
    %add3A_566 = vector.broadcast %mul3A_48 : i32 to vector<16xi32>
    %add3A_567 = arith.addi %get3A_565, %add3A_566 : vector<16xi32>
    %swap3A_568 = arith.constant 0 : i32
    %swap3A_569 = arith.constant 3 : i32
    %swap3A_570 = arith.index_cast %swap3A_568 : i32 to index
    %swap3A_571 = arith.index_cast %swap3A_569 : i32 to index
    %swap3A_572 = arith.constant 96 : index
    %swap3A_573 = tpu.vector_load %arg6[%swap3A_570, %swap3A_571, %swap3A_572] {strides = array<i32>} : memref<2x8x128xi32, #tpu.memory_space<vmem>>, vector<1x1x16xi32>,
    %swap3A_574 = vector.shape_cast %swap3A_573 : vector<1x1x16xi32> to vector<16xi32>
    %swap3A_575 = vector.shape_cast %add3A_567 : vector<16xi32> to vector<1x1x16xi32>
    tpu.vector_store %arg6[%swap3A_570, %swap3A_571, %swap3A_572], %swap3A_575 {strides = array<i32>} : memref<2x8x128xi32, #tpu.memory_space<vmem>>, vector<1x1x16xi32>,
    %get3A_576 = arith.constant 0 : i32
    %get3A_577 = arith.constant 3 : i32
    %get3A_578 = arith.index_cast %get3A_576 : i32 to index
    %get3A_579 = arith.index_cast %get3A_577 : i32 to index
    %get3A_580 = arith.constant 112 : index
    %get3A_581 = tpu.vector_load %arg6[%get3A_578, %get3A_579, %get3A_580] {strides = array<i32>} : memref<2x8x128xi32, #tpu.memory_space<vmem>>, vector<1x1x16xi32>,
    %get3A_582 = vector.shape_cast %get3A_581 : vector<1x1x16xi32> to vector<16xi32>
    %add3A_583 = vector.broadcast %mul3A_48 : i32 to vector<16xi32>
    %add3A_584 = arith.addi %get3A_582, %add3A_583 : vector<16xi32>
    %swap3A_585 = arith.constant 0 : i32
    %swap3A_586 = arith.constant 3 : i32
    %swap3A_587 = arith.index_cast %swap3A_585 : i32 to index
    %swap3A_588 = arith.index_cast %swap3A_586 : i32 to index
    %swap3A_589 = arith.constant 112 : index
    %swap3A_590 = tpu.vector_load %arg6[%swap3A_587, %swap3A_588, %swap3A_589] {strides = array<i32>} : memref<2x8x128xi32, #tpu.memory_space<vmem>>, vector<1x1x16xi32>,
    %swap3A_591 = vector.shape_cast %swap3A_590 : vector<1x1x16xi32> to vector<16xi32>
    %swap3A_592 = vector.shape_cast %add3A_584 : vector<16xi32> to vector<1x1x16xi32>
    tpu.vector_store %arg6[%swap3A_587, %swap3A_588, %swap3A_589], %swap3A_592 {strides = array<i32>} : memref<2x8x128xi32, #tpu.memory_space<vmem>>, vector<1x1x16xi32>,
    %get3A_593 = arith.constant 0 : i32
    %get3A_594 = arith.constant 4 : i32
    %get3A_595 = arith.index_cast %get3A_593 : i32 to index
    %get3A_596 = arith.index_cast %get3A_594 : i32 to index
    %get3A_597 = arith.constant 0 : index
    %get3A_598 = tpu.vector_load %arg6[%get3A_595, %get3A_596, %get3A_597] {strides = array<i32>} : memref<2x8x128xi32, #tpu.memory_space<vmem>>, vector<1x1x16xi32>,
    %get3A_599 = vector.shape_cast %get3A_598 : vector<1x1x16xi32> to vector<16xi32>
    %add3A_600 = vector.broadcast %mul3A_48 : i32 to vector<16xi32>
    %add3A_601 = arith.addi %get3A_599, %add3A_600 : vector<16xi32>
    %swap3A_602 = arith.constant 0 : i32
    %swap3A_603 = arith.constant 4 : i32
    %swap3A_604 = arith.index_cast %swap3A_602 : i32 to index
    %swap3A_605 = arith.index_cast %swap3A_603 : i32 to index
    %swap3A_606 = arith.constant 0 : index
    %swap3A_607 = tpu.vector_load %arg6[%swap3A_604, %swap3A_605, %swap3A_606] {strides = array<i32>} : memref<2x8x128xi32, #tpu.memory_space<vmem>>, vector<1x1x16xi32>,
    %swap3A_608 = vector.shape_cast %swap3A_607 : vector<1x1x16xi32> to vector<16xi32>
    %swap3A_609 = vector.shape_cast %add3A_601 : vector<16xi32> to vector<1x1x16xi32>
    tpu.vector_store %arg6[%swap3A_604, %swap3A_605, %swap3A_606], %swap3A_609 {strides = array<i32>} : memref<2x8x128xi32, #tpu.memory_space<vmem>>, vector<1x1x16xi32>,
    %get3A_610 = arith.constant 0 : i32
    %get3A_611 = arith.constant 4 : i32
    %get3A_612 = arith.index_cast %get3A_610 : i32 to index
    %get3A_613 = arith.index_cast %get3A_611 : i32 to index
    %get3A_614 = arith.constant 16 : index
    %get3A_615 = tpu.vector_load %arg6[%get3A_612, %get3A_613, %get3A_614] {strides = array<i32>} : memref<2x8x128xi32, #tpu.memory_space<vmem>>, vector<1x1x16xi32>,
    %get3A_616 = vector.shape_cast %get3A_615 : vector<1x1x16xi32> to vector<16xi32>
    %add3A_617 = vector.broadcast %mul3A_48 : i32 to vector<16xi32>
    %add3A_618 = arith.addi %get3A_616, %add3A_617 : vector<16xi32>
    %swap3A_619 = arith.constant 0 : i32
    %swap3A_620 = arith.constant 4 : i32
    %swap3A_621 = arith.index_cast %swap3A_619 : i32 to index
    %swap3A_622 = arith.index_cast %swap3A_620 : i32 to index
    %swap3A_623 = arith.constant 16 : index
    %swap3A_624 = tpu.vector_load %arg6[%swap3A_621, %swap3A_622, %swap3A_623] {strides = array<i32>} : memref<2x8x128xi32, #tpu.memory_space<vmem>>, vector<1x1x16xi32>,
    %swap3A_625 = vector.shape_cast %swap3A_624 : vector<1x1x16xi32> to vector<16xi32>
    %swap3A_626 = vector.shape_cast %add3A_618 : vector<16xi32> to vector<1x1x16xi32>
    tpu.vector_store %arg6[%swap3A_621, %swap3A_622, %swap3A_623], %swap3A_626 {strides = array<i32>} : memref<2x8x128xi32, #tpu.memory_space<vmem>>, vector<1x1x16xi32>,
    %get3A_627 = arith.constant 0 : i32
    %get3A_628 = arith.constant 4 : i32
    %get3A_629 = arith.index_cast %get3A_627 : i32 to index
    %get3A_630 = arith.index_cast %get3A_628 : i32 to index
    %get3A_631 = arith.constant 32 : index
    %get3A_632 = tpu.vector_load %arg6[%get3A_629, %get3A_630, %get3A_631] {strides = array<i32>} : memref<2x8x128xi32, #tpu.memory_space<vmem>>, vector<1x1x16xi32>,
    %get3A_633 = vector.shape_cast %get3A_632 : vector<1x1x16xi32> to vector<16xi32>
    %add3A_634 = vector.broadcast %mul3A_48 : i32 to vector<16xi32>
    %add3A_635 = arith.addi %get3A_633, %add3A_634 : vector<16xi32>
    %swap3A_636 = arith.constant 0 : i32
    %swap3A_637 = arith.constant 4 : i32
    %swap3A_638 = arith.index_cast %swap3A_636 : i32 to index
    %swap3A_639 = arith.index_cast %swap3A_637 : i32 to index
    %swap3A_640 = arith.constant 32 : index
    %swap3A_641 = tpu.vector_load %arg6[%swap3A_638, %swap3A_639, %swap3A_640] {strides = array<i32>} : memref<2x8x128xi32, #tpu.memory_space<vmem>>, vector<1x1x16xi32>,
    %swap3A_642 = vector.shape_cast %swap3A_641 : vector<1x1x16xi32> to vector<16xi32>
    %swap3A_643 = vector.shape_cast %add3A_635 : vector<16xi32> to vector<1x1x16xi32>
    tpu.vector_store %arg6[%swap3A_638, %swap3A_639, %swap3A_640], %swap3A_643 {strides = array<i32>} : memref<2x8x128xi32, #tpu.memory_space<vmem>>, vector<1x1x16xi32>,
    %get3A_644 = arith.constant 0 : i32
    %get3A_645 = arith.constant 4 : i32
    %get3A_646 = arith.index_cast %get3A_644 : i32 to index
    %get3A_647 = arith.index_cast %get3A_645 : i32 to index
    %get3A_648 = arith.constant 48 : index
    %get3A_649 = tpu.vector_load %arg6[%get3A_646, %get3A_647, %get3A_648] {strides = array<i32>} : memref<2x8x128xi32, #tpu.memory_space<vmem>>, vector<1x1x16xi32>,
    %get3A_650 = vector.shape_cast %get3A_649 : vector<1x1x16xi32> to vector<16xi32>
    %add3A_651 = vector.broadcast %mul3A_48 : i32 to vector<16xi32>
    %add3A_652 = arith.addi %get3A_650, %add3A_651 : vector<16xi32>
    %swap3A_653 = arith.constant 0 : i32
    %swap3A_654 = arith.constant 4 : i32
    %swap3A_655 = arith.index_cast %swap3A_653 : i32 to index
    %swap3A_656 = arith.index_cast %swap3A_654 : i32 to index
    %swap3A_657 = arith.constant 48 : index
    %swap3A_658 = tpu.vector_load %arg6[%swap3A_655, %swap3A_656, %swap3A_657] {strides = array<i32>} : memref<2x8x128xi32, #tpu.memory_space<vmem>>, vector<1x1x16xi32>,
    %swap3A_659 = vector.shape_cast %swap3A_658 : vector<1x1x16xi32> to vector<16xi32>
    %swap3A_660 = vector.shape_cast %add3A_652 : vector<16xi32> to vector<1x1x16xi32>
    tpu.vector_store %arg6[%swap3A_655, %swap3A_656, %swap3A_657], %swap3A_660 {strides = array<i32>} : memref<2x8x128xi32, #tpu.memory_space<vmem>>, vector<1x1x16xi32>,
    %get3A_661 = arith.constant 0 : i32
    %get3A_662 = arith.constant 4 : i32
    %get3A_663 = arith.index_cast %get3A_661 : i32 to index
    %get3A_664 = arith.index_cast %get3A_662 : i32 to index
    %get3A_665 = arith.constant 64 : index
    %get3A_666 = tpu.vector_load %arg6[%get3A_663, %get3A_664, %get3A_665] {strides = array<i32>} : memref<2x8x128xi32, #tpu.memory_space<vmem>>, vector<1x1x16xi32>,
    %get3A_667 = vector.shape_cast %get3A_666 : vector<1x1x16xi32> to vector<16xi32>
    %add3A_668 = vector.broadcast %mul3A_48 : i32 to vector<16xi32>
    %add3A_669 = arith.addi %get3A_667, %add3A_668 : vector<16xi32>
    %swap3A_670 = arith.constant 0 : i32
    %swap3A_671 = arith.constant 4 : i32
    %swap3A_672 = arith.index_cast %swap3A_670 : i32 to index
    %swap3A_673 = arith.index_cast %swap3A_671 : i32 to index
    %swap3A_674 = arith.constant 64 : index
    %swap3A_675 = tpu.vector_load %arg6[%swap3A_672, %swap3A_673, %swap3A_674] {strides = array<i32>} : memref<2x8x128xi32, #tpu.memory_space<vmem>>, vector<1x1x16xi32>,
    %swap3A_676 = vector.shape_cast %swap3A_675 : vector<1x1x16xi32> to vector<16xi32>
    %swap3A_677 = vector.shape_cast %add3A_669 : vector<16xi32> to vector<1x1x16xi32>
    tpu.vector_store %arg6[%swap3A_672, %swap3A_673, %swap3A_674], %swap3A_677 {strides = array<i32>} : memref<2x8x128xi32, #tpu.memory_space<vmem>>, vector<1x1x16xi32>,
    %get3A_678 = arith.constant 0 : i32
    %get3A_679 = arith.constant 4 : i32
    %get3A_680 = arith.index_cast %get3A_678 : i32 to index
    %get3A_681 = arith.index_cast %get3A_679 : i32 to index
    %get3A_682 = arith.constant 80 : index
    %get3A_683 = tpu.vector_load %arg6[%get3A_680, %get3A_681, %get3A_682] {strides = array<i32>} : memref<2x8x128xi32, #tpu.memory_space<vmem>>, vector<1x1x16xi32>,
    %get3A_684 = vector.shape_cast %get3A_683 : vector<1x1x16xi32> to vector<16xi32>
    %add3A_685 = vector.broadcast %mul3A_48 : i32 to vector<16xi32>
    %add3A_686 = arith.addi %get3A_684, %add3A_685 : vector<16xi32>
    %swap3A_687 = arith.constant 0 : i32
    %swap3A_688 = arith.constant 4 : i32
    %swap3A_689 = arith.index_cast %swap3A_687 : i32 to index
    %swap3A_690 = arith.index_cast %swap3A_688 : i32 to index
    %swap3A_691 = arith.constant 80 : index
    %swap3A_692 = tpu.vector_load %arg6[%swap3A_689, %swap3A_690, %swap3A_691] {strides = array<i32>} : memref<2x8x128xi32, #tpu.memory_space<vmem>>, vector<1x1x16xi32>,
    %swap3A_693 = vector.shape_cast %swap3A_692 : vector<1x1x16xi32> to vector<16xi32>
    %swap3A_694 = vector.shape_cast %add3A_686 : vector<16xi32> to vector<1x1x16xi32>
    tpu.vector_store %arg6[%swap3A_689, %swap3A_690, %swap3A_691], %swap3A_694 {strides = array<i32>} : memref<2x8x128xi32, #tpu.memory_space<vmem>>, vector<1x1x16xi32>,
    %get3A_695 = arith.constant 0 : i32
    %get3A_696 = arith.constant 4 : i32
    %get3A_697 = arith.index_cast %get3A_695 : i32 to index
    %get3A_698 = arith.index_cast %get3A_696 : i32 to index
    %get3A_699 = arith.constant 96 : index
    %get3A_700 = tpu.vector_load %arg6[%get3A_697, %get3A_698, %get3A_699] {strides = array<i32>} : memref<2x8x128xi32, #tpu.memory_space<vmem>>, vector<1x1x16xi32>,
    %get3A_701 = vector.shape_cast %get3A_700 : vector<1x1x16xi32> to vector<16xi32>
    %add3A_702 = vector.broadcast %mul3A_48 : i32 to vector<16xi32>
    %add3A_703 = arith.addi %get3A_701, %add3A_702 : vector<16xi32>
    %swap3A_704 = arith.constant 0 : i32
    %swap3A_705 = arith.constant 4 : i32
    %swap3A_706 = arith.index_cast %swap3A_704 : i32 to index
    %swap3A_707 = arith.index_cast %swap3A_705 : i32 to index
    %swap3A_708 = arith.constant 96 : index
    %swap3A_709 = tpu.vector_load %arg6[%swap3A_706, %swap3A_707, %swap3A_708] {strides = array<i32>} : memref<2x8x128xi32, #tpu.memory_space<vmem>>, vector<1x1x16xi32>,
    %swap3A_710 = vector.shape_cast %swap3A_709 : vector<1x1x16xi32> to vector<16xi32>
    %swap3A_711 = vector.shape_cast %add3A_703 : vector<16xi32> to vector<1x1x16xi32>
    tpu.vector_store %arg6[%swap3A_706, %swap3A_707, %swap3A_708], %swap3A_711 {strides = array<i32>} : memref<2x8x128xi32, #tpu.memory_space<vmem>>, vector<1x1x16xi32>,
    %get3A_712 = arith.constant 0 : i32
    %get3A_713 = arith.constant 4 : i32
    %get3A_714 = arith.index_cast %get3A_712 : i32 to index
    %get3A_715 = arith.index_cast %get3A_713 : i32 to index
    %get3A_716 = arith.constant 112 : index
    %get3A_717 = tpu.vector_load %arg6[%get3A_714, %get3A_715, %get3A_716] {strides = array<i32>} : memref<2x8x128xi32, #tpu.memory_space<vmem>>, vector<1x1x16xi32>,
    %get3A_718 = vector.shape_cast %get3A_717 : vector<1x1x16xi32> to vector<16xi32>
    %add3A_719 = vector.broadcast %mul3A_48 : i32 to vector<16xi32>
    %add3A_720 = arith.addi %get3A_718, %add3A_719 : vector<16xi32>
    %swap3A_721 = arith.constant 0 : i32
    %swap3A_722 = arith.constant 4 : i32
    %swap3A_723 = arith.index_cast %swap3A_721 : i32 to index
    %swap3A_724 = arith.index_cast %swap3A_722 : i32 to index
    %swap3A_725 = arith.constant 112 : index
    %swap3A_726 = tpu.vector_load %arg6[%swap3A_723, %swap3A_724, %swap3A_725] {strides = array<i32>} : memref<2x8x128xi32, #tpu.memory_space<vmem>>, vector<1x1x16xi32>,
    %swap3A_727 = vector.shape_cast %swap3A_726 : vector<1x1x16xi32> to vector<16xi32>
    %swap3A_728 = vector.shape_cast %add3A_720 : vector<16xi32> to vector<1x1x16xi32>
    tpu.vector_store %arg6[%swap3A_723, %swap3A_724, %swap3A_725], %swap3A_728 {strides = array<i32>} : memref<2x8x128xi32, #tpu.memory_space<vmem>>, vector<1x1x16xi32>,
    %get3A_729 = arith.constant 0 : i32
    %get3A_730 = arith.constant 5 : i32
    %get3A_731 = arith.index_cast %get3A_729 : i32 to index
    %get3A_732 = arith.index_cast %get3A_730 : i32 to index
    %get3A_733 = arith.constant 0 : index
    %get3A_734 = tpu.vector_load %arg6[%get3A_731, %get3A_732, %get3A_733] {strides = array<i32>} : memref<2x8x128xi32, #tpu.memory_space<vmem>>, vector<1x1x16xi32>,
    %get3A_735 = vector.shape_cast %get3A_734 : vector<1x1x16xi32> to vector<16xi32>
    %add3A_736 = vector.broadcast %mul3A_48 : i32 to vector<16xi32>
    %add3A_737 = arith.addi %get3A_735, %add3A_736 : vector<16xi32>
    %swap3A_738 = arith.constant 0 : i32
    %swap3A_739 = arith.constant 5 : i32
    %swap3A_740 = arith.index_cast %swap3A_738 : i32 to index
    %swap3A_741 = arith.index_cast %swap3A_739 : i32 to index
    %swap3A_742 = arith.constant 0 : index
    %swap3A_743 = tpu.vector_load %arg6[%swap3A_740, %swap3A_741, %swap3A_742] {strides = array<i32>} : memref<2x8x128xi32, #tpu.memory_space<vmem>>, vector<1x1x16xi32>,
    %swap3A_744 = vector.shape_cast %swap3A_743 : vector<1x1x16xi32> to vector<16xi32>
    %swap3A_745 = vector.shape_cast %add3A_737 : vector<16xi32> to vector<1x1x16xi32>
    tpu.vector_store %arg6[%swap3A_740, %swap3A_741, %swap3A_742], %swap3A_745 {strides = array<i32>} : memref<2x8x128xi32, #tpu.memory_space<vmem>>, vector<1x1x16xi32>,
    %get3A_746 = arith.constant 0 : i32
    %get3A_747 = arith.constant 5 : i32
    %get3A_748 = arith.index_cast %get3A_746 : i32 to index
    %get3A_749 = arith.index_cast %get3A_747 : i32 to index
    %get3A_750 = arith.constant 16 : index
    %get3A_751 = tpu.vector_load %arg6[%get3A_748, %get3A_749, %get3A_750] {strides = array<i32>} : memref<2x8x128xi32, #tpu.memory_space<vmem>>, vector<1x1x16xi32>,
    %get3A_752 = vector.shape_cast %get3A_751 : vector<1x1x16xi32> to vector<16xi32>
    %add3A_753 = vector.broadcast %mul3A_48 : i32 to vector<16xi32>
    %add3A_754 = arith.addi %get3A_752, %add3A_753 : vector<16xi32>
    %swap3A_755 = arith.constant 0 : i32
    %swap3A_756 = arith.constant 5 : i32
    %swap3A_757 = arith.index_cast %swap3A_755 : i32 to index
    %swap3A_758 = arith.index_cast %swap3A_756 : i32 to index
    %swap3A_759 = arith.constant 16 : index
    %swap3A_760 = tpu.vector_load %arg6[%swap3A_757, %swap3A_758, %swap3A_759] {strides = array<i32>} : memref<2x8x128xi32, #tpu.memory_space<vmem>>, vector<1x1x16xi32>,
    %swap3A_761 = vector.shape_cast %swap3A_760 : vector<1x1x16xi32> to vector<16xi32>
    %swap3A_762 = vector.shape_cast %add3A_754 : vector<16xi32> to vector<1x1x16xi32>
    tpu.vector_store %arg6[%swap3A_757, %swap3A_758, %swap3A_759], %swap3A_762 {strides = array<i32>} : memref<2x8x128xi32, #tpu.memory_space<vmem>>, vector<1x1x16xi32>,
    %get3A_763 = arith.constant 0 : i32
    %get3A_764 = arith.constant 5 : i32
    %get3A_765 = arith.index_cast %get3A_763 : i32 to index
    %get3A_766 = arith.index_cast %get3A_764 : i32 to index
    %get3A_767 = arith.constant 32 : index
    %get3A_768 = tpu.vector_load %arg6[%get3A_765, %get3A_766, %get3A_767] {strides = array<i32>} : memref<2x8x128xi32, #tpu.memory_space<vmem>>, vector<1x1x16xi32>,
    %get3A_769 = vector.shape_cast %get3A_768 : vector<1x1x16xi32> to vector<16xi32>
    %add3A_770 = vector.broadcast %mul3A_48 : i32 to vector<16xi32>
    %add3A_771 = arith.addi %get3A_769, %add3A_770 : vector<16xi32>
    %swap3A_772 = arith.constant 0 : i32
    %swap3A_773 = arith.constant 5 : i32
    %swap3A_774 = arith.index_cast %swap3A_772 : i32 to index
    %swap3A_775 = arith.index_cast %swap3A_773 : i32 to index
    %swap3A_776 = arith.constant 32 : index
    %swap3A_777 = tpu.vector_load %arg6[%swap3A_774, %swap3A_775, %swap3A_776] {strides = array<i32>} : memref<2x8x128xi32, #tpu.memory_space<vmem>>, vector<1x1x16xi32>,
    %swap3A_778 = vector.shape_cast %swap3A_777 : vector<1x1x16xi32> to vector<16xi32>
    %swap3A_779 = vector.shape_cast %add3A_771 : vector<16xi32> to vector<1x1x16xi32>
    tpu.vector_store %arg6[%swap3A_774, %swap3A_775, %swap3A_776], %swap3A_779 {strides = array<i32>} : memref<2x8x128xi32, #tpu.memory_space<vmem>>, vector<1x1x16xi32>,
    %get3A_780 = arith.constant 0 : i32
    %get3A_781 = arith.constant 5 : i32
    %get3A_782 = arith.index_cast %get3A_780 : i32 to index
    %get3A_783 = arith.index_cast %get3A_781 : i32 to index
    %get3A_784 = arith.constant 48 : index
    %get3A_785 = tpu.vector_load %arg6[%get3A_782, %get3A_783, %get3A_784] {strides = array<i32>} : memref<2x8x128xi32, #tpu.memory_space<vmem>>, vector<1x1x16xi32>,
    %get3A_786 = vector.shape_cast %get3A_785 : vector<1x1x16xi32> to vector<16xi32>
    %add3A_787 = vector.broadcast %mul3A_48 : i32 to vector<16xi32>
    %add3A_788 = arith.addi %get3A_786, %add3A_787 : vector<16xi32>
    %swap3A_789 = arith.constant 0 : i32
    %swap3A_790 = arith.constant 5 : i32
    %swap3A_791 = arith.index_cast %swap3A_789 : i32 to index
    %swap3A_792 = arith.index_cast %swap3A_790 : i32 to index
    %swap3A_793 = arith.constant 48 : index
    %swap3A_794 = tpu.vector_load %arg6[%swap3A_791, %swap3A_792, %swap3A_793] {strides = array<i32>} : memref<2x8x128xi32, #tpu.memory_space<vmem>>, vector<1x1x16xi32>,
    %swap3A_795 = vector.shape_cast %swap3A_794 : vector<1x1x16xi32> to vector<16xi32>
    %swap3A_796 = vector.shape_cast %add3A_788 : vector<16xi32> to vector<1x1x16xi32>
    tpu.vector_store %arg6[%swap3A_791, %swap3A_792, %swap3A_793], %swap3A_796 {strides = array<i32>} : memref<2x8x128xi32, #tpu.memory_space<vmem>>, vector<1x1x16xi32>,
    %get3A_797 = arith.constant 0 : i32
    %get3A_798 = arith.constant 5 : i32
    %get3A_799 = arith.index_cast %get3A_797 : i32 to index
    %get3A_800 = arith.index_cast %get3A_798 : i32 to index
    %get3A_801 = arith.constant 64 : index
    %get3A_802 = tpu.vector_load %arg6[%get3A_799, %get3A_800, %get3A_801] {strides = array<i32>} : memref<2x8x128xi32, #tpu.memory_space<vmem>>, vector<1x1x16xi32>,
    %get3A_803 = vector.shape_cast %get3A_802 : vector<1x1x16xi32> to vector<16xi32>
    %add3A_804 = vector.broadcast %mul3A_48 : i32 to vector<16xi32>
    %add3A_805 = arith.addi %get3A_803, %add3A_804 : vector<16xi32>
    %swap3A_806 = arith.constant 0 : i32
    %swap3A_807 = arith.constant 5 : i32
    %swap3A_808 = arith.index_cast %swap3A_806 : i32 to index
    %swap3A_809 = arith.index_cast %swap3A_807 : i32 to index
    %swap3A_810 = arith.constant 64 : index
    %swap3A_811 = tpu.vector_load %arg6[%swap3A_808, %swap3A_809, %swap3A_810] {strides = array<i32>} : memref<2x8x128xi32, #tpu.memory_space<vmem>>, vector<1x1x16xi32>,
    %swap3A_812 = vector.shape_cast %swap3A_811 : vector<1x1x16xi32> to vector<16xi32>
    %swap3A_813 = vector.shape_cast %add3A_805 : vector<16xi32> to vector<1x1x16xi32>
    tpu.vector_store %arg6[%swap3A_808, %swap3A_809, %swap3A_810], %swap3A_813 {strides = array<i32>} : memref<2x8x128xi32, #tpu.memory_space<vmem>>, vector<1x1x16xi32>,
    %get3A_814 = arith.constant 0 : i32
    %get3A_815 = arith.constant 5 : i32
    %get3A_816 = arith.index_cast %get3A_814 : i32 to index
    %get3A_817 = arith.index_cast %get3A_815 : i32 to index
    %get3A_818 = arith.constant 80 : index
    %get3A_819 = tpu.vector_load %arg6[%get3A_816, %get3A_817, %get3A_818] {strides = array<i32>} : memref<2x8x128xi32, #tpu.memory_space<vmem>>, vector<1x1x16xi32>,
    %get3A_820 = vector.shape_cast %get3A_819 : vector<1x1x16xi32> to vector<16xi32>
    %add3A_821 = vector.broadcast %mul3A_48 : i32 to vector<16xi32>
    %add3A_822 = arith.addi %get3A_820, %add3A_821 : vector<16xi32>
    %swap3A_823 = arith.constant 0 : i32
    %swap3A_824 = arith.constant 5 : i32
    %swap3A_825 = arith.index_cast %swap3A_823 : i32 to index
    %swap3A_826 = arith.index_cast %swap3A_824 : i32 to index
    %swap3A_827 = arith.constant 80 : index
    %swap3A_828 = tpu.vector_load %arg6[%swap3A_825, %swap3A_826, %swap3A_827] {strides = array<i32>} : memref<2x8x128xi32, #tpu.memory_space<vmem>>, vector<1x1x16xi32>,
    %swap3A_829 = vector.shape_cast %swap3A_828 : vector<1x1x16xi32> to vector<16xi32>
    %swap3A_830 = vector.shape_cast %add3A_822 : vector<16xi32> to vector<1x1x16xi32>
    tpu.vector_store %arg6[%swap3A_825, %swap3A_826, %swap3A_827], %swap3A_830 {strides = array<i32>} : memref<2x8x128xi32, #tpu.memory_space<vmem>>, vector<1x1x16xi32>,
    %get3A_831 = arith.constant 0 : i32
    %get3A_832 = arith.constant 5 : i32
    %get3A_833 = arith.index_cast %get3A_831 : i32 to index
    %get3A_834 = arith.index_cast %get3A_832 : i32 to index
    %get3A_835 = arith.constant 96 : index
    %get3A_836 = tpu.vector_load %arg6[%get3A_833, %get3A_834, %get3A_835] {strides = array<i32>} : memref<2x8x128xi32, #tpu.memory_space<vmem>>, vector<1x1x16xi32>,
    %get3A_837 = vector.shape_cast %get3A_836 : vector<1x1x16xi32> to vector<16xi32>
    %add3A_838 = vector.broadcast %mul3A_48 : i32 to vector<16xi32>
    %add3A_839 = arith.addi %get3A_837, %add3A_838 : vector<16xi32>
    %swap3A_840 = arith.constant 0 : i32
    %swap3A_841 = arith.constant 5 : i32
    %swap3A_842 = arith.index_cast %swap3A_840 : i32 to index
    %swap3A_843 = arith.index_cast %swap3A_841 : i32 to index
    %swap3A_844 = arith.constant 96 : index
    %swap3A_845 = tpu.vector_load %arg6[%swap3A_842, %swap3A_843, %swap3A_844] {strides = array<i32>} : memref<2x8x128xi32, #tpu.memory_space<vmem>>, vector<1x1x16xi32>,
    %swap3A_846 = vector.shape_cast %swap3A_845 : vector<1x1x16xi32> to vector<16xi32>
    %swap3A_847 = vector.shape_cast %add3A_839 : vector<16xi32> to vector<1x1x16xi32>
    tpu.vector_store %arg6[%swap3A_842, %swap3A_843, %swap3A_844], %swap3A_847 {strides = array<i32>} : memref<2x8x128xi32, #tpu.memory_space<vmem>>, vector<1x1x16xi32>,
    %get3A_848 = arith.constant 0 : i32
    %get3A_849 = arith.constant 5 : i32
    %get3A_850 = arith.index_cast %get3A_848 : i32 to index
    %get3A_851 = arith.index_cast %get3A_849 : i32 to index
    %get3A_852 = arith.constant 112 : index
    %get3A_853 = tpu.vector_load %arg6[%get3A_850, %get3A_851, %get3A_852] {strides = array<i32>} : memref<2x8x128xi32, #tpu.memory_space<vmem>>, vector<1x1x16xi32>,
    %get3A_854 = vector.shape_cast %get3A_853 : vector<1x1x16xi32> to vector<16xi32>
    %add3A_855 = vector.broadcast %mul3A_48 : i32 to vector<16xi32>
    %add3A_856 = arith.addi %get3A_854, %add3A_855 : vector<16xi32>
    %swap3A_857 = arith.constant 0 : i32
    %swap3A_858 = arith.constant 5 : i32
    %swap3A_859 = arith.index_cast %swap3A_857 : i32 to index
    %swap3A_860 = arith.index_cast %swap3A_858 : i32 to index
    %swap3A_861 = arith.constant 112 : index
    %swap3A_862 = tpu.vector_load %arg6[%swap3A_859, %swap3A_860, %swap3A_861] {strides = array<i32>} : memref<2x8x128xi32, #tpu.memory_space<vmem>>, vector<1x1x16xi32>,
    %swap3A_863 = vector.shape_cast %swap3A_862 : vector<1x1x16xi32> to vector<16xi32>
    %swap3A_864 = vector.shape_cast %add3A_856 : vector<16xi32> to vector<1x1x16xi32>
    tpu.vector_store %arg6[%swap3A_859, %swap3A_860, %swap3A_861], %swap3A_864 {strides = array<i32>} : memref<2x8x128xi32, #tpu.memory_space<vmem>>, vector<1x1x16xi32>,
    %get3A_865 = arith.constant 0 : i32
    %get3A_866 = arith.constant 6 : i32
    %get3A_867 = arith.index_cast %get3A_865 : i32 to index
    %get3A_868 = arith.index_cast %get3A_866 : i32 to index
    %get3A_869 = arith.constant 0 : index
    %get3A_870 = tpu.vector_load %arg6[%get3A_867, %get3A_868, %get3A_869] {strides = array<i32>} : memref<2x8x128xi32, #tpu.memory_space<vmem>>, vector<1x1x16xi32>,
    %get3A_871 = vector.shape_cast %get3A_870 : vector<1x1x16xi32> to vector<16xi32>
    %add3A_872 = vector.broadcast %mul3A_48 : i32 to vector<16xi32>
    %add3A_873 = arith.addi %get3A_871, %add3A_872 : vector<16xi32>
    %swap3A_874 = arith.constant 0 : i32
    %swap3A_875 = arith.constant 6 : i32
    %swap3A_876 = arith.index_cast %swap3A_874 : i32 to index
    %swap3A_877 = arith.index_cast %swap3A_875 : i32 to index
    %swap3A_878 = arith.constant 0 : index
    %swap3A_879 = tpu.vector_load %arg6[%swap3A_876, %swap3A_877, %swap3A_878] {strides = array<i32>} : memref<2x8x128xi32, #tpu.memory_space<vmem>>, vector<1x1x16xi32>,
    %swap3A_880 = vector.shape_cast %swap3A_879 : vector<1x1x16xi32> to vector<16xi32>
    %swap3A_881 = vector.shape_cast %add3A_873 : vector<16xi32> to vector<1x1x16xi32>
    tpu.vector_store %arg6[%swap3A_876, %swap3A_877, %swap3A_878], %swap3A_881 {strides = array<i32>} : memref<2x8x128xi32, #tpu.memory_space<vmem>>, vector<1x1x16xi32>,
    %get3A_882 = arith.constant 0 : i32
    %get3A_883 = arith.constant 6 : i32
    %get3A_884 = arith.index_cast %get3A_882 : i32 to index
    %get3A_885 = arith.index_cast %get3A_883 : i32 to index
    %get3A_886 = arith.constant 16 : index
    %get3A_887 = tpu.vector_load %arg6[%get3A_884, %get3A_885, %get3A_886] {strides = array<i32>} : memref<2x8x128xi32, #tpu.memory_space<vmem>>, vector<1x1x16xi32>,
    %get3A_888 = vector.shape_cast %get3A_887 : vector<1x1x16xi32> to vector<16xi32>
    %add3A_889 = vector.broadcast %mul3A_48 : i32 to vector<16xi32>
    %add3A_890 = arith.addi %get3A_888, %add3A_889 : vector<16xi32>
    %swap3A_891 = arith.constant 0 : i32
    %swap3A_892 = arith.constant 6 : i32
    %swap3A_893 = arith.index_cast %swap3A_891 : i32 to index
    %swap3A_894 = arith.index_cast %swap3A_892 : i32 to index
    %swap3A_895 = arith.constant 16 : index
    %swap3A_896 = tpu.vector_load %arg6[%swap3A_893, %swap3A_894, %swap3A_895] {strides = array<i32>} : memref<2x8x128xi32, #tpu.memory_space<vmem>>, vector<1x1x16xi32>,
    %swap3A_897 = vector.shape_cast %swap3A_896 : vector<1x1x16xi32> to vector<16xi32>
    %swap3A_898 = vector.shape_cast %add3A_890 : vector<16xi32> to vector<1x1x16xi32>
    tpu.vector_store %arg6[%swap3A_893, %swap3A_894, %swap3A_895], %swap3A_898 {strides = array<i32>} : memref<2x8x128xi32, #tpu.memory_space<vmem>>, vector<1x1x16xi32>,
    %get3A_899 = arith.constant 0 : i32
    %get3A_900 = arith.constant 6 : i32
    %get3A_901 = arith.index_cast %get3A_899 : i32 to index
    %get3A_902 = arith.index_cast %get3A_900 : i32 to index
    %get3A_903 = arith.constant 32 : index
    %get3A_904 = tpu.vector_load %arg6[%get3A_901, %get3A_902, %get3A_903] {strides = array<i32>} : memref<2x8x128xi32, #tpu.memory_space<vmem>>, vector<1x1x16xi32>,
    %get3A_905 = vector.shape_cast %get3A_904 : vector<1x1x16xi32> to vector<16xi32>
    %add3A_906 = vector.broadcast %mul3A_48 : i32 to vector<16xi32>
    %add3A_907 = arith.addi %get3A_905, %add3A_906 : vector<16xi32>
    %swap3A_908 = arith.constant 0 : i32
    %swap3A_909 = arith.constant 6 : i32
    %swap3A_910 = arith.index_cast %swap3A_908 : i32 to index
    %swap3A_911 = arith.index_cast %swap3A_909 : i32 to index
    %swap3A_912 = arith.constant 32 : index
    %swap3A_913 = tpu.vector_load %arg6[%swap3A_910, %swap3A_911, %swap3A_912] {strides = array<i32>} : memref<2x8x128xi32, #tpu.memory_space<vmem>>, vector<1x1x16xi32>,
    %swap3A_914 = vector.shape_cast %swap3A_913 : vector<1x1x16xi32> to vector<16xi32>
    %swap3A_915 = vector.shape_cast %add3A_907 : vector<16xi32> to vector<1x1x16xi32>
    tpu.vector_store %arg6[%swap3A_910, %swap3A_911, %swap3A_912], %swap3A_915 {strides = array<i32>} : memref<2x8x128xi32, #tpu.memory_space<vmem>>, vector<1x1x16xi32>,
    %get3A_916 = arith.constant 0 : i32
    %get3A_917 = arith.constant 6 : i32
    %get3A_918 = arith.index_cast %get3A_916 : i32 to index
    %get3A_919 = arith.index_cast %get3A_917 : i32 to index
    %get3A_920 = arith.constant 48 : index
    %get3A_921 = tpu.vector_load %arg6[%get3A_918, %get3A_919, %get3A_920] {strides = array<i32>} : memref<2x8x128xi32, #tpu.memory_space<vmem>>, vector<1x1x16xi32>,
    %get3A_922 = vector.shape_cast %get3A_921 : vector<1x1x16xi32> to vector<16xi32>
    %add3A_923 = vector.broadcast %mul3A_48 : i32 to vector<16xi32>
    %add3A_924 = arith.addi %get3A_922, %add3A_923 : vector<16xi32>
    %swap3A_925 = arith.constant 0 : i32
    %swap3A_926 = arith.constant 6 : i32
    %swap3A_927 = arith.index_cast %swap3A_925 : i32 to index
    %swap3A_928 = arith.index_cast %swap3A_926 : i32 to index
    %swap3A_929 = arith.constant 48 : index
    %swap3A_930 = tpu.vector_load %arg6[%swap3A_927, %swap3A_928, %swap3A_929] {strides = array<i32>} : memref<2x8x128xi32, #tpu.memory_space<vmem>>, vector<1x1x16xi32>,
    %swap3A_931 = vector.shape_cast %swap3A_930 : vector<1x1x16xi32> to vector<16xi32>
    %swap3A_932 = vector.shape_cast %add3A_924 : vector<16xi32> to vector<1x1x16xi32>
    tpu.vector_store %arg6[%swap3A_927, %swap3A_928, %swap3A_929], %swap3A_932 {strides = array<i32>} : memref<2x8x128xi32, #tpu.memory_space<vmem>>, vector<1x1x16xi32>,
    %get3A_933 = arith.constant 0 : i32
    %get3A_934 = arith.constant 6 : i32
    %get3A_935 = arith.index_cast %get3A_933 : i32 to index
    %get3A_936 = arith.index_cast %get3A_934 : i32 to index
    %get3A_937 = arith.constant 64 : index
    %get3A_938 = tpu.vector_load %arg6[%get3A_935, %get3A_936, %get3A_937] {strides = array<i32>} : memref<2x8x128xi32, #tpu.memory_space<vmem>>, vector<1x1x16xi32>,
    %get3A_939 = vector.shape_cast %get3A_938 : vector<1x1x16xi32> to vector<16xi32>
    %add3A_940 = vector.broadcast %mul3A_48 : i32 to vector<16xi32>
    %add3A_941 = arith.addi %get3A_939, %add3A_940 : vector<16xi32>
    %swap3A_942 = arith.constant 0 : i32
    %swap3A_943 = arith.constant 6 : i32
    %swap3A_944 = arith.index_cast %swap3A_942 : i32 to index
    %swap3A_945 = arith.index_cast %swap3A_943 : i32 to index
    %swap3A_946 = arith.constant 64 : index
    %swap3A_947 = tpu.vector_load %arg6[%swap3A_944, %swap3A_945, %swap3A_946] {strides = array<i32>} : memref<2x8x128xi32, #tpu.memory_space<vmem>>, vector<1x1x16xi32>,
    %swap3A_948 = vector.shape_cast %swap3A_947 : vector<1x1x16xi32> to vector<16xi32>
    %swap3A_949 = vector.shape_cast %add3A_941 : vector<16xi32> to vector<1x1x16xi32>
    tpu.vector_store %arg6[%swap3A_944, %swap3A_945, %swap3A_946], %swap3A_949 {strides = array<i32>} : memref<2x8x128xi32, #tpu.memory_space<vmem>>, vector<1x1x16xi32>,
    %get3A_950 = arith.constant 0 : i32
    %get3A_951 = arith.constant 6 : i32
    %get3A_952 = arith.index_cast %get3A_950 : i32 to index
    %get3A_953 = arith.index_cast %get3A_951 : i32 to index
    %get3A_954 = arith.constant 80 : index
    %get3A_955 = tpu.vector_load %arg6[%get3A_952, %get3A_953, %get3A_954] {strides = array<i32>} : memref<2x8x128xi32, #tpu.memory_space<vmem>>, vector<1x1x16xi32>,
    %get3A_956 = vector.shape_cast %get3A_955 : vector<1x1x16xi32> to vector<16xi32>
    %add3A_957 = vector.broadcast %mul3A_48 : i32 to vector<16xi32>
    %add3A_958 = arith.addi %get3A_956, %add3A_957 : vector<16xi32>
    %swap3A_959 = arith.constant 0 : i32
    %swap3A_960 = arith.constant 6 : i32
    %swap3A_961 = arith.index_cast %swap3A_959 : i32 to index
    %swap3A_962 = arith.index_cast %swap3A_960 : i32 to index
    %swap3A_963 = arith.constant 80 : index
    %swap3A_964 = tpu.vector_load %arg6[%swap3A_961, %swap3A_962, %swap3A_963] {strides = array<i32>} : memref<2x8x128xi32, #tpu.memory_space<vmem>>, vector<1x1x16xi32>,
    %swap3A_965 = vector.shape_cast %swap3A_964 : vector<1x1x16xi32> to vector<16xi32>
    %swap3A_966 = vector.shape_cast %add3A_958 : vector<16xi32> to vector<1x1x16xi32>
    tpu.vector_store %arg6[%swap3A_961, %swap3A_962, %swap3A_963], %swap3A_966 {strides = array<i32>} : memref<2x8x128xi32, #tpu.memory_space<vmem>>, vector<1x1x16xi32>,
    %get3A_967 = arith.constant 0 : i32
    %get3A_968 = arith.constant 6 : i32
    %get3A_969 = arith.index_cast %get3A_967 : i32 to index
    %get3A_970 = arith.index_cast %get3A_968 : i32 to index
    %get3A_971 = arith.constant 96 : index
    %get3A_972 = tpu.vector_load %arg6[%get3A_969, %get3A_970, %get3A_971] {strides = array<i32>} : memref<2x8x128xi32, #tpu.memory_space<vmem>>, vector<1x1x16xi32>,
    %get3A_973 = vector.shape_cast %get3A_972 : vector<1x1x16xi32> to vector<16xi32>
    %add3A_974 = vector.broadcast %mul3A_48 : i32 to vector<16xi32>
    %add3A_975 = arith.addi %get3A_973, %add3A_974 : vector<16xi32>
    %swap3A_976 = arith.constant 0 : i32
    %swap3A_977 = arith.constant 6 : i32
    %swap3A_978 = arith.index_cast %swap3A_976 : i32 to index
    %swap3A_979 = arith.index_cast %swap3A_977 : i32 to index
    %swap3A_980 = arith.constant 96 : index
    %swap3A_981 = tpu.vector_load %arg6[%swap3A_978, %swap3A_979, %swap3A_980] {strides = array<i32>} : memref<2x8x128xi32, #tpu.memory_space<vmem>>, vector<1x1x16xi32>,
    %swap3A_982 = vector.shape_cast %swap3A_981 : vector<1x1x16xi32> to vector<16xi32>
    %swap3A_983 = vector.shape_cast %add3A_975 : vector<16xi32> to vector<1x1x16xi32>
    tpu.vector_store %arg6[%swap3A_978, %swap3A_979, %swap3A_980], %swap3A_983 {strides = array<i32>} : memref<2x8x128xi32, #tpu.memory_space<vmem>>, vector<1x1x16xi32>,
    %get3A_984 = arith.constant 0 : i32
    %get3A_985 = arith.constant 6 : i32
    %get3A_986 = arith.index_cast %get3A_984 : i32 to index
    %get3A_987 = arith.index_cast %get3A_985 : i32 to index
    %get3A_988 = arith.constant 112 : index
    %get3A_989 = tpu.vector_load %arg6[%get3A_986, %get3A_987, %get3A_988] {strides = array<i32>} : memref<2x8x128xi32, #tpu.memory_space<vmem>>, vector<1x1x16xi32>,
    %get3A_990 = vector.shape_cast %get3A_989 : vector<1x1x16xi32> to vector<16xi32>
    %add3A_991 = vector.broadcast %mul3A_48 : i32 to vector<16xi32>
    %add3A_992 = arith.addi %get3A_990, %add3A_991 : vector<16xi32>
    %swap3A_993 = arith.constant 0 : i32
    %swap3A_994 = arith.constant 6 : i32
    %swap3A_995 = arith.index_cast %swap3A_993 : i32 to index
    %swap3A_996 = arith.index_cast %swap3A_994 : i32 to index
    %swap3A_997 = arith.constant 112 : index
    %swap3A_998 = tpu.vector_load %arg6[%swap3A_995, %swap3A_996, %swap3A_997] {strides = array<i32>} : memref<2x8x128xi32, #tpu.memory_space<vmem>>, vector<1x1x16xi32>,
    %swap3A_999 = vector.shape_cast %swap3A_998 : vector<1x1x16xi32> to vector<16xi32>
    %swap3A_1000 = vector.shape_cast %add3A_992 : vector<16xi32> to vector<1x1x16xi32>
    tpu.vector_store %arg6[%swap3A_995, %swap3A_996, %swap3A_997], %swap3A_1000 {strides = array<i32>} : memref<2x8x128xi32, #tpu.memory_space<vmem>>, vector<1x1x16xi32>,
    %get3A_1001 = arith.constant 0 : i32
    %get3A_1002 = arith.constant 7 : i32
    %get3A_1003 = arith.index_cast %get3A_1001 : i32 to index
    %get3A_1004 = arith.index_cast %get3A_1002 : i32 to index
    %get3A_1005 = arith.constant 0 : index
    %get3A_1006 = tpu.vector_load %arg6[%get3A_1003, %get3A_1004, %get3A_1005] {strides = array<i32>} : memref<2x8x128xi32, #tpu.memory_space<vmem>>, vector<1x1x16xi32>,
    %get3A_1007 = vector.shape_cast %get3A_1006 : vector<1x1x16xi32> to vector<16xi32>
    %add3A_1008 = vector.broadcast %mul3A_48 : i32 to vector<16xi32>
    %add3A_1009 = arith.addi %get3A_1007, %add3A_1008 : vector<16xi32>
    %swap3A_1010 = arith.constant 0 : i32
    %swap3A_1011 = arith.constant 7 : i32
    %swap3A_1012 = arith.index_cast %swap3A_1010 : i32 to index
    %swap3A_1013 = arith.index_cast %swap3A_1011 : i32 to index
    %swap3A_1014 = arith.constant 0 : index
    %swap3A_1015 = tpu.vector_load %arg6[%swap3A_1012, %swap3A_1013, %swap3A_1014] {strides = array<i32>} : memref<2x8x128xi32, #tpu.memory_space<vmem>>, vector<1x1x16xi32>,
    %swap3A_1016 = vector.shape_cast %swap3A_1015 : vector<1x1x16xi32> to vector<16xi32>
    %swap3A_1017 = vector.shape_cast %add3A_1009 : vector<16xi32> to vector<1x1x16xi32>
    tpu.vector_store %arg6[%swap3A_1012, %swap3A_1013, %swap3A_1014], %swap3A_1017 {strides = array<i32>} : memref<2x8x128xi32, #tpu.memory_space<vmem>>, vector<1x1x16xi32>,
    %get3A_1018 = arith.constant 0 : i32
    %get3A_1019 = arith.constant 7 : i32
    %get3A_1020 = arith.index_cast %get3A_1018 : i32 to index
    %get3A_1021 = arith.index_cast %get3A_1019 : i32 to index
    %get3A_1022 = arith.constant 16 : index
    %get3A_1023 = tpu.vector_load %arg6[%get3A_1020, %get3A_1021, %get3A_1022] {strides = array<i32>} : memref<2x8x128xi32, #tpu.memory_space<vmem>>, vector<1x1x16xi32>,
    %get3A_1024 = vector.shape_cast %get3A_1023 : vector<1x1x16xi32> to vector<16xi32>
    %add3A_1025 = vector.broadcast %mul3A_48 : i32 to vector<16xi32>
    %add3A_1026 = arith.addi %get3A_1024, %add3A_1025 : vector<16xi32>
    %swap3A_1027 = arith.constant 0 : i32
    %swap3A_1028 = arith.constant 7 : i32
    %swap3A_1029 = arith.index_cast %swap3A_1027 : i32 to index
    %swap3A_1030 = arith.index_cast %swap3A_1028 : i32 to index
    %swap3A_1031 = arith.constant 16 : index
    %swap3A_1032 = tpu.vector_load %arg6[%swap3A_1029, %swap3A_1030, %swap3A_1031] {strides = array<i32>} : memref<2x8x128xi32, #tpu.memory_space<vmem>>, vector<1x1x16xi32>,
    %swap3A_1033 = vector.shape_cast %swap3A_1032 : vector<1x1x16xi32> to vector<16xi32>
    %swap3A_1034 = vector.shape_cast %add3A_1026 : vector<16xi32> to vector<1x1x16xi32>
    tpu.vector_store %arg6[%swap3A_1029, %swap3A_1030, %swap3A_1031], %swap3A_1034 {strides = array<i32>} : memref<2x8x128xi32, #tpu.memory_space<vmem>>, vector<1x1x16xi32>,
    %get3A_1035 = arith.constant 0 : i32
    %get3A_1036 = arith.constant 7 : i32
    %get3A_1037 = arith.index_cast %get3A_1035 : i32 to index
    %get3A_1038 = arith.index_cast %get3A_1036 : i32 to index
    %get3A_1039 = arith.constant 32 : index
    %get3A_1040 = tpu.vector_load %arg6[%get3A_1037, %get3A_1038, %get3A_1039] {strides = array<i32>} : memref<2x8x128xi32, #tpu.memory_space<vmem>>, vector<1x1x16xi32>,
    %get3A_1041 = vector.shape_cast %get3A_1040 : vector<1x1x16xi32> to vector<16xi32>
    %add3A_1042 = vector.broadcast %mul3A_48 : i32 to vector<16xi32>
    %add3A_1043 = arith.addi %get3A_1041, %add3A_1042 : vector<16xi32>
    %swap3A_1044 = arith.constant 0 : i32
    %swap3A_1045 = arith.constant 7 : i32
    %swap3A_1046 = arith.index_cast %swap3A_1044 : i32 to index
    %swap3A_1047 = arith.index_cast %swap3A_1045 : i32 to index
    %swap3A_1048 = arith.constant 32 : index
    %swap3A_1049 = tpu.vector_load %arg6[%swap3A_1046, %swap3A_1047, %swap3A_1048] {strides = array<i32>} : memref<2x8x128xi32, #tpu.memory_space<vmem>>, vector<1x1x16xi32>,
    %swap3A_1050 = vector.shape_cast %swap3A_1049 : vector<1x1x16xi32> to vector<16xi32>
    %swap3A_1051 = vector.shape_cast %add3A_1043 : vector<16xi32> to vector<1x1x16xi32>
    tpu.vector_store %arg6[%swap3A_1046, %swap3A_1047, %swap3A_1048], %swap3A_1051 {strides = array<i32>} : memref<2x8x128xi32, #tpu.memory_space<vmem>>, vector<1x1x16xi32>,
    %get3A_1052 = arith.constant 0 : i32
    %get3A_1053 = arith.constant 7 : i32
    %get3A_1054 = arith.index_cast %get3A_1052 : i32 to index
    %get3A_1055 = arith.index_cast %get3A_1053 : i32 to index
    %get3A_1056 = arith.constant 48 : index
    %get3A_1057 = tpu.vector_load %arg6[%get3A_1054, %get3A_1055, %get3A_1056] {strides = array<i32>} : memref<2x8x128xi32, #tpu.memory_space<vmem>>, vector<1x1x16xi32>,
    %get3A_1058 = vector.shape_cast %get3A_1057 : vector<1x1x16xi32> to vector<16xi32>
    %add3A_1059 = vector.broadcast %mul3A_48 : i32 to vector<16xi32>
    %add3A_1060 = arith.addi %get3A_1058, %add3A_1059 : vector<16xi32>
    %swap3A_1061 = arith.constant 0 : i32
    %swap3A_1062 = arith.constant 7 : i32
    %swap3A_1063 = arith.index_cast %swap3A_1061 : i32 to index
    %swap3A_1064 = arith.index_cast %swap3A_1062 : i32 to index
    %swap3A_1065 = arith.constant 48 : index
    %swap3A_1066 = tpu.vector_load %arg6[%swap3A_1063, %swap3A_1064, %swap3A_1065] {strides = array<i32>} : memref<2x8x128xi32, #tpu.memory_space<vmem>>, vector<1x1x16xi32>,
    %swap3A_1067 = vector.shape_cast %swap3A_1066 : vector<1x1x16xi32> to vector<16xi32>
    %swap3A_1068 = vector.shape_cast %add3A_1060 : vector<16xi32> to vector<1x1x16xi32>
    tpu.vector_store %arg6[%swap3A_1063, %swap3A_1064, %swap3A_1065], %swap3A_1068 {strides = array<i32>} : memref<2x8x128xi32, #tpu.memory_space<vmem>>, vector<1x1x16xi32>,
    %get3A_1069 = arith.constant 0 : i32
    %get3A_1070 = arith.constant 7 : i32
    %get3A_1071 = arith.index_cast %get3A_1069 : i32 to index
    %get3A_1072 = arith.index_cast %get3A_1070 : i32 to index
    %get3A_1073 = arith.constant 64 : index
    %get3A_1074 = tpu.vector_load %arg6[%get3A_1071, %get3A_1072, %get3A_1073] {strides = array<i32>} : memref<2x8x128xi32, #tpu.memory_space<vmem>>, vector<1x1x16xi32>,
    %get3A_1075 = vector.shape_cast %get3A_1074 : vector<1x1x16xi32> to vector<16xi32>
    %add3A_1076 = vector.broadcast %mul3A_48 : i32 to vector<16xi32>
    %add3A_1077 = arith.addi %get3A_1075, %add3A_1076 : vector<16xi32>
    %swap3A_1078 = arith.constant 0 : i32
    %swap3A_1079 = arith.constant 7 : i32
    %swap3A_1080 = arith.index_cast %swap3A_1078 : i32 to index
    %swap3A_1081 = arith.index_cast %swap3A_1079 : i32 to index
    %swap3A_1082 = arith.constant 64 : index
    %swap3A_1083 = tpu.vector_load %arg6[%swap3A_1080, %swap3A_1081, %swap3A_1082] {strides = array<i32>} : memref<2x8x128xi32, #tpu.memory_space<vmem>>, vector<1x1x16xi32>,
    %swap3A_1084 = vector.shape_cast %swap3A_1083 : vector<1x1x16xi32> to vector<16xi32>
    %swap3A_1085 = vector.shape_cast %add3A_1077 : vector<16xi32> to vector<1x1x16xi32>
    tpu.vector_store %arg6[%swap3A_1080, %swap3A_1081, %swap3A_1082], %swap3A_1085 {strides = array<i32>} : memref<2x8x128xi32, #tpu.memory_space<vmem>>, vector<1x1x16xi32>,
    %get3A_1086 = arith.constant 0 : i32
    %get3A_1087 = arith.constant 7 : i32
    %get3A_1088 = arith.index_cast %get3A_1086 : i32 to index
    %get3A_1089 = arith.index_cast %get3A_1087 : i32 to index
    %get3A_1090 = arith.constant 80 : index
    %get3A_1091 = tpu.vector_load %arg6[%get3A_1088, %get3A_1089, %get3A_1090] {strides = array<i32>} : memref<2x8x128xi32, #tpu.memory_space<vmem>>, vector<1x1x16xi32>,
    %get3A_1092 = vector.shape_cast %get3A_1091 : vector<1x1x16xi32> to vector<16xi32>
    %add3A_1093 = vector.broadcast %mul3A_48 : i32 to vector<16xi32>
    %add3A_1094 = arith.addi %get3A_1092, %add3A_1093 : vector<16xi32>
    %swap3A_1095 = arith.constant 0 : i32
    %swap3A_1096 = arith.constant 7 : i32
    %swap3A_1097 = arith.index_cast %swap3A_1095 : i32 to index
    %swap3A_1098 = arith.index_cast %swap3A_1096 : i32 to index
    %swap3A_1099 = arith.constant 80 : index
    %swap3A_1100 = tpu.vector_load %arg6[%swap3A_1097, %swap3A_1098, %swap3A_1099] {strides = array<i32>} : memref<2x8x128xi32, #tpu.memory_space<vmem>>, vector<1x1x16xi32>,
    %swap3A_1101 = vector.shape_cast %swap3A_1100 : vector<1x1x16xi32> to vector<16xi32>
    %swap3A_1102 = vector.shape_cast %add3A_1094 : vector<16xi32> to vector<1x1x16xi32>
    tpu.vector_store %arg6[%swap3A_1097, %swap3A_1098, %swap3A_1099], %swap3A_1102 {strides = array<i32>} : memref<2x8x128xi32, #tpu.memory_space<vmem>>, vector<1x1x16xi32>,
    %get3A_1103 = arith.constant 0 : i32
    %get3A_1104 = arith.constant 7 : i32
    %get3A_1105 = arith.index_cast %get3A_1103 : i32 to index
    %get3A_1106 = arith.index_cast %get3A_1104 : i32 to index
    %get3A_1107 = arith.constant 96 : index
    %get3A_1108 = tpu.vector_load %arg6[%get3A_1105, %get3A_1106, %get3A_1107] {strides = array<i32>} : memref<2x8x128xi32, #tpu.memory_space<vmem>>, vector<1x1x16xi32>,
    %get3A_1109 = vector.shape_cast %get3A_1108 : vector<1x1x16xi32> to vector<16xi32>
    %add3A_1110 = vector.broadcast %mul3A_48 : i32 to vector<16xi32>
    %add3A_1111 = arith.addi %get3A_1109, %add3A_1110 : vector<16xi32>
    %swap3A_1112 = arith.constant 0 : i32
    %swap3A_1113 = arith.constant 7 : i32
    %swap3A_1114 = arith.index_cast %swap3A_1112 : i32 to index
    %swap3A_1115 = arith.index_cast %swap3A_1113 : i32 to index
    %swap3A_1116 = arith.constant 96 : index
    %swap3A_1117 = tpu.vector_load %arg6[%swap3A_1114, %swap3A_1115, %swap3A_1116] {strides = array<i32>} : memref<2x8x128xi32, #tpu.memory_space<vmem>>, vector<1x1x16xi32>,
    %swap3A_1118 = vector.shape_cast %swap3A_1117 : vector<1x1x16xi32> to vector<16xi32>
    %swap3A_1119 = vector.shape_cast %add3A_1111 : vector<16xi32> to vector<1x1x16xi32>
    tpu.vector_store %arg6[%swap3A_1114, %swap3A_1115, %swap3A_1116], %swap3A_1119 {strides = array<i32>} : memref<2x8x128xi32, #tpu.memory_space<vmem>>, vector<1x1x16xi32>,
    %get3A_1120 = arith.constant 0 : i32
    %get3A_1121 = arith.constant 7 : i32
    %get3A_1122 = arith.index_cast %get3A_1120 : i32 to index
    %get3A_1123 = arith.index_cast %get3A_1121 : i32 to index
    %get3A_1124 = arith.constant 112 : index
    %get3A_1125 = tpu.vector_load %arg6[%get3A_1122, %get3A_1123, %get3A_1124] {strides = array<i32>} : memref<2x8x128xi32, #tpu.memory_space<vmem>>, vector<1x1x16xi32>,
    %get3A_1126 = vector.shape_cast %get3A_1125 : vector<1x1x16xi32> to vector<16xi32>
    %add3A_1127 = vector.broadcast %mul3A_48 : i32 to vector<16xi32>
    %add3A_1128 = arith.addi %get3A_1126, %add3A_1127 : vector<16xi32>
    %swap3A_1129 = arith.constant 0 : i32
    %swap3A_1130 = arith.constant 7 : i32
    %swap3A_1131 = arith.index_cast %swap3A_1129 : i32 to index
    %swap3A_1132 = arith.index_cast %swap3A_1130 : i32 to index
    %swap3A_1133 = arith.constant 112 : index
    %swap3A_1134 = tpu.vector_load %arg6[%swap3A_1131, %swap3A_1132, %swap3A_1133] {strides = array<i32>} : memref<2x8x128xi32, #tpu.memory_space<vmem>>, vector<1x1x16xi32>,
    %swap3A_1135 = vector.shape_cast %swap3A_1134 : vector<1x1x16xi32> to vector<16xi32>
    %swap3A_1136 = vector.shape_cast %add3A_1128 : vector<16xi32> to vector<1x1x16xi32>
    tpu.vector_store %arg6[%swap3A_1131, %swap3A_1132, %swap3A_1133], %swap3A_1136 {strides = array<i32>} : memref<2x8x128xi32, #tpu.memory_space<vmem>>, vector<1x1x16xi32>,
    %scan3A_1137 = arith.constant 0 : i32
    %scan3A_1138 = arith.constant 0 : i32
    %scan3A_1139 = arith.constant 50 : i32
    %scan3A_1140 = arith.addi %scan3A_1138, %scan3A_1139 : i32
    %scan3A_1141 = arith.constant 1 : i32
    scf.for %scan3A_1199 = %scan3A_1138 to %scan3A_1140 step %scan3A_1141  : i32 {
      %jit3A = arith.constant 2 : i32
      %eq3A = arith.constant 0 : i32
      %eq3A_1200 = arith.cmpi eq, %jit3A, %eq3A : i32
      %jit3A_1201 = arith.constant 1 : i32
      %select_n3A = arith.select %eq3A_1200, %jit3A_1201, %jit3A : i32
      %rem3A = arith.remsi %scan3A_1199, %select_n3A : i32
      %ne3A = arith.constant 0 : i32
      %ne3A_1202 = arith.cmpi ne, %rem3A, %ne3A : i32
      %lt3A = arith.constant 0 : i32
      %lt3A_1203 = arith.cmpi slt, %rem3A, %lt3A : i32
      %lt3A_1204 = arith.constant 0 : i32
      %lt3A_1205 = arith.cmpi slt, %select_n3A, %lt3A_1204 : i32
      %ne3A_1206 = arith.xori %lt3A_1203, %lt3A_1205 : i1
      %and3A = arith.andi %ne3A_1206, %ne3A_1202 : i1
      %add3A_1207 = arith.addi %rem3A, %select_n3A : i32
      %select_n3A_1208 = arith.select %and3A, %add3A_1207, %rem3A : i32
      %sub3A = arith.constant 1 : i32
      %sub3A_1209 = arith.subi %sub3A, %select_n3A_1208 : i32
      %gt3A = arith.constant 0 : i32
      %gt3A_1210 = arith.cmpi sgt, %scan3A_1199, %gt3A : i32
      %convert_element_type3A = arith.extui %gt3A_1210 : i1 to i32
      %cond3A = arith.constant 0 : i32
      %cond3A_1211 = arith.cmpi ne, %convert_element_type3A, %cond3A : i32
      scf.if %cond3A_1211 {
        %dma_wait3A_1580 = arith.constant 0 : i32
        %dma_wait3A_1581 = arith.constant 0 : i32
        %dma_wait3A_1582 = tpu.memref_slice %arg6[%select_n3A_1208, %dma_wait3A_1580, %dma_wait3A_1581] : memref<2x8x128xi32, #tpu.memory_space<vmem>> -> memref<1x8x128xi32, #tpu.memory_space<vmem>>
        %dma_wait3A_1583 = tpu.memref_squeeze %dma_wait3A_1582 : memref<1x8x128xi32, #tpu.memory_space<vmem>> -> memref<8x128xi32, #tpu.memory_space<vmem>>
        %dma_wait3A_1584 = arith.constant 0 : i32
        %dma_wait3A_1585 = tpu.memref_slice %arg2[%mul3A_44, %dma_wait3A_1584] : memref<6400x128xi32, #tpu.memory_space<hbm>> -> memref<8x128xi32, #tpu.memory_space<hbm>>
        %dma_wait3A_1586 = arith.constant 0 : i32
        %dma_wait3A_1587 = arith.constant 0 : i32
        %dma_wait3A_1588 = tpu.memref_slice %arg6[%select_n3A_1208, %dma_wait3A_1586, %dma_wait3A_1587] : memref<2x8x128xi32, #tpu.memory_space<vmem>> -> memref<1x8x128xi32, #tpu.memory_space<vmem>>
        %dma_wait3A_1589 = tpu.memref_squeeze %dma_wait3A_1588 : memref<1x8x128xi32, #tpu.memory_space<vmem>> -> memref<8x128xi32, #tpu.memory_space<vmem>>
        %dma_wait3A_1590 = arith.constant 0 : i32
        %dma_wait3A_1591 = tpu.memref_slice %arg2[%mul3A_44, %dma_wait3A_1590] : memref<6400x128xi32, #tpu.memory_space<hbm>> -> memref<8x128xi32, #tpu.memory_space<hbm>>
        tpu.wait_dma2 semaphore(%arg13 : memref<!tpu.dma_semaphore, #tpu.memory_space<semaphore_mem>>) src(%dma_wait3A_1591 : memref<8x128xi32, #tpu.memory_space<hbm>>) dst(%dma_wait3A_1589 : memref<8x128xi32, #tpu.memory_space<vmem>>)
        %dma_wait3A_1592 = arith.constant 0 : i32
        %dma_wait3A_1593 = arith.constant 0 : i32
        %dma_wait3A_1594 = tpu.memref_slice %arg7[%select_n3A_1208, %dma_wait3A_1592, %dma_wait3A_1593] : memref<2x8x128xi32, #tpu.memory_space<vmem>> -> memref<1x8x128xi32, #tpu.memory_space<vmem>>
        %dma_wait3A_1595 = tpu.memref_squeeze %dma_wait3A_1594 : memref<1x8x128xi32, #tpu.memory_space<vmem>> -> memref<8x128xi32, #tpu.memory_space<vmem>>
        %dma_wait3A_1596 = arith.constant 0 : i32
        %dma_wait3A_1597 = tpu.memref_slice %arg3[%mul3A_46, %dma_wait3A_1596] : memref<6400x128xi32, #tpu.memory_space<hbm>> -> memref<8x128xi32, #tpu.memory_space<hbm>>
        %dma_wait3A_1598 = arith.constant 0 : i32
        %dma_wait3A_1599 = arith.constant 0 : i32
        %dma_wait3A_1600 = tpu.memref_slice %arg7[%select_n3A_1208, %dma_wait3A_1598, %dma_wait3A_1599] : memref<2x8x128xi32, #tpu.memory_space<vmem>> -> memref<1x8x128xi32, #tpu.memory_space<vmem>>
        %dma_wait3A_1601 = tpu.memref_squeeze %dma_wait3A_1600 : memref<1x8x128xi32, #tpu.memory_space<vmem>> -> memref<8x128xi32, #tpu.memory_space<vmem>>
        %dma_wait3A_1602 = arith.constant 0 : i32
        %dma_wait3A_1603 = tpu.memref_slice %arg3[%mul3A_46, %dma_wait3A_1602] : memref<6400x128xi32, #tpu.memory_space<hbm>> -> memref<8x128xi32, #tpu.memory_space<hbm>>
        tpu.wait_dma2 semaphore(%arg13 : memref<!tpu.dma_semaphore, #tpu.memory_space<semaphore_mem>>) src(%dma_wait3A_1603 : memref<8x128xi32, #tpu.memory_space<hbm>>) dst(%dma_wait3A_1601 : memref<8x128xi32, #tpu.memory_space<vmem>>)
        %get3A_1604 = arith.constant 0 : i32
        %get3A_1605 = arith.index_cast %select_n3A_1208 : i32 to index
        %get3A_1606 = arith.index_cast %get3A_1604 : i32 to index
        %get3A_1607 = arith.constant 0 : index
        %get3A_1608 = tpu.vector_load %arg6[%get3A_1605, %get3A_1606, %get3A_1607] {strides = array<i32>} : memref<2x8x128xi32, #tpu.memory_space<vmem>>, vector<1x1x16xi32>,
        %get3A_1609 = vector.shape_cast %get3A_1608 : vector<1x1x16xi32> to vector<16xi32>
        %add3A_1610 = vector.broadcast %mul3A_48 : i32 to vector<16xi32>
        %add3A_1611 = arith.addi %get3A_1609, %add3A_1610 : vector<16xi32>
        %swap3A_1612 = arith.constant 0 : i32
        %swap3A_1613 = arith.index_cast %select_n3A_1208 : i32 to index
        %swap3A_1614 = arith.index_cast %swap3A_1612 : i32 to index
        %swap3A_1615 = arith.constant 0 : index
        %swap3A_1616 = tpu.vector_load %arg6[%swap3A_1613, %swap3A_1614, %swap3A_1615] {strides = array<i32>} : memref<2x8x128xi32, #tpu.memory_space<vmem>>, vector<1x1x16xi32>,
        %swap3A_1617 = vector.shape_cast %swap3A_1616 : vector<1x1x16xi32> to vector<16xi32>
        %swap3A_1618 = vector.shape_cast %add3A_1611 : vector<16xi32> to vector<1x1x16xi32>
        tpu.vector_store %arg6[%swap3A_1613, %swap3A_1614, %swap3A_1615], %swap3A_1618 {strides = array<i32>} : memref<2x8x128xi32, #tpu.memory_space<vmem>>, vector<1x1x16xi32>,
        %get3A_1619 = arith.constant 0 : i32
        %get3A_1620 = arith.index_cast %select_n3A_1208 : i32 to index
        %get3A_1621 = arith.index_cast %get3A_1619 : i32 to index
        %get3A_1622 = arith.constant 16 : index
        %get3A_1623 = tpu.vector_load %arg6[%get3A_1620, %get3A_1621, %get3A_1622] {strides = array<i32>} : memref<2x8x128xi32, #tpu.memory_space<vmem>>, vector<1x1x16xi32>,
        %get3A_1624 = vector.shape_cast %get3A_1623 : vector<1x1x16xi32> to vector<16xi32>
        %add3A_1625 = vector.broadcast %mul3A_48 : i32 to vector<16xi32>
        %add3A_1626 = arith.addi %get3A_1624, %add3A_1625 : vector<16xi32>
        %swap3A_1627 = arith.constant 0 : i32
        %swap3A_1628 = arith.index_cast %select_n3A_1208 : i32 to index
        %swap3A_1629 = arith.index_cast %swap3A_1627 : i32 to index
        %swap3A_1630 = arith.constant 16 : index
        %swap3A_1631 = tpu.vector_load %arg6[%swap3A_1628, %swap3A_1629, %swap3A_1630] {strides = array<i32>} : memref<2x8x128xi32, #tpu.memory_space<vmem>>, vector<1x1x16xi32>,
        %swap3A_1632 = vector.shape_cast %swap3A_1631 : vector<1x1x16xi32> to vector<16xi32>
        %swap3A_1633 = vector.shape_cast %add3A_1626 : vector<16xi32> to vector<1x1x16xi32>
        tpu.vector_store %arg6[%swap3A_1628, %swap3A_1629, %swap3A_1630], %swap3A_1633 {strides = array<i32>} : memref<2x8x128xi32, #tpu.memory_space<vmem>>, vector<1x1x16xi32>,
        %get3A_1634 = arith.constant 0 : i32
        %get3A_1635 = arith.index_cast %select_n3A_1208 : i32 to index
        %get3A_1636 = arith.index_cast %get3A_1634 : i32 to index
        %get3A_1637 = arith.constant 32 : index
        %get3A_1638 = tpu.vector_load %arg6[%get3A_1635, %get3A_1636, %get3A_1637] {strides = array<i32>} : memref<2x8x128xi32, #tpu.memory_space<vmem>>, vector<1x1x16xi32>,
        %get3A_1639 = vector.shape_cast %get3A_1638 : vector<1x1x16xi32> to vector<16xi32>
        %add3A_1640 = vector.broadcast %mul3A_48 : i32 to vector<16xi32>
        %add3A_1641 = arith.addi %get3A_1639, %add3A_1640 : vector<16xi32>
        %swap3A_1642 = arith.constant 0 : i32
        %swap3A_1643 = arith.index_cast %select_n3A_1208 : i32 to index
        %swap3A_1644 = arith.index_cast %swap3A_1642 : i32 to index
        %swap3A_1645 = arith.constant 32 : index
        %swap3A_1646 = tpu.vector_load %arg6[%swap3A_1643, %swap3A_1644, %swap3A_1645] {strides = array<i32>} : memref<2x8x128xi32, #tpu.memory_space<vmem>>, vector<1x1x16xi32>,
        %swap3A_1647 = vector.shape_cast %swap3A_1646 : vector<1x1x16xi32> to vector<16xi32>
        %swap3A_1648 = vector.shape_cast %add3A_1641 : vector<16xi32> to vector<1x1x16xi32>
        tpu.vector_store %arg6[%swap3A_1643, %swap3A_1644, %swap3A_1645], %swap3A_1648 {strides = array<i32>} : memref<2x8x128xi32, #tpu.memory_space<vmem>>, vector<1x1x16xi32>,
        %get3A_1649 = arith.constant 0 : i32
        %get3A_1650 = arith.index_cast %select_n3A_1208 : i32 to index
        %get3A_1651 = arith.index_cast %get3A_1649 : i32 to index
        %get3A_1652 = arith.constant 48 : index
        %get3A_1653 = tpu.vector_load %arg6[%get3A_1650, %get3A_1651, %get3A_1652] {strides = array<i32>} : memref<2x8x128xi32, #tpu.memory_space<vmem>>, vector<1x1x16xi32>,
        %get3A_1654 = vector.shape_cast %get3A_1653 : vector<1x1x16xi32> to vector<16xi32>
        %add3A_1655 = vector.broadcast %mul3A_48 : i32 to vector<16xi32>
        %add3A_1656 = arith.addi %get3A_1654, %add3A_1655 : vector<16xi32>
        %swap3A_1657 = arith.constant 0 : i32
        %swap3A_1658 = arith.index_cast %select_n3A_1208 : i32 to index
        %swap3A_1659 = arith.index_cast %swap3A_1657 : i32 to index
        %swap3A_1660 = arith.constant 48 : index
        %swap3A_1661 = tpu.vector_load %arg6[%swap3A_1658, %swap3A_1659, %swap3A_1660] {strides = array<i32>} : memref<2x8x128xi32, #tpu.memory_space<vmem>>, vector<1x1x16xi32>,
        %swap3A_1662 = vector.shape_cast %swap3A_1661 : vector<1x1x16xi32> to vector<16xi32>
        %swap3A_1663 = vector.shape_cast %add3A_1656 : vector<16xi32> to vector<1x1x16xi32>
        tpu.vector_store %arg6[%swap3A_1658, %swap3A_1659, %swap3A_1660], %swap3A_1663 {strides = array<i32>} : memref<2x8x128xi32, #tpu.memory_space<vmem>>, vector<1x1x16xi32>,
        %get3A_1664 = arith.constant 0 : i32
        %get3A_1665 = arith.index_cast %select_n3A_1208 : i32 to index
        %get3A_1666 = arith.index_cast %get3A_1664 : i32 to index
        %get3A_1667 = arith.constant 64 : index
        %get3A_1668 = tpu.vector_load %arg6[%get3A_1665, %get3A_1666, %get3A_1667] {strides = array<i32>} : memref<2x8x128xi32, #tpu.memory_space<vmem>>, vector<1x1x16xi32>,
        %get3A_1669 = vector.shape_cast %get3A_1668 : vector<1x1x16xi32> to vector<16xi32>
        %add3A_1670 = vector.broadcast %mul3A_48 : i32 to vector<16xi32>
        %add3A_1671 = arith.addi %get3A_1669, %add3A_1670 : vector<16xi32>
        %swap3A_1672 = arith.constant 0 : i32
        %swap3A_1673 = arith.index_cast %select_n3A_1208 : i32 to index
        %swap3A_1674 = arith.index_cast %swap3A_1672 : i32 to index
        %swap3A_1675 = arith.constant 64 : index
        %swap3A_1676 = tpu.vector_load %arg6[%swap3A_1673, %swap3A_1674, %swap3A_1675] {strides = array<i32>} : memref<2x8x128xi32, #tpu.memory_space<vmem>>, vector<1x1x16xi32>,
        %swap3A_1677 = vector.shape_cast %swap3A_1676 : vector<1x1x16xi32> to vector<16xi32>
        %swap3A_1678 = vector.shape_cast %add3A_1671 : vector<16xi32> to vector<1x1x16xi32>
        tpu.vector_store %arg6[%swap3A_1673, %swap3A_1674, %swap3A_1675], %swap3A_1678 {strides = array<i32>} : memref<2x8x128xi32, #tpu.memory_space<vmem>>, vector<1x1x16xi32>,
        %get3A_1679 = arith.constant 0 : i32
        %get3A_1680 = arith.index_cast %select_n3A_1208 : i32 to index
        %get3A_1681 = arith.index_cast %get3A_1679 : i32 to index
        %get3A_1682 = arith.constant 80 : index
        %get3A_1683 = tpu.vector_load %arg6[%get3A_1680, %get3A_1681, %get3A_1682] {strides = array<i32>} : memref<2x8x128xi32, #tpu.memory_space<vmem>>, vector<1x1x16xi32>,
        %get3A_1684 = vector.shape_cast %get3A_1683 : vector<1x1x16xi32> to vector<16xi32>
        %add3A_1685 = vector.broadcast %mul3A_48 : i32 to vector<16xi32>
        %add3A_1686 = arith.addi %get3A_1684, %add3A_1685 : vector<16xi32>
        %swap3A_1687 = arith.constant 0 : i32
        %swap3A_1688 = arith.index_cast %select_n3A_1208 : i32 to index
        %swap3A_1689 = arith.index_cast %swap3A_1687 : i32 to index
        %swap3A_1690 = arith.constant 80 : index
        %swap3A_1691 = tpu.vector_load %arg6[%swap3A_1688, %swap3A_1689, %swap3A_1690] {strides = array<i32>} : memref<2x8x128xi32, #tpu.memory_space<vmem>>, vector<1x1x16xi32>,
        %swap3A_1692 = vector.shape_cast %swap3A_1691 : vector<1x1x16xi32> to vector<16xi32>
        %swap3A_1693 = vector.shape_cast %add3A_1686 : vector<16xi32> to vector<1x1x16xi32>
        tpu.vector_store %arg6[%swap3A_1688, %swap3A_1689, %swap3A_1690], %swap3A_1693 {strides = array<i32>} : memref<2x8x128xi32, #tpu.memory_space<vmem>>, vector<1x1x16xi32>,
        %get3A_1694 = arith.constant 0 : i32
        %get3A_1695 = arith.index_cast %select_n3A_1208 : i32 to index
        %get3A_1696 = arith.index_cast %get3A_1694 : i32 to index
        %get3A_1697 = arith.constant 96 : index
        %get3A_1698 = tpu.vector_load %arg6[%get3A_1695, %get3A_1696, %get3A_1697] {strides = array<i32>} : memref<2x8x128xi32, #tpu.memory_space<vmem>>, vector<1x1x16xi32>,
        %get3A_1699 = vector.shape_cast %get3A_1698 : vector<1x1x16xi32> to vector<16xi32>
        %add3A_1700 = vector.broadcast %mul3A_48 : i32 to vector<16xi32>
        %add3A_1701 = arith.addi %get3A_1699, %add3A_1700 : vector<16xi32>
        %swap3A_1702 = arith.constant 0 : i32
        %swap3A_1703 = arith.index_cast %select_n3A_1208 : i32 to index
        %swap3A_1704 = arith.index_cast %swap3A_1702 : i32 to index
        %swap3A_1705 = arith.constant 96 : index
        %swap3A_1706 = tpu.vector_load %arg6[%swap3A_1703, %swap3A_1704, %swap3A_1705] {strides = array<i32>} : memref<2x8x128xi32, #tpu.memory_space<vmem>>, vector<1x1x16xi32>,
        %swap3A_1707 = vector.shape_cast %swap3A_1706 : vector<1x1x16xi32> to vector<16xi32>
        %swap3A_1708 = vector.shape_cast %add3A_1701 : vector<16xi32> to vector<1x1x16xi32>
        tpu.vector_store %arg6[%swap3A_1703, %swap3A_1704, %swap3A_1705], %swap3A_1708 {strides = array<i32>} : memref<2x8x128xi32, #tpu.memory_space<vmem>>, vector<1x1x16xi32>,
        %get3A_1709 = arith.constant 0 : i32
        %get3A_1710 = arith.index_cast %select_n3A_1208 : i32 to index
        %get3A_1711 = arith.index_cast %get3A_1709 : i32 to index
        %get3A_1712 = arith.constant 112 : index
        %get3A_1713 = tpu.vector_load %arg6[%get3A_1710, %get3A_1711, %get3A_1712] {strides = array<i32>} : memref<2x8x128xi32, #tpu.memory_space<vmem>>, vector<1x1x16xi32>,
        %get3A_1714 = vector.shape_cast %get3A_1713 : vector<1x1x16xi32> to vector<16xi32>
        %add3A_1715 = vector.broadcast %mul3A_48 : i32 to vector<16xi32>
        %add3A_1716 = arith.addi %get3A_1714, %add3A_1715 : vector<16xi32>
        %swap3A_1717 = arith.constant 0 : i32
        %swap3A_1718 = arith.index_cast %select_n3A_1208 : i32 to index
        %swap3A_1719 = arith.index_cast %swap3A_1717 : i32 to index
        %swap3A_1720 = arith.constant 112 : index
        %swap3A_1721 = tpu.vector_load %arg6[%swap3A_1718, %swap3A_1719, %swap3A_1720] {strides = array<i32>} : memref<2x8x128xi32, #tpu.memory_space<vmem>>, vector<1x1x16xi32>,
        %swap3A_1722 = vector.shape_cast %swap3A_1721 : vector<1x1x16xi32> to vector<16xi32>
        %swap3A_1723 = vector.shape_cast %add3A_1716 : vector<16xi32> to vector<1x1x16xi32>
        tpu.vector_store %arg6[%swap3A_1718, %swap3A_1719, %swap3A_1720], %swap3A_1723 {strides = array<i32>} : memref<2x8x128xi32, #tpu.memory_space<vmem>>, vector<1x1x16xi32>,
        %get3A_1724 = arith.constant 1 : i32
        %get3A_1725 = arith.index_cast %select_n3A_1208 : i32 to index
        %get3A_1726 = arith.index_cast %get3A_1724 : i32 to index
        %get3A_1727 = arith.constant 0 : index
        %get3A_1728 = tpu.vector_load %arg6[%get3A_1725, %get3A_1726, %get3A_1727] {strides = array<i32>} : memref<2x8x128xi32, #tpu.memory_space<vmem>>, vector<1x1x16xi32>,
        %get3A_1729 = vector.shape_cast %get3A_1728 : vector<1x1x16xi32> to vector<16xi32>
        %add3A_1730 = vector.broadcast %mul3A_48 : i32 to vector<16xi32>
        %add3A_1731 = arith.addi %get3A_1729, %add3A_1730 : vector<16xi32>
        %swap3A_1732 = arith.constant 1 : i32
        %swap3A_1733 = arith.index_cast %select_n3A_1208 : i32 to index
        %swap3A_1734 = arith.index_cast %swap3A_1732 : i32 to index
        %swap3A_1735 = arith.constant 0 : index
        %swap3A_1736 = tpu.vector_load %arg6[%swap3A_1733, %swap3A_1734, %swap3A_1735] {strides = array<i32>} : memref<2x8x128xi32, #tpu.memory_space<vmem>>, vector<1x1x16xi32>,
        %swap3A_1737 = vector.shape_cast %swap3A_1736 : vector<1x1x16xi32> to vector<16xi32>
        %swap3A_1738 = vector.shape_cast %add3A_1731 : vector<16xi32> to vector<1x1x16xi32>
        tpu.vector_store %arg6[%swap3A_1733, %swap3A_1734, %swap3A_1735], %swap3A_1738 {strides = array<i32>} : memref<2x8x128xi32, #tpu.memory_space<vmem>>, vector<1x1x16xi32>,
        %get3A_1739 = arith.constant 1 : i32
        %get3A_1740 = arith.index_cast %select_n3A_1208 : i32 to index
        %get3A_1741 = arith.index_cast %get3A_1739 : i32 to index
        %get3A_1742 = arith.constant 16 : index
        %get3A_1743 = tpu.vector_load %arg6[%get3A_1740, %get3A_1741, %get3A_1742] {strides = array<i32>} : memref<2x8x128xi32, #tpu.memory_space<vmem>>, vector<1x1x16xi32>,
        %get3A_1744 = vector.shape_cast %get3A_1743 : vector<1x1x16xi32> to vector<16xi32>
        %add3A_1745 = vector.broadcast %mul3A_48 : i32 to vector<16xi32>
        %add3A_1746 = arith.addi %get3A_1744, %add3A_1745 : vector<16xi32>
        %swap3A_1747 = arith.constant 1 : i32
        %swap3A_1748 = arith.index_cast %select_n3A_1208 : i32 to index
        %swap3A_1749 = arith.index_cast %swap3A_1747 : i32 to index
        %swap3A_1750 = arith.constant 16 : index
        %swap3A_1751 = tpu.vector_load %arg6[%swap3A_1748, %swap3A_1749, %swap3A_1750] {strides = array<i32>} : memref<2x8x128xi32, #tpu.memory_space<vmem>>, vector<1x1x16xi32>,
        %swap3A_1752 = vector.shape_cast %swap3A_1751 : vector<1x1x16xi32> to vector<16xi32>
        %swap3A_1753 = vector.shape_cast %add3A_1746 : vector<16xi32> to vector<1x1x16xi32>
        tpu.vector_store %arg6[%swap3A_1748, %swap3A_1749, %swap3A_1750], %swap3A_1753 {strides = array<i32>} : memref<2x8x128xi32, #tpu.memory_space<vmem>>, vector<1x1x16xi32>,
        %get3A_1754 = arith.constant 1 : i32
        %get3A_1755 = arith.index_cast %select_n3A_1208 : i32 to index
        %get3A_1756 = arith.index_cast %get3A_1754 : i32 to index
        %get3A_1757 = arith.constant 32 : index
        %get3A_1758 = tpu.vector_load %arg6[%get3A_1755, %get3A_1756, %get3A_1757] {strides = array<i32>} : memref<2x8x128xi32, #tpu.memory_space<vmem>>, vector<1x1x16xi32>,
        %get3A_1759 = vector.shape_cast %get3A_1758 : vector<1x1x16xi32> to vector<16xi32>
        %add3A_1760 = vector.broadcast %mul3A_48 : i32 to vector<16xi32>
        %add3A_1761 = arith.addi %get3A_1759, %add3A_1760 : vector<16xi32>
        %swap3A_1762 = arith.constant 1 : i32
        %swap3A_1763 = arith.index_cast %select_n3A_1208 : i32 to index
        %swap3A_1764 = arith.index_cast %swap3A_1762 : i32 to index
        %swap3A_1765 = arith.constant 32 : index
        %swap3A_1766 = tpu.vector_load %arg6[%swap3A_1763, %swap3A_1764, %swap3A_1765] {strides = array<i32>} : memref<2x8x128xi32, #tpu.memory_space<vmem>>, vector<1x1x16xi32>,
        %swap3A_1767 = vector.shape_cast %swap3A_1766 : vector<1x1x16xi32> to vector<16xi32>
        %swap3A_1768 = vector.shape_cast %add3A_1761 : vector<16xi32> to vector<1x1x16xi32>
        tpu.vector_store %arg6[%swap3A_1763, %swap3A_1764, %swap3A_1765], %swap3A_1768 {strides = array<i32>} : memref<2x8x128xi32, #tpu.memory_space<vmem>>, vector<1x1x16xi32>,
        %get3A_1769 = arith.constant 1 : i32
        %get3A_1770 = arith.index_cast %select_n3A_1208 : i32 to index
        %get3A_1771 = arith.index_cast %get3A_1769 : i32 to index
        %get3A_1772 = arith.constant 48 : index
        %get3A_1773 = tpu.vector_load %arg6[%get3A_1770, %get3A_1771, %get3A_1772] {strides = array<i32>} : memref<2x8x128xi32, #tpu.memory_space<vmem>>, vector<1x1x16xi32>,
        %get3A_1774 = vector.shape_cast %get3A_1773 : vector<1x1x16xi32> to vector<16xi32>
        %add3A_1775 = vector.broadcast %mul3A_48 : i32 to vector<16xi32>
        %add3A_1776 = arith.addi %get3A_1774, %add3A_1775 : vector<16xi32>
        %swap3A_1777 = arith.constant 1 : i32
        %swap3A_1778 = arith.index_cast %select_n3A_1208 : i32 to index
        %swap3A_1779 = arith.index_cast %swap3A_1777 : i32 to index
        %swap3A_1780 = arith.constant 48 : index
        %swap3A_1781 = tpu.vector_load %arg6[%swap3A_1778, %swap3A_1779, %swap3A_1780] {strides = array<i32>} : memref<2x8x128xi32, #tpu.memory_space<vmem>>, vector<1x1x16xi32>,
        %swap3A_1782 = vector.shape_cast %swap3A_1781 : vector<1x1x16xi32> to vector<16xi32>
        %swap3A_1783 = vector.shape_cast %add3A_1776 : vector<16xi32> to vector<1x1x16xi32>
        tpu.vector_store %arg6[%swap3A_1778, %swap3A_1779, %swap3A_1780], %swap3A_1783 {strides = array<i32>} : memref<2x8x128xi32, #tpu.memory_space<vmem>>, vector<1x1x16xi32>,
        %get3A_1784 = arith.constant 1 : i32
        %get3A_1785 = arith.index_cast %select_n3A_1208 : i32 to index
        %get3A_1786 = arith.index_cast %get3A_1784 : i32 to index
        %get3A_1787 = arith.constant 64 : index
        %get3A_1788 = tpu.vector_load %arg6[%get3A_1785, %get3A_1786, %get3A_1787] {strides = array<i32>} : memref<2x8x128xi32, #tpu.memory_space<vmem>>, vector<1x1x16xi32>,
        %get3A_1789 = vector.shape_cast %get3A_1788 : vector<1x1x16xi32> to vector<16xi32>
        %add3A_1790 = vector.broadcast %mul3A_48 : i32 to vector<16xi32>
        %add3A_1791 = arith.addi %get3A_1789, %add3A_1790 : vector<16xi32>
        %swap3A_1792 = arith.constant 1 : i32
        %swap3A_1793 = arith.index_cast %select_n3A_1208 : i32 to index
        %swap3A_1794 = arith.index_cast %swap3A_1792 : i32 to index
        %swap3A_1795 = arith.constant 64 : index
        %swap3A_1796 = tpu.vector_load %arg6[%swap3A_1793, %swap3A_1794, %swap3A_1795] {strides = array<i32>} : memref<2x8x128xi32, #tpu.memory_space<vmem>>, vector<1x1x16xi32>,
        %swap3A_1797 = vector.shape_cast %swap3A_1796 : vector<1x1x16xi32> to vector<16xi32>
        %swap3A_1798 = vector.shape_cast %add3A_1791 : vector<16xi32> to vector<1x1x16xi32>
        tpu.vector_store %arg6[%swap3A_1793, %swap3A_1794, %swap3A_1795], %swap3A_1798 {strides = array<i32>} : memref<2x8x128xi32, #tpu.memory_space<vmem>>, vector<1x1x16xi32>,
        %get3A_1799 = arith.constant 1 : i32
        %get3A_1800 = arith.index_cast %select_n3A_1208 : i32 to index
        %get3A_1801 = arith.index_cast %get3A_1799 : i32 to index
        %get3A_1802 = arith.constant 80 : index
        %get3A_1803 = tpu.vector_load %arg6[%get3A_1800, %get3A_1801, %get3A_1802] {strides = array<i32>} : memref<2x8x128xi32, #tpu.memory_space<vmem>>, vector<1x1x16xi32>,
        %get3A_1804 = vector.shape_cast %get3A_1803 : vector<1x1x16xi32> to vector<16xi32>
        %add3A_1805 = vector.broadcast %mul3A_48 : i32 to vector<16xi32>
        %add3A_1806 = arith.addi %get3A_1804, %add3A_1805 : vector<16xi32>
        %swap3A_1807 = arith.constant 1 : i32
        %swap3A_1808 = arith.index_cast %select_n3A_1208 : i32 to index
        %swap3A_1809 = arith.index_cast %swap3A_1807 : i32 to index
        %swap3A_1810 = arith.constant 80 : index
        %swap3A_1811 = tpu.vector_load %arg6[%swap3A_1808, %swap3A_1809, %swap3A_1810] {strides = array<i32>} : memref<2x8x128xi32, #tpu.memory_space<vmem>>, vector<1x1x16xi32>,
        %swap3A_1812 = vector.shape_cast %swap3A_1811 : vector<1x1x16xi32> to vector<16xi32>
        %swap3A_1813 = vector.shape_cast %add3A_1806 : vector<16xi32> to vector<1x1x16xi32>
        tpu.vector_store %arg6[%swap3A_1808, %swap3A_1809, %swap3A_1810], %swap3A_1813 {strides = array<i32>} : memref<2x8x128xi32, #tpu.memory_space<vmem>>, vector<1x1x16xi32>,
        %get3A_1814 = arith.constant 1 : i32
        %get3A_1815 = arith.index_cast %select_n3A_1208 : i32 to index
        %get3A_1816 = arith.index_cast %get3A_1814 : i32 to index
        %get3A_1817 = arith.constant 96 : index
        %get3A_1818 = tpu.vector_load %arg6[%get3A_1815, %get3A_1816, %get3A_1817] {strides = array<i32>} : memref<2x8x128xi32, #tpu.memory_space<vmem>>, vector<1x1x16xi32>,
        %get3A_1819 = vector.shape_cast %get3A_1818 : vector<1x1x16xi32> to vector<16xi32>
        %add3A_1820 = vector.broadcast %mul3A_48 : i32 to vector<16xi32>
        %add3A_1821 = arith.addi %get3A_1819, %add3A_1820 : vector<16xi32>
        %swap3A_1822 = arith.constant 1 : i32
        %swap3A_1823 = arith.index_cast %select_n3A_1208 : i32 to index
        %swap3A_1824 = arith.index_cast %swap3A_1822 : i32 to index
        %swap3A_1825 = arith.constant 96 : index
        %swap3A_1826 = tpu.vector_load %arg6[%swap3A_1823, %swap3A_1824, %swap3A_1825] {strides = array<i32>} : memref<2x8x128xi32, #tpu.memory_space<vmem>>, vector<1x1x16xi32>,
        %swap3A_1827 = vector.shape_cast %swap3A_1826 : vector<1x1x16xi32> to vector<16xi32>
        %swap3A_1828 = vector.shape_cast %add3A_1821 : vector<16xi32> to vector<1x1x16xi32>
        tpu.vector_store %arg6[%swap3A_1823, %swap3A_1824, %swap3A_1825], %swap3A_1828 {strides = array<i32>} : memref<2x8x128xi32, #tpu.memory_space<vmem>>, vector<1x1x16xi32>,
        %get3A_1829 = arith.constant 1 : i32
        %get3A_1830 = arith.index_cast %select_n3A_1208 : i32 to index
        %get3A_1831 = arith.index_cast %get3A_1829 : i32 to index
        %get3A_1832 = arith.constant 112 : index
        %get3A_1833 = tpu.vector_load %arg6[%get3A_1830, %get3A_1831, %get3A_1832] {strides = array<i32>} : memref<2x8x128xi32, #tpu.memory_space<vmem>>, vector<1x1x16xi32>,
        %get3A_1834 = vector.shape_cast %get3A_1833 : vector<1x1x16xi32> to vector<16xi32>
        %add3A_1835 = vector.broadcast %mul3A_48 : i32 to vector<16xi32>
        %add3A_1836 = arith.addi %get3A_1834, %add3A_1835 : vector<16xi32>
        %swap3A_1837 = arith.constant 1 : i32
        %swap3A_1838 = arith.index_cast %select_n3A_1208 : i32 to index
        %swap3A_1839 = arith.index_cast %swap3A_1837 : i32 to index
        %swap3A_1840 = arith.constant 112 : index
        %swap3A_1841 = tpu.vector_load %arg6[%swap3A_1838, %swap3A_1839, %swap3A_1840] {strides = array<i32>} : memref<2x8x128xi32, #tpu.memory_space<vmem>>, vector<1x1x16xi32>,
        %swap3A_1842 = vector.shape_cast %swap3A_1841 : vector<1x1x16xi32> to vector<16xi32>
        %swap3A_1843 = vector.shape_cast %add3A_1836 : vector<16xi32> to vector<1x1x16xi32>
        tpu.vector_store %arg6[%swap3A_1838, %swap3A_1839, %swap3A_1840], %swap3A_1843 {strides = array<i32>} : memref<2x8x128xi32, #tpu.memory_space<vmem>>, vector<1x1x16xi32>,
        %get3A_1844 = arith.constant 2 : i32
        %get3A_1845 = arith.index_cast %select_n3A_1208 : i32 to index
        %get3A_1846 = arith.index_cast %get3A_1844 : i32 to index
        %get3A_1847 = arith.constant 0 : index
        %get3A_1848 = tpu.vector_load %arg6[%get3A_1845, %get3A_1846, %get3A_1847] {strides = array<i32>} : memref<2x8x128xi32, #tpu.memory_space<vmem>>, vector<1x1x16xi32>,
        %get3A_1849 = vector.shape_cast %get3A_1848 : vector<1x1x16xi32> to vector<16xi32>
        %add3A_1850 = vector.broadcast %mul3A_48 : i32 to vector<16xi32>
        %add3A_1851 = arith.addi %get3A_1849, %add3A_1850 : vector<16xi32>
        %swap3A_1852 = arith.constant 2 : i32
        %swap3A_1853 = arith.index_cast %select_n3A_1208 : i32 to index
        %swap3A_1854 = arith.index_cast %swap3A_1852 : i32 to index
        %swap3A_1855 = arith.constant 0 : index
        %swap3A_1856 = tpu.vector_load %arg6[%swap3A_1853, %swap3A_1854, %swap3A_1855] {strides = array<i32>} : memref<2x8x128xi32, #tpu.memory_space<vmem>>, vector<1x1x16xi32>,
        %swap3A_1857 = vector.shape_cast %swap3A_1856 : vector<1x1x16xi32> to vector<16xi32>
        %swap3A_1858 = vector.shape_cast %add3A_1851 : vector<16xi32> to vector<1x1x16xi32>
        tpu.vector_store %arg6[%swap3A_1853, %swap3A_1854, %swap3A_1855], %swap3A_1858 {strides = array<i32>} : memref<2x8x128xi32, #tpu.memory_space<vmem>>, vector<1x1x16xi32>,
        %get3A_1859 = arith.constant 2 : i32
        %get3A_1860 = arith.index_cast %select_n3A_1208 : i32 to index
        %get3A_1861 = arith.index_cast %get3A_1859 : i32 to index
        %get3A_1862 = arith.constant 16 : index
        %get3A_1863 = tpu.vector_load %arg6[%get3A_1860, %get3A_1861, %get3A_1862] {strides = array<i32>} : memref<2x8x128xi32, #tpu.memory_space<vmem>>, vector<1x1x16xi32>,
        %get3A_1864 = vector.shape_cast %get3A_1863 : vector<1x1x16xi32> to vector<16xi32>
        %add3A_1865 = vector.broadcast %mul3A_48 : i32 to vector<16xi32>
        %add3A_1866 = arith.addi %get3A_1864, %add3A_1865 : vector<16xi32>
        %swap3A_1867 = arith.constant 2 : i32
        %swap3A_1868 = arith.index_cast %select_n3A_1208 : i32 to index
        %swap3A_1869 = arith.index_cast %swap3A_1867 : i32 to index
        %swap3A_1870 = arith.constant 16 : index
        %swap3A_1871 = tpu.vector_load %arg6[%swap3A_1868, %swap3A_1869, %swap3A_1870] {strides = array<i32>} : memref<2x8x128xi32, #tpu.memory_space<vmem>>, vector<1x1x16xi32>,
        %swap3A_1872 = vector.shape_cast %swap3A_1871 : vector<1x1x16xi32> to vector<16xi32>
        %swap3A_1873 = vector.shape_cast %add3A_1866 : vector<16xi32> to vector<1x1x16xi32>
        tpu.vector_store %arg6[%swap3A_1868, %swap3A_1869, %swap3A_1870], %swap3A_1873 {strides = array<i32>} : memref<2x8x128xi32, #tpu.memory_space<vmem>>, vector<1x1x16xi32>,
        %get3A_1874 = arith.constant 2 : i32
        %get3A_1875 = arith.index_cast %select_n3A_1208 : i32 to index
        %get3A_1876 = arith.index_cast %get3A_1874 : i32 to index
        %get3A_1877 = arith.constant 32 : index
        %get3A_1878 = tpu.vector_load %arg6[%get3A_1875, %get3A_1876, %get3A_1877] {strides = array<i32>} : memref<2x8x128xi32, #tpu.memory_space<vmem>>, vector<1x1x16xi32>,
        %get3A_1879 = vector.shape_cast %get3A_1878 : vector<1x1x16xi32> to vector<16xi32>
        %add3A_1880 = vector.broadcast %mul3A_48 : i32 to vector<16xi32>
        %add3A_1881 = arith.addi %get3A_1879, %add3A_1880 : vector<16xi32>
        %swap3A_1882 = arith.constant 2 : i32
        %swap3A_1883 = arith.index_cast %select_n3A_1208 : i32 to index
        %swap3A_1884 = arith.index_cast %swap3A_1882 : i32 to index
        %swap3A_1885 = arith.constant 32 : index
        %swap3A_1886 = tpu.vector_load %arg6[%swap3A_1883, %swap3A_1884, %swap3A_1885] {strides = array<i32>} : memref<2x8x128xi32, #tpu.memory_space<vmem>>, vector<1x1x16xi32>,
        %swap3A_1887 = vector.shape_cast %swap3A_1886 : vector<1x1x16xi32> to vector<16xi32>
        %swap3A_1888 = vector.shape_cast %add3A_1881 : vector<16xi32> to vector<1x1x16xi32>
        tpu.vector_store %arg6[%swap3A_1883, %swap3A_1884, %swap3A_1885], %swap3A_1888 {strides = array<i32>} : memref<2x8x128xi32, #tpu.memory_space<vmem>>, vector<1x1x16xi32>,
        %get3A_1889 = arith.constant 2 : i32
        %get3A_1890 = arith.index_cast %select_n3A_1208 : i32 to index
        %get3A_1891 = arith.index_cast %get3A_1889 : i32 to index
        %get3A_1892 = arith.constant 48 : index
        %get3A_1893 = tpu.vector_load %arg6[%get3A_1890, %get3A_1891, %get3A_1892] {strides = array<i32>} : memref<2x8x128xi32, #tpu.memory_space<vmem>>, vector<1x1x16xi32>,
        %get3A_1894 = vector.shape_cast %get3A_1893 : vector<1x1x16xi32> to vector<16xi32>
        %add3A_1895 = vector.broadcast %mul3A_48 : i32 to vector<16xi32>
        %add3A_1896 = arith.addi %get3A_1894, %add3A_1895 : vector<16xi32>
        %swap3A_1897 = arith.constant 2 : i32
        %swap3A_1898 = arith.index_cast %select_n3A_1208 : i32 to index
        %swap3A_1899 = arith.index_cast %swap3A_1897 : i32 to index
        %swap3A_1900 = arith.constant 48 : index
        %swap3A_1901 = tpu.vector_load %arg6[%swap3A_1898, %swap3A_1899, %swap3A_1900] {strides = array<i32>} : memref<2x8x128xi32, #tpu.memory_space<vmem>>, vector<1x1x16xi32>,
        %swap3A_1902 = vector.shape_cast %swap3A_1901 : vector<1x1x16xi32> to vector<16xi32>
        %swap3A_1903 = vector.shape_cast %add3A_1896 : vector<16xi32> to vector<1x1x16xi32>
        tpu.vector_store %arg6[%swap3A_1898, %swap3A_1899, %swap3A_1900], %swap3A_1903 {strides = array<i32>} : memref<2x8x128xi32, #tpu.memory_space<vmem>>, vector<1x1x16xi32>,
        %get3A_1904 = arith.constant 2 : i32
        %get3A_1905 = arith.index_cast %select_n3A_1208 : i32 to index
        %get3A_1906 = arith.index_cast %get3A_1904 : i32 to index
        %get3A_1907 = arith.constant 64 : index
        %get3A_1908 = tpu.vector_load %arg6[%get3A_1905, %get3A_1906, %get3A_1907] {strides = array<i32>} : memref<2x8x128xi32, #tpu.memory_space<vmem>>, vector<1x1x16xi32>,
        %get3A_1909 = vector.shape_cast %get3A_1908 : vector<1x1x16xi32> to vector<16xi32>
        %add3A_1910 = vector.broadcast %mul3A_48 : i32 to vector<16xi32>
        %add3A_1911 = arith.addi %get3A_1909, %add3A_1910 : vector<16xi32>
        %swap3A_1912 = arith.constant 2 : i32
        %swap3A_1913 = arith.index_cast %select_n3A_1208 : i32 to index
        %swap3A_1914 = arith.index_cast %swap3A_1912 : i32 to index
        %swap3A_1915 = arith.constant 64 : index
        %swap3A_1916 = tpu.vector_load %arg6[%swap3A_1913, %swap3A_1914, %swap3A_1915] {strides = array<i32>} : memref<2x8x128xi32, #tpu.memory_space<vmem>>, vector<1x1x16xi32>,
        %swap3A_1917 = vector.shape_cast %swap3A_1916 : vector<1x1x16xi32> to vector<16xi32>
        %swap3A_1918 = vector.shape_cast %add3A_1911 : vector<16xi32> to vector<1x1x16xi32>
        tpu.vector_store %arg6[%swap3A_1913, %swap3A_1914, %swap3A_1915], %swap3A_1918 {strides = array<i32>} : memref<2x8x128xi32, #tpu.memory_space<vmem>>, vector<1x1x16xi32>,
        %get3A_1919 = arith.constant 2 : i32
        %get3A_1920 = arith.index_cast %select_n3A_1208 : i32 to index
        %get3A_1921 = arith.index_cast %get3A_1919 : i32 to index
        %get3A_1922 = arith.constant 80 : index
        %get3A_1923 = tpu.vector_load %arg6[%get3A_1920, %get3A_1921, %get3A_1922] {strides = array<i32>} : memref<2x8x128xi32, #tpu.memory_space<vmem>>, vector<1x1x16xi32>,
        %get3A_1924 = vector.shape_cast %get3A_1923 : vector<1x1x16xi32> to vector<16xi32>
        %add3A_1925 = vector.broadcast %mul3A_48 : i32 to vector<16xi32>
        %add3A_1926 = arith.addi %get3A_1924, %add3A_1925 : vector<16xi32>
        %swap3A_1927 = arith.constant 2 : i32
        %swap3A_1928 = arith.index_cast %select_n3A_1208 : i32 to index
        %swap3A_1929 = arith.index_cast %swap3A_1927 : i32 to index
        %swap3A_1930 = arith.constant 80 : index
        %swap3A_1931 = tpu.vector_load %arg6[%swap3A_1928, %swap3A_1929, %swap3A_1930] {strides = array<i32>} : memref<2x8x128xi32, #tpu.memory_space<vmem>>, vector<1x1x16xi32>,
        %swap3A_1932 = vector.shape_cast %swap3A_1931 : vector<1x1x16xi32> to vector<16xi32>
        %swap3A_1933 = vector.shape_cast %add3A_1926 : vector<16xi32> to vector<1x1x16xi32>
        tpu.vector_store %arg6[%swap3A_1928, %swap3A_1929, %swap3A_1930], %swap3A_1933 {strides = array<i32>} : memref<2x8x128xi32, #tpu.memory_space<vmem>>, vector<1x1x16xi32>,
        %get3A_1934 = arith.constant 2 : i32
        %get3A_1935 = arith.index_cast %select_n3A_1208 : i32 to index
        %get3A_1936 = arith.index_cast %get3A_1934 : i32 to index
        %get3A_1937 = arith.constant 96 : index
        %get3A_1938 = tpu.vector_load %arg6[%get3A_1935, %get3A_1936, %get3A_1937] {strides = array<i32>} : memref<2x8x128xi32, #tpu.memory_space<vmem>>, vector<1x1x16xi32>,
        %get3A_1939 = vector.shape_cast %get3A_1938 : vector<1x1x16xi32> to vector<16xi32>
        %add3A_1940 = vector.broadcast %mul3A_48 : i32 to vector<16xi32>
        %add3A_1941 = arith.addi %get3A_1939, %add3A_1940 : vector<16xi32>
        %swap3A_1942 = arith.constant 2 : i32
        %swap3A_1943 = arith.index_cast %select_n3A_1208 : i32 to index
        %swap3A_1944 = arith.index_cast %swap3A_1942 : i32 to index
        %swap3A_1945 = arith.constant 96 : index
        %swap3A_1946 = tpu.vector_load %arg6[%swap3A_1943, %swap3A_1944, %swap3A_1945] {strides = array<i32>} : memref<2x8x128xi32, #tpu.memory_space<vmem>>, vector<1x1x16xi32>,
        %swap3A_1947 = vector.shape_cast %swap3A_1946 : vector<1x1x16xi32> to vector<16xi32>
        %swap3A_1948 = vector.shape_cast %add3A_1941 : vector<16xi32> to vector<1x1x16xi32>
        tpu.vector_store %arg6[%swap3A_1943, %swap3A_1944, %swap3A_1945], %swap3A_1948 {strides = array<i32>} : memref<2x8x128xi32, #tpu.memory_space<vmem>>, vector<1x1x16xi32>,
        %get3A_1949 = arith.constant 2 : i32
        %get3A_1950 = arith.index_cast %select_n3A_1208 : i32 to index
        %get3A_1951 = arith.index_cast %get3A_1949 : i32 to index
        %get3A_1952 = arith.constant 112 : index
        %get3A_1953 = tpu.vector_load %arg6[%get3A_1950, %get3A_1951, %get3A_1952] {strides = array<i32>} : memref<2x8x128xi32, #tpu.memory_space<vmem>>, vector<1x1x16xi32>,
        %get3A_1954 = vector.shape_cast %get3A_1953 : vector<1x1x16xi32> to vector<16xi32>
        %add3A_1955 = vector.broadcast %mul3A_48 : i32 to vector<16xi32>
        %add3A_1956 = arith.addi %get3A_1954, %add3A_1955 : vector<16xi32>
        %swap3A_1957 = arith.constant 2 : i32
        %swap3A_1958 = arith.index_cast %select_n3A_1208 : i32 to index
        %swap3A_1959 = arith.index_cast %swap3A_1957 : i32 to index
        %swap3A_1960 = arith.constant 112 : index
        %swap3A_1961 = tpu.vector_load %arg6[%swap3A_1958, %swap3A_1959, %swap3A_1960] {strides = array<i32>} : memref<2x8x128xi32, #tpu.memory_space<vmem>>, vector<1x1x16xi32>,
        %swap3A_1962 = vector.shape_cast %swap3A_1961 : vector<1x1x16xi32> to vector<16xi32>
        %swap3A_1963 = vector.shape_cast %add3A_1956 : vector<16xi32> to vector<1x1x16xi32>
        tpu.vector_store %arg6[%swap3A_1958, %swap3A_1959, %swap3A_1960], %swap3A_1963 {strides = array<i32>} : memref<2x8x128xi32, #tpu.memory_space<vmem>>, vector<1x1x16xi32>,
        %get3A_1964 = arith.constant 3 : i32
        %get3A_1965 = arith.index_cast %select_n3A_1208 : i32 to index
        %get3A_1966 = arith.index_cast %get3A_1964 : i32 to index
        %get3A_1967 = arith.constant 0 : index
        %get3A_1968 = tpu.vector_load %arg6[%get3A_1965, %get3A_1966, %get3A_1967] {strides = array<i32>} : memref<2x8x128xi32, #tpu.memory_space<vmem>>, vector<1x1x16xi32>,
        %get3A_1969 = vector.shape_cast %get3A_1968 : vector<1x1x16xi32> to vector<16xi32>
        %add3A_1970 = vector.broadcast %mul3A_48 : i32 to vector<16xi32>
        %add3A_1971 = arith.addi %get3A_1969, %add3A_1970 : vector<16xi32>
        %swap3A_1972 = arith.constant 3 : i32
        %swap3A_1973 = arith.index_cast %select_n3A_1208 : i32 to index
        %swap3A_1974 = arith.index_cast %swap3A_1972 : i32 to index
        %swap3A_1975 = arith.constant 0 : index
        %swap3A_1976 = tpu.vector_load %arg6[%swap3A_1973, %swap3A_1974, %swap3A_1975] {strides = array<i32>} : memref<2x8x128xi32, #tpu.memory_space<vmem>>, vector<1x1x16xi32>,
        %swap3A_1977 = vector.shape_cast %swap3A_1976 : vector<1x1x16xi32> to vector<16xi32>
        %swap3A_1978 = vector.shape_cast %add3A_1971 : vector<16xi32> to vector<1x1x16xi32>
        tpu.vector_store %arg6[%swap3A_1973, %swap3A_1974, %swap3A_1975], %swap3A_1978 {strides = array<i32>} : memref<2x8x128xi32, #tpu.memory_space<vmem>>, vector<1x1x16xi32>,
        %get3A_1979 = arith.constant 3 : i32
        %get3A_1980 = arith.index_cast %select_n3A_1208 : i32 to index
        %get3A_1981 = arith.index_cast %get3A_1979 : i32 to index
        %get3A_1982 = arith.constant 16 : index
        %get3A_1983 = tpu.vector_load %arg6[%get3A_1980, %get3A_1981, %get3A_1982] {strides = array<i32>} : memref<2x8x128xi32, #tpu.memory_space<vmem>>, vector<1x1x16xi32>,
        %get3A_1984 = vector.shape_cast %get3A_1983 : vector<1x1x16xi32> to vector<16xi32>
        %add3A_1985 = vector.broadcast %mul3A_48 : i32 to vector<16xi32>
        %add3A_1986 = arith.addi %get3A_1984, %add3A_1985 : vector<16xi32>
        %swap3A_1987 = arith.constant 3 : i32
        %swap3A_1988 = arith.index_cast %select_n3A_1208 : i32 to index
        %swap3A_1989 = arith.index_cast %swap3A_1987 : i32 to index
        %swap3A_1990 = arith.constant 16 : index
        %swap3A_1991 = tpu.vector_load %arg6[%swap3A_1988, %swap3A_1989, %swap3A_1990] {strides = array<i32>} : memref<2x8x128xi32, #tpu.memory_space<vmem>>, vector<1x1x16xi32>,
        %swap3A_1992 = vector.shape_cast %swap3A_1991 : vector<1x1x16xi32> to vector<16xi32>
        %swap3A_1993 = vector.shape_cast %add3A_1986 : vector<16xi32> to vector<1x1x16xi32>
        tpu.vector_store %arg6[%swap3A_1988, %swap3A_1989, %swap3A_1990], %swap3A_1993 {strides = array<i32>} : memref<2x8x128xi32, #tpu.memory_space<vmem>>, vector<1x1x16xi32>,
        %get3A_1994 = arith.constant 3 : i32
        %get3A_1995 = arith.index_cast %select_n3A_1208 : i32 to index
        %get3A_1996 = arith.index_cast %get3A_1994 : i32 to index
        %get3A_1997 = arith.constant 32 : index
        %get3A_1998 = tpu.vector_load %arg6[%get3A_1995, %get3A_1996, %get3A_1997] {strides = array<i32>} : memref<2x8x128xi32, #tpu.memory_space<vmem>>, vector<1x1x16xi32>,
        %get3A_1999 = vector.shape_cast %get3A_1998 : vector<1x1x16xi32> to vector<16xi32>
        %add3A_2000 = vector.broadcast %mul3A_48 : i32 to vector<16xi32>
        %add3A_2001 = arith.addi %get3A_1999, %add3A_2000 : vector<16xi32>
        %swap3A_2002 = arith.constant 3 : i32
        %swap3A_2003 = arith.index_cast %select_n3A_1208 : i32 to index
        %swap3A_2004 = arith.index_cast %swap3A_2002 : i32 to index
        %swap3A_2005 = arith.constant 32 : index
        %swap3A_2006 = tpu.vector_load %arg6[%swap3A_2003, %swap3A_2004, %swap3A_2005] {strides = array<i32>} : memref<2x8x128xi32, #tpu.memory_space<vmem>>, vector<1x1x16xi32>,
        %swap3A_2007 = vector.shape_cast %swap3A_2006 : vector<1x1x16xi32> to vector<16xi32>
        %swap3A_2008 = vector.shape_cast %add3A_2001 : vector<16xi32> to vector<1x1x16xi32>
        tpu.vector_store %arg6[%swap3A_2003, %swap3A_2004, %swap3A_2005], %swap3A_2008 {strides = array<i32>} : memref<2x8x128xi32, #tpu.memory_space<vmem>>, vector<1x1x16xi32>,
        %get3A_2009 = arith.constant 3 : i32
        %get3A_2010 = arith.index_cast %select_n3A_1208 : i32 to index
        %get3A_2011 = arith.index_cast %get3A_2009 : i32 to index
        %get3A_2012 = arith.constant 48 : index
        %get3A_2013 = tpu.vector_load %arg6[%get3A_2010, %get3A_2011, %get3A_2012] {strides = array<i32>} : memref<2x8x128xi32, #tpu.memory_space<vmem>>, vector<1x1x16xi32>,
        %get3A_2014 = vector.shape_cast %get3A_2013 : vector<1x1x16xi32> to vector<16xi32>
        %add3A_2015 = vector.broadcast %mul3A_48 : i32 to vector<16xi32>
        %add3A_2016 = arith.addi %get3A_2014, %add3A_2015 : vector<16xi32>
        %swap3A_2017 = arith.constant 3 : i32
        %swap3A_2018 = arith.index_cast %select_n3A_1208 : i32 to index
        %swap3A_2019 = arith.index_cast %swap3A_2017 : i32 to index
        %swap3A_2020 = arith.constant 48 : index
        %swap3A_2021 = tpu.vector_load %arg6[%swap3A_2018, %swap3A_2019, %swap3A_2020] {strides = array<i32>} : memref<2x8x128xi32, #tpu.memory_space<vmem>>, vector<1x1x16xi32>,
        %swap3A_2022 = vector.shape_cast %swap3A_2021 : vector<1x1x16xi32> to vector<16xi32>
        %swap3A_2023 = vector.shape_cast %add3A_2016 : vector<16xi32> to vector<1x1x16xi32>
        tpu.vector_store %arg6[%swap3A_2018, %swap3A_2019, %swap3A_2020], %swap3A_2023 {strides = array<i32>} : memref<2x8x128xi32, #tpu.memory_space<vmem>>, vector<1x1x16xi32>,
        %get3A_2024 = arith.constant 3 : i32
        %get3A_2025 = arith.index_cast %select_n3A_1208 : i32 to index
        %get3A_2026 = arith.index_cast %get3A_2024 : i32 to index
        %get3A_2027 = arith.constant 64 : index
        %get3A_2028 = tpu.vector_load %arg6[%get3A_2025, %get3A_2026, %get3A_2027] {strides = array<i32>} : memref<2x8x128xi32, #tpu.memory_space<vmem>>, vector<1x1x16xi32>,
        %get3A_2029 = vector.shape_cast %get3A_2028 : vector<1x1x16xi32> to vector<16xi32>
        %add3A_2030 = vector.broadcast %mul3A_48 : i32 to vector<16xi32>
        %add3A_2031 = arith.addi %get3A_2029, %add3A_2030 : vector<16xi32>
        %swap3A_2032 = arith.constant 3 : i32
        %swap3A_2033 = arith.index_cast %select_n3A_1208 : i32 to index
        %swap3A_2034 = arith.index_cast %swap3A_2032 : i32 to index
        %swap3A_2035 = arith.constant 64 : index
        %swap3A_2036 = tpu.vector_load %arg6[%swap3A_2033, %swap3A_2034, %swap3A_2035] {strides = array<i32>} : memref<2x8x128xi32, #tpu.memory_space<vmem>>, vector<1x1x16xi32>,
        %swap3A_2037 = vector.shape_cast %swap3A_2036 : vector<1x1x16xi32> to vector<16xi32>
        %swap3A_2038 = vector.shape_cast %add3A_2031 : vector<16xi32> to vector<1x1x16xi32>
        tpu.vector_store %arg6[%swap3A_2033, %swap3A_2034, %swap3A_2035], %swap3A_2038 {strides = array<i32>} : memref<2x8x128xi32, #tpu.memory_space<vmem>>, vector<1x1x16xi32>,
        %get3A_2039 = arith.constant 3 : i32
        %get3A_2040 = arith.index_cast %select_n3A_1208 : i32 to index
        %get3A_2041 = arith.index_cast %get3A_2039 : i32 to index
        %get3A_2042 = arith.constant 80 : index
        %get3A_2043 = tpu.vector_load %arg6[%get3A_2040, %get3A_2041, %get3A_2042] {strides = array<i32>} : memref<2x8x128xi32, #tpu.memory_space<vmem>>, vector<1x1x16xi32>,
        %get3A_2044 = vector.shape_cast %get3A_2043 : vector<1x1x16xi32> to vector<16xi32>
        %add3A_2045 = vector.broadcast %mul3A_48 : i32 to vector<16xi32>
        %add3A_2046 = arith.addi %get3A_2044, %add3A_2045 : vector<16xi32>
        %swap3A_2047 = arith.constant 3 : i32
        %swap3A_2048 = arith.index_cast %select_n3A_1208 : i32 to index
        %swap3A_2049 = arith.index_cast %swap3A_2047 : i32 to index
        %swap3A_2050 = arith.constant 80 : index
        %swap3A_2051 = tpu.vector_load %arg6[%swap3A_2048, %swap3A_2049, %swap3A_2050] {strides = array<i32>} : memref<2x8x128xi32, #tpu.memory_space<vmem>>, vector<1x1x16xi32>,
        %swap3A_2052 = vector.shape_cast %swap3A_2051 : vector<1x1x16xi32> to vector<16xi32>
        %swap3A_2053 = vector.shape_cast %add3A_2046 : vector<16xi32> to vector<1x1x16xi32>
        tpu.vector_store %arg6[%swap3A_2048, %swap3A_2049, %swap3A_2050], %swap3A_2053 {strides = array<i32>} : memref<2x8x128xi32, #tpu.memory_space<vmem>>, vector<1x1x16xi32>,
        %get3A_2054 = arith.constant 3 : i32
        %get3A_2055 = arith.index_cast %select_n3A_1208 : i32 to index
        %get3A_2056 = arith.index_cast %get3A_2054 : i32 to index
        %get3A_2057 = arith.constant 96 : index
        %get3A_2058 = tpu.vector_load %arg6[%get3A_2055, %get3A_2056, %get3A_2057] {strides = array<i32>} : memref<2x8x128xi32, #tpu.memory_space<vmem>>, vector<1x1x16xi32>,
        %get3A_2059 = vector.shape_cast %get3A_2058 : vector<1x1x16xi32> to vector<16xi32>
        %add3A_2060 = vector.broadcast %mul3A_48 : i32 to vector<16xi32>
        %add3A_2061 = arith.addi %get3A_2059, %add3A_2060 : vector<16xi32>
        %swap3A_2062 = arith.constant 3 : i32
        %swap3A_2063 = arith.index_cast %select_n3A_1208 : i32 to index
        %swap3A_2064 = arith.index_cast %swap3A_2062 : i32 to index
        %swap3A_2065 = arith.constant 96 : index
        %swap3A_2066 = tpu.vector_load %arg6[%swap3A_2063, %swap3A_2064, %swap3A_2065] {strides = array<i32>} : memref<2x8x128xi32, #tpu.memory_space<vmem>>, vector<1x1x16xi32>,
        %swap3A_2067 = vector.shape_cast %swap3A_2066 : vector<1x1x16xi32> to vector<16xi32>
        %swap3A_2068 = vector.shape_cast %add3A_2061 : vector<16xi32> to vector<1x1x16xi32>
        tpu.vector_store %arg6[%swap3A_2063, %swap3A_2064, %swap3A_2065], %swap3A_2068 {strides = array<i32>} : memref<2x8x128xi32, #tpu.memory_space<vmem>>, vector<1x1x16xi32>,
        %get3A_2069 = arith.constant 3 : i32
        %get3A_2070 = arith.index_cast %select_n3A_1208 : i32 to index
        %get3A_2071 = arith.index_cast %get3A_2069 : i32 to index
        %get3A_2072 = arith.constant 112 : index
        %get3A_2073 = tpu.vector_load %arg6[%get3A_2070, %get3A_2071, %get3A_2072] {strides = array<i32>} : memref<2x8x128xi32, #tpu.memory_space<vmem>>, vector<1x1x16xi32>,
        %get3A_2074 = vector.shape_cast %get3A_2073 : vector<1x1x16xi32> to vector<16xi32>
        %add3A_2075 = vector.broadcast %mul3A_48 : i32 to vector<16xi32>
        %add3A_2076 = arith.addi %get3A_2074, %add3A_2075 : vector<16xi32>
        %swap3A_2077 = arith.constant 3 : i32
        %swap3A_2078 = arith.index_cast %select_n3A_1208 : i32 to index
        %swap3A_2079 = arith.index_cast %swap3A_2077 : i32 to index
        %swap3A_2080 = arith.constant 112 : index
        %swap3A_2081 = tpu.vector_load %arg6[%swap3A_2078, %swap3A_2079, %swap3A_2080] {strides = array<i32>} : memref<2x8x128xi32, #tpu.memory_space<vmem>>, vector<1x1x16xi32>,
        %swap3A_2082 = vector.shape_cast %swap3A_2081 : vector<1x1x16xi32> to vector<16xi32>
        %swap3A_2083 = vector.shape_cast %add3A_2076 : vector<16xi32> to vector<1x1x16xi32>
        tpu.vector_store %arg6[%swap3A_2078, %swap3A_2079, %swap3A_2080], %swap3A_2083 {strides = array<i32>} : memref<2x8x128xi32, #tpu.memory_space<vmem>>, vector<1x1x16xi32>,
        %get3A_2084 = arith.constant 4 : i32
        %get3A_2085 = arith.index_cast %select_n3A_1208 : i32 to index
        %get3A_2086 = arith.index_cast %get3A_2084 : i32 to index
        %get3A_2087 = arith.constant 0 : index
        %get3A_2088 = tpu.vector_load %arg6[%get3A_2085, %get3A_2086, %get3A_2087] {strides = array<i32>} : memref<2x8x128xi32, #tpu.memory_space<vmem>>, vector<1x1x16xi32>,
        %get3A_2089 = vector.shape_cast %get3A_2088 : vector<1x1x16xi32> to vector<16xi32>
        %add3A_2090 = vector.broadcast %mul3A_48 : i32 to vector<16xi32>
        %add3A_2091 = arith.addi %get3A_2089, %add3A_2090 : vector<16xi32>
        %swap3A_2092 = arith.constant 4 : i32
        %swap3A_2093 = arith.index_cast %select_n3A_1208 : i32 to index
        %swap3A_2094 = arith.index_cast %swap3A_2092 : i32 to index
        %swap3A_2095 = arith.constant 0 : index
        %swap3A_2096 = tpu.vector_load %arg6[%swap3A_2093, %swap3A_2094, %swap3A_2095] {strides = array<i32>} : memref<2x8x128xi32, #tpu.memory_space<vmem>>, vector<1x1x16xi32>,
        %swap3A_2097 = vector.shape_cast %swap3A_2096 : vector<1x1x16xi32> to vector<16xi32>
        %swap3A_2098 = vector.shape_cast %add3A_2091 : vector<16xi32> to vector<1x1x16xi32>
        tpu.vector_store %arg6[%swap3A_2093, %swap3A_2094, %swap3A_2095], %swap3A_2098 {strides = array<i32>} : memref<2x8x128xi32, #tpu.memory_space<vmem>>, vector<1x1x16xi32>,
        %get3A_2099 = arith.constant 4 : i32
        %get3A_2100 = arith.index_cast %select_n3A_1208 : i32 to index
        %get3A_2101 = arith.index_cast %get3A_2099 : i32 to index
        %get3A_2102 = arith.constant 16 : index
        %get3A_2103 = tpu.vector_load %arg6[%get3A_2100, %get3A_2101, %get3A_2102] {strides = array<i32>} : memref<2x8x128xi32, #tpu.memory_space<vmem>>, vector<1x1x16xi32>,
        %get3A_2104 = vector.shape_cast %get3A_2103 : vector<1x1x16xi32> to vector<16xi32>
        %add3A_2105 = vector.broadcast %mul3A_48 : i32 to vector<16xi32>
        %add3A_2106 = arith.addi %get3A_2104, %add3A_2105 : vector<16xi32>
        %swap3A_2107 = arith.constant 4 : i32
        %swap3A_2108 = arith.index_cast %select_n3A_1208 : i32 to index
        %swap3A_2109 = arith.index_cast %swap3A_2107 : i32 to index
        %swap3A_2110 = arith.constant 16 : index
        %swap3A_2111 = tpu.vector_load %arg6[%swap3A_2108, %swap3A_2109, %swap3A_2110] {strides = array<i32>} : memref<2x8x128xi32, #tpu.memory_space<vmem>>, vector<1x1x16xi32>,
        %swap3A_2112 = vector.shape_cast %swap3A_2111 : vector<1x1x16xi32> to vector<16xi32>
        %swap3A_2113 = vector.shape_cast %add3A_2106 : vector<16xi32> to vector<1x1x16xi32>
        tpu.vector_store %arg6[%swap3A_2108, %swap3A_2109, %swap3A_2110], %swap3A_2113 {strides = array<i32>} : memref<2x8x128xi32, #tpu.memory_space<vmem>>, vector<1x1x16xi32>,
        %get3A_2114 = arith.constant 4 : i32
        %get3A_2115 = arith.index_cast %select_n3A_1208 : i32 to index
        %get3A_2116 = arith.index_cast %get3A_2114 : i32 to index
        %get3A_2117 = arith.constant 32 : index
        %get3A_2118 = tpu.vector_load %arg6[%get3A_2115, %get3A_2116, %get3A_2117] {strides = array<i32>} : memref<2x8x128xi32, #tpu.memory_space<vmem>>, vector<1x1x16xi32>,
        %get3A_2119 = vector.shape_cast %get3A_2118 : vector<1x1x16xi32> to vector<16xi32>
        %add3A_2120 = vector.broadcast %mul3A_48 : i32 to vector<16xi32>
        %add3A_2121 = arith.addi %get3A_2119, %add3A_2120 : vector<16xi32>
        %swap3A_2122 = arith.constant 4 : i32
        %swap3A_2123 = arith.index_cast %select_n3A_1208 : i32 to index
        %swap3A_2124 = arith.index_cast %swap3A_2122 : i32 to index
        %swap3A_2125 = arith.constant 32 : index
        %swap3A_2126 = tpu.vector_load %arg6[%swap3A_2123, %swap3A_2124, %swap3A_2125] {strides = array<i32>} : memref<2x8x128xi32, #tpu.memory_space<vmem>>, vector<1x1x16xi32>,
        %swap3A_2127 = vector.shape_cast %swap3A_2126 : vector<1x1x16xi32> to vector<16xi32>
        %swap3A_2128 = vector.shape_cast %add3A_2121 : vector<16xi32> to vector<1x1x16xi32>
        tpu.vector_store %arg6[%swap3A_2123, %swap3A_2124, %swap3A_2125], %swap3A_2128 {strides = array<i32>} : memref<2x8x128xi32, #tpu.memory_space<vmem>>, vector<1x1x16xi32>,
        %get3A_2129 = arith.constant 4 : i32
        %get3A_2130 = arith.index_cast %select_n3A_1208 : i32 to index
        %get3A_2131 = arith.index_cast %get3A_2129 : i32 to index
        %get3A_2132 = arith.constant 48 : index
        %get3A_2133 = tpu.vector_load %arg6[%get3A_2130, %get3A_2131, %get3A_2132] {strides = array<i32>} : memref<2x8x128xi32, #tpu.memory_space<vmem>>, vector<1x1x16xi32>,
        %get3A_2134 = vector.shape_cast %get3A_2133 : vector<1x1x16xi32> to vector<16xi32>
        %add3A_2135 = vector.broadcast %mul3A_48 : i32 to vector<16xi32>
        %add3A_2136 = arith.addi %get3A_2134, %add3A_2135 : vector<16xi32>
        %swap3A_2137 = arith.constant 4 : i32
        %swap3A_2138 = arith.index_cast %select_n3A_1208 : i32 to index
        %swap3A_2139 = arith.index_cast %swap3A_2137 : i32 to index
        %swap3A_2140 = arith.constant 48 : index
        %swap3A_2141 = tpu.vector_load %arg6[%swap3A_2138, %swap3A_2139, %swap3A_2140] {strides = array<i32>} : memref<2x8x128xi32, #tpu.memory_space<vmem>>, vector<1x1x16xi32>,
        %swap3A_2142 = vector.shape_cast %swap3A_2141 : vector<1x1x16xi32> to vector<16xi32>
        %swap3A_2143 = vector.shape_cast %add3A_2136 : vector<16xi32> to vector<1x1x16xi32>
        tpu.vector_store %arg6[%swap3A_2138, %swap3A_2139, %swap3A_2140], %swap3A_2143 {strides = array<i32>} : memref<2x8x128xi32, #tpu.memory_space<vmem>>, vector<1x1x16xi32>,
        %get3A_2144 = arith.constant 4 : i32
        %get3A_2145 = arith.index_cast %select_n3A_1208 : i32 to index
        %get3A_2146 = arith.index_cast %get3A_2144 : i32 to index
        %get3A_2147 = arith.constant 64 : index
        %get3A_2148 = tpu.vector_load %arg6[%get3A_2145, %get3A_2146, %get3A_2147] {strides = array<i32>} : memref<2x8x128xi32, #tpu.memory_space<vmem>>, vector<1x1x16xi32>,
        %get3A_2149 = vector.shape_cast %get3A_2148 : vector<1x1x16xi32> to vector<16xi32>
        %add3A_2150 = vector.broadcast %mul3A_48 : i32 to vector<16xi32>
        %add3A_2151 = arith.addi %get3A_2149, %add3A_2150 : vector<16xi32>
        %swap3A_2152 = arith.constant 4 : i32
        %swap3A_2153 = arith.index_cast %select_n3A_1208 : i32 to index
        %swap3A_2154 = arith.index_cast %swap3A_2152 : i32 to index
        %swap3A_2155 = arith.constant 64 : index
        %swap3A_2156 = tpu.vector_load %arg6[%swap3A_2153, %swap3A_2154, %swap3A_2155] {strides = array<i32>} : memref<2x8x128xi32, #tpu.memory_space<vmem>>, vector<1x1x16xi32>,
        %swap3A_2157 = vector.shape_cast %swap3A_2156 : vector<1x1x16xi32> to vector<16xi32>
        %swap3A_2158 = vector.shape_cast %add3A_2151 : vector<16xi32> to vector<1x1x16xi32>
        tpu.vector_store %arg6[%swap3A_2153, %swap3A_2154, %swap3A_2155], %swap3A_2158 {strides = array<i32>} : memref<2x8x128xi32, #tpu.memory_space<vmem>>, vector<1x1x16xi32>,
        %get3A_2159 = arith.constant 4 : i32
        %get3A_2160 = arith.index_cast %select_n3A_1208 : i32 to index
        %get3A_2161 = arith.index_cast %get3A_2159 : i32 to index
        %get3A_2162 = arith.constant 80 : index
        %get3A_2163 = tpu.vector_load %arg6[%get3A_2160, %get3A_2161, %get3A_2162] {strides = array<i32>} : memref<2x8x128xi32, #tpu.memory_space<vmem>>, vector<1x1x16xi32>,
        %get3A_2164 = vector.shape_cast %get3A_2163 : vector<1x1x16xi32> to vector<16xi32>
        %add3A_2165 = vector.broadcast %mul3A_48 : i32 to vector<16xi32>
        %add3A_2166 = arith.addi %get3A_2164, %add3A_2165 : vector<16xi32>
        %swap3A_2167 = arith.constant 4 : i32
        %swap3A_2168 = arith.index_cast %select_n3A_1208 : i32 to index
        %swap3A_2169 = arith.index_cast %swap3A_2167 : i32 to index
        %swap3A_2170 = arith.constant 80 : index
        %swap3A_2171 = tpu.vector_load %arg6[%swap3A_2168, %swap3A_2169, %swap3A_2170] {strides = array<i32>} : memref<2x8x128xi32, #tpu.memory_space<vmem>>, vector<1x1x16xi32>,
        %swap3A_2172 = vector.shape_cast %swap3A_2171 : vector<1x1x16xi32> to vector<16xi32>
        %swap3A_2173 = vector.shape_cast %add3A_2166 : vector<16xi32> to vector<1x1x16xi32>
        tpu.vector_store %arg6[%swap3A_2168, %swap3A_2169, %swap3A_2170], %swap3A_2173 {strides = array<i32>} : memref<2x8x128xi32, #tpu.memory_space<vmem>>, vector<1x1x16xi32>,
        %get3A_2174 = arith.constant 4 : i32
        %get3A_2175 = arith.index_cast %select_n3A_1208 : i32 to index
        %get3A_2176 = arith.index_cast %get3A_2174 : i32 to index
        %get3A_2177 = arith.constant 96 : index
        %get3A_2178 = tpu.vector_load %arg6[%get3A_2175, %get3A_2176, %get3A_2177] {strides = array<i32>} : memref<2x8x128xi32, #tpu.memory_space<vmem>>, vector<1x1x16xi32>,
        %get3A_2179 = vector.shape_cast %get3A_2178 : vector<1x1x16xi32> to vector<16xi32>
        %add3A_2180 = vector.broadcast %mul3A_48 : i32 to vector<16xi32>
        %add3A_2181 = arith.addi %get3A_2179, %add3A_2180 : vector<16xi32>
        %swap3A_2182 = arith.constant 4 : i32
        %swap3A_2183 = arith.index_cast %select_n3A_1208 : i32 to index
        %swap3A_2184 = arith.index_cast %swap3A_2182 : i32 to index
        %swap3A_2185 = arith.constant 96 : index
        %swap3A_2186 = tpu.vector_load %arg6[%swap3A_2183, %swap3A_2184, %swap3A_2185] {strides = array<i32>} : memref<2x8x128xi32, #tpu.memory_space<vmem>>, vector<1x1x16xi32>,
        %swap3A_2187 = vector.shape_cast %swap3A_2186 : vector<1x1x16xi32> to vector<16xi32>
        %swap3A_2188 = vector.shape_cast %add3A_2181 : vector<16xi32> to vector<1x1x16xi32>
        tpu.vector_store %arg6[%swap3A_2183, %swap3A_2184, %swap3A_2185], %swap3A_2188 {strides = array<i32>} : memref<2x8x128xi32, #tpu.memory_space<vmem>>, vector<1x1x16xi32>,
        %get3A_2189 = arith.constant 4 : i32
        %get3A_2190 = arith.index_cast %select_n3A_1208 : i32 to index
        %get3A_2191 = arith.index_cast %get3A_2189 : i32 to index
        %get3A_2192 = arith.constant 112 : index
        %get3A_2193 = tpu.vector_load %arg6[%get3A_2190, %get3A_2191, %get3A_2192] {strides = array<i32>} : memref<2x8x128xi32, #tpu.memory_space<vmem>>, vector<1x1x16xi32>,
        %get3A_2194 = vector.shape_cast %get3A_2193 : vector<1x1x16xi32> to vector<16xi32>
        %add3A_2195 = vector.broadcast %mul3A_48 : i32 to vector<16xi32>
        %add3A_2196 = arith.addi %get3A_2194, %add3A_2195 : vector<16xi32>
        %swap3A_2197 = arith.constant 4 : i32
        %swap3A_2198 = arith.index_cast %select_n3A_1208 : i32 to index
        %swap3A_2199 = arith.index_cast %swap3A_2197 : i32 to index
        %swap3A_2200 = arith.constant 112 : index
        %swap3A_2201 = tpu.vector_load %arg6[%swap3A_2198, %swap3A_2199, %swap3A_2200] {strides = array<i32>} : memref<2x8x128xi32, #tpu.memory_space<vmem>>, vector<1x1x16xi32>,
        %swap3A_2202 = vector.shape_cast %swap3A_2201 : vector<1x1x16xi32> to vector<16xi32>
        %swap3A_2203 = vector.shape_cast %add3A_2196 : vector<16xi32> to vector<1x1x16xi32>
        tpu.vector_store %arg6[%swap3A_2198, %swap3A_2199, %swap3A_2200], %swap3A_2203 {strides = array<i32>} : memref<2x8x128xi32, #tpu.memory_space<vmem>>, vector<1x1x16xi32>,
        %get3A_2204 = arith.constant 5 : i32
        %get3A_2205 = arith.index_cast %select_n3A_1208 : i32 to index
        %get3A_2206 = arith.index_cast %get3A_2204 : i32 to index
        %get3A_2207 = arith.constant 0 : index
        %get3A_2208 = tpu.vector_load %arg6[%get3A_2205, %get3A_2206, %get3A_2207] {strides = array<i32>} : memref<2x8x128xi32, #tpu.memory_space<vmem>>, vector<1x1x16xi32>,
        %get3A_2209 = vector.shape_cast %get3A_2208 : vector<1x1x16xi32> to vector<16xi32>
        %add3A_2210 = vector.broadcast %mul3A_48 : i32 to vector<16xi32>
        %add3A_2211 = arith.addi %get3A_2209, %add3A_2210 : vector<16xi32>
        %swap3A_2212 = arith.constant 5 : i32
        %swap3A_2213 = arith.index_cast %select_n3A_1208 : i32 to index
        %swap3A_2214 = arith.index_cast %swap3A_2212 : i32 to index
        %swap3A_2215 = arith.constant 0 : index
        %swap3A_2216 = tpu.vector_load %arg6[%swap3A_2213, %swap3A_2214, %swap3A_2215] {strides = array<i32>} : memref<2x8x128xi32, #tpu.memory_space<vmem>>, vector<1x1x16xi32>,
        %swap3A_2217 = vector.shape_cast %swap3A_2216 : vector<1x1x16xi32> to vector<16xi32>
        %swap3A_2218 = vector.shape_cast %add3A_2211 : vector<16xi32> to vector<1x1x16xi32>
        tpu.vector_store %arg6[%swap3A_2213, %swap3A_2214, %swap3A_2215], %swap3A_2218 {strides = array<i32>} : memref<2x8x128xi32, #tpu.memory_space<vmem>>, vector<1x1x16xi32>,
        %get3A_2219 = arith.constant 5 : i32
        %get3A_2220 = arith.index_cast %select_n3A_1208 : i32 to index
        %get3A_2221 = arith.index_cast %get3A_2219 : i32 to index
        %get3A_2222 = arith.constant 16 : index
        %get3A_2223 = tpu.vector_load %arg6[%get3A_2220, %get3A_2221, %get3A_2222] {strides = array<i32>} : memref<2x8x128xi32, #tpu.memory_space<vmem>>, vector<1x1x16xi32>,
        %get3A_2224 = vector.shape_cast %get3A_2223 : vector<1x1x16xi32> to vector<16xi32>
        %add3A_2225 = vector.broadcast %mul3A_48 : i32 to vector<16xi32>
        %add3A_2226 = arith.addi %get3A_2224, %add3A_2225 : vector<16xi32>
        %swap3A_2227 = arith.constant 5 : i32
        %swap3A_2228 = arith.index_cast %select_n3A_1208 : i32 to index
        %swap3A_2229 = arith.index_cast %swap3A_2227 : i32 to index
        %swap3A_2230 = arith.constant 16 : index
        %swap3A_2231 = tpu.vector_load %arg6[%swap3A_2228, %swap3A_2229, %swap3A_2230] {strides = array<i32>} : memref<2x8x128xi32, #tpu.memory_space<vmem>>, vector<1x1x16xi32>,
        %swap3A_2232 = vector.shape_cast %swap3A_2231 : vector<1x1x16xi32> to vector<16xi32>
        %swap3A_2233 = vector.shape_cast %add3A_2226 : vector<16xi32> to vector<1x1x16xi32>
        tpu.vector_store %arg6[%swap3A_2228, %swap3A_2229, %swap3A_2230], %swap3A_2233 {strides = array<i32>} : memref<2x8x128xi32, #tpu.memory_space<vmem>>, vector<1x1x16xi32>,
        %get3A_2234 = arith.constant 5 : i32
        %get3A_2235 = arith.index_cast %select_n3A_1208 : i32 to index
        %get3A_2236 = arith.index_cast %get3A_2234 : i32 to index
        %get3A_2237 = arith.constant 32 : index
        %get3A_2238 = tpu.vector_load %arg6[%get3A_2235, %get3A_2236, %get3A_2237] {strides = array<i32>} : memref<2x8x128xi32, #tpu.memory_space<vmem>>, vector<1x1x16xi32>,
        %get3A_2239 = vector.shape_cast %get3A_2238 : vector<1x1x16xi32> to vector<16xi32>
        %add3A_2240 = vector.broadcast %mul3A_48 : i32 to vector<16xi32>
        %add3A_2241 = arith.addi %get3A_2239, %add3A_2240 : vector<16xi32>
        %swap3A_2242 = arith.constant 5 : i32
        %swap3A_2243 = arith.index_cast %select_n3A_1208 : i32 to index
        %swap3A_2244 = arith.index_cast %swap3A_2242 : i32 to index
        %swap3A_2245 = arith.constant 32 : index
        %swap3A_2246 = tpu.vector_load %arg6[%swap3A_2243, %swap3A_2244, %swap3A_2245] {strides = array<i32>} : memref<2x8x128xi32, #tpu.memory_space<vmem>>, vector<1x1x16xi32>,
        %swap3A_2247 = vector.shape_cast %swap3A_2246 : vector<1x1x16xi32> to vector<16xi32>
        %swap3A_2248 = vector.shape_cast %add3A_2241 : vector<16xi32> to vector<1x1x16xi32>
        tpu.vector_store %arg6[%swap3A_2243, %swap3A_2244, %swap3A_2245], %swap3A_2248 {strides = array<i32>} : memref<2x8x128xi32, #tpu.memory_space<vmem>>, vector<1x1x16xi32>,
        %get3A_2249 = arith.constant 5 : i32
        %get3A_2250 = arith.index_cast %select_n3A_1208 : i32 to index
        %get3A_2251 = arith.index_cast %get3A_2249 : i32 to index
        %get3A_2252 = arith.constant 48 : index
        %get3A_2253 = tpu.vector_load %arg6[%get3A_2250, %get3A_2251, %get3A_2252] {strides = array<i32>} : memref<2x8x128xi32, #tpu.memory_space<vmem>>, vector<1x1x16xi32>,
        %get3A_2254 = vector.shape_cast %get3A_2253 : vector<1x1x16xi32> to vector<16xi32>
        %add3A_2255 = vector.broadcast %mul3A_48 : i32 to vector<16xi32>
        %add3A_2256 = arith.addi %get3A_2254, %add3A_2255 : vector<16xi32>
        %swap3A_2257 = arith.constant 5 : i32
        %swap3A_2258 = arith.index_cast %select_n3A_1208 : i32 to index
        %swap3A_2259 = arith.index_cast %swap3A_2257 : i32 to index
        %swap3A_2260 = arith.constant 48 : index
        %swap3A_2261 = tpu.vector_load %arg6[%swap3A_2258, %swap3A_2259, %swap3A_2260] {strides = array<i32>} : memref<2x8x128xi32, #tpu.memory_space<vmem>>, vector<1x1x16xi32>,
        %swap3A_2262 = vector.shape_cast %swap3A_2261 : vector<1x1x16xi32> to vector<16xi32>
        %swap3A_2263 = vector.shape_cast %add3A_2256 : vector<16xi32> to vector<1x1x16xi32>
        tpu.vector_store %arg6[%swap3A_2258, %swap3A_2259, %swap3A_2260], %swap3A_2263 {strides = array<i32>} : memref<2x8x128xi32, #tpu.memory_space<vmem>>, vector<1x1x16xi32>,
        %get3A_2264 = arith.constant 5 : i32
        %get3A_2265 = arith.index_cast %select_n3A_1208 : i32 to index
        %get3A_2266 = arith.index_cast %get3A_2264 : i32 to index
        %get3A_2267 = arith.constant 64 : index
        %get3A_2268 = tpu.vector_load %arg6[%get3A_2265, %get3A_2266, %get3A_2267] {strides = array<i32>} : memref<2x8x128xi32, #tpu.memory_space<vmem>>, vector<1x1x16xi32>,
        %get3A_2269 = vector.shape_cast %get3A_2268 : vector<1x1x16xi32> to vector<16xi32>
        %add3A_2270 = vector.broadcast %mul3A_48 : i32 to vector<16xi32>
        %add3A_2271 = arith.addi %get3A_2269, %add3A_2270 : vector<16xi32>
        %swap3A_2272 = arith.constant 5 : i32
        %swap3A_2273 = arith.index_cast %select_n3A_1208 : i32 to index
        %swap3A_2274 = arith.index_cast %swap3A_2272 : i32 to index
        %swap3A_2275 = arith.constant 64 : index
        %swap3A_2276 = tpu.vector_load %arg6[%swap3A_2273, %swap3A_2274, %swap3A_2275] {strides = array<i32>} : memref<2x8x128xi32, #tpu.memory_space<vmem>>, vector<1x1x16xi32>,
        %swap3A_2277 = vector.shape_cast %swap3A_2276 : vector<1x1x16xi32> to vector<16xi32>
        %swap3A_2278 = vector.shape_cast %add3A_2271 : vector<16xi32> to vector<1x1x16xi32>
        tpu.vector_store %arg6[%swap3A_2273, %swap3A_2274, %swap3A_2275], %swap3A_2278 {strides = array<i32>} : memref<2x8x128xi32, #tpu.memory_space<vmem>>, vector<1x1x16xi32>,
        %get3A_2279 = arith.constant 5 : i32
        %get3A_2280 = arith.index_cast %select_n3A_1208 : i32 to index
        %get3A_2281 = arith.index_cast %get3A_2279 : i32 to index
        %get3A_2282 = arith.constant 80 : index
        %get3A_2283 = tpu.vector_load %arg6[%get3A_2280, %get3A_2281, %get3A_2282] {strides = array<i32>} : memref<2x8x128xi32, #tpu.memory_space<vmem>>, vector<1x1x16xi32>,
        %get3A_2284 = vector.shape_cast %get3A_2283 : vector<1x1x16xi32> to vector<16xi32>
        %add3A_2285 = vector.broadcast %mul3A_48 : i32 to vector<16xi32>
        %add3A_2286 = arith.addi %get3A_2284, %add3A_2285 : vector<16xi32>
        %swap3A_2287 = arith.constant 5 : i32
        %swap3A_2288 = arith.index_cast %select_n3A_1208 : i32 to index
        %swap3A_2289 = arith.index_cast %swap3A_2287 : i32 to index
        %swap3A_2290 = arith.constant 80 : index
        %swap3A_2291 = tpu.vector_load %arg6[%swap3A_2288, %swap3A_2289, %swap3A_2290] {strides = array<i32>} : memref<2x8x128xi32, #tpu.memory_space<vmem>>, vector<1x1x16xi32>,
        %swap3A_2292 = vector.shape_cast %swap3A_2291 : vector<1x1x16xi32> to vector<16xi32>
        %swap3A_2293 = vector.shape_cast %add3A_2286 : vector<16xi32> to vector<1x1x16xi32>
        tpu.vector_store %arg6[%swap3A_2288, %swap3A_2289, %swap3A_2290], %swap3A_2293 {strides = array<i32>} : memref<2x8x128xi32, #tpu.memory_space<vmem>>, vector<1x1x16xi32>,
        %get3A_2294 = arith.constant 5 : i32
        %get3A_2295 = arith.index_cast %select_n3A_1208 : i32 to index
        %get3A_2296 = arith.index_cast %get3A_2294 : i32 to index
        %get3A_2297 = arith.constant 96 : index
        %get3A_2298 = tpu.vector_load %arg6[%get3A_2295, %get3A_2296, %get3A_2297] {strides = array<i32>} : memref<2x8x128xi32, #tpu.memory_space<vmem>>, vector<1x1x16xi32>,
        %get3A_2299 = vector.shape_cast %get3A_2298 : vector<1x1x16xi32> to vector<16xi32>
        %add3A_2300 = vector.broadcast %mul3A_48 : i32 to vector<16xi32>
        %add3A_2301 = arith.addi %get3A_2299, %add3A_2300 : vector<16xi32>
        %swap3A_2302 = arith.constant 5 : i32
        %swap3A_2303 = arith.index_cast %select_n3A_1208 : i32 to index
        %swap3A_2304 = arith.index_cast %swap3A_2302 : i32 to index
        %swap3A_2305 = arith.constant 96 : index
        %swap3A_2306 = tpu.vector_load %arg6[%swap3A_2303, %swap3A_2304, %swap3A_2305] {strides = array<i32>} : memref<2x8x128xi32, #tpu.memory_space<vmem>>, vector<1x1x16xi32>,
        %swap3A_2307 = vector.shape_cast %swap3A_2306 : vector<1x1x16xi32> to vector<16xi32>
        %swap3A_2308 = vector.shape_cast %add3A_2301 : vector<16xi32> to vector<1x1x16xi32>
        tpu.vector_store %arg6[%swap3A_2303, %swap3A_2304, %swap3A_2305], %swap3A_2308 {strides = array<i32>} : memref<2x8x128xi32, #tpu.memory_space<vmem>>, vector<1x1x16xi32>,
        %get3A_2309 = arith.constant 5 : i32
        %get3A_2310 = arith.index_cast %select_n3A_1208 : i32 to index
        %get3A_2311 = arith.index_cast %get3A_2309 : i32 to index
        %get3A_2312 = arith.constant 112 : index
        %get3A_2313 = tpu.vector_load %arg6[%get3A_2310, %get3A_2311, %get3A_2312] {strides = array<i32>} : memref<2x8x128xi32, #tpu.memory_space<vmem>>, vector<1x1x16xi32>,
        %get3A_2314 = vector.shape_cast %get3A_2313 : vector<1x1x16xi32> to vector<16xi32>
        %add3A_2315 = vector.broadcast %mul3A_48 : i32 to vector<16xi32>
        %add3A_2316 = arith.addi %get3A_2314, %add3A_2315 : vector<16xi32>
        %swap3A_2317 = arith.constant 5 : i32
        %swap3A_2318 = arith.index_cast %select_n3A_1208 : i32 to index
        %swap3A_2319 = arith.index_cast %swap3A_2317 : i32 to index
        %swap3A_2320 = arith.constant 112 : index
        %swap3A_2321 = tpu.vector_load %arg6[%swap3A_2318, %swap3A_2319, %swap3A_2320] {strides = array<i32>} : memref<2x8x128xi32, #tpu.memory_space<vmem>>, vector<1x1x16xi32>,
        %swap3A_2322 = vector.shape_cast %swap3A_2321 : vector<1x1x16xi32> to vector<16xi32>
        %swap3A_2323 = vector.shape_cast %add3A_2316 : vector<16xi32> to vector<1x1x16xi32>
        tpu.vector_store %arg6[%swap3A_2318, %swap3A_2319, %swap3A_2320], %swap3A_2323 {strides = array<i32>} : memref<2x8x128xi32, #tpu.memory_space<vmem>>, vector<1x1x16xi32>,
        %get3A_2324 = arith.constant 6 : i32
        %get3A_2325 = arith.index_cast %select_n3A_1208 : i32 to index
        %get3A_2326 = arith.index_cast %get3A_2324 : i32 to index
        %get3A_2327 = arith.constant 0 : index
        %get3A_2328 = tpu.vector_load %arg6[%get3A_2325, %get3A_2326, %get3A_2327] {strides = array<i32>} : memref<2x8x128xi32, #tpu.memory_space<vmem>>, vector<1x1x16xi32>,
        %get3A_2329 = vector.shape_cast %get3A_2328 : vector<1x1x16xi32> to vector<16xi32>
        %add3A_2330 = vector.broadcast %mul3A_48 : i32 to vector<16xi32>
        %add3A_2331 = arith.addi %get3A_2329, %add3A_2330 : vector<16xi32>
        %swap3A_2332 = arith.constant 6 : i32
        %swap3A_2333 = arith.index_cast %select_n3A_1208 : i32 to index
        %swap3A_2334 = arith.index_cast %swap3A_2332 : i32 to index
        %swap3A_2335 = arith.constant 0 : index
        %swap3A_2336 = tpu.vector_load %arg6[%swap3A_2333, %swap3A_2334, %swap3A_2335] {strides = array<i32>} : memref<2x8x128xi32, #tpu.memory_space<vmem>>, vector<1x1x16xi32>,
        %swap3A_2337 = vector.shape_cast %swap3A_2336 : vector<1x1x16xi32> to vector<16xi32>
        %swap3A_2338 = vector.shape_cast %add3A_2331 : vector<16xi32> to vector<1x1x16xi32>
        tpu.vector_store %arg6[%swap3A_2333, %swap3A_2334, %swap3A_2335], %swap3A_2338 {strides = array<i32>} : memref<2x8x128xi32, #tpu.memory_space<vmem>>, vector<1x1x16xi32>,
        %get3A_2339 = arith.constant 6 : i32
        %get3A_2340 = arith.index_cast %select_n3A_1208 : i32 to index
        %get3A_2341 = arith.index_cast %get3A_2339 : i32 to index
        %get3A_2342 = arith.constant 16 : index
        %get3A_2343 = tpu.vector_load %arg6[%get3A_2340, %get3A_2341, %get3A_2342] {strides = array<i32>} : memref<2x8x128xi32, #tpu.memory_space<vmem>>, vector<1x1x16xi32>,
        %get3A_2344 = vector.shape_cast %get3A_2343 : vector<1x1x16xi32> to vector<16xi32>
        %add3A_2345 = vector.broadcast %mul3A_48 : i32 to vector<16xi32>
        %add3A_2346 = arith.addi %get3A_2344, %add3A_2345 : vector<16xi32>
        %swap3A_2347 = arith.constant 6 : i32
        %swap3A_2348 = arith.index_cast %select_n3A_1208 : i32 to index
        %swap3A_2349 = arith.index_cast %swap3A_2347 : i32 to index
        %swap3A_2350 = arith.constant 16 : index
        %swap3A_2351 = tpu.vector_load %arg6[%swap3A_2348, %swap3A_2349, %swap3A_2350] {strides = array<i32>} : memref<2x8x128xi32, #tpu.memory_space<vmem>>, vector<1x1x16xi32>,
        %swap3A_2352 = vector.shape_cast %swap3A_2351 : vector<1x1x16xi32> to vector<16xi32>
        %swap3A_2353 = vector.shape_cast %add3A_2346 : vector<16xi32> to vector<1x1x16xi32>
        tpu.vector_store %arg6[%swap3A_2348, %swap3A_2349, %swap3A_2350], %swap3A_2353 {strides = array<i32>} : memref<2x8x128xi32, #tpu.memory_space<vmem>>, vector<1x1x16xi32>,
        %get3A_2354 = arith.constant 6 : i32
        %get3A_2355 = arith.index_cast %select_n3A_1208 : i32 to index
        %get3A_2356 = arith.index_cast %get3A_2354 : i32 to index
        %get3A_2357 = arith.constant 32 : index
        %get3A_2358 = tpu.vector_load %arg6[%get3A_2355, %get3A_2356, %get3A_2357] {strides = array<i32>} : memref<2x8x128xi32, #tpu.memory_space<vmem>>, vector<1x1x16xi32>,
        %get3A_2359 = vector.shape_cast %get3A_2358 : vector<1x1x16xi32> to vector<16xi32>
        %add3A_2360 = vector.broadcast %mul3A_48 : i32 to vector<16xi32>
        %add3A_2361 = arith.addi %get3A_2359, %add3A_2360 : vector<16xi32>
        %swap3A_2362 = arith.constant 6 : i32
        %swap3A_2363 = arith.index_cast %select_n3A_1208 : i32 to index
        %swap3A_2364 = arith.index_cast %swap3A_2362 : i32 to index
        %swap3A_2365 = arith.constant 32 : index
        %swap3A_2366 = tpu.vector_load %arg6[%swap3A_2363, %swap3A_2364, %swap3A_2365] {strides = array<i32>} : memref<2x8x128xi32, #tpu.memory_space<vmem>>, vector<1x1x16xi32>,
        %swap3A_2367 = vector.shape_cast %swap3A_2366 : vector<1x1x16xi32> to vector<16xi32>
        %swap3A_2368 = vector.shape_cast %add3A_2361 : vector<16xi32> to vector<1x1x16xi32>
        tpu.vector_store %arg6[%swap3A_2363, %swap3A_2364, %swap3A_2365], %swap3A_2368 {strides = array<i32>} : memref<2x8x128xi32, #tpu.memory_space<vmem>>, vector<1x1x16xi32>,
        %get3A_2369 = arith.constant 6 : i32
        %get3A_2370 = arith.index_cast %select_n3A_1208 : i32 to index
        %get3A_2371 = arith.index_cast %get3A_2369 : i32 to index
        %get3A_2372 = arith.constant 48 : index
        %get3A_2373 = tpu.vector_load %arg6[%get3A_2370, %get3A_2371, %get3A_2372] {strides = array<i32>} : memref<2x8x128xi32, #tpu.memory_space<vmem>>, vector<1x1x16xi32>,
        %get3A_2374 = vector.shape_cast %get3A_2373 : vector<1x1x16xi32> to vector<16xi32>
        %add3A_2375 = vector.broadcast %mul3A_48 : i32 to vector<16xi32>
        %add3A_2376 = arith.addi %get3A_2374, %add3A_2375 : vector<16xi32>
        %swap3A_2377 = arith.constant 6 : i32
        %swap3A_2378 = arith.index_cast %select_n3A_1208 : i32 to index
        %swap3A_2379 = arith.index_cast %swap3A_2377 : i32 to index
        %swap3A_2380 = arith.constant 48 : index
        %swap3A_2381 = tpu.vector_load %arg6[%swap3A_2378, %swap3A_2379, %swap3A_2380] {strides = array<i32>} : memref<2x8x128xi32, #tpu.memory_space<vmem>>, vector<1x1x16xi32>,
        %swap3A_2382 = vector.shape_cast %swap3A_2381 : vector<1x1x16xi32> to vector<16xi32>
        %swap3A_2383 = vector.shape_cast %add3A_2376 : vector<16xi32> to vector<1x1x16xi32>
        tpu.vector_store %arg6[%swap3A_2378, %swap3A_2379, %swap3A_2380], %swap3A_2383 {strides = array<i32>} : memref<2x8x128xi32, #tpu.memory_space<vmem>>, vector<1x1x16xi32>,
        %get3A_2384 = arith.constant 6 : i32
        %get3A_2385 = arith.index_cast %select_n3A_1208 : i32 to index
        %get3A_2386 = arith.index_cast %get3A_2384 : i32 to index
        %get3A_2387 = arith.constant 64 : index
        %get3A_2388 = tpu.vector_load %arg6[%get3A_2385, %get3A_2386, %get3A_2387] {strides = array<i32>} : memref<2x8x128xi32, #tpu.memory_space<vmem>>, vector<1x1x16xi32>,
        %get3A_2389 = vector.shape_cast %get3A_2388 : vector<1x1x16xi32> to vector<16xi32>
        %add3A_2390 = vector.broadcast %mul3A_48 : i32 to vector<16xi32>
        %add3A_2391 = arith.addi %get3A_2389, %add3A_2390 : vector<16xi32>
        %swap3A_2392 = arith.constant 6 : i32
        %swap3A_2393 = arith.index_cast %select_n3A_1208 : i32 to index
        %swap3A_2394 = arith.index_cast %swap3A_2392 : i32 to index
        %swap3A_2395 = arith.constant 64 : index
        %swap3A_2396 = tpu.vector_load %arg6[%swap3A_2393, %swap3A_2394, %swap3A_2395] {strides = array<i32>} : memref<2x8x128xi32, #tpu.memory_space<vmem>>, vector<1x1x16xi32>,
        %swap3A_2397 = vector.shape_cast %swap3A_2396 : vector<1x1x16xi32> to vector<16xi32>
        %swap3A_2398 = vector.shape_cast %add3A_2391 : vector<16xi32> to vector<1x1x16xi32>
        tpu.vector_store %arg6[%swap3A_2393, %swap3A_2394, %swap3A_2395], %swap3A_2398 {strides = array<i32>} : memref<2x8x128xi32, #tpu.memory_space<vmem>>, vector<1x1x16xi32>,
        %get3A_2399 = arith.constant 6 : i32
        %get3A_2400 = arith.index_cast %select_n3A_1208 : i32 to index
        %get3A_2401 = arith.index_cast %get3A_2399 : i32 to index
        %get3A_2402 = arith.constant 80 : index
        %get3A_2403 = tpu.vector_load %arg6[%get3A_2400, %get3A_2401, %get3A_2402] {strides = array<i32>} : memref<2x8x128xi32, #tpu.memory_space<vmem>>, vector<1x1x16xi32>,
        %get3A_2404 = vector.shape_cast %get3A_2403 : vector<1x1x16xi32> to vector<16xi32>
        %add3A_2405 = vector.broadcast %mul3A_48 : i32 to vector<16xi32>
        %add3A_2406 = arith.addi %get3A_2404, %add3A_2405 : vector<16xi32>
        %swap3A_2407 = arith.constant 6 : i32
        %swap3A_2408 = arith.index_cast %select_n3A_1208 : i32 to index
        %swap3A_2409 = arith.index_cast %swap3A_2407 : i32 to index
        %swap3A_2410 = arith.constant 80 : index
        %swap3A_2411 = tpu.vector_load %arg6[%swap3A_2408, %swap3A_2409, %swap3A_2410] {strides = array<i32>} : memref<2x8x128xi32, #tpu.memory_space<vmem>>, vector<1x1x16xi32>,
        %swap3A_2412 = vector.shape_cast %swap3A_2411 : vector<1x1x16xi32> to vector<16xi32>
        %swap3A_2413 = vector.shape_cast %add3A_2406 : vector<16xi32> to vector<1x1x16xi32>
        tpu.vector_store %arg6[%swap3A_2408, %swap3A_2409, %swap3A_2410], %swap3A_2413 {strides = array<i32>} : memref<2x8x128xi32, #tpu.memory_space<vmem>>, vector<1x1x16xi32>,
        %get3A_2414 = arith.constant 6 : i32
        %get3A_2415 = arith.index_cast %select_n3A_1208 : i32 to index
        %get3A_2416 = arith.index_cast %get3A_2414 : i32 to index
        %get3A_2417 = arith.constant 96 : index
        %get3A_2418 = tpu.vector_load %arg6[%get3A_2415, %get3A_2416, %get3A_2417] {strides = array<i32>} : memref<2x8x128xi32, #tpu.memory_space<vmem>>, vector<1x1x16xi32>,
        %get3A_2419 = vector.shape_cast %get3A_2418 : vector<1x1x16xi32> to vector<16xi32>
        %add3A_2420 = vector.broadcast %mul3A_48 : i32 to vector<16xi32>
        %add3A_2421 = arith.addi %get3A_2419, %add3A_2420 : vector<16xi32>
        %swap3A_2422 = arith.constant 6 : i32
        %swap3A_2423 = arith.index_cast %select_n3A_1208 : i32 to index
        %swap3A_2424 = arith.index_cast %swap3A_2422 : i32 to index
        %swap3A_2425 = arith.constant 96 : index
        %swap3A_2426 = tpu.vector_load %arg6[%swap3A_2423, %swap3A_2424, %swap3A_2425] {strides = array<i32>} : memref<2x8x128xi32, #tpu.memory_space<vmem>>, vector<1x1x16xi32>,
        %swap3A_2427 = vector.shape_cast %swap3A_2426 : vector<1x1x16xi32> to vector<16xi32>
        %swap3A_2428 = vector.shape_cast %add3A_2421 : vector<16xi32> to vector<1x1x16xi32>
        tpu.vector_store %arg6[%swap3A_2423, %swap3A_2424, %swap3A_2425], %swap3A_2428 {strides = array<i32>} : memref<2x8x128xi32, #tpu.memory_space<vmem>>, vector<1x1x16xi32>,
        %get3A_2429 = arith.constant 6 : i32
        %get3A_2430 = arith.index_cast %select_n3A_1208 : i32 to index
        %get3A_2431 = arith.index_cast %get3A_2429 : i32 to index
        %get3A_2432 = arith.constant 112 : index
        %get3A_2433 = tpu.vector_load %arg6[%get3A_2430, %get3A_2431, %get3A_2432] {strides = array<i32>} : memref<2x8x128xi32, #tpu.memory_space<vmem>>, vector<1x1x16xi32>,
        %get3A_2434 = vector.shape_cast %get3A_2433 : vector<1x1x16xi32> to vector<16xi32>
        %add3A_2435 = vector.broadcast %mul3A_48 : i32 to vector<16xi32>
        %add3A_2436 = arith.addi %get3A_2434, %add3A_2435 : vector<16xi32>
        %swap3A_2437 = arith.constant 6 : i32
        %swap3A_2438 = arith.index_cast %select_n3A_1208 : i32 to index
        %swap3A_2439 = arith.index_cast %swap3A_2437 : i32 to index
        %swap3A_2440 = arith.constant 112 : index
        %swap3A_2441 = tpu.vector_load %arg6[%swap3A_2438, %swap3A_2439, %swap3A_2440] {strides = array<i32>} : memref<2x8x128xi32, #tpu.memory_space<vmem>>, vector<1x1x16xi32>,
        %swap3A_2442 = vector.shape_cast %swap3A_2441 : vector<1x1x16xi32> to vector<16xi32>
        %swap3A_2443 = vector.shape_cast %add3A_2436 : vector<16xi32> to vector<1x1x16xi32>
        tpu.vector_store %arg6[%swap3A_2438, %swap3A_2439, %swap3A_2440], %swap3A_2443 {strides = array<i32>} : memref<2x8x128xi32, #tpu.memory_space<vmem>>, vector<1x1x16xi32>,
        %get3A_2444 = arith.constant 7 : i32
        %get3A_2445 = arith.index_cast %select_n3A_1208 : i32 to index
        %get3A_2446 = arith.index_cast %get3A_2444 : i32 to index
        %get3A_2447 = arith.constant 0 : index
        %get3A_2448 = tpu.vector_load %arg6[%get3A_2445, %get3A_2446, %get3A_2447] {strides = array<i32>} : memref<2x8x128xi32, #tpu.memory_space<vmem>>, vector<1x1x16xi32>,
        %get3A_2449 = vector.shape_cast %get3A_2448 : vector<1x1x16xi32> to vector<16xi32>
        %add3A_2450 = vector.broadcast %mul3A_48 : i32 to vector<16xi32>
        %add3A_2451 = arith.addi %get3A_2449, %add3A_2450 : vector<16xi32>
        %swap3A_2452 = arith.constant 7 : i32
        %swap3A_2453 = arith.index_cast %select_n3A_1208 : i32 to index
        %swap3A_2454 = arith.index_cast %swap3A_2452 : i32 to index
        %swap3A_2455 = arith.constant 0 : index
        %swap3A_2456 = tpu.vector_load %arg6[%swap3A_2453, %swap3A_2454, %swap3A_2455] {strides = array<i32>} : memref<2x8x128xi32, #tpu.memory_space<vmem>>, vector<1x1x16xi32>,
        %swap3A_2457 = vector.shape_cast %swap3A_2456 : vector<1x1x16xi32> to vector<16xi32>
        %swap3A_2458 = vector.shape_cast %add3A_2451 : vector<16xi32> to vector<1x1x16xi32>
        tpu.vector_store %arg6[%swap3A_2453, %swap3A_2454, %swap3A_2455], %swap3A_2458 {strides = array<i32>} : memref<2x8x128xi32, #tpu.memory_space<vmem>>, vector<1x1x16xi32>,
        %get3A_2459 = arith.constant 7 : i32
        %get3A_2460 = arith.index_cast %select_n3A_1208 : i32 to index
        %get3A_2461 = arith.index_cast %get3A_2459 : i32 to index
        %get3A_2462 = arith.constant 16 : index
        %get3A_2463 = tpu.vector_load %arg6[%get3A_2460, %get3A_2461, %get3A_2462] {strides = array<i32>} : memref<2x8x128xi32, #tpu.memory_space<vmem>>, vector<1x1x16xi32>,
        %get3A_2464 = vector.shape_cast %get3A_2463 : vector<1x1x16xi32> to vector<16xi32>
        %add3A_2465 = vector.broadcast %mul3A_48 : i32 to vector<16xi32>
        %add3A_2466 = arith.addi %get3A_2464, %add3A_2465 : vector<16xi32>
        %swap3A_2467 = arith.constant 7 : i32
        %swap3A_2468 = arith.index_cast %select_n3A_1208 : i32 to index
        %swap3A_2469 = arith.index_cast %swap3A_2467 : i32 to index
        %swap3A_2470 = arith.constant 16 : index
        %swap3A_2471 = tpu.vector_load %arg6[%swap3A_2468, %swap3A_2469, %swap3A_2470] {strides = array<i32>} : memref<2x8x128xi32, #tpu.memory_space<vmem>>, vector<1x1x16xi32>,
        %swap3A_2472 = vector.shape_cast %swap3A_2471 : vector<1x1x16xi32> to vector<16xi32>
        %swap3A_2473 = vector.shape_cast %add3A_2466 : vector<16xi32> to vector<1x1x16xi32>
        tpu.vector_store %arg6[%swap3A_2468, %swap3A_2469, %swap3A_2470], %swap3A_2473 {strides = array<i32>} : memref<2x8x128xi32, #tpu.memory_space<vmem>>, vector<1x1x16xi32>,
        %get3A_2474 = arith.constant 7 : i32
        %get3A_2475 = arith.index_cast %select_n3A_1208 : i32 to index
        %get3A_2476 = arith.index_cast %get3A_2474 : i32 to index
        %get3A_2477 = arith.constant 32 : index
        %get3A_2478 = tpu.vector_load %arg6[%get3A_2475, %get3A_2476, %get3A_2477] {strides = array<i32>} : memref<2x8x128xi32, #tpu.memory_space<vmem>>, vector<1x1x16xi32>,
        %get3A_2479 = vector.shape_cast %get3A_2478 : vector<1x1x16xi32> to vector<16xi32>
        %add3A_2480 = vector.broadcast %mul3A_48 : i32 to vector<16xi32>
        %add3A_2481 = arith.addi %get3A_2479, %add3A_2480 : vector<16xi32>
        %swap3A_2482 = arith.constant 7 : i32
        %swap3A_2483 = arith.index_cast %select_n3A_1208 : i32 to index
        %swap3A_2484 = arith.index_cast %swap3A_2482 : i32 to index
        %swap3A_2485 = arith.constant 32 : index
        %swap3A_2486 = tpu.vector_load %arg6[%swap3A_2483, %swap3A_2484, %swap3A_2485] {strides = array<i32>} : memref<2x8x128xi32, #tpu.memory_space<vmem>>, vector<1x1x16xi32>,
        %swap3A_2487 = vector.shape_cast %swap3A_2486 : vector<1x1x16xi32> to vector<16xi32>
        %swap3A_2488 = vector.shape_cast %add3A_2481 : vector<16xi32> to vector<1x1x16xi32>
        tpu.vector_store %arg6[%swap3A_2483, %swap3A_2484, %swap3A_2485], %swap3A_2488 {strides = array<i32>} : memref<2x8x128xi32, #tpu.memory_space<vmem>>, vector<1x1x16xi32>,
        %get3A_2489 = arith.constant 7 : i32
        %get3A_2490 = arith.index_cast %select_n3A_1208 : i32 to index
        %get3A_2491 = arith.index_cast %get3A_2489 : i32 to index
        %get3A_2492 = arith.constant 48 : index
        %get3A_2493 = tpu.vector_load %arg6[%get3A_2490, %get3A_2491, %get3A_2492] {strides = array<i32>} : memref<2x8x128xi32, #tpu.memory_space<vmem>>, vector<1x1x16xi32>,
        %get3A_2494 = vector.shape_cast %get3A_2493 : vector<1x1x16xi32> to vector<16xi32>
        %add3A_2495 = vector.broadcast %mul3A_48 : i32 to vector<16xi32>
        %add3A_2496 = arith.addi %get3A_2494, %add3A_2495 : vector<16xi32>
        %swap3A_2497 = arith.constant 7 : i32
        %swap3A_2498 = arith.index_cast %select_n3A_1208 : i32 to index
        %swap3A_2499 = arith.index_cast %swap3A_2497 : i32 to index
        %swap3A_2500 = arith.constant 48 : index
        %swap3A_2501 = tpu.vector_load %arg6[%swap3A_2498, %swap3A_2499, %swap3A_2500] {strides = array<i32>} : memref<2x8x128xi32, #tpu.memory_space<vmem>>, vector<1x1x16xi32>,
        %swap3A_2502 = vector.shape_cast %swap3A_2501 : vector<1x1x16xi32> to vector<16xi32>
        %swap3A_2503 = vector.shape_cast %add3A_2496 : vector<16xi32> to vector<1x1x16xi32>
        tpu.vector_store %arg6[%swap3A_2498, %swap3A_2499, %swap3A_2500], %swap3A_2503 {strides = array<i32>} : memref<2x8x128xi32, #tpu.memory_space<vmem>>, vector<1x1x16xi32>,
        %get3A_2504 = arith.constant 7 : i32
        %get3A_2505 = arith.index_cast %select_n3A_1208 : i32 to index
        %get3A_2506 = arith.index_cast %get3A_2504 : i32 to index
        %get3A_2507 = arith.constant 64 : index
        %get3A_2508 = tpu.vector_load %arg6[%get3A_2505, %get3A_2506, %get3A_2507] {strides = array<i32>} : memref<2x8x128xi32, #tpu.memory_space<vmem>>, vector<1x1x16xi32>,
        %get3A_2509 = vector.shape_cast %get3A_2508 : vector<1x1x16xi32> to vector<16xi32>
        %add3A_2510 = vector.broadcast %mul3A_48 : i32 to vector<16xi32>
        %add3A_2511 = arith.addi %get3A_2509, %add3A_2510 : vector<16xi32>
        %swap3A_2512 = arith.constant 7 : i32
        %swap3A_2513 = arith.index_cast %select_n3A_1208 : i32 to index
        %swap3A_2514 = arith.index_cast %swap3A_2512 : i32 to index
        %swap3A_2515 = arith.constant 64 : index
        %swap3A_2516 = tpu.vector_load %arg6[%swap3A_2513, %swap3A_2514, %swap3A_2515] {strides = array<i32>} : memref<2x8x128xi32, #tpu.memory_space<vmem>>, vector<1x1x16xi32>,
        %swap3A_2517 = vector.shape_cast %swap3A_2516 : vector<1x1x16xi32> to vector<16xi32>
        %swap3A_2518 = vector.shape_cast %add3A_2511 : vector<16xi32> to vector<1x1x16xi32>
        tpu.vector_store %arg6[%swap3A_2513, %swap3A_2514, %swap3A_2515], %swap3A_2518 {strides = array<i32>} : memref<2x8x128xi32, #tpu.memory_space<vmem>>, vector<1x1x16xi32>,
        %get3A_2519 = arith.constant 7 : i32
        %get3A_2520 = arith.index_cast %select_n3A_1208 : i32 to index
        %get3A_2521 = arith.index_cast %get3A_2519 : i32 to index
        %get3A_2522 = arith.constant 80 : index
        %get3A_2523 = tpu.vector_load %arg6[%get3A_2520, %get3A_2521, %get3A_2522] {strides = array<i32>} : memref<2x8x128xi32, #tpu.memory_space<vmem>>, vector<1x1x16xi32>,
        %get3A_2524 = vector.shape_cast %get3A_2523 : vector<1x1x16xi32> to vector<16xi32>
        %add3A_2525 = vector.broadcast %mul3A_48 : i32 to vector<16xi32>
        %add3A_2526 = arith.addi %get3A_2524, %add3A_2525 : vector<16xi32>
        %swap3A_2527 = arith.constant 7 : i32
        %swap3A_2528 = arith.index_cast %select_n3A_1208 : i32 to index
        %swap3A_2529 = arith.index_cast %swap3A_2527 : i32 to index
        %swap3A_2530 = arith.constant 80 : index
        %swap3A_2531 = tpu.vector_load %arg6[%swap3A_2528, %swap3A_2529, %swap3A_2530] {strides = array<i32>} : memref<2x8x128xi32, #tpu.memory_space<vmem>>, vector<1x1x16xi32>,
        %swap3A_2532 = vector.shape_cast %swap3A_2531 : vector<1x1x16xi32> to vector<16xi32>
        %swap3A_2533 = vector.shape_cast %add3A_2526 : vector<16xi32> to vector<1x1x16xi32>
        tpu.vector_store %arg6[%swap3A_2528, %swap3A_2529, %swap3A_2530], %swap3A_2533 {strides = array<i32>} : memref<2x8x128xi32, #tpu.memory_space<vmem>>, vector<1x1x16xi32>,
        %get3A_2534 = arith.constant 7 : i32
        %get3A_2535 = arith.index_cast %select_n3A_1208 : i32 to index
        %get3A_2536 = arith.index_cast %get3A_2534 : i32 to index
        %get3A_2537 = arith.constant 96 : index
        %get3A_2538 = tpu.vector_load %arg6[%get3A_2535, %get3A_2536, %get3A_2537] {strides = array<i32>} : memref<2x8x128xi32, #tpu.memory_space<vmem>>, vector<1x1x16xi32>,
        %get3A_2539 = vector.shape_cast %get3A_2538 : vector<1x1x16xi32> to vector<16xi32>
        %add3A_2540 = vector.broadcast %mul3A_48 : i32 to vector<16xi32>
        %add3A_2541 = arith.addi %get3A_2539, %add3A_2540 : vector<16xi32>
        %swap3A_2542 = arith.constant 7 : i32
        %swap3A_2543 = arith.index_cast %select_n3A_1208 : i32 to index
        %swap3A_2544 = arith.index_cast %swap3A_2542 : i32 to index
        %swap3A_2545 = arith.constant 96 : index
        %swap3A_2546 = tpu.vector_load %arg6[%swap3A_2543, %swap3A_2544, %swap3A_2545] {strides = array<i32>} : memref<2x8x128xi32, #tpu.memory_space<vmem>>, vector<1x1x16xi32>,
        %swap3A_2547 = vector.shape_cast %swap3A_2546 : vector<1x1x16xi32> to vector<16xi32>
        %swap3A_2548 = vector.shape_cast %add3A_2541 : vector<16xi32> to vector<1x1x16xi32>
        tpu.vector_store %arg6[%swap3A_2543, %swap3A_2544, %swap3A_2545], %swap3A_2548 {strides = array<i32>} : memref<2x8x128xi32, #tpu.memory_space<vmem>>, vector<1x1x16xi32>,
        %get3A_2549 = arith.constant 7 : i32
        %get3A_2550 = arith.index_cast %select_n3A_1208 : i32 to index
        %get3A_2551 = arith.index_cast %get3A_2549 : i32 to index
        %get3A_2552 = arith.constant 112 : index
        %get3A_2553 = tpu.vector_load %arg6[%get3A_2550, %get3A_2551, %get3A_2552] {strides = array<i32>} : memref<2x8x128xi32, #tpu.memory_space<vmem>>, vector<1x1x16xi32>,
        %get3A_2554 = vector.shape_cast %get3A_2553 : vector<1x1x16xi32> to vector<16xi32>
        %add3A_2555 = vector.broadcast %mul3A_48 : i32 to vector<16xi32>
        %add3A_2556 = arith.addi %get3A_2554, %add3A_2555 : vector<16xi32>
        %swap3A_2557 = arith.constant 7 : i32
        %swap3A_2558 = arith.index_cast %select_n3A_1208 : i32 to index
        %swap3A_2559 = arith.index_cast %swap3A_2557 : i32 to index
        %swap3A_2560 = arith.constant 112 : index
        %swap3A_2561 = tpu.vector_load %arg6[%swap3A_2558, %swap3A_2559, %swap3A_2560] {strides = array<i32>} : memref<2x8x128xi32, #tpu.memory_space<vmem>>, vector<1x1x16xi32>,
        %swap3A_2562 = vector.shape_cast %swap3A_2561 : vector<1x1x16xi32> to vector<16xi32>
        %swap3A_2563 = vector.shape_cast %add3A_2556 : vector<16xi32> to vector<1x1x16xi32>
        tpu.vector_store %arg6[%swap3A_2558, %swap3A_2559, %swap3A_2560], %swap3A_2563 {strides = array<i32>} : memref<2x8x128xi32, #tpu.memory_space<vmem>>, vector<1x1x16xi32>,
      } else {
      }
      %mul3A_1212 = arith.constant 4 : i32
      %mul3A_1213 = arith.muli %scan3A_1199, %mul3A_1212 : i32
      %add3A_1214 = arith.constant 0 : i32
      %add3A_1215 = arith.addi %mul3A_1213, %add3A_1214 : i32
      %gt3A_1216 = arith.constant 0 : i32
      %gt3A_1217 = arith.cmpi sgt, %scan3A_1199, %gt3A_1216 : i32
      %convert_element_type3A_1218 = arith.extui %gt3A_1217 : i1 to i32
      %cond3A_1219 = arith.constant 0 : i32
      %cond3A_1220 = arith.cmpi ne, %convert_element_type3A_1218, %cond3A_1219 : i32
      scf.if %cond3A_1220 {
        %dma_wait3A_1580 = arith.constant 0 : i32
        %dma_wait3A_1581 = arith.constant 0 : i32
        %dma_wait3A_1582 = arith.constant 0 : i32
        %dma_wait3A_1583 = arith.constant 0 : i32
        %dma_wait3A_1584 = tpu.memref_slice %arg8[%dma_wait3A_1580, %dma_wait3A_1582, %dma_wait3A_1583] : memref<2x256x32xf32, #tpu.memory_space<vmem>> -> memref<1x128x32xf32, #tpu.memory_space<vmem>>
        %dma_wait3A_1585 = tpu.memref_squeeze %dma_wait3A_1584 : memref<1x128x32xf32, #tpu.memory_space<vmem>> -> memref<128x32xf32, #tpu.memory_space<vmem>>
        %dma_wait3A_1586 = arith.constant 0 : i32
        %dma_wait3A_1587 = tpu.memref_slice %arg7[%select_n3A_1208, %dma_wait3A_1581, %dma_wait3A_1586] : memref<2x8x128xi32, #tpu.memory_space<vmem>> -> memref<1x1x128xi32, #tpu.memory_space<vmem>>
        %dma_wait3A_1588 = tpu.memref_squeeze %dma_wait3A_1587 : memref<1x1x128xi32, #tpu.memory_space<vmem>> -> memref<128xi32, #tpu.memory_space<vmem>>
        %dma_wait3A_1589 = arith.constant 0 : i32
        %dma_wait3A_1590 = arith.constant 0 : i32
        %dma_wait3A_1591 = tpu.memref_slice %arg9[%dma_wait3A_1589, %dma_wait3A_1590] : memref<50048x32xf32, #tpu.memory_space<vmem_shared>> -> memref<50048x32xf32, #tpu.memory_space<vmem_shared>>
        tpu.wait_indirect_dma semaphore(%arg11 : memref<!tpu.dma_semaphore, #tpu.memory_space<semaphore_mem>>) src(%dma_wait3A_1585 : memref<128x32xf32, #tpu.memory_space<vmem>>) dst(%dma_wait3A_1591 : memref<50048x32xf32, #tpu.memory_space<vmem_shared>>)
        %dma_wait3A_1592 = arith.constant 0 : i32
        %dma_wait3A_1593 = arith.constant 1 : i32
        %dma_wait3A_1594 = arith.constant 128 : i32
        %dma_wait3A_1595 = arith.constant 0 : i32
        %dma_wait3A_1596 = tpu.memref_slice %arg8[%dma_wait3A_1592, %dma_wait3A_1594, %dma_wait3A_1595] : memref<2x256x32xf32, #tpu.memory_space<vmem>> -> memref<1x128x32xf32, #tpu.memory_space<vmem>>
        %dma_wait3A_1597 = tpu.memref_squeeze %dma_wait3A_1596 : memref<1x128x32xf32, #tpu.memory_space<vmem>> -> memref<128x32xf32, #tpu.memory_space<vmem>>
        %dma_wait3A_1598 = arith.constant 0 : i32
        %dma_wait3A_1599 = tpu.memref_slice %arg7[%select_n3A_1208, %dma_wait3A_1593, %dma_wait3A_1598] : memref<2x8x128xi32, #tpu.memory_space<vmem>> -> memref<1x1x128xi32, #tpu.memory_space<vmem>>
        %dma_wait3A_1600 = tpu.memref_squeeze %dma_wait3A_1599 : memref<1x1x128xi32, #tpu.memory_space<vmem>> -> memref<128xi32, #tpu.memory_space<vmem>>
        %dma_wait3A_1601 = arith.constant 0 : i32
        %dma_wait3A_1602 = arith.constant 0 : i32
        %dma_wait3A_1603 = tpu.memref_slice %arg9[%dma_wait3A_1601, %dma_wait3A_1602] : memref<50048x32xf32, #tpu.memory_space<vmem_shared>> -> memref<50048x32xf32, #tpu.memory_space<vmem_shared>>
        tpu.wait_indirect_dma semaphore(%arg11 : memref<!tpu.dma_semaphore, #tpu.memory_space<semaphore_mem>>) src(%dma_wait3A_1597 : memref<128x32xf32, #tpu.memory_space<vmem>>) dst(%dma_wait3A_1603 : memref<50048x32xf32, #tpu.memory_space<vmem_shared>>)
      } else {
      }
      %dma_start3A = arith.constant 0 : i32
      %dma_start3A_1221 = arith.constant 0 : i32
      %dma_start3A_1222 = arith.constant 0 : i32
      %dma_start3A_1223 = arith.constant 0 : i32
      %dma_start3A_1224 = tpu.memref_slice %arg8[%dma_start3A_1221, %dma_start3A_1222, %dma_start3A_1223] : memref<2x256x32xf32, #tpu.memory_space<vmem>> -> memref<1x128x32xf32, #tpu.memory_space<vmem>>
      %dma_start3A_1225 = tpu.memref_squeeze %dma_start3A_1224 : memref<1x128x32xf32, #tpu.memory_space<vmem>> -> memref<128x32xf32, #tpu.memory_space<vmem>>
      %dma_start3A_1226 = arith.constant 0 : i32
      %dma_start3A_1227 = tpu.memref_slice %arg6[%select_n3A_1208, %dma_start3A, %dma_start3A_1226] : memref<2x8x128xi32, #tpu.memory_space<vmem>> -> memref<1x1x128xi32, #tpu.memory_space<vmem>>
      %dma_start3A_1228 = tpu.memref_squeeze %dma_start3A_1227 : memref<1x1x128xi32, #tpu.memory_space<vmem>> -> memref<128xi32, #tpu.memory_space<vmem>>
      %dma_start3A_1229 = arith.constant 0 : i32
      %dma_start3A_1230 = arith.constant 0 : i32
      %dma_start3A_1231 = tpu.memref_slice %arg4[%dma_start3A_1229, %dma_start3A_1230] : memref<100000x32xf32, #tpu.memory_space<hbm>> -> memref<100000x32xf32, #tpu.memory_space<hbm>>
      tpu.enqueue_indirect_dma source(%dma_start3A_1231 : memref<100000x32xf32, #tpu.memory_space<hbm>>) target(%dma_start3A_1225 : memref<128x32xf32, #tpu.memory_space<vmem>>) offsets(%dma_start3A_1228 : memref<128xi32, #tpu.memory_space<vmem>>) semaphore(%arg10 : memref<!tpu.dma_semaphore, #tpu.memory_space<semaphore_mem>>)
      %dma_start3A_1232 = arith.constant 1 : i32
      %dma_start3A_1233 = arith.constant 0 : i32
      %dma_start3A_1234 = arith.constant 128 : i32
      %dma_start3A_1235 = arith.constant 0 : i32
      %dma_start3A_1236 = tpu.memref_slice %arg8[%dma_start3A_1233, %dma_start3A_1234, %dma_start3A_1235] : memref<2x256x32xf32, #tpu.memory_space<vmem>> -> memref<1x128x32xf32, #tpu.memory_space<vmem>>
      %dma_start3A_1237 = tpu.memref_squeeze %dma_start3A_1236 : memref<1x128x32xf32, #tpu.memory_space<vmem>> -> memref<128x32xf32, #tpu.memory_space<vmem>>
      %dma_start3A_1238 = arith.constant 0 : i32
      %dma_start3A_1239 = tpu.memref_slice %arg6[%select_n3A_1208, %dma_start3A_1232, %dma_start3A_1238] : memref<2x8x128xi32, #tpu.memory_space<vmem>> -> memref<1x1x128xi32, #tpu.memory_space<vmem>>
      %dma_start3A_1240 = tpu.memref_squeeze %dma_start3A_1239 : memref<1x1x128xi32, #tpu.memory_space<vmem>> -> memref<128xi32, #tpu.memory_space<vmem>>
      %dma_start3A_1241 = arith.constant 0 : i32
      %dma_start3A_1242 = arith.constant 0 : i32
      %dma_start3A_1243 = tpu.memref_slice %arg4[%dma_start3A_1241, %dma_start3A_1242] : memref<100000x32xf32, #tpu.memory_space<hbm>> -> memref<100000x32xf32, #tpu.memory_space<hbm>>
      tpu.enqueue_indirect_dma source(%dma_start3A_1243 : memref<100000x32xf32, #tpu.memory_space<hbm>>) target(%dma_start3A_1237 : memref<128x32xf32, #tpu.memory_space<vmem>>) offsets(%dma_start3A_1240 : memref<128xi32, #tpu.memory_space<vmem>>) semaphore(%arg10 : memref<!tpu.dma_semaphore, #tpu.memory_space<semaphore_mem>>)
      %dma_wait3A_1244 = arith.constant 0 : i32
      %dma_wait3A_1245 = arith.constant 0 : i32
      %dma_wait3A_1246 = arith.constant 0 : i32
      %dma_wait3A_1247 = arith.constant 0 : i32
      %dma_wait3A_1248 = tpu.memref_slice %arg8[%dma_wait3A_1245, %dma_wait3A_1246, %dma_wait3A_1247] : memref<2x256x32xf32, #tpu.memory_space<vmem>> -> memref<1x128x32xf32, #tpu.memory_space<vmem>>
      %dma_wait3A_1249 = tpu.memref_squeeze %dma_wait3A_1248 : memref<1x128x32xf32, #tpu.memory_space<vmem>> -> memref<128x32xf32, #tpu.memory_space<vmem>>
      %dma_wait3A_1250 = arith.constant 0 : i32
      %dma_wait3A_1251 = tpu.memref_slice %arg6[%select_n3A_1208, %dma_wait3A_1244, %dma_wait3A_1250] : memref<2x8x128xi32, #tpu.memory_space<vmem>> -> memref<1x1x128xi32, #tpu.memory_space<vmem>>
      %dma_wait3A_1252 = tpu.memref_squeeze %dma_wait3A_1251 : memref<1x1x128xi32, #tpu.memory_space<vmem>> -> memref<128xi32, #tpu.memory_space<vmem>>
      %dma_wait3A_1253 = arith.constant 0 : i32
      %dma_wait3A_1254 = arith.constant 0 : i32
      %dma_wait3A_1255 = tpu.memref_slice %arg4[%dma_wait3A_1253, %dma_wait3A_1254] : memref<100000x32xf32, #tpu.memory_space<hbm>> -> memref<100000x32xf32, #tpu.memory_space<hbm>>
      tpu.wait_indirect_dma semaphore(%arg10 : memref<!tpu.dma_semaphore, #tpu.memory_space<semaphore_mem>>) src(%dma_wait3A_1255 : memref<100000x32xf32, #tpu.memory_space<hbm>>) dst(%dma_wait3A_1249 : memref<128x32xf32, #tpu.memory_space<vmem>>)
      %dma_wait3A_1256 = arith.constant 1 : i32
      %dma_wait3A_1257 = arith.constant 0 : i32
      %dma_wait3A_1258 = arith.constant 128 : i32
      %dma_wait3A_1259 = arith.constant 0 : i32
      %dma_wait3A_1260 = tpu.memref_slice %arg8[%dma_wait3A_1257, %dma_wait3A_1258, %dma_wait3A_1259] : memref<2x256x32xf32, #tpu.memory_space<vmem>> -> memref<1x128x32xf32, #tpu.memory_space<vmem>>
      %dma_wait3A_1261 = tpu.memref_squeeze %dma_wait3A_1260 : memref<1x128x32xf32, #tpu.memory_space<vmem>> -> memref<128x32xf32, #tpu.memory_space<vmem>>
      %dma_wait3A_1262 = arith.constant 0 : i32
      %dma_wait3A_1263 = tpu.memref_slice %arg6[%select_n3A_1208, %dma_wait3A_1256, %dma_wait3A_1262] : memref<2x8x128xi32, #tpu.memory_space<vmem>> -> memref<1x1x128xi32, #tpu.memory_space<vmem>>
      %dma_wait3A_1264 = tpu.memref_squeeze %dma_wait3A_1263 : memref<1x1x128xi32, #tpu.memory_space<vmem>> -> memref<128xi32, #tpu.memory_space<vmem>>
      %dma_wait3A_1265 = arith.constant 0 : i32
      %dma_wait3A_1266 = arith.constant 0 : i32
      %dma_wait3A_1267 = tpu.memref_slice %arg4[%dma_wait3A_1265, %dma_wait3A_1266] : memref<100000x32xf32, #tpu.memory_space<hbm>> -> memref<100000x32xf32, #tpu.memory_space<hbm>>
      tpu.wait_indirect_dma semaphore(%arg10 : memref<!tpu.dma_semaphore, #tpu.memory_space<semaphore_mem>>) src(%dma_wait3A_1267 : memref<100000x32xf32, #tpu.memory_space<hbm>>) dst(%dma_wait3A_1261 : memref<128x32xf32, #tpu.memory_space<vmem>>)
      %dma_start3A_1268 = arith.constant 0 : i32
      %dma_start3A_1269 = arith.constant 0 : i32
      %dma_start3A_1270 = arith.constant 0 : i32
      %dma_start3A_1271 = arith.constant 0 : i32
      %dma_start3A_1272 = tpu.memref_slice %arg8[%dma_start3A_1268, %dma_start3A_1270, %dma_start3A_1271] : memref<2x256x32xf32, #tpu.memory_space<vmem>> -> memref<1x128x32xf32, #tpu.memory_space<vmem>>
      %dma_start3A_1273 = tpu.memref_squeeze %dma_start3A_1272 : memref<1x128x32xf32, #tpu.memory_space<vmem>> -> memref<128x32xf32, #tpu.memory_space<vmem>>
      %dma_start3A_1274 = arith.constant 0 : i32
      %dma_start3A_1275 = tpu.memref_slice %arg7[%select_n3A_1208, %dma_start3A_1269, %dma_start3A_1274] : memref<2x8x128xi32, #tpu.memory_space<vmem>> -> memref<1x1x128xi32, #tpu.memory_space<vmem>>
      %dma_start3A_1276 = tpu.memref_squeeze %dma_start3A_1275 : memref<1x1x128xi32, #tpu.memory_space<vmem>> -> memref<128xi32, #tpu.memory_space<vmem>>
      %dma_start3A_1277 = arith.constant 0 : i32
      %dma_start3A_1278 = arith.constant 0 : i32
      %dma_start3A_1279 = tpu.memref_slice %arg9[%dma_start3A_1277, %dma_start3A_1278] : memref<50048x32xf32, #tpu.memory_space<vmem_shared>> -> memref<50048x32xf32, #tpu.memory_space<vmem_shared>>
      tpu.enqueue_indirect_dma source(%dma_start3A_1273 : memref<128x32xf32, #tpu.memory_space<vmem>>) target(%dma_start3A_1279 : memref<50048x32xf32, #tpu.memory_space<vmem_shared>>) offsets(%dma_start3A_1276 : memref<128xi32, #tpu.memory_space<vmem>>) semaphore(%arg11 : memref<!tpu.dma_semaphore, #tpu.memory_space<semaphore_mem>>) {add = true}
      %dma_start3A_1280 = arith.constant 0 : i32
      %dma_start3A_1281 = arith.constant 1 : i32
      %dma_start3A_1282 = arith.constant 128 : i32
      %dma_start3A_1283 = arith.constant 0 : i32
      %dma_start3A_1284 = tpu.memref_slice %arg8[%dma_start3A_1280, %dma_start3A_1282, %dma_start3A_1283] : memref<2x256x32xf32, #tpu.memory_space<vmem>> -> memref<1x128x32xf32, #tpu.memory_space<vmem>>
      %dma_start3A_1285 = tpu.memref_squeeze %dma_start3A_1284 : memref<1x128x32xf32, #tpu.memory_space<vmem>> -> memref<128x32xf32, #tpu.memory_space<vmem>>
      %dma_start3A_1286 = arith.constant 0 : i32
      %dma_start3A_1287 = tpu.memref_slice %arg7[%select_n3A_1208, %dma_start3A_1281, %dma_start3A_1286] : memref<2x8x128xi32, #tpu.memory_space<vmem>> -> memref<1x1x128xi32, #tpu.memory_space<vmem>>
      %dma_start3A_1288 = tpu.memref_squeeze %dma_start3A_1287 : memref<1x1x128xi32, #tpu.memory_space<vmem>> -> memref<128xi32, #tpu.memory_space<vmem>>
      %dma_start3A_1289 = arith.constant 0 : i32
      %dma_start3A_1290 = arith.constant 0 : i32
      %dma_start3A_1291 = tpu.memref_slice %arg9[%dma_start3A_1289, %dma_start3A_1290] : memref<50048x32xf32, #tpu.memory_space<vmem_shared>> -> memref<50048x32xf32, #tpu.memory_space<vmem_shared>>
      tpu.enqueue_indirect_dma source(%dma_start3A_1285 : memref<128x32xf32, #tpu.memory_space<vmem>>) target(%dma_start3A_1291 : memref<50048x32xf32, #tpu.memory_space<vmem_shared>>) offsets(%dma_start3A_1288 : memref<128xi32, #tpu.memory_space<vmem>>) semaphore(%arg11 : memref<!tpu.dma_semaphore, #tpu.memory_space<semaphore_mem>>) {add = true}
      %mul3A_1292 = arith.constant 4 : i32
      %mul3A_1293 = arith.muli %scan3A_1199, %mul3A_1292 : i32
      %add3A_1294 = arith.constant 1 : i32
      %add3A_1295 = arith.addi %mul3A_1293, %add3A_1294 : i32
      %gt3A_1296 = arith.constant 0 : i32
      %gt3A_1297 = arith.cmpi sgt, %scan3A_1199, %gt3A_1296 : i32
      %convert_element_type3A_1298 = arith.extui %gt3A_1297 : i1 to i32
      %cond3A_1299 = arith.constant 0 : i32
      %cond3A_1300 = arith.cmpi ne, %convert_element_type3A_1298, %cond3A_1299 : i32
      scf.if %cond3A_1300 {
        %dma_wait3A_1580 = arith.constant 1 : i32
        %dma_wait3A_1581 = arith.constant 0 : i32
        %dma_wait3A_1582 = arith.constant 0 : i32
        %dma_wait3A_1583 = arith.constant 0 : i32
        %dma_wait3A_1584 = tpu.memref_slice %arg8[%dma_wait3A_1580, %dma_wait3A_1582, %dma_wait3A_1583] : memref<2x256x32xf32, #tpu.memory_space<vmem>> -> memref<1x128x32xf32, #tpu.memory_space<vmem>>
        %dma_wait3A_1585 = tpu.memref_squeeze %dma_wait3A_1584 : memref<1x128x32xf32, #tpu.memory_space<vmem>> -> memref<128x32xf32, #tpu.memory_space<vmem>>
        %dma_wait3A_1586 = arith.constant 0 : i32
        %dma_wait3A_1587 = tpu.memref_slice %arg7[%select_n3A_1208, %dma_wait3A_1581, %dma_wait3A_1586] : memref<2x8x128xi32, #tpu.memory_space<vmem>> -> memref<1x1x128xi32, #tpu.memory_space<vmem>>
        %dma_wait3A_1588 = tpu.memref_squeeze %dma_wait3A_1587 : memref<1x1x128xi32, #tpu.memory_space<vmem>> -> memref<128xi32, #tpu.memory_space<vmem>>
        %dma_wait3A_1589 = arith.constant 0 : i32
        %dma_wait3A_1590 = arith.constant 0 : i32
        %dma_wait3A_1591 = tpu.memref_slice %arg9[%dma_wait3A_1589, %dma_wait3A_1590] : memref<50048x32xf32, #tpu.memory_space<vmem_shared>> -> memref<50048x32xf32, #tpu.memory_space<vmem_shared>>
        tpu.wait_indirect_dma semaphore(%arg12 : memref<!tpu.dma_semaphore, #tpu.memory_space<semaphore_mem>>) src(%dma_wait3A_1585 : memref<128x32xf32, #tpu.memory_space<vmem>>) dst(%dma_wait3A_1591 : memref<50048x32xf32, #tpu.memory_space<vmem_shared>>)
        %dma_wait3A_1592 = arith.constant 1 : i32
        %dma_wait3A_1593 = arith.constant 1 : i32
        %dma_wait3A_1594 = arith.constant 128 : i32
        %dma_wait3A_1595 = arith.constant 0 : i32
        %dma_wait3A_1596 = tpu.memref_slice %arg8[%dma_wait3A_1592, %dma_wait3A_1594, %dma_wait3A_1595] : memref<2x256x32xf32, #tpu.memory_space<vmem>> -> memref<1x128x32xf32, #tpu.memory_space<vmem>>
        %dma_wait3A_1597 = tpu.memref_squeeze %dma_wait3A_1596 : memref<1x128x32xf32, #tpu.memory_space<vmem>> -> memref<128x32xf32, #tpu.memory_space<vmem>>
        %dma_wait3A_1598 = arith.constant 0 : i32
        %dma_wait3A_1599 = tpu.memref_slice %arg7[%select_n3A_1208, %dma_wait3A_1593, %dma_wait3A_1598] : memref<2x8x128xi32, #tpu.memory_space<vmem>> -> memref<1x1x128xi32, #tpu.memory_space<vmem>>
        %dma_wait3A_1600 = tpu.memref_squeeze %dma_wait3A_1599 : memref<1x1x128xi32, #tpu.memory_space<vmem>> -> memref<128xi32, #tpu.memory_space<vmem>>
        %dma_wait3A_1601 = arith.constant 0 : i32
        %dma_wait3A_1602 = arith.constant 0 : i32
        %dma_wait3A_1603 = tpu.memref_slice %arg9[%dma_wait3A_1601, %dma_wait3A_1602] : memref<50048x32xf32, #tpu.memory_space<vmem_shared>> -> memref<50048x32xf32, #tpu.memory_space<vmem_shared>>
        tpu.wait_indirect_dma semaphore(%arg12 : memref<!tpu.dma_semaphore, #tpu.memory_space<semaphore_mem>>) src(%dma_wait3A_1597 : memref<128x32xf32, #tpu.memory_space<vmem>>) dst(%dma_wait3A_1603 : memref<50048x32xf32, #tpu.memory_space<vmem_shared>>)
      } else {
      }
      %dma_start3A_1301 = arith.constant 2 : i32
      %dma_start3A_1302 = arith.constant 1 : i32
      %dma_start3A_1303 = arith.constant 0 : i32
      %dma_start3A_1304 = arith.constant 0 : i32
      %dma_start3A_1305 = tpu.memref_slice %arg8[%dma_start3A_1302, %dma_start3A_1303, %dma_start3A_1304] : memref<2x256x32xf32, #tpu.memory_space<vmem>> -> memref<1x128x32xf32, #tpu.memory_space<vmem>>
      %dma_start3A_1306 = tpu.memref_squeeze %dma_start3A_1305 : memref<1x128x32xf32, #tpu.memory_space<vmem>> -> memref<128x32xf32, #tpu.memory_space<vmem>>
      %dma_start3A_1307 = arith.constant 0 : i32
      %dma_start3A_1308 = tpu.memref_slice %arg6[%select_n3A_1208, %dma_start3A_1301, %dma_start3A_1307] : memref<2x8x128xi32, #tpu.memory_space<vmem>> -> memref<1x1x128xi32, #tpu.memory_space<vmem>>
      %dma_start3A_1309 = tpu.memref_squeeze %dma_start3A_1308 : memref<1x1x128xi32, #tpu.memory_space<vmem>> -> memref<128xi32, #tpu.memory_space<vmem>>
      %dma_start3A_1310 = arith.constant 0 : i32
      %dma_start3A_1311 = arith.constant 0 : i32
      %dma_start3A_1312 = tpu.memref_slice %arg4[%dma_start3A_1310, %dma_start3A_1311] : memref<100000x32xf32, #tpu.memory_space<hbm>> -> memref<100000x32xf32, #tpu.memory_space<hbm>>
      tpu.enqueue_indirect_dma source(%dma_start3A_1312 : memref<100000x32xf32, #tpu.memory_space<hbm>>) target(%dma_start3A_1306 : memref<128x32xf32, #tpu.memory_space<vmem>>) offsets(%dma_start3A_1309 : memref<128xi32, #tpu.memory_space<vmem>>) semaphore(%arg10 : memref<!tpu.dma_semaphore, #tpu.memory_space<semaphore_mem>>)
      %dma_start3A_1313 = arith.constant 3 : i32
      %dma_start3A_1314 = arith.constant 1 : i32
      %dma_start3A_1315 = arith.constant 128 : i32
      %dma_start3A_1316 = arith.constant 0 : i32
      %dma_start3A_1317 = tpu.memref_slice %arg8[%dma_start3A_1314, %dma_start3A_1315, %dma_start3A_1316] : memref<2x256x32xf32, #tpu.memory_space<vmem>> -> memref<1x128x32xf32, #tpu.memory_space<vmem>>
      %dma_start3A_1318 = tpu.memref_squeeze %dma_start3A_1317 : memref<1x128x32xf32, #tpu.memory_space<vmem>> -> memref<128x32xf32, #tpu.memory_space<vmem>>
      %dma_start3A_1319 = arith.constant 0 : i32
      %dma_start3A_1320 = tpu.memref_slice %arg6[%select_n3A_1208, %dma_start3A_1313, %dma_start3A_1319] : memref<2x8x128xi32, #tpu.memory_space<vmem>> -> memref<1x1x128xi32, #tpu.memory_space<vmem>>
      %dma_start3A_1321 = tpu.memref_squeeze %dma_start3A_1320 : memref<1x1x128xi32, #tpu.memory_space<vmem>> -> memref<128xi32, #tpu.memory_space<vmem>>
      %dma_start3A_1322 = arith.constant 0 : i32
      %dma_start3A_1323 = arith.constant 0 : i32
      %dma_start3A_1324 = tpu.memref_slice %arg4[%dma_start3A_1322, %dma_start3A_1323] : memref<100000x32xf32, #tpu.memory_space<hbm>> -> memref<100000x32xf32, #tpu.memory_space<hbm>>
      tpu.enqueue_indirect_dma source(%dma_start3A_1324 : memref<100000x32xf32, #tpu.memory_space<hbm>>) target(%dma_start3A_1318 : memref<128x32xf32, #tpu.memory_space<vmem>>) offsets(%dma_start3A_1321 : memref<128xi32, #tpu.memory_space<vmem>>) semaphore(%arg10 : memref<!tpu.dma_semaphore, #tpu.memory_space<semaphore_mem>>)
      %add3A_1325 = arith.constant 1 : i32
      %add3A_1326 = arith.addi %scan3A_1199, %add3A_1325 : i32
      %lt3A_1327 = arith.constant 50 : i32
      %lt3A_1328 = arith.cmpi slt, %add3A_1326, %lt3A_1327 : i32
      %convert_element_type3A_1329 = arith.extui %lt3A_1328 : i1 to i32
      %cond3A_1330 = arith.constant 0 : i32
      %cond3A_1331 = arith.cmpi ne, %convert_element_type3A_1329, %cond3A_1330 : i32
      scf.if %cond3A_1331 {
        %add3A_1580 = arith.constant 1 : i32
        %add3A_1581 = arith.addi %scan3A_1199, %add3A_1580 : i32
        %mul3A_1582 = arith.constant 8 : i32
        %mul3A_1583 = arith.muli %add3A_1581, %mul3A_1582 : i32
        %add3A_1584 = arith.addi %mul3A_44, %mul3A_1583 : i32
        %dma_start3A_1585 = arith.constant 0 : i32
        %dma_start3A_1586 = arith.constant 0 : i32
        %dma_start3A_1587 = tpu.memref_slice %arg6[%sub3A_1209, %dma_start3A_1585, %dma_start3A_1586] : memref<2x8x128xi32, #tpu.memory_space<vmem>> -> memref<1x8x128xi32, #tpu.memory_space<vmem>>
        %dma_start3A_1588 = tpu.memref_squeeze %dma_start3A_1587 : memref<1x8x128xi32, #tpu.memory_space<vmem>> -> memref<8x128xi32, #tpu.memory_space<vmem>>
        %dma_start3A_1589 = arith.constant 0 : i32
        %dma_start3A_1590 = tpu.memref_slice %arg2[%add3A_1584, %dma_start3A_1589] : memref<6400x128xi32, #tpu.memory_space<hbm>> -> memref<8x128xi32, #tpu.memory_space<hbm>>
        %dma_start3A_1591 = arith.constant 0 : i32
        %dma_start3A_1592 = arith.constant 0 : i32
        %dma_start3A_1593 = tpu.memref_slice %arg6[%sub3A_1209, %dma_start3A_1591, %dma_start3A_1592] : memref<2x8x128xi32, #tpu.memory_space<vmem>> -> memref<1x8x128xi32, #tpu.memory_space<vmem>>
        %dma_start3A_1594 = tpu.memref_squeeze %dma_start3A_1593 : memref<1x8x128xi32, #tpu.memory_space<vmem>> -> memref<8x128xi32, #tpu.memory_space<vmem>>
        %dma_start3A_1595 = arith.constant 0 : i32
        %dma_start3A_1596 = tpu.memref_slice %arg2[%add3A_1584, %dma_start3A_1595] : memref<6400x128xi32, #tpu.memory_space<hbm>> -> memref<8x128xi32, #tpu.memory_space<hbm>>
        tpu.enqueue_dma source(%dma_start3A_1596 : memref<8x128xi32, #tpu.memory_space<hbm>>) target(%dma_start3A_1594 : memref<8x128xi32, #tpu.memory_space<vmem>>) target_semaphore(%arg13 : memref<!tpu.dma_semaphore, #tpu.memory_space<semaphore_mem>>)
        %add3A_1597 = arith.addi %mul3A_46, %mul3A_1583 : i32
        %dma_start3A_1598 = arith.constant 0 : i32
        %dma_start3A_1599 = arith.constant 0 : i32
        %dma_start3A_1600 = tpu.memref_slice %arg7[%sub3A_1209, %dma_start3A_1598, %dma_start3A_1599] : memref<2x8x128xi32, #tpu.memory_space<vmem>> -> memref<1x8x128xi32, #tpu.memory_space<vmem>>
        %dma_start3A_1601 = tpu.memref_squeeze %dma_start3A_1600 : memref<1x8x128xi32, #tpu.memory_space<vmem>> -> memref<8x128xi32, #tpu.memory_space<vmem>>
        %dma_start3A_1602 = arith.constant 0 : i32
        %dma_start3A_1603 = tpu.memref_slice %arg3[%add3A_1597, %dma_start3A_1602] : memref<6400x128xi32, #tpu.memory_space<hbm>> -> memref<8x128xi32, #tpu.memory_space<hbm>>
        %dma_start3A_1604 = arith.constant 0 : i32
        %dma_start3A_1605 = arith.constant 0 : i32
        %dma_start3A_1606 = tpu.memref_slice %arg7[%sub3A_1209, %dma_start3A_1604, %dma_start3A_1605] : memref<2x8x128xi32, #tpu.memory_space<vmem>> -> memref<1x8x128xi32, #tpu.memory_space<vmem>>
        %dma_start3A_1607 = tpu.memref_squeeze %dma_start3A_1606 : memref<1x8x128xi32, #tpu.memory_space<vmem>> -> memref<8x128xi32, #tpu.memory_space<vmem>>
        %dma_start3A_1608 = arith.constant 0 : i32
        %dma_start3A_1609 = tpu.memref_slice %arg3[%add3A_1597, %dma_start3A_1608] : memref<6400x128xi32, #tpu.memory_space<hbm>> -> memref<8x128xi32, #tpu.memory_space<hbm>>
        tpu.enqueue_dma source(%dma_start3A_1609 : memref<8x128xi32, #tpu.memory_space<hbm>>) target(%dma_start3A_1607 : memref<8x128xi32, #tpu.memory_space<vmem>>) target_semaphore(%arg13 : memref<!tpu.dma_semaphore, #tpu.memory_space<semaphore_mem>>)
      } else {
      }
      %dma_wait3A_1332 = arith.constant 2 : i32
      %dma_wait3A_1333 = arith.constant 1 : i32
      %dma_wait3A_1334 = arith.constant 0 : i32
      %dma_wait3A_1335 = arith.constant 0 : i32
      %dma_wait3A_1336 = tpu.memref_slice %arg8[%dma_wait3A_1333, %dma_wait3A_1334, %dma_wait3A_1335] : memref<2x256x32xf32, #tpu.memory_space<vmem>> -> memref<1x128x32xf32, #tpu.memory_space<vmem>>
      %dma_wait3A_1337 = tpu.memref_squeeze %dma_wait3A_1336 : memref<1x128x32xf32, #tpu.memory_space<vmem>> -> memref<128x32xf32, #tpu.memory_space<vmem>>
      %dma_wait3A_1338 = arith.constant 0 : i32
      %dma_wait3A_1339 = tpu.memref_slice %arg6[%select_n3A_1208, %dma_wait3A_1332, %dma_wait3A_1338] : memref<2x8x128xi32, #tpu.memory_space<vmem>> -> memref<1x1x128xi32, #tpu.memory_space<vmem>>
      %dma_wait3A_1340 = tpu.memref_squeeze %dma_wait3A_1339 : memref<1x1x128xi32, #tpu.memory_space<vmem>> -> memref<128xi32, #tpu.memory_space<vmem>>
      %dma_wait3A_1341 = arith.constant 0 : i32
      %dma_wait3A_1342 = arith.constant 0 : i32
      %dma_wait3A_1343 = tpu.memref_slice %arg4[%dma_wait3A_1341, %dma_wait3A_1342] : memref<100000x32xf32, #tpu.memory_space<hbm>> -> memref<100000x32xf32, #tpu.memory_space<hbm>>
      tpu.wait_indirect_dma semaphore(%arg10 : memref<!tpu.dma_semaphore, #tpu.memory_space<semaphore_mem>>) src(%dma_wait3A_1343 : memref<100000x32xf32, #tpu.memory_space<hbm>>) dst(%dma_wait3A_1337 : memref<128x32xf32, #tpu.memory_space<vmem>>)
      %dma_wait3A_1344 = arith.constant 3 : i32
      %dma_wait3A_1345 = arith.constant 1 : i32
      %dma_wait3A_1346 = arith.constant 128 : i32
      %dma_wait3A_1347 = arith.constant 0 : i32
      %dma_wait3A_1348 = tpu.memref_slice %arg8[%dma_wait3A_1345, %dma_wait3A_1346, %dma_wait3A_1347] : memref<2x256x32xf32, #tpu.memory_space<vmem>> -> memref<1x128x32xf32, #tpu.memory_space<vmem>>
      %dma_wait3A_1349 = tpu.memref_squeeze %dma_wait3A_1348 : memref<1x128x32xf32, #tpu.memory_space<vmem>> -> memref<128x32xf32, #tpu.memory_space<vmem>>
      %dma_wait3A_1350 = arith.constant 0 : i32
      %dma_wait3A_1351 = tpu.memref_slice %arg6[%select_n3A_1208, %dma_wait3A_1344, %dma_wait3A_1350] : memref<2x8x128xi32, #tpu.memory_space<vmem>> -> memref<1x1x128xi32, #tpu.memory_space<vmem>>
      %dma_wait3A_1352 = tpu.memref_squeeze %dma_wait3A_1351 : memref<1x1x128xi32, #tpu.memory_space<vmem>> -> memref<128xi32, #tpu.memory_space<vmem>>
      %dma_wait3A_1353 = arith.constant 0 : i32
      %dma_wait3A_1354 = arith.constant 0 : i32
      %dma_wait3A_1355 = tpu.memref_slice %arg4[%dma_wait3A_1353, %dma_wait3A_1354] : memref<100000x32xf32, #tpu.memory_space<hbm>> -> memref<100000x32xf32, #tpu.memory_space<hbm>>
      tpu.wait_indirect_dma semaphore(%arg10 : memref<!tpu.dma_semaphore, #tpu.memory_space<semaphore_mem>>) src(%dma_wait3A_1355 : memref<100000x32xf32, #tpu.memory_space<hbm>>) dst(%dma_wait3A_1349 : memref<128x32xf32, #tpu.memory_space<vmem>>)
      %dma_start3A_1356 = arith.constant 1 : i32
      %dma_start3A_1357 = arith.constant 2 : i32
      %dma_start3A_1358 = arith.constant 0 : i32
      %dma_start3A_1359 = arith.constant 0 : i32
      %dma_start3A_1360 = tpu.memref_slice %arg8[%dma_start3A_1356, %dma_start3A_1358, %dma_start3A_1359] : memref<2x256x32xf32, #tpu.memory_space<vmem>> -> memref<1x128x32xf32, #tpu.memory_space<vmem>>
      %dma_start3A_1361 = tpu.memref_squeeze %dma_start3A_1360 : memref<1x128x32xf32, #tpu.memory_space<vmem>> -> memref<128x32xf32, #tpu.memory_space<vmem>>
      %dma_start3A_1362 = arith.constant 0 : i32
      %dma_start3A_1363 = tpu.memref_slice %arg7[%select_n3A_1208, %dma_start3A_1357, %dma_start3A_1362] : memref<2x8x128xi32, #tpu.memory_space<vmem>> -> memref<1x1x128xi32, #tpu.memory_space<vmem>>
      %dma_start3A_1364 = tpu.memref_squeeze %dma_start3A_1363 : memref<1x1x128xi32, #tpu.memory_space<vmem>> -> memref<128xi32, #tpu.memory_space<vmem>>
      %dma_start3A_1365 = arith.constant 0 : i32
      %dma_start3A_1366 = arith.constant 0 : i32
      %dma_start3A_1367 = tpu.memref_slice %arg9[%dma_start3A_1365, %dma_start3A_1366] : memref<50048x32xf32, #tpu.memory_space<vmem_shared>> -> memref<50048x32xf32, #tpu.memory_space<vmem_shared>>
      tpu.enqueue_indirect_dma source(%dma_start3A_1361 : memref<128x32xf32, #tpu.memory_space<vmem>>) target(%dma_start3A_1367 : memref<50048x32xf32, #tpu.memory_space<vmem_shared>>) offsets(%dma_start3A_1364 : memref<128xi32, #tpu.memory_space<vmem>>) semaphore(%arg12 : memref<!tpu.dma_semaphore, #tpu.memory_space<semaphore_mem>>) {add = true}
      %dma_start3A_1368 = arith.constant 1 : i32
      %dma_start3A_1369 = arith.constant 3 : i32
      %dma_start3A_1370 = arith.constant 128 : i32
      %dma_start3A_1371 = arith.constant 0 : i32
      %dma_start3A_1372 = tpu.memref_slice %arg8[%dma_start3A_1368, %dma_start3A_1370, %dma_start3A_1371] : memref<2x256x32xf32, #tpu.memory_space<vmem>> -> memref<1x128x32xf32, #tpu.memory_space<vmem>>
      %dma_start3A_1373 = tpu.memref_squeeze %dma_start3A_1372 : memref<1x128x32xf32, #tpu.memory_space<vmem>> -> memref<128x32xf32, #tpu.memory_space<vmem>>
      %dma_start3A_1374 = arith.constant 0 : i32
      %dma_start3A_1375 = tpu.memref_slice %arg7[%select_n3A_1208, %dma_start3A_1369, %dma_start3A_1374] : memref<2x8x128xi32, #tpu.memory_space<vmem>> -> memref<1x1x128xi32, #tpu.memory_space<vmem>>
      %dma_start3A_1376 = tpu.memref_squeeze %dma_start3A_1375 : memref<1x1x128xi32, #tpu.memory_space<vmem>> -> memref<128xi32, #tpu.memory_space<vmem>>
      %dma_start3A_1377 = arith.constant 0 : i32
      %dma_start3A_1378 = arith.constant 0 : i32
      %dma_start3A_1379 = tpu.memref_slice %arg9[%dma_start3A_1377, %dma_start3A_1378] : memref<50048x32xf32, #tpu.memory_space<vmem_shared>> -> memref<50048x32xf32, #tpu.memory_space<vmem_shared>>
      tpu.enqueue_indirect_dma source(%dma_start3A_1373 : memref<128x32xf32, #tpu.memory_space<vmem>>) target(%dma_start3A_1379 : memref<50048x32xf32, #tpu.memory_space<vmem_shared>>) offsets(%dma_start3A_1376 : memref<128xi32, #tpu.memory_space<vmem>>) semaphore(%arg12 : memref<!tpu.dma_semaphore, #tpu.memory_space<semaphore_mem>>) {add = true}
      %mul3A_1380 = arith.constant 4 : i32
      %mul3A_1381 = arith.muli %scan3A_1199, %mul3A_1380 : i32
      %add3A_1382 = arith.constant 2 : i32
      %add3A_1383 = arith.addi %mul3A_1381, %add3A_1382 : i32
      %dma_wait3A_1384 = arith.constant 0 : i32
      %dma_wait3A_1385 = arith.constant 0 : i32
      %dma_wait3A_1386 = arith.constant 0 : i32
      %dma_wait3A_1387 = arith.constant 0 : i32
      %dma_wait3A_1388 = tpu.memref_slice %arg8[%dma_wait3A_1384, %dma_wait3A_1386, %dma_wait3A_1387] : memref<2x256x32xf32, #tpu.memory_space<vmem>> -> memref<1x128x32xf32, #tpu.memory_space<vmem>>
      %dma_wait3A_1389 = tpu.memref_squeeze %dma_wait3A_1388 : memref<1x128x32xf32, #tpu.memory_space<vmem>> -> memref<128x32xf32, #tpu.memory_space<vmem>>
      %dma_wait3A_1390 = arith.constant 0 : i32
      %dma_wait3A_1391 = tpu.memref_slice %arg7[%select_n3A_1208, %dma_wait3A_1385, %dma_wait3A_1390] : memref<2x8x128xi32, #tpu.memory_space<vmem>> -> memref<1x1x128xi32, #tpu.memory_space<vmem>>
      %dma_wait3A_1392 = tpu.memref_squeeze %dma_wait3A_1391 : memref<1x1x128xi32, #tpu.memory_space<vmem>> -> memref<128xi32, #tpu.memory_space<vmem>>
      %dma_wait3A_1393 = arith.constant 0 : i32
      %dma_wait3A_1394 = arith.constant 0 : i32
      %dma_wait3A_1395 = tpu.memref_slice %arg9[%dma_wait3A_1393, %dma_wait3A_1394] : memref<50048x32xf32, #tpu.memory_space<vmem_shared>> -> memref<50048x32xf32, #tpu.memory_space<vmem_shared>>
      tpu.wait_indirect_dma semaphore(%arg11 : memref<!tpu.dma_semaphore, #tpu.memory_space<semaphore_mem>>) src(%dma_wait3A_1389 : memref<128x32xf32, #tpu.memory_space<vmem>>) dst(%dma_wait3A_1395 : memref<50048x32xf32, #tpu.memory_space<vmem_shared>>)
      %dma_wait3A_1396 = arith.constant 0 : i32
      %dma_wait3A_1397 = arith.constant 1 : i32
      %dma_wait3A_1398 = arith.constant 128 : i32
      %dma_wait3A_1399 = arith.constant 0 : i32
      %dma_wait3A_1400 = tpu.memref_slice %arg8[%dma_wait3A_1396, %dma_wait3A_1398, %dma_wait3A_1399] : memref<2x256x32xf32, #tpu.memory_space<vmem>> -> memref<1x128x32xf32, #tpu.memory_space<vmem>>
      %dma_wait3A_1401 = tpu.memref_squeeze %dma_wait3A_1400 : memref<1x128x32xf32, #tpu.memory_space<vmem>> -> memref<128x32xf32, #tpu.memory_space<vmem>>
      %dma_wait3A_1402 = arith.constant 0 : i32
      %dma_wait3A_1403 = tpu.memref_slice %arg7[%select_n3A_1208, %dma_wait3A_1397, %dma_wait3A_1402] : memref<2x8x128xi32, #tpu.memory_space<vmem>> -> memref<1x1x128xi32, #tpu.memory_space<vmem>>
      %dma_wait3A_1404 = tpu.memref_squeeze %dma_wait3A_1403 : memref<1x1x128xi32, #tpu.memory_space<vmem>> -> memref<128xi32, #tpu.memory_space<vmem>>
      %dma_wait3A_1405 = arith.constant 0 : i32
      %dma_wait3A_1406 = arith.constant 0 : i32
      %dma_wait3A_1407 = tpu.memref_slice %arg9[%dma_wait3A_1405, %dma_wait3A_1406] : memref<50048x32xf32, #tpu.memory_space<vmem_shared>> -> memref<50048x32xf32, #tpu.memory_space<vmem_shared>>
      tpu.wait_indirect_dma semaphore(%arg11 : memref<!tpu.dma_semaphore, #tpu.memory_space<semaphore_mem>>) src(%dma_wait3A_1401 : memref<128x32xf32, #tpu.memory_space<vmem>>) dst(%dma_wait3A_1407 : memref<50048x32xf32, #tpu.memory_space<vmem_shared>>)
      %dma_start3A_1408 = arith.constant 4 : i32
      %dma_start3A_1409 = arith.constant 0 : i32
      %dma_start3A_1410 = arith.constant 0 : i32
      %dma_start3A_1411 = arith.constant 0 : i32
      %dma_start3A_1412 = tpu.memref_slice %arg8[%dma_start3A_1409, %dma_start3A_1410, %dma_start3A_1411] : memref<2x256x32xf32, #tpu.memory_space<vmem>> -> memref<1x128x32xf32, #tpu.memory_space<vmem>>
      %dma_start3A_1413 = tpu.memref_squeeze %dma_start3A_1412 : memref<1x128x32xf32, #tpu.memory_space<vmem>> -> memref<128x32xf32, #tpu.memory_space<vmem>>
      %dma_start3A_1414 = arith.constant 0 : i32
      %dma_start3A_1415 = tpu.memref_slice %arg6[%select_n3A_1208, %dma_start3A_1408, %dma_start3A_1414] : memref<2x8x128xi32, #tpu.memory_space<vmem>> -> memref<1x1x128xi32, #tpu.memory_space<vmem>>
      %dma_start3A_1416 = tpu.memref_squeeze %dma_start3A_1415 : memref<1x1x128xi32, #tpu.memory_space<vmem>> -> memref<128xi32, #tpu.memory_space<vmem>>
      %dma_start3A_1417 = arith.constant 0 : i32
      %dma_start3A_1418 = arith.constant 0 : i32
      %dma_start3A_1419 = tpu.memref_slice %arg4[%dma_start3A_1417, %dma_start3A_1418] : memref<100000x32xf32, #tpu.memory_space<hbm>> -> memref<100000x32xf32, #tpu.memory_space<hbm>>
      tpu.enqueue_indirect_dma source(%dma_start3A_1419 : memref<100000x32xf32, #tpu.memory_space<hbm>>) target(%dma_start3A_1413 : memref<128x32xf32, #tpu.memory_space<vmem>>) offsets(%dma_start3A_1416 : memref<128xi32, #tpu.memory_space<vmem>>) semaphore(%arg10 : memref<!tpu.dma_semaphore, #tpu.memory_space<semaphore_mem>>)
      %dma_start3A_1420 = arith.constant 5 : i32
      %dma_start3A_1421 = arith.constant 0 : i32
      %dma_start3A_1422 = arith.constant 128 : i32
      %dma_start3A_1423 = arith.constant 0 : i32
      %dma_start3A_1424 = tpu.memref_slice %arg8[%dma_start3A_1421, %dma_start3A_1422, %dma_start3A_1423] : memref<2x256x32xf32, #tpu.memory_space<vmem>> -> memref<1x128x32xf32, #tpu.memory_space<vmem>>
      %dma_start3A_1425 = tpu.memref_squeeze %dma_start3A_1424 : memref<1x128x32xf32, #tpu.memory_space<vmem>> -> memref<128x32xf32, #tpu.memory_space<vmem>>
      %dma_start3A_1426 = arith.constant 0 : i32
      %dma_start3A_1427 = tpu.memref_slice %arg6[%select_n3A_1208, %dma_start3A_1420, %dma_start3A_1426] : memref<2x8x128xi32, #tpu.memory_space<vmem>> -> memref<1x1x128xi32, #tpu.memory_space<vmem>>
      %dma_start3A_1428 = tpu.memref_squeeze %dma_start3A_1427 : memref<1x1x128xi32, #tpu.memory_space<vmem>> -> memref<128xi32, #tpu.memory_space<vmem>>
      %dma_start3A_1429 = arith.constant 0 : i32
      %dma_start3A_1430 = arith.constant 0 : i32
      %dma_start3A_1431 = tpu.memref_slice %arg4[%dma_start3A_1429, %dma_start3A_1430] : memref<100000x32xf32, #tpu.memory_space<hbm>> -> memref<100000x32xf32, #tpu.memory_space<hbm>>
      tpu.enqueue_indirect_dma source(%dma_start3A_1431 : memref<100000x32xf32, #tpu.memory_space<hbm>>) target(%dma_start3A_1425 : memref<128x32xf32, #tpu.memory_space<vmem>>) offsets(%dma_start3A_1428 : memref<128xi32, #tpu.memory_space<vmem>>) semaphore(%arg10 : memref<!tpu.dma_semaphore, #tpu.memory_space<semaphore_mem>>)
      %dma_wait3A_1432 = arith.constant 4 : i32
      %dma_wait3A_1433 = arith.constant 0 : i32
      %dma_wait3A_1434 = arith.constant 0 : i32
      %dma_wait3A_1435 = arith.constant 0 : i32
      %dma_wait3A_1436 = tpu.memref_slice %arg8[%dma_wait3A_1433, %dma_wait3A_1434, %dma_wait3A_1435] : memref<2x256x32xf32, #tpu.memory_space<vmem>> -> memref<1x128x32xf32, #tpu.memory_space<vmem>>
      %dma_wait3A_1437 = tpu.memref_squeeze %dma_wait3A_1436 : memref<1x128x32xf32, #tpu.memory_space<vmem>> -> memref<128x32xf32, #tpu.memory_space<vmem>>
      %dma_wait3A_1438 = arith.constant 0 : i32
      %dma_wait3A_1439 = tpu.memref_slice %arg6[%select_n3A_1208, %dma_wait3A_1432, %dma_wait3A_1438] : memref<2x8x128xi32, #tpu.memory_space<vmem>> -> memref<1x1x128xi32, #tpu.memory_space<vmem>>
      %dma_wait3A_1440 = tpu.memref_squeeze %dma_wait3A_1439 : memref<1x1x128xi32, #tpu.memory_space<vmem>> -> memref<128xi32, #tpu.memory_space<vmem>>
      %dma_wait3A_1441 = arith.constant 0 : i32
      %dma_wait3A_1442 = arith.constant 0 : i32
      %dma_wait3A_1443 = tpu.memref_slice %arg4[%dma_wait3A_1441, %dma_wait3A_1442] : memref<100000x32xf32, #tpu.memory_space<hbm>> -> memref<100000x32xf32, #tpu.memory_space<hbm>>
      tpu.wait_indirect_dma semaphore(%arg10 : memref<!tpu.dma_semaphore, #tpu.memory_space<semaphore_mem>>) src(%dma_wait3A_1443 : memref<100000x32xf32, #tpu.memory_space<hbm>>) dst(%dma_wait3A_1437 : memref<128x32xf32, #tpu.memory_space<vmem>>)
      %dma_wait3A_1444 = arith.constant 5 : i32
      %dma_wait3A_1445 = arith.constant 0 : i32
      %dma_wait3A_1446 = arith.constant 128 : i32
      %dma_wait3A_1447 = arith.constant 0 : i32
      %dma_wait3A_1448 = tpu.memref_slice %arg8[%dma_wait3A_1445, %dma_wait3A_1446, %dma_wait3A_1447] : memref<2x256x32xf32, #tpu.memory_space<vmem>> -> memref<1x128x32xf32, #tpu.memory_space<vmem>>
      %dma_wait3A_1449 = tpu.memref_squeeze %dma_wait3A_1448 : memref<1x128x32xf32, #tpu.memory_space<vmem>> -> memref<128x32xf32, #tpu.memory_space<vmem>>
      %dma_wait3A_1450 = arith.constant 0 : i32
      %dma_wait3A_1451 = tpu.memref_slice %arg6[%select_n3A_1208, %dma_wait3A_1444, %dma_wait3A_1450] : memref<2x8x128xi32, #tpu.memory_space<vmem>> -> memref<1x1x128xi32, #tpu.memory_space<vmem>>
      %dma_wait3A_1452 = tpu.memref_squeeze %dma_wait3A_1451 : memref<1x1x128xi32, #tpu.memory_space<vmem>> -> memref<128xi32, #tpu.memory_space<vmem>>
      %dma_wait3A_1453 = arith.constant 0 : i32
      %dma_wait3A_1454 = arith.constant 0 : i32
      %dma_wait3A_1455 = tpu.memref_slice %arg4[%dma_wait3A_1453, %dma_wait3A_1454] : memref<100000x32xf32, #tpu.memory_space<hbm>> -> memref<100000x32xf32, #tpu.memory_space<hbm>>
      tpu.wait_indirect_dma semaphore(%arg10 : memref<!tpu.dma_semaphore, #tpu.memory_space<semaphore_mem>>) src(%dma_wait3A_1455 : memref<100000x32xf32, #tpu.memory_space<hbm>>) dst(%dma_wait3A_1449 : memref<128x32xf32, #tpu.memory_space<vmem>>)
      %dma_start3A_1456 = arith.constant 0 : i32
      %dma_start3A_1457 = arith.constant 4 : i32
      %dma_start3A_1458 = arith.constant 0 : i32
      %dma_start3A_1459 = arith.constant 0 : i32
      %dma_start3A_1460 = tpu.memref_slice %arg8[%dma_start3A_1456, %dma_start3A_1458, %dma_start3A_1459] : memref<2x256x32xf32, #tpu.memory_space<vmem>> -> memref<1x128x32xf32, #tpu.memory_space<vmem>>
      %dma_start3A_1461 = tpu.memref_squeeze %dma_start3A_1460 : memref<1x128x32xf32, #tpu.memory_space<vmem>> -> memref<128x32xf32, #tpu.memory_space<vmem>>
      %dma_start3A_1462 = arith.constant 0 : i32
      %dma_start3A_1463 = tpu.memref_slice %arg7[%select_n3A_1208, %dma_start3A_1457, %dma_start3A_1462] : memref<2x8x128xi32, #tpu.memory_space<vmem>> -> memref<1x1x128xi32, #tpu.memory_space<vmem>>
      %dma_start3A_1464 = tpu.memref_squeeze %dma_start3A_1463 : memref<1x1x128xi32, #tpu.memory_space<vmem>> -> memref<128xi32, #tpu.memory_space<vmem>>
      %dma_start3A_1465 = arith.constant 0 : i32
      %dma_start3A_1466 = arith.constant 0 : i32
      %dma_start3A_1467 = tpu.memref_slice %arg9[%dma_start3A_1465, %dma_start3A_1466] : memref<50048x32xf32, #tpu.memory_space<vmem_shared>> -> memref<50048x32xf32, #tpu.memory_space<vmem_shared>>
      tpu.enqueue_indirect_dma source(%dma_start3A_1461 : memref<128x32xf32, #tpu.memory_space<vmem>>) target(%dma_start3A_1467 : memref<50048x32xf32, #tpu.memory_space<vmem_shared>>) offsets(%dma_start3A_1464 : memref<128xi32, #tpu.memory_space<vmem>>) semaphore(%arg11 : memref<!tpu.dma_semaphore, #tpu.memory_space<semaphore_mem>>) {add = true}
      %dma_start3A_1468 = arith.constant 0 : i32
      %dma_start3A_1469 = arith.constant 5 : i32
      %dma_start3A_1470 = arith.constant 128 : i32
      %dma_start3A_1471 = arith.constant 0 : i32
      %dma_start3A_1472 = tpu.memref_slice %arg8[%dma_start3A_1468, %dma_start3A_1470, %dma_start3A_1471] : memref<2x256x32xf32, #tpu.memory_space<vmem>> -> memref<1x128x32xf32, #tpu.memory_space<vmem>>
      %dma_start3A_1473 = tpu.memref_squeeze %dma_start3A_1472 : memref<1x128x32xf32, #tpu.memory_space<vmem>> -> memref<128x32xf32, #tpu.memory_space<vmem>>
      %dma_start3A_1474 = arith.constant 0 : i32
      %dma_start3A_1475 = tpu.memref_slice %arg7[%select_n3A_1208, %dma_start3A_1469, %dma_start3A_1474] : memref<2x8x128xi32, #tpu.memory_space<vmem>> -> memref<1x1x128xi32, #tpu.memory_space<vmem>>
      %dma_start3A_1476 = tpu.memref_squeeze %dma_start3A_1475 : memref<1x1x128xi32, #tpu.memory_space<vmem>> -> memref<128xi32, #tpu.memory_space<vmem>>
      %dma_start3A_1477 = arith.constant 0 : i32
      %dma_start3A_1478 = arith.constant 0 : i32
      %dma_start3A_1479 = tpu.memref_slice %arg9[%dma_start3A_1477, %dma_start3A_1478] : memref<50048x32xf32, #tpu.memory_space<vmem_shared>> -> memref<50048x32xf32, #tpu.memory_space<vmem_shared>>
      tpu.enqueue_indirect_dma source(%dma_start3A_1473 : memref<128x32xf32, #tpu.memory_space<vmem>>) target(%dma_start3A_1479 : memref<50048x32xf32, #tpu.memory_space<vmem_shared>>) offsets(%dma_start3A_1476 : memref<128xi32, #tpu.memory_space<vmem>>) semaphore(%arg11 : memref<!tpu.dma_semaphore, #tpu.memory_space<semaphore_mem>>) {add = true}
      %mul3A_1480 = arith.constant 4 : i32
      %mul3A_1481 = arith.muli %scan3A_1199, %mul3A_1480 : i32
      %add3A_1482 = arith.constant 3 : i32
      %add3A_1483 = arith.addi %mul3A_1481, %add3A_1482 : i32
      %dma_wait3A_1484 = arith.constant 1 : i32
      %dma_wait3A_1485 = arith.constant 0 : i32
      %dma_wait3A_1486 = arith.constant 0 : i32
      %dma_wait3A_1487 = arith.constant 0 : i32
      %dma_wait3A_1488 = tpu.memref_slice %arg8[%dma_wait3A_1484, %dma_wait3A_1486, %dma_wait3A_1487] : memref<2x256x32xf32, #tpu.memory_space<vmem>> -> memref<1x128x32xf32, #tpu.memory_space<vmem>>
      %dma_wait3A_1489 = tpu.memref_squeeze %dma_wait3A_1488 : memref<1x128x32xf32, #tpu.memory_space<vmem>> -> memref<128x32xf32, #tpu.memory_space<vmem>>
      %dma_wait3A_1490 = arith.constant 0 : i32
      %dma_wait3A_1491 = tpu.memref_slice %arg7[%select_n3A_1208, %dma_wait3A_1485, %dma_wait3A_1490] : memref<2x8x128xi32, #tpu.memory_space<vmem>> -> memref<1x1x128xi32, #tpu.memory_space<vmem>>
      %dma_wait3A_1492 = tpu.memref_squeeze %dma_wait3A_1491 : memref<1x1x128xi32, #tpu.memory_space<vmem>> -> memref<128xi32, #tpu.memory_space<vmem>>
      %dma_wait3A_1493 = arith.constant 0 : i32
      %dma_wait3A_1494 = arith.constant 0 : i32
      %dma_wait3A_1495 = tpu.memref_slice %arg9[%dma_wait3A_1493, %dma_wait3A_1494] : memref<50048x32xf32, #tpu.memory_space<vmem_shared>> -> memref<50048x32xf32, #tpu.memory_space<vmem_shared>>
      tpu.wait_indirect_dma semaphore(%arg12 : memref<!tpu.dma_semaphore, #tpu.memory_space<semaphore_mem>>) src(%dma_wait3A_1489 : memref<128x32xf32, #tpu.memory_space<vmem>>) dst(%dma_wait3A_1495 : memref<50048x32xf32, #tpu.memory_space<vmem_shared>>)
      %dma_wait3A_1496 = arith.constant 1 : i32
      %dma_wait3A_1497 = arith.constant 1 : i32
      %dma_wait3A_1498 = arith.constant 128 : i32
      %dma_wait3A_1499 = arith.constant 0 : i32
      %dma_wait3A_1500 = tpu.memref_slice %arg8[%dma_wait3A_1496, %dma_wait3A_1498, %dma_wait3A_1499] : memref<2x256x32xf32, #tpu.memory_space<vmem>> -> memref<1x128x32xf32, #tpu.memory_space<vmem>>
      %dma_wait3A_1501 = tpu.memref_squeeze %dma_wait3A_1500 : memref<1x128x32xf32, #tpu.memory_space<vmem>> -> memref<128x32xf32, #tpu.memory_space<vmem>>
      %dma_wait3A_1502 = arith.constant 0 : i32
      %dma_wait3A_1503 = tpu.memref_slice %arg7[%select_n3A_1208, %dma_wait3A_1497, %dma_wait3A_1502] : memref<2x8x128xi32, #tpu.memory_space<vmem>> -> memref<1x1x128xi32, #tpu.memory_space<vmem>>
      %dma_wait3A_1504 = tpu.memref_squeeze %dma_wait3A_1503 : memref<1x1x128xi32, #tpu.memory_space<vmem>> -> memref<128xi32, #tpu.memory_space<vmem>>
      %dma_wait3A_1505 = arith.constant 0 : i32
      %dma_wait3A_1506 = arith.constant 0 : i32
      %dma_wait3A_1507 = tpu.memref_slice %arg9[%dma_wait3A_1505, %dma_wait3A_1506] : memref<50048x32xf32, #tpu.memory_space<vmem_shared>> -> memref<50048x32xf32, #tpu.memory_space<vmem_shared>>
      tpu.wait_indirect_dma semaphore(%arg12 : memref<!tpu.dma_semaphore, #tpu.memory_space<semaphore_mem>>) src(%dma_wait3A_1501 : memref<128x32xf32, #tpu.memory_space<vmem>>) dst(%dma_wait3A_1507 : memref<50048x32xf32, #tpu.memory_space<vmem_shared>>)
      %dma_start3A_1508 = arith.constant 6 : i32
      %dma_start3A_1509 = arith.constant 1 : i32
      %dma_start3A_1510 = arith.constant 0 : i32
      %dma_start3A_1511 = arith.constant 0 : i32
      %dma_start3A_1512 = tpu.memref_slice %arg8[%dma_start3A_1509, %dma_start3A_1510, %dma_start3A_1511] : memref<2x256x32xf32, #tpu.memory_space<vmem>> -> memref<1x128x32xf32, #tpu.memory_space<vmem>>
      %dma_start3A_1513 = tpu.memref_squeeze %dma_start3A_1512 : memref<1x128x32xf32, #tpu.memory_space<vmem>> -> memref<128x32xf32, #tpu.memory_space<vmem>>
      %dma_start3A_1514 = arith.constant 0 : i32
      %dma_start3A_1515 = tpu.memref_slice %arg6[%select_n3A_1208, %dma_start3A_1508, %dma_start3A_1514] : memref<2x8x128xi32, #tpu.memory_space<vmem>> -> memref<1x1x128xi32, #tpu.memory_space<vmem>>
      %dma_start3A_1516 = tpu.memref_squeeze %dma_start3A_1515 : memref<1x1x128xi32, #tpu.memory_space<vmem>> -> memref<128xi32, #tpu.memory_space<vmem>>
      %dma_start3A_1517 = arith.constant 0 : i32
      %dma_start3A_1518 = arith.constant 0 : i32
      %dma_start3A_1519 = tpu.memref_slice %arg4[%dma_start3A_1517, %dma_start3A_1518] : memref<100000x32xf32, #tpu.memory_space<hbm>> -> memref<100000x32xf32, #tpu.memory_space<hbm>>
      tpu.enqueue_indirect_dma source(%dma_start3A_1519 : memref<100000x32xf32, #tpu.memory_space<hbm>>) target(%dma_start3A_1513 : memref<128x32xf32, #tpu.memory_space<vmem>>) offsets(%dma_start3A_1516 : memref<128xi32, #tpu.memory_space<vmem>>) semaphore(%arg10 : memref<!tpu.dma_semaphore, #tpu.memory_space<semaphore_mem>>)
      %dma_start3A_1520 = arith.constant 7 : i32
      %dma_start3A_1521 = arith.constant 1 : i32
      %dma_start3A_1522 = arith.constant 128 : i32
      %dma_start3A_1523 = arith.constant 0 : i32
      %dma_start3A_1524 = tpu.memref_slice %arg8[%dma_start3A_1521, %dma_start3A_1522, %dma_start3A_1523] : memref<2x256x32xf32, #tpu.memory_space<vmem>> -> memref<1x128x32xf32, #tpu.memory_space<vmem>>
      %dma_start3A_1525 = tpu.memref_squeeze %dma_start3A_1524 : memref<1x128x32xf32, #tpu.memory_space<vmem>> -> memref<128x32xf32, #tpu.memory_space<vmem>>
      %dma_start3A_1526 = arith.constant 0 : i32
      %dma_start3A_1527 = tpu.memref_slice %arg6[%select_n3A_1208, %dma_start3A_1520, %dma_start3A_1526] : memref<2x8x128xi32, #tpu.memory_space<vmem>> -> memref<1x1x128xi32, #tpu.memory_space<vmem>>
      %dma_start3A_1528 = tpu.memref_squeeze %dma_start3A_1527 : memref<1x1x128xi32, #tpu.memory_space<vmem>> -> memref<128xi32, #tpu.memory_space<vmem>>
      %dma_start3A_1529 = arith.constant 0 : i32
      %dma_start3A_1530 = arith.constant 0 : i32
      %dma_start3A_1531 = tpu.memref_slice %arg4[%dma_start3A_1529, %dma_start3A_1530] : memref<100000x32xf32, #tpu.memory_space<hbm>> -> memref<100000x32xf32, #tpu.memory_space<hbm>>
      tpu.enqueue_indirect_dma source(%dma_start3A_1531 : memref<100000x32xf32, #tpu.memory_space<hbm>>) target(%dma_start3A_1525 : memref<128x32xf32, #tpu.memory_space<vmem>>) offsets(%dma_start3A_1528 : memref<128xi32, #tpu.memory_space<vmem>>) semaphore(%arg10 : memref<!tpu.dma_semaphore, #tpu.memory_space<semaphore_mem>>)
      %dma_wait3A_1532 = arith.constant 6 : i32
      %dma_wait3A_1533 = arith.constant 1 : i32
      %dma_wait3A_1534 = arith.constant 0 : i32
      %dma_wait3A_1535 = arith.constant 0 : i32
      %dma_wait3A_1536 = tpu.memref_slice %arg8[%dma_wait3A_1533, %dma_wait3A_1534, %dma_wait3A_1535] : memref<2x256x32xf32, #tpu.memory_space<vmem>> -> memref<1x128x32xf32, #tpu.memory_space<vmem>>
      %dma_wait3A_1537 = tpu.memref_squeeze %dma_wait3A_1536 : memref<1x128x32xf32, #tpu.memory_space<vmem>> -> memref<128x32xf32, #tpu.memory_space<vmem>>
      %dma_wait3A_1538 = arith.constant 0 : i32
      %dma_wait3A_1539 = tpu.memref_slice %arg6[%select_n3A_1208, %dma_wait3A_1532, %dma_wait3A_1538] : memref<2x8x128xi32, #tpu.memory_space<vmem>> -> memref<1x1x128xi32, #tpu.memory_space<vmem>>
      %dma_wait3A_1540 = tpu.memref_squeeze %dma_wait3A_1539 : memref<1x1x128xi32, #tpu.memory_space<vmem>> -> memref<128xi32, #tpu.memory_space<vmem>>
      %dma_wait3A_1541 = arith.constant 0 : i32
      %dma_wait3A_1542 = arith.constant 0 : i32
      %dma_wait3A_1543 = tpu.memref_slice %arg4[%dma_wait3A_1541, %dma_wait3A_1542] : memref<100000x32xf32, #tpu.memory_space<hbm>> -> memref<100000x32xf32, #tpu.memory_space<hbm>>
      tpu.wait_indirect_dma semaphore(%arg10 : memref<!tpu.dma_semaphore, #tpu.memory_space<semaphore_mem>>) src(%dma_wait3A_1543 : memref<100000x32xf32, #tpu.memory_space<hbm>>) dst(%dma_wait3A_1537 : memref<128x32xf32, #tpu.memory_space<vmem>>)
      %dma_wait3A_1544 = arith.constant 7 : i32
      %dma_wait3A_1545 = arith.constant 1 : i32
      %dma_wait3A_1546 = arith.constant 128 : i32
      %dma_wait3A_1547 = arith.constant 0 : i32
      %dma_wait3A_1548 = tpu.memref_slice %arg8[%dma_wait3A_1545, %dma_wait3A_1546, %dma_wait3A_1547] : memref<2x256x32xf32, #tpu.memory_space<vmem>> -> memref<1x128x32xf32, #tpu.memory_space<vmem>>
      %dma_wait3A_1549 = tpu.memref_squeeze %dma_wait3A_1548 : memref<1x128x32xf32, #tpu.memory_space<vmem>> -> memref<128x32xf32, #tpu.memory_space<vmem>>
      %dma_wait3A_1550 = arith.constant 0 : i32
      %dma_wait3A_1551 = tpu.memref_slice %arg6[%select_n3A_1208, %dma_wait3A_1544, %dma_wait3A_1550] : memref<2x8x128xi32, #tpu.memory_space<vmem>> -> memref<1x1x128xi32, #tpu.memory_space<vmem>>
      %dma_wait3A_1552 = tpu.memref_squeeze %dma_wait3A_1551 : memref<1x1x128xi32, #tpu.memory_space<vmem>> -> memref<128xi32, #tpu.memory_space<vmem>>
      %dma_wait3A_1553 = arith.constant 0 : i32
      %dma_wait3A_1554 = arith.constant 0 : i32
      %dma_wait3A_1555 = tpu.memref_slice %arg4[%dma_wait3A_1553, %dma_wait3A_1554] : memref<100000x32xf32, #tpu.memory_space<hbm>> -> memref<100000x32xf32, #tpu.memory_space<hbm>>
      tpu.wait_indirect_dma semaphore(%arg10 : memref<!tpu.dma_semaphore, #tpu.memory_space<semaphore_mem>>) src(%dma_wait3A_1555 : memref<100000x32xf32, #tpu.memory_space<hbm>>) dst(%dma_wait3A_1549 : memref<128x32xf32, #tpu.memory_space<vmem>>)
      %dma_start3A_1556 = arith.constant 1 : i32
      %dma_start3A_1557 = arith.constant 6 : i32
      %dma_start3A_1558 = arith.constant 0 : i32
      %dma_start3A_1559 = arith.constant 0 : i32
      %dma_start3A_1560 = tpu.memref_slice %arg8[%dma_start3A_1556, %dma_start3A_1558, %dma_start3A_1559] : memref<2x256x32xf32, #tpu.memory_space<vmem>> -> memref<1x128x32xf32, #tpu.memory_space<vmem>>
      %dma_start3A_1561 = tpu.memref_squeeze %dma_start3A_1560 : memref<1x128x32xf32, #tpu.memory_space<vmem>> -> memref<128x32xf32, #tpu.memory_space<vmem>>
      %dma_start3A_1562 = arith.constant 0 : i32
      %dma_start3A_1563 = tpu.memref_slice %arg7[%select_n3A_1208, %dma_start3A_1557, %dma_start3A_1562] : memref<2x8x128xi32, #tpu.memory_space<vmem>> -> memref<1x1x128xi32, #tpu.memory_space<vmem>>
      %dma_start3A_1564 = tpu.memref_squeeze %dma_start3A_1563 : memref<1x1x128xi32, #tpu.memory_space<vmem>> -> memref<128xi32, #tpu.memory_space<vmem>>
      %dma_start3A_1565 = arith.constant 0 : i32
      %dma_start3A_1566 = arith.constant 0 : i32
      %dma_start3A_1567 = tpu.memref_slice %arg9[%dma_start3A_1565, %dma_start3A_1566] : memref<50048x32xf32, #tpu.memory_space<vmem_shared>> -> memref<50048x32xf32, #tpu.memory_space<vmem_shared>>
      tpu.enqueue_indirect_dma source(%dma_start3A_1561 : memref<128x32xf32, #tpu.memory_space<vmem>>) target(%dma_start3A_1567 : memref<50048x32xf32, #tpu.memory_space<vmem_shared>>) offsets(%dma_start3A_1564 : memref<128xi32, #tpu.memory_space<vmem>>) semaphore(%arg12 : memref<!tpu.dma_semaphore, #tpu.memory_space<semaphore_mem>>) {add = true}
      %dma_start3A_1568 = arith.constant 1 : i32
      %dma_start3A_1569 = arith.constant 7 : i32
      %dma_start3A_1570 = arith.constant 128 : i32
      %dma_start3A_1571 = arith.constant 0 : i32
      %dma_start3A_1572 = tpu.memref_slice %arg8[%dma_start3A_1568, %dma_start3A_1570, %dma_start3A_1571] : memref<2x256x32xf32, #tpu.memory_space<vmem>> -> memref<1x128x32xf32, #tpu.memory_space<vmem>>
      %dma_start3A_1573 = tpu.memref_squeeze %dma_start3A_1572 : memref<1x128x32xf32, #tpu.memory_space<vmem>> -> memref<128x32xf32, #tpu.memory_space<vmem>>
      %dma_start3A_1574 = arith.constant 0 : i32
      %dma_start3A_1575 = tpu.memref_slice %arg7[%select_n3A_1208, %dma_start3A_1569, %dma_start3A_1574] : memref<2x8x128xi32, #tpu.memory_space<vmem>> -> memref<1x1x128xi32, #tpu.memory_space<vmem>>
      %dma_start3A_1576 = tpu.memref_squeeze %dma_start3A_1575 : memref<1x1x128xi32, #tpu.memory_space<vmem>> -> memref<128xi32, #tpu.memory_space<vmem>>
      %dma_start3A_1577 = arith.constant 0 : i32
      %dma_start3A_1578 = arith.constant 0 : i32
      %dma_start3A_1579 = tpu.memref_slice %arg9[%dma_start3A_1577, %dma_start3A_1578] : memref<50048x32xf32, #tpu.memory_space<vmem_shared>> -> memref<50048x32xf32, #tpu.memory_space<vmem_shared>>
      tpu.enqueue_indirect_dma source(%dma_start3A_1573 : memref<128x32xf32, #tpu.memory_space<vmem>>) target(%dma_start3A_1579 : memref<50048x32xf32, #tpu.memory_space<vmem_shared>>) offsets(%dma_start3A_1576 : memref<128xi32, #tpu.memory_space<vmem>>) semaphore(%arg12 : memref<!tpu.dma_semaphore, #tpu.memory_space<semaphore_mem>>) {add = true}
    }
    %scan3A_1142 = arith.constant 50 : i32
    %dma_wait3A = arith.constant 0 : i32
    %dma_wait3A_1143 = arith.constant 0 : i32
    %dma_wait3A_1144 = arith.constant 0 : i32
    %dma_wait3A_1145 = arith.constant 0 : i32
    %dma_wait3A_1146 = arith.constant 0 : i32
    %dma_wait3A_1147 = tpu.memref_slice %arg8[%dma_wait3A, %dma_wait3A_1145, %dma_wait3A_1146] : memref<2x256x32xf32, #tpu.memory_space<vmem>> -> memref<1x128x32xf32, #tpu.memory_space<vmem>>
    %dma_wait3A_1148 = tpu.memref_squeeze %dma_wait3A_1147 : memref<1x128x32xf32, #tpu.memory_space<vmem>> -> memref<128x32xf32, #tpu.memory_space<vmem>>
    %dma_wait3A_1149 = arith.constant 0 : i32
    %dma_wait3A_1150 = tpu.memref_slice %arg7[%dma_wait3A_1143, %dma_wait3A_1144, %dma_wait3A_1149] : memref<2x8x128xi32, #tpu.memory_space<vmem>> -> memref<1x1x128xi32, #tpu.memory_space<vmem>>
    %dma_wait3A_1151 = tpu.memref_squeeze %dma_wait3A_1150 : memref<1x1x128xi32, #tpu.memory_space<vmem>> -> memref<128xi32, #tpu.memory_space<vmem>>
    %dma_wait3A_1152 = arith.constant 0 : i32
    %dma_wait3A_1153 = arith.constant 0 : i32
    %dma_wait3A_1154 = tpu.memref_slice %arg9[%dma_wait3A_1152, %dma_wait3A_1153] : memref<50048x32xf32, #tpu.memory_space<vmem_shared>> -> memref<50048x32xf32, #tpu.memory_space<vmem_shared>>
    tpu.wait_indirect_dma semaphore(%arg11 : memref<!tpu.dma_semaphore, #tpu.memory_space<semaphore_mem>>) src(%dma_wait3A_1148 : memref<128x32xf32, #tpu.memory_space<vmem>>) dst(%dma_wait3A_1154 : memref<50048x32xf32, #tpu.memory_space<vmem_shared>>)
    %dma_wait3A_1155 = arith.constant 0 : i32
    %dma_wait3A_1156 = arith.constant 0 : i32
    %dma_wait3A_1157 = arith.constant 1 : i32
    %dma_wait3A_1158 = arith.constant 128 : i32
    %dma_wait3A_1159 = arith.constant 0 : i32
    %dma_wait3A_1160 = tpu.memref_slice %arg8[%dma_wait3A_1155, %dma_wait3A_1158, %dma_wait3A_1159] : memref<2x256x32xf32, #tpu.memory_space<vmem>> -> memref<1x128x32xf32, #tpu.memory_space<vmem>>
    %dma_wait3A_1161 = tpu.memref_squeeze %dma_wait3A_1160 : memref<1x128x32xf32, #tpu.memory_space<vmem>> -> memref<128x32xf32, #tpu.memory_space<vmem>>
    %dma_wait3A_1162 = arith.constant 0 : i32
    %dma_wait3A_1163 = tpu.memref_slice %arg7[%dma_wait3A_1156, %dma_wait3A_1157, %dma_wait3A_1162] : memref<2x8x128xi32, #tpu.memory_space<vmem>> -> memref<1x1x128xi32, #tpu.memory_space<vmem>>
    %dma_wait3A_1164 = tpu.memref_squeeze %dma_wait3A_1163 : memref<1x1x128xi32, #tpu.memory_space<vmem>> -> memref<128xi32, #tpu.memory_space<vmem>>
    %dma_wait3A_1165 = arith.constant 0 : i32
    %dma_wait3A_1166 = arith.constant 0 : i32
    %dma_wait3A_1167 = tpu.memref_slice %arg9[%dma_wait3A_1165, %dma_wait3A_1166] : memref<50048x32xf32, #tpu.memory_space<vmem_shared>> -> memref<50048x32xf32, #tpu.memory_space<vmem_shared>>
    tpu.wait_indirect_dma semaphore(%arg11 : memref<!tpu.dma_semaphore, #tpu.memory_space<semaphore_mem>>) src(%dma_wait3A_1161 : memref<128x32xf32, #tpu.memory_space<vmem>>) dst(%dma_wait3A_1167 : memref<50048x32xf32, #tpu.memory_space<vmem_shared>>)
    %dma_wait3A_1168 = arith.constant 1 : i32
    %dma_wait3A_1169 = arith.constant 0 : i32
    %dma_wait3A_1170 = arith.constant 0 : i32
    %dma_wait3A_1171 = arith.constant 0 : i32
    %dma_wait3A_1172 = arith.constant 0 : i32
    %dma_wait3A_1173 = tpu.memref_slice %arg8[%dma_wait3A_1168, %dma_wait3A_1171, %dma_wait3A_1172] : memref<2x256x32xf32, #tpu.memory_space<vmem>> -> memref<1x128x32xf32, #tpu.memory_space<vmem>>
    %dma_wait3A_1174 = tpu.memref_squeeze %dma_wait3A_1173 : memref<1x128x32xf32, #tpu.memory_space<vmem>> -> memref<128x32xf32, #tpu.memory_space<vmem>>
    %dma_wait3A_1175 = arith.constant 0 : i32
    %dma_wait3A_1176 = tpu.memref_slice %arg7[%dma_wait3A_1169, %dma_wait3A_1170, %dma_wait3A_1175] : memref<2x8x128xi32, #tpu.memory_space<vmem>> -> memref<1x1x128xi32, #tpu.memory_space<vmem>>
    %dma_wait3A_1177 = tpu.memref_squeeze %dma_wait3A_1176 : memref<1x1x128xi32, #tpu.memory_space<vmem>> -> memref<128xi32, #tpu.memory_space<vmem>>
    %dma_wait3A_1178 = arith.constant 0 : i32
    %dma_wait3A_1179 = arith.constant 0 : i32
    %dma_wait3A_1180 = tpu.memref_slice %arg9[%dma_wait3A_1178, %dma_wait3A_1179] : memref<50048x32xf32, #tpu.memory_space<vmem_shared>> -> memref<50048x32xf32, #tpu.memory_space<vmem_shared>>
    tpu.wait_indirect_dma semaphore(%arg12 : memref<!tpu.dma_semaphore, #tpu.memory_space<semaphore_mem>>) src(%dma_wait3A_1174 : memref<128x32xf32, #tpu.memory_space<vmem>>) dst(%dma_wait3A_1180 : memref<50048x32xf32, #tpu.memory_space<vmem_shared>>)
    %dma_wait3A_1181 = arith.constant 1 : i32
    %dma_wait3A_1182 = arith.constant 0 : i32
    %dma_wait3A_1183 = arith.constant 1 : i32
    %dma_wait3A_1184 = arith.constant 128 : i32
    %dma_wait3A_1185 = arith.constant 0 : i32
    %dma_wait3A_1186 = tpu.memref_slice %arg8[%dma_wait3A_1181, %dma_wait3A_1184, %dma_wait3A_1185] : memref<2x256x32xf32, #tpu.memory_space<vmem>> -> memref<1x128x32xf32, #tpu.memory_space<vmem>>
    %dma_wait3A_1187 = tpu.memref_squeeze %dma_wait3A_1186 : memref<1x128x32xf32, #tpu.memory_space<vmem>> -> memref<128x32xf32, #tpu.memory_space<vmem>>
    %dma_wait3A_1188 = arith.constant 0 : i32
    %dma_wait3A_1189 = tpu.memref_slice %arg7[%dma_wait3A_1182, %dma_wait3A_1183, %dma_wait3A_1188] : memref<2x8x128xi32, #tpu.memory_space<vmem>> -> memref<1x1x128xi32, #tpu.memory_space<vmem>>
    %dma_wait3A_1190 = tpu.memref_squeeze %dma_wait3A_1189 : memref<1x1x128xi32, #tpu.memory_space<vmem>> -> memref<128xi32, #tpu.memory_space<vmem>>
    %dma_wait3A_1191 = arith.constant 0 : i32
    %dma_wait3A_1192 = arith.constant 0 : i32
    %dma_wait3A_1193 = tpu.memref_slice %arg9[%dma_wait3A_1191, %dma_wait3A_1192] : memref<50048x32xf32, #tpu.memory_space<vmem_shared>> -> memref<50048x32xf32, #tpu.memory_space<vmem_shared>>
    tpu.wait_indirect_dma semaphore(%arg12 : memref<!tpu.dma_semaphore, #tpu.memory_space<semaphore_mem>>) src(%dma_wait3A_1187 : memref<128x32xf32, #tpu.memory_space<vmem>>) dst(%dma_wait3A_1193 : memref<50048x32xf32, #tpu.memory_space<vmem_shared>>)
    %barrier3A_1194 = arith.constant 0 : index
    tpu.barrier barrier_id(%barrier3A_1194)
    %mul3A_1195 = arith.constant 3128 : i32
    %mul3A_1196 = arith.muli %arg1, %mul3A_1195 : i32
    %mul3A_1197 = arith.constant 3128 : i32
    %mul3A_1198 = arith.muli %arg1, %mul3A_1197 : i32
    "tpu.region"() ({
      %run_scoped3A_1199 = tpu.sem_alloc : memref<!tpu.dma_semaphore, #tpu.memory_space<semaphore_mem>>
      %dma_start3A = arith.constant 0 : i32
      %dma_start3A_1200 = tpu.memref_slice %arg5[%arg0, %mul3A_1198, %dma_start3A] : memref<2x50048x32xf32, #tpu.memory_space<hbm>> -> memref<1x3128x32xf32, #tpu.memory_space<hbm>>
      %dma_start3A_1201 = tpu.memref_squeeze %dma_start3A_1200 : memref<1x3128x32xf32, #tpu.memory_space<hbm>> -> memref<3128x32xf32, #tpu.memory_space<hbm>>
      %dma_start3A_1202 = arith.constant 0 : i32
      %dma_start3A_1203 = tpu.memref_slice %arg9[%mul3A_1196, %dma_start3A_1202] : memref<50048x32xf32, #tpu.memory_space<vmem_shared>> -> memref<3128x32xf32, #tpu.memory_space<vmem_shared>>
      tpu.enqueue_dma source(%dma_start3A_1203 : memref<3128x32xf32, #tpu.memory_space<vmem_shared>>) target(%dma_start3A_1201 : memref<3128x32xf32, #tpu.memory_space<hbm>>) target_semaphore(%run_scoped3A_1199 : memref<!tpu.dma_semaphore, #tpu.memory_space<semaphore_mem>>)
      %dma_wait3A_1204 = arith.constant 0 : i32
      %dma_wait3A_1205 = tpu.memref_slice %arg5[%arg0, %mul3A_1198, %dma_wait3A_1204] : memref<2x50048x32xf32, #tpu.memory_space<hbm>> -> memref<1x3128x32xf32, #tpu.memory_space<hbm>>
      %dma_wait3A_1206 = tpu.memref_squeeze %dma_wait3A_1205 : memref<1x3128x32xf32, #tpu.memory_space<hbm>> -> memref<3128x32xf32, #tpu.memory_space<hbm>>
      %dma_wait3A_1207 = arith.constant 0 : i32
      %dma_wait3A_1208 = tpu.memref_slice %arg9[%mul3A_1196, %dma_wait3A_1207] : memref<50048x32xf32, #tpu.memory_space<vmem_shared>> -> memref<3128x32xf32, #tpu.memory_space<vmem_shared>>
      tpu.wait_dma2 semaphore(%run_scoped3A_1199 : memref<!tpu.dma_semaphore, #tpu.memory_space<semaphore_mem>>) src(%dma_wait3A_1208 : memref<3128x32xf32, #tpu.memory_space<vmem_shared>>) dst(%dma_wait3A_1206 : memref<3128x32xf32, #tpu.memory_space<hbm>>)
      tpu.yield
    }) : () -> ()
    return
  }
}

module attributes {stable_mosaic.version = 14 : i64} {
  func.func @_fc_body(%arg0: i32, %arg1: memref<5000x32xf32, #tpu.memory_space<vmem>>, %arg2: memref<32x64xf32, #tpu.memory_space<vmem>>, %arg3: memref<1x64xf32, #tpu.memory_space<vmem>>, %arg4: memref<2x5000x32xf32, #tpu.memory_space<vmem>>) attributes {dimension_semantics = [#tpu.dimension_semantics<arbitrary>], iteration_bounds = array<i64: 10>, scalar_prefetch = 0 : i64, scratch_operands = 0 : i64, tpu.core_type = #tpu.core_type<tc>, window_params = [{transform_indices = @transform_0, window_bounds = array<i64: 5000, 32>}, {pipeline_mode = #tpu.pipeline_mode<synchronous>, transform_indices = @transform_1, window_bounds = array<i64: 32, 64>}, {pipeline_mode = #tpu.pipeline_mode<synchronous>, transform_indices = @transform_2, window_bounds = array<i64: 1, 64>}, {transform_indices = @transform_3, window_bounds = array<i64: 2, 5000, 32>}]} {
    %get3A = arith.constant 0 : index
    %get3A_0 = arith.constant 0 : index
    %get3A_1 = vector.load %arg1[%get3A, %get3A_0] : memref<5000x32xf32, #tpu.memory_space<vmem>>, vector<5000x32xf32>
    %get3A_2 = arith.constant 0 : index
    %get3A_3 = arith.constant 0 : index
    %get3A_4 = vector.load %arg2[%get3A_2, %get3A_3] : memref<32x64xf32, #tpu.memory_space<vmem>>, vector<32x64xf32>
    %dot_general3A = arith.constant dense<0.000000e+00> : vector<5000x64xf32>
    %dot_general3A_5 = tpu.matmul %get3A_1, %get3A_4, %dot_general3A {dimension_numbers = #tpu.dot_dimension_numbers<[1], [0], [0], [1], [0, 0, 1, 1], [], []>, transpose_lhs_hint = false} : vector<5000x32xf32>, vector<32x64xf32>, vector<5000x64xf32> -> vector<5000x64xf32>
    %get3A_6 = arith.constant 0 : index
    %get3A_7 = arith.constant 0 : index
    %get3A_8 = vector.load %arg3[%get3A_6, %get3A_7] : memref<1x64xf32, #tpu.memory_space<vmem>>, vector<1x64xf32>
    %add3A = vector.broadcast %get3A_8 : vector<1x64xf32> to vector<5000x64xf32>
    %add3A_9 = arith.addf %dot_general3A_5, %add3A : vector<5000x64xf32>
    %jit3A = arith.constant 0.00999999977 : f32
    %ge3A = arith.constant 0.000000e+00 : f32
    %ge3A_10 = vector.broadcast %ge3A : f32 to vector<5000x64xf32>
    %ge3A_11 = arith.cmpf oge, %add3A_9, %ge3A_10 : vector<5000x64xf32>
    %mul3A = vector.broadcast %jit3A : f32 to vector<5000x64xf32>
    %mul3A_12 = arith.mulf %mul3A, %add3A_9 : vector<5000x64xf32>
    %select_n3A = arith.select %ge3A_11, %add3A_9, %mul3A_12 : vector<5000x64xi1>, vector<5000x64xf32>
    %slice3A = vector.extract_strided_slice %select_n3A {offsets = [0, 0], sizes = [5000, 32], strides = [1, 1]} : vector<5000x64xf32> to vector<5000x32xf32>
    %swap3A = arith.constant 0 : index
    %swap3A_13 = arith.constant 0 : index
    %swap3A_14 = arith.constant 0 : index
    %swap3A_15 = vector.load %arg4[%swap3A, %swap3A_13, %swap3A_14] : memref<2x5000x32xf32, #tpu.memory_space<vmem>>, vector<1x5000x32xf32>
    %swap3A_16 = vector.shape_cast %swap3A_15 : vector<1x5000x32xf32> to vector<5000x32xf32>
    %swap3A_17 = vector.shape_cast %slice3A : vector<5000x32xf32> to vector<1x5000x32xf32>
    tpu.vector_store %arg4[%swap3A, %swap3A_13, %swap3A_14], %swap3A_17 {strides = array<i32>} : memref<2x5000x32xf32, #tpu.memory_space<vmem>>, vector<1x5000x32xf32>,
    %slice3A_18 = vector.extract_strided_slice %select_n3A {offsets = [0, 32], sizes = [5000, 32], strides = [1, 1]} : vector<5000x64xf32> to vector<5000x32xf32>
    %swap3A_19 = arith.constant 1 : index
    %swap3A_20 = arith.constant 0 : index
    %swap3A_21 = arith.constant 0 : index
    %swap3A_22 = vector.load %arg4[%swap3A_19, %swap3A_20, %swap3A_21] : memref<2x5000x32xf32, #tpu.memory_space<vmem>>, vector<1x5000x32xf32>
    %swap3A_23 = vector.shape_cast %swap3A_22 : vector<1x5000x32xf32> to vector<5000x32xf32>
    %swap3A_24 = vector.shape_cast %slice3A_18 : vector<5000x32xf32> to vector<1x5000x32xf32>
    tpu.vector_store %arg4[%swap3A_19, %swap3A_20, %swap3A_21], %swap3A_24 {strides = array<i32>} : memref<2x5000x32xf32, #tpu.memory_space<vmem>>, vector<1x5000x32xf32>,
    return
  }
  func.func @transform_0(%arg0: i32) -> (i32, i32) {
    %c0_i32 = arith.constant 0 : i32
    %c0_i32_0 = arith.constant 0 : i32
    return %arg0, %c0_i32 : i32, i32
  }
  func.func @transform_1(%arg0: i32) -> (i32, i32) {
    %c0_i32 = arith.constant 0 : i32
    %c0_i32_0 = arith.constant 0 : i32
    %c0_i32_1 = arith.constant 0 : i32
    return %c0_i32, %c0_i32_0 : i32, i32
  }
  func.func @transform_2(%arg0: i32) -> (i32, i32) {
    %c0_i32 = arith.constant 0 : i32
    %c0_i32_0 = arith.constant 0 : i32
    %c0_i32_1 = arith.constant 0 : i32
    return %c0_i32, %c0_i32_0 : i32, i32
  }
  func.func @transform_3(%arg0: i32) -> (i32, i32, i32) {
    %c0_i32 = arith.constant 0 : i32
    %c0_i32_0 = arith.constant 0 : i32
    %c0_i32_1 = arith.constant 0 : i32
    return %c0_i32, %arg0, %c0_i32_0 : i32, i32, i32
  }
}

module attributes {stable_mosaic.version = 14 : i64} {
  func.func @_tail_body(%arg0: i32, %arg1: memref<2x2000x32xf32, #tpu.memory_space<vmem>>, %arg2: memref<2x2000x32xf32, #tpu.memory_space<vmem>>, %arg3: memref<2000x16xf32, #tpu.memory_space<vmem>>, %arg4: memref<1x1xf32, #tpu.memory_space<vmem>>, %arg5: memref<64x32xf32, #tpu.memory_space<vmem>>, %arg6: memref<1x32xf32, #tpu.memory_space<vmem>>, %arg7: memref<32x16xf32, #tpu.memory_space<vmem>>, %arg8: memref<1x16xf32, #tpu.memory_space<vmem>>, %arg9: memref<16x32xf32, #tpu.memory_space<vmem>>, %arg10: memref<16x32xf32, #tpu.memory_space<vmem>>, %arg11: memref<32x256xf32, #tpu.memory_space<vmem>>, %arg12: memref<1x256xf32, #tpu.memory_space<vmem>>, %arg13: memref<256x256xf32, #tpu.memory_space<vmem>>, %arg14: memref<1x256xf32, #tpu.memory_space<vmem>>, %arg15: memref<256x256xf32, #tpu.memory_space<vmem>>, %arg16: memref<1x256xf32, #tpu.memory_space<vmem>>, %arg17: memref<256x64xf32, #tpu.memory_space<vmem>>, %arg18: memref<1x64xf32, #tpu.memory_space<vmem>>, %arg19: memref<2000x64xf32, #tpu.memory_space<vmem>>) attributes {dimension_semantics = [#tpu.dimension_semantics<arbitrary>], iteration_bounds = array<i64: 25>, scalar_prefetch = 0 : i64, scratch_operands = 0 : i64, tpu.core_type = #tpu.core_type<tc>, window_params = [{transform_indices = @transform_0, window_bounds = array<i64: 2, 2000, 32>}, {transform_indices = @transform_1, window_bounds = array<i64: 2, 2000, 32>}, {transform_indices = @transform_2, window_bounds = array<i64: 2000, 16>}, {pipeline_mode = #tpu.pipeline_mode<synchronous>, transform_indices = @transform_3, window_bounds = array<i64: 1, 1>}, {pipeline_mode = #tpu.pipeline_mode<synchronous>, transform_indices = @transform_4, window_bounds = array<i64: 64, 32>}, {pipeline_mode = #tpu.pipeline_mode<synchronous>, transform_indices = @transform_5, window_bounds = array<i64: 1, 32>}, {pipeline_mode = #tpu.pipeline_mode<synchronous>, transform_indices = @transform_6, window_bounds = array<i64: 32, 16>}, {pipeline_mode = #tpu.pipeline_mode<synchronous>, transform_indices = @transform_7, window_bounds = array<i64: 1, 16>}, {pipeline_mode = #tpu.pipeline_mode<synchronous>, transform_indices = @transform_8, window_bounds = array<i64: 16, 32>}, {pipeline_mode = #tpu.pipeline_mode<synchronous>, transform_indices = @transform_9, window_bounds = array<i64: 16, 32>}, {pipeline_mode = #tpu.pipeline_mode<synchronous>, transform_indices = @transform_10, window_bounds = array<i64: 32, 256>}, {pipeline_mode = #tpu.pipeline_mode<synchronous>, transform_indices = @transform_11, window_bounds = array<i64: 1, 256>}, {pipeline_mode = #tpu.pipeline_mode<synchronous>, transform_indices = @transform_12, window_bounds = array<i64: 256, 256>}, {pipeline_mode = #tpu.pipeline_mode<synchronous>, transform_indices = @transform_13, window_bounds = array<i64: 1, 256>}, {pipeline_mode = #tpu.pipeline_mode<synchronous>, transform_indices = @transform_14, window_bounds = array<i64: 256, 256>}, {pipeline_mode = #tpu.pipeline_mode<synchronous>, transform_indices = @transform_15, window_bounds = array<i64: 1, 256>}, {pipeline_mode = #tpu.pipeline_mode<synchronous>, transform_indices = @transform_16, window_bounds = array<i64: 256, 64>}, {pipeline_mode = #tpu.pipeline_mode<synchronous>, transform_indices = @transform_17, window_bounds = array<i64: 1, 64>}, {transform_indices = @transform_18, window_bounds = array<i64: 2000, 64>}]} {
    %get3A = arith.constant 0 : index
    %get3A_0 = arith.constant 0 : index
    %get3A_1 = arith.constant 0 : index
    %get3A_2 = vector.load %arg1[%get3A, %get3A_0, %get3A_1] : memref<2x2000x32xf32, #tpu.memory_space<vmem>>, vector<1x2000x32xf32>
    %get3A_3 = vector.shape_cast %get3A_2 : vector<1x2000x32xf32> to vector<2000x32xf32>
    %get3A_4 = arith.constant 1 : index
    %get3A_5 = arith.constant 0 : index
    %get3A_6 = arith.constant 0 : index
    %get3A_7 = vector.load %arg1[%get3A_4, %get3A_5, %get3A_6] : memref<2x2000x32xf32, #tpu.memory_space<vmem>>, vector<1x2000x32xf32>
    %get3A_8 = vector.shape_cast %get3A_7 : vector<1x2000x32xf32> to vector<2000x32xf32>
    %concatenate3A = tpu.concatenate %get3A_3, %get3A_8 in 1 : vector<2000x32xf32>, vector<2000x32xf32> -> vector<2000x64xf32>
    %get3A_9 = arith.constant 0 : index
    %get3A_10 = arith.constant 0 : index
    %get3A_11 = arith.constant 0 : index
    %get3A_12 = vector.load %arg2[%get3A_9, %get3A_10, %get3A_11] : memref<2x2000x32xf32, #tpu.memory_space<vmem>>, vector<1x2000x32xf32>
    %get3A_13 = vector.shape_cast %get3A_12 : vector<1x2000x32xf32> to vector<2000x32xf32>
    %get3A_14 = arith.constant 1 : index
    %get3A_15 = arith.constant 0 : index
    %get3A_16 = arith.constant 0 : index
    %get3A_17 = vector.load %arg2[%get3A_14, %get3A_15, %get3A_16] : memref<2x2000x32xf32, #tpu.memory_space<vmem>>, vector<1x2000x32xf32>
    %get3A_18 = vector.shape_cast %get3A_17 : vector<1x2000x32xf32> to vector<2000x32xf32>
    %concatenate3A_19 = tpu.concatenate %get3A_13, %get3A_18 in 1 : vector<2000x32xf32>, vector<2000x32xf32> -> vector<2000x64xf32>
    %get3A_20 = arith.constant 0 : index
    %get3A_21 = arith.constant 0 : index
    %get3A_22 = vector.load %arg4[%get3A_20, %get3A_21] : memref<1x1xf32, #tpu.memory_space<vmem>>, vector<1x1xf32>
    %get3A_23 = vector.extract %get3A_22[0, 0] : f32 from vector<1x1xf32>
    %mul3A = vector.broadcast %get3A_23 : f32 to vector<2000x64xf32>
    %mul3A_24 = arith.mulf %mul3A, %concatenate3A : vector<2000x64xf32>
    %add3A = arith.addf %mul3A_24, %concatenate3A_19 : vector<2000x64xf32>
    %get3A_25 = arith.constant 0 : index
    %get3A_26 = arith.constant 0 : index
    %get3A_27 = vector.load %arg5[%get3A_25, %get3A_26] : memref<64x32xf32, #tpu.memory_space<vmem>>, vector<64x32xf32>
    %dot_general3A = arith.constant dense<0.000000e+00> : vector<2000x32xf32>
    %dot_general3A_28 = tpu.matmul %add3A, %get3A_27, %dot_general3A {dimension_numbers = #tpu.dot_dimension_numbers<[1], [0], [0], [1], [0, 0, 1, 1], [], []>, transpose_lhs_hint = false} : vector<2000x64xf32>, vector<64x32xf32>, vector<2000x32xf32> -> vector<2000x32xf32>
    %get3A_29 = arith.constant 0 : index
    %get3A_30 = arith.constant 0 : index
    %get3A_31 = vector.load %arg6[%get3A_29, %get3A_30] : memref<1x32xf32, #tpu.memory_space<vmem>>, vector<1x32xf32>
    %add3A_32 = vector.broadcast %get3A_31 : vector<1x32xf32> to vector<2000x32xf32>
    %add3A_33 = arith.addf %dot_general3A_28, %add3A_32 : vector<2000x32xf32>
    %jit3A = arith.constant 0.00999999977 : f32
    %ge3A = arith.constant 0.000000e+00 : f32
    %ge3A_34 = vector.broadcast %ge3A : f32 to vector<2000x32xf32>
    %ge3A_35 = arith.cmpf oge, %add3A_33, %ge3A_34 : vector<2000x32xf32>
    %mul3A_36 = vector.broadcast %jit3A : f32 to vector<2000x32xf32>
    %mul3A_37 = arith.mulf %mul3A_36, %add3A_33 : vector<2000x32xf32>
    %select_n3A = arith.select %ge3A_35, %add3A_33, %mul3A_37 : vector<2000x32xi1>, vector<2000x32xf32>
    %get3A_38 = arith.constant 0 : index
    %get3A_39 = arith.constant 0 : index
    %get3A_40 = vector.load %arg7[%get3A_38, %get3A_39] : memref<32x16xf32, #tpu.memory_space<vmem>>, vector<32x16xf32>
    %dot_general3A_41 = arith.constant dense<0.000000e+00> : vector<2000x16xf32>
    %dot_general3A_42 = tpu.matmul %select_n3A, %get3A_40, %dot_general3A_41 {dimension_numbers = #tpu.dot_dimension_numbers<[1], [0], [0], [1], [0, 0, 1, 1], [], []>, transpose_lhs_hint = false} : vector<2000x32xf32>, vector<32x16xf32>, vector<2000x16xf32> -> vector<2000x16xf32>
    %get3A_43 = arith.constant 0 : index
    %get3A_44 = arith.constant 0 : index
    %get3A_45 = vector.load %arg8[%get3A_43, %get3A_44] : memref<1x16xf32, #tpu.memory_space<vmem>>, vector<1x16xf32>
    %add3A_46 = vector.broadcast %get3A_45 : vector<1x16xf32> to vector<2000x16xf32>
    %add3A_47 = arith.addf %dot_general3A_42, %add3A_46 : vector<2000x16xf32>
    %jit3A_48 = arith.constant 0.00999999977 : f32
    %ge3A_49 = arith.constant 0.000000e+00 : f32
    %ge3A_50 = vector.broadcast %ge3A_49 : f32 to vector<2000x16xf32>
    %ge3A_51 = arith.cmpf oge, %add3A_47, %ge3A_50 : vector<2000x16xf32>
    %mul3A_52 = vector.broadcast %jit3A_48 : f32 to vector<2000x16xf32>
    %mul3A_53 = arith.mulf %mul3A_52, %add3A_47 : vector<2000x16xf32>
    %select_n3A_54 = arith.select %ge3A_51, %add3A_47, %mul3A_53 : vector<2000x16xi1>, vector<2000x16xf32>
    %jit3A_55 = arith.constant 0.00999999977 : f32
    %ge3A_56 = arith.constant 0.000000e+00 : f32
    %ge3A_57 = vector.broadcast %ge3A_56 : f32 to vector<2000x16xf32>
    %ge3A_58 = arith.cmpf oge, %select_n3A_54, %ge3A_57 : vector<2000x16xf32>
    %mul3A_59 = vector.broadcast %jit3A_55 : f32 to vector<2000x16xf32>
    %mul3A_60 = arith.mulf %mul3A_59, %select_n3A_54 : vector<2000x16xf32>
    %select_n3A_61 = arith.select %ge3A_58, %select_n3A_54, %mul3A_60 : vector<2000x16xi1>, vector<2000x16xf32>
    %get3A_62 = arith.constant 0 : index
    %get3A_63 = arith.constant 0 : index
    %get3A_64 = vector.load %arg3[%get3A_62, %get3A_63] : memref<2000x16xf32, #tpu.memory_space<vmem>>, vector<2000x16xf32>
    %get3A_65 = arith.constant 0 : index
    %get3A_66 = arith.constant 0 : index
    %get3A_67 = vector.load %arg9[%get3A_65, %get3A_66] : memref<16x32xf32, #tpu.memory_space<vmem>>, vector<16x32xf32>
    %dot_general3A_68 = arith.constant dense<0.000000e+00> : vector<2000x32xf32>
    %dot_general3A_69 = tpu.matmul %get3A_64, %get3A_67, %dot_general3A_68 {dimension_numbers = #tpu.dot_dimension_numbers<[1], [0], [0], [1], [0, 0, 1, 1], [], []>, transpose_lhs_hint = false} : vector<2000x16xf32>, vector<16x32xf32>, vector<2000x32xf32> -> vector<2000x32xf32>
    %get3A_70 = arith.constant 0 : index
    %get3A_71 = arith.constant 0 : index
    %get3A_72 = vector.load %arg10[%get3A_70, %get3A_71] : memref<16x32xf32, #tpu.memory_space<vmem>>, vector<16x32xf32>
    %dot_general3A_73 = arith.constant dense<0.000000e+00> : vector<2000x32xf32>
    %dot_general3A_74 = tpu.matmul %select_n3A_61, %get3A_72, %dot_general3A_73 {dimension_numbers = #tpu.dot_dimension_numbers<[1], [0], [0], [1], [0, 0, 1, 1], [], []>, transpose_lhs_hint = false} : vector<2000x16xf32>, vector<16x32xf32>, vector<2000x32xf32> -> vector<2000x32xf32>
    %add3A_75 = arith.addf %dot_general3A_69, %dot_general3A_74 : vector<2000x32xf32>
    %get3A_76 = arith.constant 0 : index
    %get3A_77 = arith.constant 0 : index
    %get3A_78 = vector.load %arg11[%get3A_76, %get3A_77] : memref<32x256xf32, #tpu.memory_space<vmem>>, vector<32x256xf32>
    %dot_general3A_79 = arith.constant dense<0.000000e+00> : vector<2000x256xf32>
    %dot_general3A_80 = tpu.matmul %add3A_75, %get3A_78, %dot_general3A_79 {dimension_numbers = #tpu.dot_dimension_numbers<[1], [0], [0], [1], [0, 0, 1, 1], [], []>, transpose_lhs_hint = false} : vector<2000x32xf32>, vector<32x256xf32>, vector<2000x256xf32> -> vector<2000x256xf32>
    %get3A_81 = arith.constant 0 : index
    %get3A_82 = arith.constant 0 : index
    %get3A_83 = vector.load %arg12[%get3A_81, %get3A_82] : memref<1x256xf32, #tpu.memory_space<vmem>>, vector<1x256xf32>
    %add3A_84 = vector.broadcast %get3A_83 : vector<1x256xf32> to vector<2000x256xf32>
    %add3A_85 = arith.addf %dot_general3A_80, %add3A_84 : vector<2000x256xf32>
    %jit3A_86 = arith.constant 0.00999999977 : f32
    %ge3A_87 = arith.constant 0.000000e+00 : f32
    %ge3A_88 = vector.broadcast %ge3A_87 : f32 to vector<2000x256xf32>
    %ge3A_89 = arith.cmpf oge, %add3A_85, %ge3A_88 : vector<2000x256xf32>
    %mul3A_90 = vector.broadcast %jit3A_86 : f32 to vector<2000x256xf32>
    %mul3A_91 = arith.mulf %mul3A_90, %add3A_85 : vector<2000x256xf32>
    %select_n3A_92 = arith.select %ge3A_89, %add3A_85, %mul3A_91 : vector<2000x256xi1>, vector<2000x256xf32>
    %convert_element_type3A = arith.truncf %select_n3A_92 : vector<2000x256xf32> to vector<2000x256xbf16>
    %get3A_93 = arith.constant 0 : index
    %get3A_94 = arith.constant 0 : index
    %get3A_95 = vector.load %arg13[%get3A_93, %get3A_94] : memref<256x256xf32, #tpu.memory_space<vmem>>, vector<256x256xf32>
    %convert_element_type3A_96 = arith.truncf %get3A_95 : vector<256x256xf32> to vector<256x256xbf16>
    %dot_general3A_97 = arith.constant dense<0.000000e+00> : vector<2000x256xf32>
    %dot_general3A_98 = tpu.matmul %convert_element_type3A, %convert_element_type3A_96, %dot_general3A_97 {dimension_numbers = #tpu.dot_dimension_numbers<[1], [0], [0], [1], [0, 0, 1, 1], [], []>, transpose_lhs_hint = false} : vector<2000x256xbf16>, vector<256x256xbf16>, vector<2000x256xf32> -> vector<2000x256xf32>
    %get3A_99 = arith.constant 0 : index
    %get3A_100 = arith.constant 0 : index
    %get3A_101 = vector.load %arg14[%get3A_99, %get3A_100] : memref<1x256xf32, #tpu.memory_space<vmem>>, vector<1x256xf32>
    %add3A_102 = vector.broadcast %get3A_101 : vector<1x256xf32> to vector<2000x256xf32>
    %add3A_103 = arith.addf %dot_general3A_98, %add3A_102 : vector<2000x256xf32>
    %jit3A_104 = arith.constant 0.00999999977 : f32
    %ge3A_105 = arith.constant 0.000000e+00 : f32
    %ge3A_106 = vector.broadcast %ge3A_105 : f32 to vector<2000x256xf32>
    %ge3A_107 = arith.cmpf oge, %add3A_103, %ge3A_106 : vector<2000x256xf32>
    %mul3A_108 = vector.broadcast %jit3A_104 : f32 to vector<2000x256xf32>
    %mul3A_109 = arith.mulf %mul3A_108, %add3A_103 : vector<2000x256xf32>
    %select_n3A_110 = arith.select %ge3A_107, %add3A_103, %mul3A_109 : vector<2000x256xi1>, vector<2000x256xf32>
    %convert_element_type3A_111 = arith.truncf %select_n3A_110 : vector<2000x256xf32> to vector<2000x256xbf16>
    %get3A_112 = arith.constant 0 : index
    %get3A_113 = arith.constant 0 : index
    %get3A_114 = vector.load %arg15[%get3A_112, %get3A_113] : memref<256x256xf32, #tpu.memory_space<vmem>>, vector<256x256xf32>
    %convert_element_type3A_115 = arith.truncf %get3A_114 : vector<256x256xf32> to vector<256x256xbf16>
    %dot_general3A_116 = arith.constant dense<0.000000e+00> : vector<2000x256xf32>
    %dot_general3A_117 = tpu.matmul %convert_element_type3A_111, %convert_element_type3A_115, %dot_general3A_116 {dimension_numbers = #tpu.dot_dimension_numbers<[1], [0], [0], [1], [0, 0, 1, 1], [], []>, transpose_lhs_hint = false} : vector<2000x256xbf16>, vector<256x256xbf16>, vector<2000x256xf32> -> vector<2000x256xf32>
    %get3A_118 = arith.constant 0 : index
    %get3A_119 = arith.constant 0 : index
    %get3A_120 = vector.load %arg16[%get3A_118, %get3A_119] : memref<1x256xf32, #tpu.memory_space<vmem>>, vector<1x256xf32>
    %add3A_121 = vector.broadcast %get3A_120 : vector<1x256xf32> to vector<2000x256xf32>
    %add3A_122 = arith.addf %dot_general3A_117, %add3A_121 : vector<2000x256xf32>
    %jit3A_123 = arith.constant 0.00999999977 : f32
    %ge3A_124 = arith.constant 0.000000e+00 : f32
    %ge3A_125 = vector.broadcast %ge3A_124 : f32 to vector<2000x256xf32>
    %ge3A_126 = arith.cmpf oge, %add3A_122, %ge3A_125 : vector<2000x256xf32>
    %mul3A_127 = vector.broadcast %jit3A_123 : f32 to vector<2000x256xf32>
    %mul3A_128 = arith.mulf %mul3A_127, %add3A_122 : vector<2000x256xf32>
    %select_n3A_129 = arith.select %ge3A_126, %add3A_122, %mul3A_128 : vector<2000x256xi1>, vector<2000x256xf32>
    %convert_element_type3A_130 = arith.truncf %select_n3A_129 : vector<2000x256xf32> to vector<2000x256xbf16>
    %get3A_131 = arith.constant 0 : index
    %get3A_132 = arith.constant 0 : index
    %get3A_133 = vector.load %arg17[%get3A_131, %get3A_132] : memref<256x64xf32, #tpu.memory_space<vmem>>, vector<256x64xf32>
    %convert_element_type3A_134 = arith.truncf %get3A_133 : vector<256x64xf32> to vector<256x64xbf16>
    %dot_general3A_135 = arith.constant dense<0.000000e+00> : vector<2000x64xf32>
    %dot_general3A_136 = tpu.matmul %convert_element_type3A_130, %convert_element_type3A_134, %dot_general3A_135 {dimension_numbers = #tpu.dot_dimension_numbers<[1], [0], [0], [1], [0, 0, 1, 1], [], []>, transpose_lhs_hint = false} : vector<2000x256xbf16>, vector<256x64xbf16>, vector<2000x64xf32> -> vector<2000x64xf32>
    %get3A_137 = arith.constant 0 : index
    %get3A_138 = arith.constant 0 : index
    %get3A_139 = vector.load %arg18[%get3A_137, %get3A_138] : memref<1x64xf32, #tpu.memory_space<vmem>>, vector<1x64xf32>
    %add3A_140 = vector.broadcast %get3A_139 : vector<1x64xf32> to vector<2000x64xf32>
    %add3A_141 = arith.addf %dot_general3A_136, %add3A_140 : vector<2000x64xf32>
    %jit3A_142 = arith.constant 0.00999999977 : f32
    %ge3A_143 = arith.constant 0.000000e+00 : f32
    %ge3A_144 = vector.broadcast %ge3A_143 : f32 to vector<2000x64xf32>
    %ge3A_145 = arith.cmpf oge, %add3A_141, %ge3A_144 : vector<2000x64xf32>
    %mul3A_146 = vector.broadcast %jit3A_142 : f32 to vector<2000x64xf32>
    %mul3A_147 = arith.mulf %mul3A_146, %add3A_141 : vector<2000x64xf32>
    %select_n3A_148 = arith.select %ge3A_145, %add3A_141, %mul3A_147 : vector<2000x64xi1>, vector<2000x64xf32>
    %swap3A = arith.constant 0 : index
    %swap3A_149 = arith.constant 0 : index
    %swap3A_150 = vector.load %arg19[%swap3A, %swap3A_149] : memref<2000x64xf32, #tpu.memory_space<vmem>>, vector<2000x64xf32>
    tpu.vector_store %arg19[%swap3A, %swap3A_149], %select_n3A_148 {strides = array<i32>} : memref<2000x64xf32, #tpu.memory_space<vmem>>, vector<2000x64xf32>,
    return
  }
  func.func @transform_0(%arg0: i32) -> (i32, i32, i32) {
    %c0_i32 = arith.constant 0 : i32
    %c0_i32_0 = arith.constant 0 : i32
    %c0_i32_1 = arith.constant 0 : i32
    return %c0_i32, %arg0, %c0_i32_0 : i32, i32, i32
  }
  func.func @transform_1(%arg0: i32) -> (i32, i32, i32) {
    %c0_i32 = arith.constant 0 : i32
    %c0_i32_0 = arith.constant 0 : i32
    %c0_i32_1 = arith.constant 0 : i32
    return %c0_i32, %arg0, %c0_i32_0 : i32, i32, i32
  }
  func.func @transform_2(%arg0: i32) -> (i32, i32) {
    %c0_i32 = arith.constant 0 : i32
    %c0_i32_0 = arith.constant 0 : i32
    return %arg0, %c0_i32 : i32, i32
  }
  func.func @transform_3(%arg0: i32) -> (i32, i32) {
    %c0_i32 = arith.constant 0 : i32
    %c0_i32_0 = arith.constant 0 : i32
    %c0_i32_1 = arith.constant 0 : i32
    return %c0_i32, %c0_i32_0 : i32, i32
  }
  func.func @transform_4(%arg0: i32) -> (i32, i32) {
    %c0_i32 = arith.constant 0 : i32
    %c0_i32_0 = arith.constant 0 : i32
    %c0_i32_1 = arith.constant 0 : i32
    return %c0_i32, %c0_i32_0 : i32, i32
  }
  func.func @transform_5(%arg0: i32) -> (i32, i32) {
    %c0_i32 = arith.constant 0 : i32
    %c0_i32_0 = arith.constant 0 : i32
    %c0_i32_1 = arith.constant 0 : i32
    return %c0_i32, %c0_i32_0 : i32, i32
  }
  func.func @transform_6(%arg0: i32) -> (i32, i32) {
    %c0_i32 = arith.constant 0 : i32
    %c0_i32_0 = arith.constant 0 : i32
    %c0_i32_1 = arith.constant 0 : i32
    return %c0_i32, %c0_i32_0 : i32, i32
  }
  func.func @transform_7(%arg0: i32) -> (i32, i32) {
    %c0_i32 = arith.constant 0 : i32
    %c0_i32_0 = arith.constant 0 : i32
    %c0_i32_1 = arith.constant 0 : i32
    return %c0_i32, %c0_i32_0 : i32, i32
  }
  func.func @transform_8(%arg0: i32) -> (i32, i32) {
    %c0_i32 = arith.constant 0 : i32
    %c0_i32_0 = arith.constant 0 : i32
    %c0_i32_1 = arith.constant 0 : i32
    return %c0_i32, %c0_i32_0 : i32, i32
  }
  func.func @transform_9(%arg0: i32) -> (i32, i32) {
    %c0_i32 = arith.constant 0 : i32
    %c0_i32_0 = arith.constant 0 : i32
    %c0_i32_1 = arith.constant 0 : i32
    return %c0_i32, %c0_i32_0 : i32, i32
  }
  func.func @transform_10(%arg0: i32) -> (i32, i32) {
    %c0_i32 = arith.constant 0 : i32
    %c0_i32_0 = arith.constant 0 : i32
    %c0_i32_1 = arith.constant 0 : i32
    return %c0_i32, %c0_i32_0 : i32, i32
  }
  func.func @transform_11(%arg0: i32) -> (i32, i32) {
    %c0_i32 = arith.constant 0 : i32
    %c0_i32_0 = arith.constant 0 : i32
    %c0_i32_1 = arith.constant 0 : i32
    return %c0_i32, %c0_i32_0 : i32, i32
  }
  func.func @transform_12(%arg0: i32) -> (i32, i32) {
    %c0_i32 = arith.constant 0 : i32
    %c0_i32_0 = arith.constant 0 : i32
    %c0_i32_1 = arith.constant 0 : i32
    return %c0_i32, %c0_i32_0 : i32, i32
  }
  func.func @transform_13(%arg0: i32) -> (i32, i32) {
    %c0_i32 = arith.constant 0 : i32
    %c0_i32_0 = arith.constant 0 : i32
    %c0_i32_1 = arith.constant 0 : i32
    return %c0_i32, %c0_i32_0 : i32, i32
  }
  func.func @transform_14(%arg0: i32) -> (i32, i32) {
    %c0_i32 = arith.constant 0 : i32
    %c0_i32_0 = arith.constant 0 : i32
    %c0_i32_1 = arith.constant 0 : i32
    return %c0_i32, %c0_i32_0 : i32, i32
  }
  func.func @transform_15(%arg0: i32) -> (i32, i32) {
    %c0_i32 = arith.constant 0 : i32
    %c0_i32_0 = arith.constant 0 : i32
    %c0_i32_1 = arith.constant 0 : i32
    return %c0_i32, %c0_i32_0 : i32, i32
  }
  func.func @transform_16(%arg0: i32) -> (i32, i32) {
    %c0_i32 = arith.constant 0 : i32
    %c0_i32_0 = arith.constant 0 : i32
    %c0_i32_1 = arith.constant 0 : i32
    return %c0_i32, %c0_i32_0 : i32, i32
  }
  func.func @transform_17(%arg0: i32) -> (i32, i32) {
    %c0_i32 = arith.constant 0 : i32
    %c0_i32_0 = arith.constant 0 : i32
    %c0_i32_1 = arith.constant 0 : i32
    return %c0_i32, %c0_i32_0 : i32, i32
  }
  func.func @transform_18(%arg0: i32) -> (i32, i32) {
    %c0_i32 = arith.constant 0 : i32
    %c0_i32_0 = arith.constant 0 : i32
    return %arg0, %c0_i32 : i32, i32
  }
}

</mosaic_0001>

<sc_bundles>
// kernel: kernel.5.cloned.1.call-start
scs
__scs_entry_jumppad:
0x0: {  	(pc) =	sbr.rel $0x88, $3  }
0x1: {  	(tag) =	ssettag $0x0;
	lr =	simm.s32 $0x1  }
0x2: {  	[smem:$0x3F8F] =	sst lr;
	_ =	strace $0xD0000000  }
0x3: {  	_ = 	snop  }
0x4: {  	_ = 	snop  }
0x5: {  	_ = 	snop  }
0x6: {  	_ = 	snop  }
0x7: {  	_ = 	snop  }
__scs_overlays_trampoline_lowered:
0x8: {  	[smem:$0x3F9E] =	sst s0  }
0x9: {  	[smem:$0x3F9F] =	sst s1  }
0xa: {  	[smem:$0x3FA0] =	sst s2  }
0xb: {  	[smem:$0x3FA1] =	sst s3  }
0xc: {  	[smem:$0x3FA2] =	sst s4  }
0xd: {  	[smem:$0x3FA3] =	sst s5  }
0xe: {  	[smem:$0x3FA4] =	sst s6  }
0xf: {  	[smem:$0x3FA5] =	sst s7  }
0x10: {  	[smem:$0x3FA6] =	sst s8  }
0x11: {  	[smem:$0x3FA7] =	sst s9;
	s0 =	simm.s32 @!p0 $0x0  }
0x12: {  	s1 =	sld [smem:$0x3F8D];
	s0 =	simm.s32 @p0 $0x1  }
0x13: {  	[smem:$0x3FA8] =	sst s0;
	s0 =	simm.s32 @!p1 $0x0  }
0x14: {  	s2 =	sld [smem:$0x3F8C];
	s0 =	simm.s32 @p1 $0x1  }
0x15: {  	[smem:$0x3FA9] =	sst s0;
	s0 =	simm.s32 @!p2 $0x0  }
0x16: {  	s3 =	sld [smem:$0x3FDB];
	s0 =	simm.s32 @p2 $0x1  }
0x17: {  	s4 =	simm.s32 $0x1BF5;
	[smem:$0x3FAB] =	sst s0  }
0x18: {  	s0 =	sld [smem:$0x3F8E];
	_ =	swait.ge [sflag:s4], $0x0  }
0x19: {  	s7 =	sld [smem:$0x3F8F]  }
0x1a: {  	s8 =	sadd.s32 $0xFFFFE003, lr  }
0x1b: {  	s9 =	sadd.s32 $0xFFFFFEF7, lr;
	s5 =	simm.s32 $0xFFFFFFFF;
	p2 =	slt.u32 s8, $0xFFFFF086  }
0x1c: {  	p1 =	slt.u32 s9, $0xF7A;
	s5 =	simm.s32 @!p2 $0x0  }
0x1d: {  	s5 =	simm.s32 @p1 $0x1;
	p0 =	seq.s32 s7, s2  }
0x1e: {  	s7 =	smul.u32 @!p0 $0xF7A, s2;
	p2 =	seq.s32 @!p0 s5, $0x0  }
0x1f: {  	s9 =	smul.u32 $0xF7A, s1;
	s8 =	simm.s32 @!p0 $0x1BF5;
	p2 =	por !p2, p0  }
0x20: {  	[sflag:s8] =	ssyncset.s32 @!p0 $0xFFFFF086;
	s6 =	sadd.s32 @!p0 s3, s7;
	s7 =	simm.s32 @!p0 $0x108  }
0x21: {  	s3 =	sadd.s32 s3, s9;
	s6 =	sadd.s32 @!p0 $0x88, s6;
	s7 =	simm.s32 @p2 $0x1082  }
0x22: {  	[simem:s7], [sflag:s8] =	dma.local @!p0 [hbm:s6], $0xF7A  }
0x23: {  	s9 =	sor.u32 $0xD0000000, s2;
	s6 =	simm.s32 $0x108;
	_ =	swait.ge @!p0 [sflag:s8], $0x0  }
0x24: {  	s3 =	sadd.s32 $0x88, s3;
	s6 =	simm.s32 @!p1 $0x1082;
	[sflag:s4] =	ssyncset.s32 $0xFFFFF086  }
0x25: {  	[simem:s6], [sflag:s4] =	dma.local [hbm:s3], $0xF7A  }
0x26: {  	[smem:$0x3F8F] =	sst s1;
	(tag) =	ssettag s2;
	_ =	strace s9  }
0x27: {  	s1 =	sld [smem:$0x3F9F]  }
0x28: {  	s2 =	sld [smem:$0x3FA0]  }
0x29: {  	s4 =	sld [smem:$0x3FA2]  }
0x2a: {  	p0 =	seq.s32 s5, $0x0;
	s5 =	sld [smem:$0x3FA3]  }
0x2b: {  	s6 =	sld [smem:$0x3FA4]  }
0x2c: {  	s7 =	sld [smem:$0x3FA5]  }
0x2d: {  	s3 =	simm.s32 $0x108;
	s8 =	sld [smem:$0x3FA6]  }
0x2e: {  	s3 =	simm.s32 @!p0 $0x1082;
	s9 =	sld [smem:$0x3FA7]  }
0x2f: {  	lr =	sadd.s32 s0, s3;
	s0 =	sld [smem:$0x3F9E]  }
0x30: {  	s3 =	sld [smem:$0x3FA1]  }
0x31: {  	[smem:$0x3FAA] =	sst s10  }
0x32: {  	s10 =	sld [smem:$0x3FA8];
	_ =	sdelay $0x3  }
0x33: {  	p0 =	seq.s32 s10, $0x1;
	s10 =	sld [smem:$0x3FAA];
	_ =	sdelay $0x3  }
0x34: {  	[smem:$0x3FAA] =	sst s10  }
0x35: {  	s10 =	sld [smem:$0x3FA9];
	_ =	sdelay $0x3  }
0x36: {  	p1 =	seq.s32 s10, $0x1;
	s10 =	sld [smem:$0x3FAA];
	_ =	sdelay $0x3  }
0x37: {  	[smem:$0x3FAA] =	sst s10  }
0x38: {  	s10 =	sld [smem:$0x3FAB]  }
0x39: {  	_ = 	snop;
	(pc) =	sbr.ind lr, $3  }
0x3a: {  	_ = 	snop  }
0x3b: {  	_ = 	snop  }
0x3c: {  	p2 =	seq.s32 s10, $0x1;
	s10 =	sld [smem:$0x3FAA]  }
0x3d: {  	_ =	shalt  }
0x3e: {  	_ =	shalt  }
0x3f: {  	_ =	shalt  }
0x40: {  	_ =	shalt  }
0x41: {  	_ =	shalt  }
0x42: {  	_ =	shalt  }
0x43: {  	_ =	shalt  }
0x44: {  	_ =	shalt  }
0x45: {  	_ =	shalt  }
0x46: {  	_ =	shalt  }
0x47: {  	_ =	shalt  }
0x48: {  	_ =	shalt  }
0x49: {  	_ =	shalt  }
0x4a: {  	_ =	shalt  }
0x4b: {  	_ =	shalt  }
0x4c: {  	_ =	shalt  }
0x4d: {  	_ =	shalt  }
0x4e: {  	_ =	shalt  }
0x4f: {  	_ =	shalt  }
0x50: {  	_ =	shalt  }
0x51: {  	_ =	shalt  }
0x52: {  	_ =	shalt  }
0x53: {  	_ =	shalt  }
0x54: {  	_ =	shalt  }
0x55: {  	_ =	shalt  }
0x56: {  	_ =	shalt  }
0x57: {  	_ =	shalt  }
0x58: {  	_ =	shalt  }
0x59: {  	_ =	shalt  }
0x5a: {  	_ =	shalt  }
0x5b: {  	_ =	shalt  }
0x5c: {  	_ =	shalt  }
0x5d: {  	_ =	shalt  }
0x5e: {  	_ =	shalt  }
0x5f: {  	_ =	shalt  }
0x60: {  	_ =	shalt  }
0x61: {  	_ =	shalt  }
0x62: {  	_ =	shalt  }
0x63: {  	_ =	shalt  }
0x64: {  	_ =	shalt  }
0x65: {  	_ =	shalt  }
0x66: {  	_ =	shalt  }
0x67: {  	_ =	shalt  }
0x68: {  	_ =	shalt  }
0x69: {  	_ =	shalt  }
0x6a: {  	_ =	shalt  }
0x6b: {  	_ =	shalt  }
0x6c: {  	_ =	shalt  }
0x6d: {  	_ =	shalt  }
0x6e: {  	_ =	shalt  }
0x6f: {  	_ =	shalt  }
0x70: {  	_ =	shalt  }
0x71: {  	_ =	shalt  }
0x72: {  	_ =	shalt  }
0x73: {  	_ =	shalt  }
0x74: {  	_ =	shalt  }
0x75: {  	_ =	shalt  }
0x76: {  	_ =	shalt  }
0x77: {  	_ =	shalt  }
0x78: {  	_ =	shalt  }
0x79: {  	_ =	shalt  }
0x7a: {  	_ =	shalt  }
0x7b: {  	_ =	shalt  }
0x7c: {  	_ =	shalt  }
0x7d: {  	_ =	shalt  }
0x7e: {  	_ =	shalt  }
0x7f: {  	_ =	shalt  }
0x80: {  	_ =	shalt  }
0x81: {  	_ =	shalt  }
0x82: {  	_ =	shalt  }
0x83: {  	_ =	shalt  }
0x84: {  	_ =	shalt  }
0x85: {  	_ =	shalt  }
0x86: {  	_ =	shalt  }
0x87: {  	_ =	shalt  }
.Lfunc_end0:
.L_simem_size_0:
called_computation_lowered:
.L_overlay_start_0:
0x88: {  	s2 =	sld [smem:$0x3FD9]  }
0x89: {  	s3 =	sld [smem:$0x3FFE];
	_ =	sdelay $0x1  }
0x8a: {  	s1 =	srdreg.scid  }
0x8b: {  	s0 =	sand.u32 $0x1, s1  }
0x8c: {  	s17 =	sshll.u32 s0, $0xA;
	s2 =	sadd.s32 s3, s2  }
0x8d: {  	s2 =	sadd.s32 s2, s17  }
0x8e: {  	[smem:$0x3FB6] =	sst s2  }
0x8f: {  	_ = 	snop  }
0x90: {  	s2 =	sld [smem:$0x3FD0];
	(tm) =	ssettm $0x1  }
0x91: {  	s18 =	sld [smem:$0x3FFB];
	_ =	sdelay $0x3  }
0x92: {  	_ =	strace s18  }
0x93: {  	s3 =	sld [smem:$0x3FFC];
	_ =	sdelay $0x3  }
0x94: {  	_ =	strace s3  }
0x95: {  	s3 =	sld [smem:$0x3FFD];
	_ =	sdelay $0x3  }
0x96: {  	_ =	strace s3  }
0x97: {  	_ =	strace $0x8FFFFFFF  }
0x98: {  	s19 =	sld [smem:$0x3FDB];
	_ =	sdelay $0x1  }
0x99: {  	s4 =	simm.s32 $_scs_section_size  }
0x9a: {  	s5 =	simm.s32 $_size__tile_overlayer_lowered;
	s6 =	simm.s32 $_tile_overlayer_lowered  }
0x9b: {  	s22 =	simm.s32 $0x1BFF;
	s21 =	sshll.u32 s6, $0x1;
	s3 =	sadd.s32 s4, s19  }
0x9c: {  	s7 =	simm.s32 $0x0;
	s20 =	sshll.u32 s5, $0x1;
	s5 =	sadd.s32 s21, s3  }
0x9d: {  	[timem:s7], [sflag:s22] =	dma.local [hbm:s5], s20  }
0x9e: {  	_ =	swait.ge [sflag:s22], s20  }
0x9f: {  	s4 =	ssub.s32 $0x0, s20;
	[sflag:s22] =	ssyncset.done $0x0  }
0xa0: {  	[sflag:s22] =	ssyncadd.s32 s4;
	_ =	sdelay $0x1  }
0xa1: {  	s23 =	simm.s32 $0x1B8B  }
0xa2: {  	_ =	swait.ge [sflag:s23], $0x1  }
0xa3: {  	[sflag:s23] =	ssyncset.done $0x0  }
0xa4: {  	s25 =	simm.s32 $0x1B8E;
	s24 =	sld [smem:$0x3FFE];
	[sflag:s23] =	ssyncadd.s32 $0xFFFFFFFF  }
0xa5: {  	s26 =	simm.s32 $execute0_lowered;
	[smem:$0x3FD2] =	sst s25  }
0xa6: {  	s5 =	sshll.u32 s26, $0x1;
	_ =	strace $0x80000046;
	[dreg:$0x1] =	wrdreg $0xFFFFFFFF  }
0xa7: {  	s28 =	simm.s32 $_size_execute0_lowered;
	s3 =	sadd.s32 s3, s5;
	[dreg:$0x0] =	wrdreg $0x0  }
0xa8: {  	s5 =	sshll.u32 s28, $0x1;
	[dreg:$0x2] =	wrdreg s3  }
0xa9: {  	[dreg:$0x3] =	wrdreg s5  }
0xaa: {  	[dreg:$0x4] =	wrdreg $0xC0  }
0xab: {  	_ =	task [dreg:s7], $0x5FFFF  }
0xac: {  	[dreg:$0x1] =	wrdreg $0xFFFFFFFF  }
0xad: {  	[dreg:$0x0] =	wrdreg $0x60  }
0xae: {  	[dreg:$0x2] =	wrdreg s24  }
0xaf: {  	[dreg:$0x3] =	wrdreg s2  }
0xb0: {  	[dreg:$0x4] =	wrdreg $0x50000  }
0xb1: {  	[dreg:$0x5] =	wrdreg $0x9  }
0xb2: {  	_ =	task.clear_ibuf [dreg:s7], $0x6FFFF;
	_ =	strace $0x90000046  }
0xb3: {  	s29 =	simm.s32 $0x9;
	_ =	strace $0x80000048  }
0xb4: {  	_ =	swait.ge [sflag:s29], $0x1  }
0xb5: {  	[sflag:s29] =	ssyncadd.s32 $0xFFFFFFFF  }
0xb6: {  	_ =	strace $0x90000048  }
0xb7: {  	_ =	sfence  }
0xb8: {  	s30 =	sld [smem:$0x0];
	_ =	sdelay $0x2  }
0xb9: {  	s31 =	sshll.u32 s1, $0xD;
	s1 =	sshrl.u32 s1, $0x2  }
0xba: {  	s3 =	sand.u32 $0x4000, s31;
	s1 =	sadd.s32 s1, s30  }
0xbb: {  	s0 =	sor.u32 s3, s0;
	s1 =	sshll.u32 s1, $0x11  }
0xbc: {  	s0 =	sor.u32 s1, s0  }
0xbd: {  	s0 =	sadd.s32 $0x8F2B, s0  }
0xbe: {  	[sflag:s0] =	ssyncadd.remote.s32 $0x1  }
0xbf: {  	_ =	sfence.sel $0xFFFF  }
0xc0: {  	[dreg:$0x0] =	wrdreg $0xFFFFFFFF;
	(pc) =	sbr.abs _section_cstart, $3  }
0xc1: {  	[dreg:$0x1] =	wrdreg $0xFFFFFFFF  }
0xc2: {  	_ =	task.clear_ibuf [dreg:s7], $0x2FFFF;
	_ =	strace $0x9FFFFFFF  }
0xc3: {  	(tm) =	ssettm $0x7FFFFFFF  }
tec
execute0_lowered:
.L_overlay_start_1:
0x0: {  	(tag) =	ssettag $0x1  }
0x1: {  	s0 =	rddreg [dreg:$0x0]  }
0x2: {  	s1 =	rddreg [dreg:$0x1]  }
0x3: {  	s2 =	rddreg [dreg:$0x2];
	s3 =	simm.s32 $0x0;
	s9 =	stileid.u32  }
0x4: {  	s5 =	srdreg.scid;
	s28 =	simm.s32 $0x80;
	s4 =	smul.u32 $0x1900, s9  }
0x5: {  	s29 =	simm.s32 $0x2000;
	s30 =	simm.s32 $0x1;
	s15 =	smul.u32 $0x61C00, s9  }
0x6: {  	[smem:$0x7FF] =	sst s3;
	s6 =	sand.u32 $0x1, s5;
	s9 =	smul.u32 $0x18700, s9  }
0x7: {  	s31 =	simm.s32 $0x3000;
	_ =	strace $0x80000047;
	s25 =	smul.u32 $0x187000, s6  }
0x8: {  	s8 =	ssub.s32 $0x2, s6;
	s6 =	smul.u32 $0xC350, s6;
	s10 =	sshrl.u32 s15, $0x2  }
0x9: {  	s7 =	sadd.s32 s4, s0;
	s4 =	sadd.s32 $0x1E00, s0;
	s17 =	sadd.s32 s10, s2  }
0xa: {  	s16 =	sshrl.u32 s8, $0x1;
	s5 =	sadd.s32 s9, s2;
	s10 =	sadd.s32 $0x2000, s17  }
0xb: {  	s0 =	ssub.s32 s8, s16;
	s18 =	sadd.s32 $0x4000, s17;
	[dreg:$0x4] =	wrdreg s10  }
0xc: {  	s26 =	sadd.s32 s9, s25;
	s19 =	sadd.s32 $0x6000, s17;
	[dreg:$0x5] =	wrdreg s18  }
0xd: {  	s25 =	simm.s32 $0x5;
	s20 =	sadd.s32 $0x8000, s17;
	[dreg:$0x6] =	wrdreg s19  }
0xe: {  	v0 =	vmov s6;
	s6 =	simm.s32 $0x4;
	s21 =	sadd.s32 $0xA000, s17;
	[dreg:$0x7] =	wrdreg s20  }
0xf: {  	s22 =	sadd.s32 $0xC000, s17;
	s23 =	sadd.s32 $0xE000, s17;
	[dreg:$0x8] =	wrdreg s21  }
0x10: {  	s24 =	sadd.s32 $0x10000, s17;
	s11 =	sadd.s32 $0x12000, s17;
	[dreg:$0x9] =	wrdreg s22  }
0x11: {  	s15 =	sadd.s32 $0x14000, s17;
	s16 =	sadd.s32 $0x16000, s17;
	[dreg:$0xa] =	wrdreg s23  }
.Ltmp0:
0x12: {  	s17 =	sadd.s32 $0x18000, s17;
	[dreg:$0xb] =	wrdreg s24;
	(pc) =	sbr.rel .LBB2_1-.Ltmp0, $4  }
0x13: {  	s8 =	sshrl.u32 s26, $0x3;
	s26 =	simm.s32 $0x2;
	[dreg:$0xc] =	wrdreg s11  }
0x14: {  	s18 =	sadd.s32 $0x63A00, s7;
	s19 =	sadd.s32 $0x7CA00, s7;
	s20 =	sadd.s32 s1, s8  }
0x15: {  	s21 =	smax.u32 s0, $0x1;
	s22 =	sadd.s32 $0x7CA80, s7;
	s23 =	sadd.s32 $0x63A80, s7  }
0x16: {  	v1 =	vimm.f32 $0.0e+00;
	s24 =	simm.s32 $0x1000;
	s0 =	simm.s32 $0x4000;
	s1 =	simm.s32 $0x3  }
.LBB2_7:
0x17: {  	_ =	swait.ge [sflag:s26], $0x1000  }
0x18: {  	[sflag:s26] =	ssyncset.done $0x0  }
0x19: {  	[sflag:s26] =	ssyncadd.s32 $0xFFFFF000  }
0x1a: {  	_ =	swait.ge [sflag:s26], $0x1000  }
0x1b: {  	[sflag:s26] =	ssyncset.done $0x0  }
0x1c: {  	[sflag:s26] =	ssyncadd.s32 $0xFFFFF000  }
0x1d: {  	_ =	swait.ge [sflag:s1], $0x1000  }
0x1e: {  	[sflag:s1] =	ssyncset.done $0x0  }
0x1f: {  	[sflag:s1] =	ssyncadd.s32 $0xFFFFF000  }
0x20: {  	s7 =	stileid.u32;
	_ =	swait.ge [sflag:s1], $0x1000  }
0x21: {  	s8 =	sshrl.u32 s5, $0x3;
	s3 =	sadd.s32 $0x1, s3;
	[sflag:s1] =	ssyncset.done $0x0  }
0x22: {  	s7 =	sshll.u32 s7, $0x6;
	p0 =	sne.s32 s3, s21;
	[sflag:s1] =	ssyncadd.s32 $0xFFFFF000  }
.Ltmp1:
0x23: {  	s7 =	sor.u32 $0x1C05, s7;
	[bflag:$0x0] =	sbarrier.arrive $0xFFFF;
	(pc) =	sbr.rel @!p0 .LBB2_8-.Ltmp1, $4  }
0x24: {  	[hbm:s20], [sflag:s7] =	dma.local [spmem:s8], $0x30E0  }
0x25: {  	_ =	swait.ge [sflag:s25], $0x30E0  }
0x26: {  	[sflag:s25] =	ssyncset.done $0x0  }
0x27: {  	[sflag:s25] =	ssyncadd.s32 $0xFFFFCF20  }
.LBB2_1:
0x28: {  	s7 =	simm.s32 $0x80;
	s8 =	simm.s32 $0x0  }
.LBB2_2:
0x29: {  	p0 =	sne.s32 s7, $0x7F80;
	[tilespmem:s8+$0x1000] =	vst v1;
	s9 =	smov.u32 s7;
	s7 =	sadd.s32 $0x80, s7  }
.Ltmp2:
0x2a: {  	[tilespmem:s8+$0x1010] =	vst v1;
	(pc) =	sbr.rel @p0 .LBB2_2-.Ltmp2, $2  }
0x2b: {  	_ =	sdelay $0x2  }
0x2c: {  	s8 =	sshra.s32 s9, $0x2  }
0x2d: {  	[tilespmem:s8+$0x1000] =	vst v1  }
0x2e: {  	[tilespmem:s8+$0x1010] =	vst v1  }
0x2f: {  	[spmem:s5] =	stream.linear.scatter [tilespmem:s24], [sflag:$0x5], $0x2000, $0x38;
	[tilespmem:$0x1D700] =	vst v63  }
0x30: {  	_ =	swait.ge [sflag:s25], $0x2000  }
0x31: {  	[sflag:s25] =	ssyncset.done $0x0  }
0x32: {  	s7 =	rddreg [dreg:$0x4];
	[sflag:s25] =	ssyncadd.s32 $0xFFFFE000  }
0x33: {  	[spmem:s7] =	stream.linear.scatter [tilespmem:s24], [sflag:$0x5], $0x2000, $0x38;
	[tilespmem:$0x1D700] =	vst v63  }
0x34: {  	_ =	swait.ge [sflag:s25], $0x2000  }
0x35: {  	[sflag:s25] =	ssyncset.done $0x0  }
0x36: {  	s13 =	rddreg [dreg:$0x5];
	[sflag:s25] =	ssyncadd.s32 $0xFFFFE000  }
0x37: {  	[spmem:s13] =	stream.linear.scatter [tilespmem:s24], [sflag:$0x5], $0x2000, $0x38;
	[tilespmem:$0x1D700] =	vst v63  }
0x38: {  	_ =	swait.ge [sflag:s25], $0x2000  }
0x39: {  	[sflag:s25] =	ssyncset.done $0x0  }
0x3a: {  	s14 =	rddreg [dreg:$0x6];
	[sflag:s25] =	ssyncadd.s32 $0xFFFFE000  }
0x3b: {  	[spmem:s14] =	stream.linear.scatter [tilespmem:s24], [sflag:$0x5], $0x2000, $0x38;
	[tilespmem:$0x1D700] =	vst v63  }
0x3c: {  	_ =	swait.ge [sflag:s25], $0x2000  }
0x3d: {  	[sflag:s25] =	ssyncset.done $0x0  }
0x3e: {  	s8 =	rddreg [dreg:$0x7];
	[sflag:s25] =	ssyncadd.s32 $0xFFFFE000  }
0x3f: {  	[spmem:s8] =	stream.linear.scatter [tilespmem:s24], [sflag:$0x5], $0x2000, $0x38;
	[tilespmem:$0x1D700] =	vst v63  }
0x40: {  	_ =	swait.ge [sflag:s25], $0x2000  }
0x41: {  	[sflag:s25] =	ssyncset.done $0x0  }
0x42: {  	s9 =	rddreg [dreg:$0x8];
	[sflag:s25] =	ssyncadd.s32 $0xFFFFE000  }
0x43: {  	[spmem:s9] =	stream.linear.scatter [tilespmem:s24], [sflag:$0x5], $0x2000, $0x38;
	[tilespmem:$0x1D700] =	vst v63  }
0x44: {  	_ =	swait.ge [sflag:s25], $0x2000  }
0x45: {  	[sflag:s25] =	ssyncset.done $0x0  }
0x46: {  	s10 =	rddreg [dreg:$0x9];
	[sflag:s25] =	ssyncadd.s32 $0xFFFFE000  }
0x47: {  	[spmem:s10] =	stream.linear.scatter [tilespmem:s24], [sflag:$0x5], $0x2000, $0x38;
	[tilespmem:$0x1D700] =	vst v63  }
0x48: {  	_ =	swait.ge [sflag:s25], $0x2000  }
0x49: {  	[sflag:s25] =	ssyncset.done $0x0  }
0x4a: {  	s11 =	rddreg [dreg:$0xa];
	[sflag:s25] =	ssyncadd.s32 $0xFFFFE000  }
0x4b: {  	[spmem:s11] =	stream.linear.scatter [tilespmem:s24], [sflag:$0x5], $0x2000, $0x38;
	[tilespmem:$0x1D700] =	vst v63  }
0x4c: {  	_ =	swait.ge [sflag:s25], $0x2000  }
0x4d: {  	[sflag:s25] =	ssyncset.done $0x0  }
0x4e: {  	s12 =	rddreg [dreg:$0xb];
	[sflag:s25] =	ssyncadd.s32 $0xFFFFE000  }
0x4f: {  	[spmem:s12] =	stream.linear.scatter [tilespmem:s24], [sflag:$0x5], $0x2000, $0x38;
	[tilespmem:$0x1D700] =	vst v63  }
0x50: {  	_ =	swait.ge [sflag:s25], $0x2000  }
0x51: {  	[sflag:s25] =	ssyncset.done $0x0  }
0x52: {  	s13 =	rddreg [dreg:$0xc];
	[sflag:s25] =	ssyncadd.s32 $0xFFFFE000  }
0x53: {  	[spmem:s13] =	stream.linear.scatter [tilespmem:s24], [sflag:$0x5], $0x2000, $0x38;
	[tilespmem:$0x1D700] =	vst v63  }
0x54: {  	_ =	swait.ge [sflag:s25], $0x2000  }
0x55: {  	[sflag:s25] =	ssyncset.done $0x0  }
0x56: {  	[sflag:s25] =	ssyncadd.s32 $0xFFFFE000  }
0x57: {  	[spmem:s15] =	stream.linear.scatter [tilespmem:s24], [sflag:$0x5], $0x2000, $0x38;
	[tilespmem:$0x1D700] =	vst v63  }
0x58: {  	_ =	swait.ge [sflag:s25], $0x2000  }
0x59: {  	[sflag:s25] =	ssyncset.done $0x0  }
0x5a: {  	[sflag:s25] =	ssyncadd.s32 $0xFFFFE000  }
0x5b: {  	[spmem:s16] =	stream.linear.scatter [tilespmem:s24], [sflag:$0x5], $0x2000, $0x38;
	[tilespmem:$0x1D700] =	vst v63  }
0x5c: {  	_ =	swait.ge [sflag:s25], $0x2000  }
0x5d: {  	[sflag:s25] =	ssyncset.done $0x0  }
0x5e: {  	[sflag:s25] =	ssyncadd.s32 $0xFFFFE000  }
0x5f: {  	[spmem:s17] =	stream.linear.scatter [tilespmem:s24], [sflag:$0x5], $0x700, $0x38;
	[tilespmem:$0x1D700] =	vst v63  }
0x60: {  	_ =	swait.ge [sflag:s25], $0x700  }
0x61: {  	[sflag:s25] =	ssyncset.done $0x0  }
0x62: {  	[sflag:s25] =	ssyncadd.s32 $0xFFFFF900  }
0x63: {  	s7 =	simm.s32 $0x0;
	[bflag:$0x0] =	sbarrier.arrive $0xFFFF  }
0x64: {  	[tilespmem:s7], [sflag:$0x5] =	stream.linear.gather [hbm4b:s18+s7], $0x400, $0x38;
	[tilespmem:$0x1D700] =	vst v63  }
0x65: {  	_ =	swait.ge [sflag:s25], $0x400  }
0x66: {  	[sflag:s25] =	ssyncset.done $0x0  }
0x67: {  	s14 =	simm.s32 $0x800;
	[sflag:s25] =	ssyncadd.s32 $0xFFFFFC00  }
0x68: {  	[tilespmem:s14], [sflag:$0x5] =	stream.linear.gather [hbm4b:s19+s7], $0x400, $0x38;
	[tilespmem:$0x1D700] =	vst v63  }
0x69: {  	_ =	swait.ge [sflag:s25], $0x400  }
0x6a: {  	[sflag:s25] =	ssyncset.done $0x0  }
0x6b: {  	[sflag:s25] =	ssyncadd.s32 $0xFFFFFC00  }
0x6c: {  	v2 =	vld [tilespmem:$0x0]  }
0x6d: {  	v3 =	vld [tilespmem:$0x10]  }
0x6e: {  	v4 =	vld [tilespmem:$0x20]  }
0x6f: {  	v5 =	vld [tilespmem:$0x30]  }
0x70: {  	v6 =	vld [tilespmem:$0x40]  }
0x71: {  	v7 =	vld [tilespmem:$0x50];
	v2 =	vadd.s32 v0, v2  }
0x72: {  	[tilespmem:$0x0] =	vst v2;
	v2 =	vadd.s32 v0, v3;
	v3 =	vld [tilespmem:$0x60]  }
0x73: {  	v18 =	vld [tilespmem:$0x70];
	[tilespmem:$0x10] =	vst v2;
	v2 =	vadd.s32 v0, v4  }
0x74: {  	v19 =	vld [tilespmem:$0x80];
	[tilespmem:$0x20] =	vst v2;
	v2 =	vadd.s32 v0, v5  }
0x75: {  	v20 =	vld [tilespmem:$0x90];
	[tilespmem:$0x30] =	vst v2;
	v2 =	vadd.s32 v0, v6  }
0x76: {  	v21 =	vld [tilespmem:$0xA0];
	[tilespmem:$0x40] =	vst v2;
	v2 =	vadd.s32 v0, v7  }
0x77: {  	[tilespmem:$0x50] =	vst v2;
	v2 =	vadd.s32 v0, v3;
	v3 =	vld [tilespmem:$0xB0]  }
0x78: {  	v22 =	vld [tilespmem:$0xC0];
	[tilespmem:$0x60] =	vst v2;
	v2 =	vadd.s32 v0, v18  }
0x79: {  	v23 =	vld [tilespmem:$0xD0];
	[tilespmem:$0x70] =	vst v2;
	v2 =	vadd.s32 v0, v19  }
0x7a: {  	v24 =	vld [tilespmem:$0xE0];
	[tilespmem:$0x80] =	vst v2;
	v2 =	vadd.s32 v0, v20  }
0x7b: {  	v25 =	vld [tilespmem:$0xF0];
	[tilespmem:$0x90] =	vst v2;
	v2 =	vadd.s32 v0, v21  }
0x7c: {  	[tilespmem:$0xA0] =	vst v2;
	v2 =	vadd.s32 v0, v3;
	v3 =	vld [tilespmem:$0x100]  }
0x7d: {  	v26 =	vld [tilespmem:$0x110];
	[tilespmem:$0xB0] =	vst v2;
	v2 =	vadd.s32 v0, v22  }
0x7e: {  	v27 =	vld [tilespmem:$0x120];
	[tilespmem:$0xC0] =	vst v2;
	v2 =	vadd.s32 v0, v23  }
0x7f: {  	v28 =	vld [tilespmem:$0x130];
	[tilespmem:$0xD0] =	vst v2;
	v2 =	vadd.s32 v0, v24  }
0x80: {  	v29 =	vld [tilespmem:$0x140];
	[tilespmem:$0xE0] =	vst v2;
	v2 =	vadd.s32 v0, v25  }
0x81: {  	[tilespmem:$0xF0] =	vst v2;
	v2 =	vadd.s32 v0, v3;
	v3 =	vld [tilespmem:$0x150]  }
0x82: {  	v30 =	vld [tilespmem:$0x160];
	[tilespmem:$0x100] =	vst v2;
	v2 =	vadd.s32 v0, v26  }
0x83: {  	v31 =	vld [tilespmem:$0x170];
	[tilespmem:$0x110] =	vst v2;
	v2 =	vadd.s32 v0, v27  }
0x84: {  	v32 =	vld [tilespmem:$0x180];
	[tilespmem:$0x120] =	vst v2;
	v2 =	vadd.s32 v0, v28  }
0x85: {  	v33 =	vld [tilespmem:$0x190];
	[tilespmem:$0x130] =	vst v2;
	v2 =	vadd.s32 v0, v29  }
0x86: {  	[tilespmem:$0x140] =	vst v2;
	v2 =	vadd.s32 v0, v3;
	v3 =	vld [tilespmem:$0x1A0]  }
0x87: {  	v34 =	vld [tilespmem:$0x1B0];
	[tilespmem:$0x150] =	vst v2;
	v2 =	vadd.s32 v0, v30  }
0x88: {  	v35 =	vld [tilespmem:$0x1C0];
	[tilespmem:$0x160] =	vst v2;
	v2 =	vadd.s32 v0, v31  }
0x89: {  	v36 =	vld [tilespmem:$0x1D0];
	[tilespmem:$0x170] =	vst v2;
	v2 =	vadd.s32 v0, v32  }
0x8a: {  	v37 =	vld [tilespmem:$0x1E0];
	[tilespmem:$0x180] =	vst v2;
	v2 =	vadd.s32 v0, v33  }
0x8b: {  	[tilespmem:$0x190] =	vst v2;
	v2 =	vadd.s32 v0, v3;
	v3 =	vld [tilespmem:$0x1F0]  }
0x8c: {  	v38 =	vld [tilespmem:$0x200];
	[tilespmem:$0x1A0] =	vst v2;
	v2 =	vadd.s32 v0, v34  }
0x8d: {  	v39 =	vld [tilespmem:$0x210];
	[tilespmem:$0x1B0] =	vst v2;
	v2 =	vadd.s32 v0, v35  }
0x8e: {  	v40 =	vld [tilespmem:$0x220];
	[tilespmem:$0x1C0] =	vst v2;
	v2 =	vadd.s32 v0, v36  }
0x8f: {  	v41 =	vld [tilespmem:$0x230];
	[tilespmem:$0x1D0] =	vst v2;
	v2 =	vadd.s32 v0, v37  }
0x90: {  	[tilespmem:$0x1E0] =	vst v2;
	v2 =	vadd.s32 v0, v3;
	v3 =	vld [tilespmem:$0x240]  }
0x91: {  	v42 =	vld [tilespmem:$0x250];
	[tilespmem:$0x1F0] =	vst v2;
	v2 =	vadd.s32 v0, v38  }
0x92: {  	v43 =	vld [tilespmem:$0x260];
	[tilespmem:$0x200] =	vst v2;
	v2 =	vadd.s32 v0, v39  }
0x93: {  	v44 =	vld [tilespmem:$0x270];
	[tilespmem:$0x210] =	vst v2;
	v2 =	vadd.s32 v0, v40  }
0x94: {  	v45 =	vld [tilespmem:$0x280];
	[tilespmem:$0x220] =	vst v2;
	v2 =	vadd.s32 v0, v41  }
0x95: {  	[tilespmem:$0x230] =	vst v2;
	v2 =	vadd.s32 v0, v3;
	v3 =	vld [tilespmem:$0x290]  }
0x96: {  	v46 =	vld [tilespmem:$0x2A0];
	[tilespmem:$0x240] =	vst v2;
	v2 =	vadd.s32 v0, v42  }
0x97: {  	v47 =	vld [tilespmem:$0x2B0];
	[tilespmem:$0x250] =	vst v2;
	v2 =	vadd.s32 v0, v43  }
0x98: {  	v48 =	vld [tilespmem:$0x2C0];
	[tilespmem:$0x260] =	vst v2;
	v2 =	vadd.s32 v0, v44  }
0x99: {  	v49 =	vld [tilespmem:$0x2D0];
	[tilespmem:$0x270] =	vst v2;
	v2 =	vadd.s32 v0, v45  }
0x9a: {  	[tilespmem:$0x280] =	vst v2;
	v2 =	vadd.s32 v0, v3;
	v3 =	vld [tilespmem:$0x2E0]  }
0x9b: {  	v50 =	vld [tilespmem:$0x2F0];
	[tilespmem:$0x290] =	vst v2;
	v2 =	vadd.s32 v0, v46  }
0x9c: {  	v51 =	vld [tilespmem:$0x300];
	[tilespmem:$0x2A0] =	vst v2;
	v2 =	vadd.s32 v0, v47  }
0x9d: {  	v52 =	vld [tilespmem:$0x310];
	[tilespmem:$0x2B0] =	vst v2;
	v2 =	vadd.s32 v0, v48  }
0x9e: {  	v53 =	vld [tilespmem:$0x320];
	[tilespmem:$0x2C0] =	vst v2;
	v2 =	vadd.s32 v0, v49  }
0x9f: {  	[tilespmem:$0x2D0] =	vst v2;
	v2 =	vadd.s32 v0, v3;
	v3 =	vld [tilespmem:$0x330]  }
0xa0: {  	v54 =	vld [tilespmem:$0x340];
	[tilespmem:$0x2E0] =	vst v2;
	v2 =	vadd.s32 v0, v50  }
0xa1: {  	v55 =	vld [tilespmem:$0x350];
	[tilespmem:$0x2F0] =	vst v2;
	v2 =	vadd.s32 v0, v51  }
0xa2: {  	v56 =	vld [tilespmem:$0x360];
	[tilespmem:$0x300] =	vst v2;
	v2 =	vadd.s32 v0, v52  }
0xa3: {  	v57 =	vld [tilespmem:$0x370];
	[tilespmem:$0x310] =	vst v2;
	v2 =	vadd.s32 v0, v53  }
0xa4: {  	[tilespmem:$0x320] =	vst v2;
	v2 =	vadd.s32 v0, v3;
	v3 =	vld [tilespmem:$0x380]  }
0xa5: {  	v58 =	vld [tilespmem:$0x390];
	[tilespmem:$0x330] =	vst v2;
	v2 =	vadd.s32 v0, v54  }
0xa6: {  	v59 =	vld [tilespmem:$0x3A0];
	[tilespmem:$0x340] =	vst v2;
	v2 =	vadd.s32 v0, v55  }
0xa7: {  	v60 =	vld [tilespmem:$0x3B0];
	[tilespmem:$0x350] =	vst v2;
	v2 =	vadd.s32 v0, v56  }
0xa8: {  	v61 =	vld [tilespmem:$0x3C0];
	[tilespmem:$0x360] =	vst v2;
	v2 =	vadd.s32 v0, v57  }
0xa9: {  	[tilespmem:$0x370] =	vst v2;
	v2 =	vadd.s32 v0, v3;
	v3 =	vld [tilespmem:$0x3D0]  }
0xaa: {  	v62 =	vld [tilespmem:$0x3E0];
	[tilespmem:$0x380] =	vst v2;
	v2 =	vadd.s32 v0, v58  }
0xab: {  	v63 =	vld [tilespmem:$0x3F0];
	[tilespmem:$0x390] =	vst v2;
	v2 =	vadd.s32 v0, v59  }
0xac: {  	[tilespmem:$0x3A0] =	vst v2;
	v2 =	vadd.s32 v0, v60  }
.Ltmp3:
0xad: {  	[tilespmem:$0x3B0] =	vst v2;
	v2 =	vadd.s32 v0, v61;
	(pc) =	sbr.rel .LBB2_4-.Ltmp3, $4  }
0xae: {  	[tilespmem:$0x3C0] =	vst v2;
	v2 =	vadd.s32 v0, v3  }
0xaf: {  	[tilespmem:$0x3D0] =	vst v2;
	v2 =	vadd.s32 v0, v62  }
0xb0: {  	[tilespmem:$0x3E0] =	vst v2;
	v2 =	vadd.s32 v0, v63  }
0xb1: {  	s8 =	simm.s32 $0x0;
	[tilespmem:$0x3F0] =	vst v2  }
.LBB2_6:
0xb2: {  	s9 =	sshll.u32 s9, $0xA  }
0xb3: {  	[tilespmem:s24], [sflag:$0x1] =	stream.indirect.gather [hbm4b:s4+s28], $0x20, s9, s28, $0xb8;
	[tilespmem:$0x1D700] =	vst v63  }
0xb4: {  	s10 =	sor.u32 $0x80, s9  }
0xb5: {  	[tilespmem:s29], [sflag:$0x1] =	stream.indirect.gather [hbm4b:s4+s28], $0x20, s10, s28, $0xb8;
	[tilespmem:$0x1D700] =	vst v63  }
0xb6: {  	_ =	swait.ge [sflag:s30], $0x1000  }
0xb7: {  	[sflag:s30] =	ssyncset.done $0x0  }
0xb8: {  	[sflag:s30] =	ssyncadd.s32 $0xFFFFF000  }
0xb9: {  	_ =	swait.ge [sflag:s30], $0x1000  }
0xba: {  	[sflag:s30] =	ssyncset.done $0x0  }
0xbb: {  	s13 =	sor.u32 $0x800, s9;
	[sflag:s30] =	ssyncadd.s32 $0xFFFFF000  }
0xbc: {  	[spmem:s2] =	stream.indirect.scatter.add.f32 [tilespmem:s24], [sflag:$0x2], $0x20, s13, s28, $0xb8;
	[tilespmem:$0x1D700] =	vst v63  }
0xbd: {  	s14 =	sor.u32 $0x880, s9;
	s10 =	simm.s32 @!p0 $0x3  }
0xbe: {  	[spmem:s2] =	stream.indirect.scatter.add.f32 [tilespmem:s29], [sflag:$0x2], $0x20, s14, s28, $0xb8;
	[tilespmem:$0x1D700] =	vst v63  }
0xbf: {  	_ =	swait.ge @!p0 [sflag:s10], $0x1000  }
0xc0: {  	[sflag:s10] =	ssyncset.done @!p0 $0x0  }
0xc1: {  	[sflag:s10] =	ssyncadd.s32 @!p0 $0xFFFFF000  }
0xc2: {  	_ =	swait.ge @!p0 [sflag:s10], $0x1000  }
0xc3: {  	[sflag:s10] =	ssyncset.done @!p0 $0x0  }
0xc4: {  	[sflag:s10] =	ssyncadd.s32 @!p0 $0xFFFFF000;
	s10 =	sor.u32 $0x100, s9  }
0xc5: {  	[tilespmem:s31], [sflag:$0x1] =	stream.indirect.gather [hbm4b:s4+s28], $0x20, s10, s28, $0xb8;
	[tilespmem:$0x1D700] =	vst v63  }
0xc6: {  	s11 =	sor.u32 $0x180, s9;
	p0 =	seq.s32 s7, $0x1880  }
0xc7: {  	[tilespmem:s0], [sflag:$0x1] =	stream.indirect.gather [hbm4b:s4+s28], $0x20, s11, s28, $0xb8;
	[tilespmem:$0x1D700] =	vst v63  }
0xc8: {  	s12 =	sxor.u32 @!p0 $0x400, s9;
	s13 =	sadd.s32 @!p0 s7, s23;
	s14 =	simm.s32 @!p0 $0x0  }
0xc9: {  	[tilespmem:s12], [sflag:$0x4] =	stream.linear.gather @!p0 [hbm4b:s13+s14], $0x400, $0x38;
	[tilespmem:$0x1D700] =	vst v63  }
0xca: {  	s12 =	sor.u32 @!p0 $0x800, s12;
	s13 =	sadd.s32 @!p0 s7, s22  }
0xcb: {  	[tilespmem:s12], [sflag:$0x4] =	stream.linear.gather @!p0 [hbm4b:s13+s14], $0x400, $0x38;
	[tilespmem:$0x1D700] =	vst v63  }
0xcc: {  	_ =	swait.ge [sflag:s30], $0x1000  }
0xcd: {  	[sflag:s30] =	ssyncset.done $0x0  }
0xce: {  	[sflag:s30] =	ssyncadd.s32 $0xFFFFF000  }
0xcf: {  	_ =	swait.ge [sflag:s30], $0x1000  }
0xd0: {  	[sflag:s30] =	ssyncset.done $0x0  }
0xd1: {  	s10 =	sor.u32 $0x800, s10;
	[sflag:s30] =	ssyncadd.s32 $0xFFFFF000  }
0xd2: {  	[spmem:s2] =	stream.indirect.scatter.add.f32 [tilespmem:s31], [sflag:$0x3], $0x20, s10, s28, $0xb8;
	[tilespmem:$0x1D700] =	vst v63  }
0xd3: {  	s11 =	sor.u32 $0x800, s11  }
0xd4: {  	[spmem:s2] =	stream.indirect.scatter.add.f32 [tilespmem:s0], [sflag:$0x3], $0x20, s11, s28, $0xb8;
	[tilespmem:$0x1D700] =	vst v63  }
0xd5: {  	_ =	swait.ge [sflag:s26], $0x1000  }
0xd6: {  	[sflag:s26] =	ssyncset.done $0x0  }
0xd7: {  	[sflag:s26] =	ssyncadd.s32 $0xFFFFF000  }
0xd8: {  	_ =	swait.ge [sflag:s26], $0x1000  }
0xd9: {  	[sflag:s26] =	ssyncset.done $0x0  }
0xda: {  	s12 =	sor.u32 $0x200, s9;
	[sflag:s26] =	ssyncadd.s32 $0xFFFFF000  }
0xdb: {  	[tilespmem:s24], [sflag:$0x1] =	stream.indirect.gather [hbm4b:s4+s28], $0x20, s12, s28, $0xb8;
	[tilespmem:$0x1D700] =	vst v63  }
0xdc: {  	s13 =	sor.u32 $0x280, s9  }
0xdd: {  	[tilespmem:s29], [sflag:$0x1] =	stream.indirect.gather [hbm4b:s4+s28], $0x20, s13, s28, $0xb8;
	[tilespmem:$0x1D700] =	vst v63  }
0xde: {  	_ =	swait.ge [sflag:s30], $0x1000  }
0xdf: {  	[sflag:s30] =	ssyncset.done $0x0  }
0xe0: {  	[sflag:s30] =	ssyncadd.s32 $0xFFFFF000  }
0xe1: {  	_ =	swait.ge [sflag:s30], $0x1000  }
0xe2: {  	[sflag:s30] =	ssyncset.done $0x0  }
0xe3: {  	s14 =	sor.u32 $0xA00, s9;
	[sflag:s30] =	ssyncadd.s32 $0xFFFFF000  }
0xe4: {  	[spmem:s2] =	stream.indirect.scatter.add.f32 [tilespmem:s24], [sflag:$0x2], $0x20, s14, s28, $0xb8;
	[tilespmem:$0x1D700] =	vst v63  }
0xe5: {  	s11 =	sor.u32 $0xA80, s9  }
0xe6: {  	[spmem:s2] =	stream.indirect.scatter.add.f32 [tilespmem:s29], [sflag:$0x2], $0x20, s11, s28, $0xb8;
	[tilespmem:$0x1D700] =	vst v63  }
0xe7: {  	_ =	swait.ge [sflag:s1], $0x1000  }
0xe8: {  	[sflag:s1] =	ssyncset.done $0x0  }
0xe9: {  	[sflag:s1] =	ssyncadd.s32 $0xFFFFF000  }
0xea: {  	_ =	swait.ge [sflag:s1], $0x1000  }
0xeb: {  	[sflag:s1] =	ssyncset.done $0x0  }
0xec: {  	s12 =	sor.u32 $0x300, s9;
	[sflag:s1] =	ssyncadd.s32 $0xFFFFF000  }
0xed: {  	[tilespmem:s31], [sflag:$0x1] =	stream.indirect.gather [hbm4b:s4+s28], $0x20, s12, s28, $0xb8;
	[tilespmem:$0x1D700] =	vst v63  }
0xee: {  	s13 =	sor.u32 $0x380, s9  }
0xef: {  	[tilespmem:s0], [sflag:$0x1] =	stream.indirect.gather [hbm4b:s4+s28], $0x20, s13, s28, $0xb8;
	[tilespmem:$0x1D700] =	vst v63  }
0xf0: {  	_ =	swait.ge [sflag:s30], $0x1000  }
0xf1: {  	[sflag:s30] =	ssyncset.done $0x0  }
0xf2: {  	s7 =	sadd.s32 $0x80, s7;
	[sflag:s30] =	ssyncadd.s32 $0xFFFFF000  }
0xf3: {  	p0 =	sne.s32 s7, $0x1900;
	_ =	swait.ge [sflag:s30], $0x1000  }
.Ltmp4:
0xf4: {  	[sflag:s30] =	ssyncset.done $0x0;
	(pc) =	sbr.rel @!p0 .LBB2_7-.Ltmp4, $4  }
0xf5: {  	s14 =	sor.u32 $0xB00, s9;
	[sflag:s30] =	ssyncadd.s32 $0xFFFFF000  }
0xf6: {  	[spmem:s2] =	stream.indirect.scatter.add.f32 [tilespmem:s31], [sflag:$0x3], $0x20, s14, s28, $0xb8;
	[tilespmem:$0x1D700] =	vst v63  }
0xf7: {  	s8 =	sadd.s32 $0x1, s8;
	s9 =	sor.u32 $0xB80, s9  }
0xf8: {  	[spmem:s2] =	stream.indirect.scatter.add.f32 [tilespmem:s0], [sflag:$0x3], $0x20, s9, s28, $0xb8;
	[tilespmem:$0x1D700] =	vst v63  }
.LBB2_4:
0xf9: {  	p0 =	seq.s32 s7, $0x0  }
.Ltmp5:
0xfa: {  	_ = 	snop;
	(pc) =	sbr.rel @p0 .LBB2_6-.Ltmp5, $2  }
0xfb: {  	_ =	sdelay $0x2  }
0xfc: {  	s9 =	sand.u32 $0x1, s8  }
0xfd: {  	_ =	swait.ge [sflag:s6], $0x400  }
0xfe: {  	[sflag:s6] =	ssyncset.done $0x0  }
0xff: {  	[sflag:s6] =	ssyncadd.s32 $0xFFFFFC00  }
0x100: {  	_ =	swait.ge [sflag:s6], $0x400  }
0x101: {  	[sflag:s6] =	ssyncset.done $0x0  }
0x102: {  	s10 =	sshll.u32 s9, $0xA;
	[sflag:s6] =	ssyncadd.s32 $0xFFFFFC00  }
0x103: {  	v2 =	vld [tilespmem:s10+$0x0]  }
0x104: {  	v3 =	vld [tilespmem:s10+$0x10]  }
0x105: {  	v4 =	vld [tilespmem:s10+$0x20]  }
0x106: {  	v5 =	vld [tilespmem:s10+$0x30]  }
0x107: {  	v6 =	vld [tilespmem:s10+$0x40]  }
0x108: {  	v7 =	vld [tilespmem:s10+$0x50];
	v2 =	vadd.s32 v0, v2  }
0x109: {  	[tilespmem:s10+$0x0] =	vst v2;
	v2 =	vadd.s32 v0, v3;
	v3 =	vld [tilespmem:s10+$0x60]  }
0x10a: {  	v18 =	vld [tilespmem:s10+$0x70];
	[tilespmem:s10+$0x10] =	vst v2;
	v2 =	vadd.s32 v0, v4  }
0x10b: {  	v19 =	vld [tilespmem:s10+$0x80];
	[tilespmem:s10+$0x20] =	vst v2;
	v2 =	vadd.s32 v0, v5  }
0x10c: {  	v20 =	vld [tilespmem:s10+$0x90];
	[tilespmem:s10+$0x30] =	vst v2;
	v2 =	vadd.s32 v0, v6  }
0x10d: {  	v21 =	vld [tilespmem:s10+$0xA0];
	[tilespmem:s10+$0x40] =	vst v2;
	v2 =	vadd.s32 v0, v7  }
0x10e: {  	[tilespmem:s10+$0x50] =	vst v2;
	v2 =	vadd.s32 v0, v3;
	v3 =	vld [tilespmem:s10+$0xB0]  }
0x10f: {  	v22 =	vld [tilespmem:s10+$0xC0];
	[tilespmem:s10+$0x60] =	vst v2;
	v2 =	vadd.s32 v0, v18  }
0x110: {  	v23 =	vld [tilespmem:s10+$0xD0];
	[tilespmem:s10+$0x70] =	vst v2;
	v2 =	vadd.s32 v0, v19  }
0x111: {  	v24 =	vld [tilespmem:s10+$0xE0];
	[tilespmem:s10+$0x80] =	vst v2;
	v2 =	vadd.s32 v0, v20  }
0x112: {  	v25 =	vld [tilespmem:s10+$0xF0];
	[tilespmem:s10+$0x90] =	vst v2;
	v2 =	vadd.s32 v0, v21  }
0x113: {  	[tilespmem:s10+$0xA0] =	vst v2;
	v2 =	vadd.s32 v0, v3;
	v3 =	vld [tilespmem:s10+$0x100]  }
0x114: {  	v26 =	vld [tilespmem:s10+$0x110];
	[tilespmem:s10+$0xB0] =	vst v2;
	v2 =	vadd.s32 v0, v22  }
0x115: {  	v27 =	vld [tilespmem:s10+$0x120];
	[tilespmem:s10+$0xC0] =	vst v2;
	v2 =	vadd.s32 v0, v23  }
0x116: {  	v28 =	vld [tilespmem:s10+$0x130];
	[tilespmem:s10+$0xD0] =	vst v2;
	v2 =	vadd.s32 v0, v24  }
0x117: {  	v29 =	vld [tilespmem:s10+$0x140];
	[tilespmem:s10+$0xE0] =	vst v2;
	v2 =	vadd.s32 v0, v25  }
0x118: {  	[tilespmem:s10+$0xF0] =	vst v2;
	v2 =	vadd.s32 v0, v3;
	v3 =	vld [tilespmem:s10+$0x150]  }
0x119: {  	v30 =	vld [tilespmem:s10+$0x160];
	[tilespmem:s10+$0x100] =	vst v2;
	v2 =	vadd.s32 v0, v26  }
0x11a: {  	v31 =	vld [tilespmem:s10+$0x170];
	[tilespmem:s10+$0x110] =	vst v2;
	v2 =	vadd.s32 v0, v27  }
0x11b: {  	v32 =	vld [tilespmem:s10+$0x180];
	[tilespmem:s10+$0x120] =	vst v2;
	v2 =	vadd.s32 v0, v28  }
0x11c: {  	v33 =	vld [tilespmem:s10+$0x190];
	[tilespmem:s10+$0x130] =	vst v2;
	v2 =	vadd.s32 v0, v29  }
0x11d: {  	[tilespmem:s10+$0x140] =	vst v2;
	v2 =	vadd.s32 v0, v3;
	v3 =	vld [tilespmem:s10+$0x1A0]  }
0x11e: {  	v34 =	vld [tilespmem:s10+$0x1B0];
	[tilespmem:s10+$0x150] =	vst v2;
	v2 =	vadd.s32 v0, v30  }
0x11f: {  	v35 =	vld [tilespmem:s10+$0x1C0];
	[tilespmem:s10+$0x160] =	vst v2;
	v2 =	vadd.s32 v0, v31  }
0x120: {  	v36 =	vld [tilespmem:s10+$0x1D0];
	[tilespmem:s10+$0x170] =	vst v2;
	v2 =	vadd.s32 v0, v32  }
0x121: {  	v37 =	vld [tilespmem:s10+$0x1E0];
	[tilespmem:s10+$0x180] =	vst v2;
	v2 =	vadd.s32 v0, v33  }
0x122: {  	[tilespmem:s10+$0x190] =	vst v2;
	v2 =	vadd.s32 v0, v3;
	v3 =	vld [tilespmem:s10+$0x1F0]  }
0x123: {  	v38 =	vld [tilespmem:s10+$0x200];
	[tilespmem:s10+$0x1A0] =	vst v2;
	v2 =	vadd.s32 v0, v34  }
0x124: {  	v39 =	vld [tilespmem:s10+$0x210];
	[tilespmem:s10+$0x1B0] =	vst v2;
	v2 =	vadd.s32 v0, v35  }
0x125: {  	v40 =	vld [tilespmem:s10+$0x220];
	[tilespmem:s10+$0x1C0] =	vst v2;
	v2 =	vadd.s32 v0, v36  }
0x126: {  	v41 =	vld [tilespmem:s10+$0x230];
	[tilespmem:s10+$0x1D0] =	vst v2;
	v2 =	vadd.s32 v0, v37  }
0x127: {  	[tilespmem:s10+$0x1E0] =	vst v2;
	v2 =	vadd.s32 v0, v3;
	v3 =	vld [tilespmem:s10+$0x240]  }
0x128: {  	v42 =	vld [tilespmem:s10+$0x250];
	[tilespmem:s10+$0x1F0] =	vst v2;
	v2 =	vadd.s32 v0, v38  }
0x129: {  	v43 =	vld [tilespmem:s10+$0x260];
	[tilespmem:s10+$0x200] =	vst v2;
	v2 =	vadd.s32 v0, v39  }
0x12a: {  	v44 =	vld [tilespmem:s10+$0x270];
	[tilespmem:s10+$0x210] =	vst v2;
	v2 =	vadd.s32 v0, v40  }
0x12b: {  	v45 =	vld [tilespmem:s10+$0x280];
	[tilespmem:s10+$0x220] =	vst v2;
	v2 =	vadd.s32 v0, v41  }
0x12c: {  	[tilespmem:s10+$0x230] =	vst v2;
	v2 =	vadd.s32 v0, v3;
	v3 =	vld [tilespmem:s10+$0x290]  }
0x12d: {  	v46 =	vld [tilespmem:s10+$0x2A0];
	[tilespmem:s10+$0x240] =	vst v2;
	v2 =	vadd.s32 v0, v42  }
0x12e: {  	v47 =	vld [tilespmem:s10+$0x2B0];
	[tilespmem:s10+$0x250] =	vst v2;
	v2 =	vadd.s32 v0, v43  }
0x12f: {  	v48 =	vld [tilespmem:s10+$0x2C0];
	[tilespmem:s10+$0x260] =	vst v2;
	v2 =	vadd.s32 v0, v44  }
0x130: {  	v49 =	vld [tilespmem:s10+$0x2D0];
	[tilespmem:s10+$0x270] =	vst v2;
	v2 =	vadd.s32 v0, v45  }
0x131: {  	[tilespmem:s10+$0x280] =	vst v2;
	v2 =	vadd.s32 v0, v3;
	v3 =	vld [tilespmem:s10+$0x2E0]  }
0x132: {  	v50 =	vld [tilespmem:s10+$0x2F0];
	[tilespmem:s10+$0x290] =	vst v2;
	v2 =	vadd.s32 v0, v46  }
0x133: {  	v51 =	vld [tilespmem:s10+$0x300];
	[tilespmem:s10+$0x2A0] =	vst v2;
	v2 =	vadd.s32 v0, v47  }
0x134: {  	v52 =	vld [tilespmem:s10+$0x310];
	[tilespmem:s10+$0x2B0] =	vst v2;
	v2 =	vadd.s32 v0, v48  }
0x135: {  	v53 =	vld [tilespmem:s10+$0x320];
	[tilespmem:s10+$0x2C0] =	vst v2;
	v2 =	vadd.s32 v0, v49  }
0x136: {  	[tilespmem:s10+$0x2D0] =	vst v2;
	v2 =	vadd.s32 v0, v3;
	v3 =	vld [tilespmem:s10+$0x330]  }
0x137: {  	v54 =	vld [tilespmem:s10+$0x340];
	[tilespmem:s10+$0x2E0] =	vst v2;
	v2 =	vadd.s32 v0, v50  }
0x138: {  	v55 =	vld [tilespmem:s10+$0x350];
	[tilespmem:s10+$0x2F0] =	vst v2;
	v2 =	vadd.s32 v0, v51  }
0x139: {  	v56 =	vld [tilespmem:s10+$0x360];
	[tilespmem:s10+$0x300] =	vst v2;
	v2 =	vadd.s32 v0, v52  }
0x13a: {  	v57 =	vld [tilespmem:s10+$0x370];
	[tilespmem:s10+$0x310] =	vst v2;
	v2 =	vadd.s32 v0, v53  }
0x13b: {  	[tilespmem:s10+$0x320] =	vst v2;
	v2 =	vadd.s32 v0, v3;
	v3 =	vld [tilespmem:s10+$0x380]  }
0x13c: {  	v58 =	vld [tilespmem:s10+$0x390];
	[tilespmem:s10+$0x330] =	vst v2;
	v2 =	vadd.s32 v0, v54  }
0x13d: {  	v59 =	vld [tilespmem:s10+$0x3A0];
	[tilespmem:s10+$0x340] =	vst v2;
	v2 =	vadd.s32 v0, v55  }
0x13e: {  	v60 =	vld [tilespmem:s10+$0x3B0];
	[tilespmem:s10+$0x350] =	vst v2;
	v2 =	vadd.s32 v0, v56  }
0x13f: {  	v61 =	vld [tilespmem:s10+$0x3C0];
	[tilespmem:s10+$0x360] =	vst v2;
	v2 =	vadd.s32 v0, v57  }
0x140: {  	[tilespmem:s10+$0x370] =	vst v2;
	v2 =	vadd.s32 v0, v3;
	v3 =	vld [tilespmem:s10+$0x3D0]  }
0x141: {  	v62 =	vld [tilespmem:s10+$0x3E0];
	[tilespmem:s10+$0x380] =	vst v2;
	v2 =	vadd.s32 v0, v58  }
0x142: {  	v63 =	vld [tilespmem:s10+$0x3F0];
	[tilespmem:s10+$0x390] =	vst v2;
	v2 =	vadd.s32 v0, v59  }
0x143: {  	[tilespmem:s10+$0x3A0] =	vst v2;
	v2 =	vadd.s32 v0, v60  }
0x144: {  	[tilespmem:s10+$0x3B0] =	vst v2;
	v2 =	vadd.s32 v0, v61  }
0x145: {  	[tilespmem:s10+$0x3C0] =	vst v2;
	v2 =	vadd.s32 v0, v3  }
0x146: {  	[tilespmem:s10+$0x3D0] =	vst v2;
	v2 =	vadd.s32 v0, v62  }
0x147: {  	[tilespmem:s10+$0x3E0] =	vst v2;
	v2 =	vadd.s32 v0, v63  }
0x148: {  	[tilespmem:s10+$0x3F0] =	vst v2  }
0x149: {  	_ =	swait.ge [sflag:s26], $0x1000  }
.Ltmp6:
0x14a: {  	[sflag:s26] =	ssyncset.done $0x0;
	(pc) =	sbr.rel .LBB2_6-.Ltmp6, $4  }
0x14b: {  	[sflag:s26] =	ssyncadd.s32 $0xFFFFF000  }
0x14c: {  	_ =	swait.ge [sflag:s26], $0x1000  }
0x14d: {  	[sflag:s26] =	ssyncset.done $0x0  }
0x14e: {  	[sflag:s26] =	ssyncadd.s32 $0xFFFFF000  }
.LBB2_8:
0x14f: {  	_ =	sfence.sel $0x180000  }
0x150: {  	[bflag:$0x0] =	sbarrier.arrive $0xFFFF  }
0x151: {  	_ =	strace $0x90000047  }
0x152: {  	s0 =	stileid.u32;
	[bflag:$0x2] =	sbarrier.arrive $0xFFFF  }
0x153: {  	p0 =	sne.s32 s0, $0x0;
	s0 =	rddreg [dreg:$0x3]  }
0x154: {  	s0 =	sadd.s32 @!p0 $0x100000, s0  }
0x155: {  	[sflag:s0] =	ssyncadd.tile.s32 @!p0 $0x1;
	_ =	shalt  }
.Lfunc_end2:
_tile_overlayer_lowered:
.L_overlay_start_2:
0x156: {  	(tag) =	ssettag $0x2  }
0x157: {  	s0 =	rddreg [dreg:$0x0];
	s2 =	stileid.u32  }
0x158: {  	s1 =	rddreg [dreg:$0x1];
	p0 =	sne.s32 s2, $0x0  }
0x159: {  	s3 =	rddreg [dreg:$0x2];
	[bflag:$0x3] =	sbarrier.arrive $0xFFFF;
	s2 =	simm.s32 @!p0 $0x1C05  }
0x15a: {  	[timem:s3], [sflag:s2] =	dma.local @!p0 [hbm:s0], s1  }
0x15b: {  	s0 =	simm.s32 @!p0 $0x5  }
0x15c: {  	_ =	swait.ge @!p0 [sflag:s0], s1  }
0x15d: {  	s1 =	ssub.s32 @!p0 $0x0, s1;
	[sflag:s0] =	ssyncset.done @!p0 $0x0  }
0x15e: {  	[sflag:s0] =	ssyncadd.s32 @!p0 s1  }
0x15f: {  	[bflag:$0x3] =	sbarrier.arrive $0xFFFF  }
0x160: {  	_ =	shalt  }

</sc_bundles>
